<compile_context>
chip_gen: v7x
topology: tpu7x:2x2x1
jax: 0.10.2.dev20260603
libtpu: 0.0.44.dev20260713+nightly
codegen_flags: <defaults>
</compile_context>

<pallas_src>
import functools

import jax
import jax.numpy as jnp
from jax import lax
from jax.experimental import pallas as pl
from jax.experimental.pallas import tpu as pltpu
from jax.experimental.pallas import tpu_sc as plsc

BATCH = 16384
EMB_DIM = 32
NUM_ROWS = 1000000
NUM_WORKERS = 32
B_PER_W = BATCH // NUM_WORKERS
LANES = 16
N_GROUPS = B_PER_W // LANES
NSLOT = 8
AHEAD = 4


def _gmf_body(uidx_hbm, iidx_hbm, ue_t, ie_t, w_hbm, b16_hbm, out_hbm,
              uidx_v, iidx_v, ubuf, ibuf, stage_u, stage_i, w_v, b16_v,
              out_v, *sems):
    c = lax.axis_index("c")
    s = lax.axis_index("s")
    wid = s * 2 + c
    base = wid * B_PER_W

    pltpu.sync_copy(uidx_hbm.at[pl.ds(base, B_PER_W)],
                    uidx_v.at[pl.ds(0, B_PER_W)])
    pltpu.sync_copy(iidx_hbm.at[pl.ds(base, B_PER_W)],
                    iidx_v.at[pl.ds(0, B_PER_W)])
    pltpu.sync_copy(w_hbm, w_v)
    pltpu.sync_copy(b16_hbm, b16_v)

    d_iota = lax.iota(jnp.int32, LANES)
    max_row = NUM_ROWS - 1

    def issue(vu, vi, lane, slot):
        n_u = jnp.minimum(vu[lane], max_row)
        n_i = jnp.minimum(vi[lane], max_row)
        off_u = pl.multiple_of((n_u >> 7) * 128, 128)
        off_i = pl.multiple_of((n_i >> 7) * 128, 128)
        pltpu.async_copy(ue_t.at[:, pl.ds(off_u, 128)],
                         ubuf.at[slot], sems[slot])
        pltpu.async_copy(ie_t.at[:, pl.ds(off_i, 128)],
                         ibuf.at[slot], sems[slot])

    def drain(slot):
        pltpu.make_async_copy(ue_t.at[:, pl.ds(0, 128)],
                              ubuf.at[slot], sems[slot]).wait()
        pltpu.make_async_copy(ie_t.at[:, pl.ds(0, 128)],
                              ibuf.at[slot], sems[slot]).wait()

    def extract(vu, vi, lane, slot):
        lu_vec = jnp.full((LANES,), vu[lane] & 127, jnp.int32)
        li_vec = jnp.full((LANES,), vi[lane] & 127, jnp.int32)
        u_a = plsc.load_gather(ubuf.at[slot], [d_iota, lu_vec])
        u_b = plsc.load_gather(ubuf.at[slot], [d_iota + LANES, lu_vec])
        i_a = plsc.load_gather(ibuf.at[slot], [d_iota, li_vec])
        i_b = plsc.load_gather(ibuf.at[slot], [d_iota + LANES, li_vec])
        col_a = d_iota * LANES + lane
        col_b = (d_iota + LANES) * LANES + lane
        plsc.store_scatter(stage_u, [col_a], u_a)
        plsc.store_scatter(stage_u, [col_b], u_b)
        plsc.store_scatter(stage_i, [col_a], i_a)
        plsc.store_scatter(stage_i, [col_b], i_b)

    vu0 = uidx_v[pl.ds(0, LANES)]
    vi0 = iidx_v[pl.ds(0, LANES)]
    for k in range(AHEAD):
        issue(vu0, vi0, k, k % NSLOT)

    def group_body(g, carry):
        vu, vi = carry
        vu_next, vi_next = vu, vi
        for t in range(LANES):
            tgt = t + AHEAD
            if tgt < LANES:
                issue(vu, vi, tgt, tgt % NSLOT)
            else:
                if tgt == LANES:
                    g_next16 = (g + 1) * LANES
                    vu_next = uidx_v[pl.ds(g_next16, LANES)]
                    vi_next = iidx_v[pl.ds(g_next16, LANES)]
                vun, vin, lane_n, slot_n = vu_next, vi_next, tgt - LANES, tgt % NSLOT

                @pl.when(g < N_GROUPS - 1)
                def _():
                    issue(vun, vin, lane_n, slot_n)
            drain(t % NSLOT)
            extract(vu, vi, t, t % NSLOT)
        acc = b16_v[...]
        for d in range(EMB_DIM):
            su = stage_u[pl.ds(d * LANES, LANES)]
            si = stage_i[pl.ds(d * LANES, LANES)]
            wv = w_v[pl.ds(d * LANES, LANES)]
            acc = acc + su * si * wv
        out_v[pl.ds(g * LANES, LANES)] = jnp.clip(acc, -2.0, 2.0)
        return (vu_next, vi_next)

    lax.fori_loop(0, N_GROUPS, group_body, (vu0, vi0))
    pltpu.sync_copy(out_v, out_hbm.at[pl.ds(base, B_PER_W)])


@jax.jit
def _gmf(uidx, iidx, ue_t, ie_t, w_flat, bias16):
    mesh = plsc.VectorSubcoreMesh(core_axis_name="c", subcore_axis_name="s")
    run = functools.partial(
        pl.kernel,
        mesh=mesh,
        compiler_params=pltpu.CompilerParams(
            needs_layout_passes=False, use_tc_tiling_on_sc=True),
        out_type=jax.ShapeDtypeStruct((BATCH,), jnp.float32),
        scratch_types=[
            pltpu.VMEM((B_PER_W + LANES,), jnp.int32),
            pltpu.VMEM((B_PER_W + LANES,), jnp.int32),
            pltpu.VMEM((NSLOT, EMB_DIM, 128), jnp.float32),
            pltpu.VMEM((NSLOT, EMB_DIM, 128), jnp.float32),
            pltpu.VMEM((EMB_DIM * LANES,), jnp.float32),
            pltpu.VMEM((EMB_DIM * LANES,), jnp.float32),
            pltpu.VMEM((EMB_DIM * LANES,), jnp.float32),
            pltpu.VMEM((LANES,), jnp.float32),
            pltpu.VMEM((B_PER_W,), jnp.float32),
        ] + [pltpu.SemaphoreType.DMA] * NSLOT,
    )(_gmf_body)
    return run(uidx, iidx, ue_t, ie_t, w_flat, bias16)


def kernel(x, user_emb, item_emb, user_bias, item_bias, global_bias,
           head_w, head_b):
    uidx = x[:, 0].astype(jnp.int32)
    iidx = x[:, 1].astype(jnp.int32)
    ue_t = jnp.swapaxes(user_emb, 0, 1)
    ie_t = jnp.swapaxes(item_emb, 0, 1)
    w_flat = jnp.broadcast_to(
        head_w.reshape(EMB_DIM, 1).astype(jnp.float32),
        (EMB_DIM, LANES)).reshape(EMB_DIM * LANES)
    bias16 = jnp.broadcast_to(
        (head_b + global_bias).astype(jnp.float32), (LANES,))
    return _gmf(uidx, iidx, ue_t, ie_t, w_flat, bias16)

# --- scband reference (transcript-rebuilt; emitter-appended) ---
"""Pipeline reference for scband-gmf-66924180406978 (READ-ONLY COPY).

The authoritative reference and input builder live on the scoring server;
editing this copy changes nothing except your own understanding.
"""

import jax, jax.numpy as jnp
import numpy as np

NUM_USERS = 1000000
NUM_ITEMS = 1000000
EMB_DIM = 32
BATCH = 16384


def setup_inputs(seed: int = 0) -> dict:
    key = jax.random.key(seed)
    k_x, k_ue, k_ie, k_hw, k_hb = jax.random.split(key, 5)
    x = jax.random.randint(k_x, (BATCH, 2), 0, min(NUM_USERS, NUM_ITEMS), dtype=jnp.int64 if jax.config.read('jax_enable_x64') else jnp.int32)
    user_emb = jax.random.normal(k_ue, (NUM_USERS, EMB_DIM), dtype=jnp.float32) * 0.02
    item_emb = jax.random.normal(k_ie, (NUM_ITEMS, EMB_DIM), dtype=jnp.float32) * 0.02
    user_bias = jnp.zeros((NUM_USERS, 1), dtype=jnp.float32)
    item_bias = jnp.zeros((NUM_ITEMS, 1), dtype=jnp.float32)
    global_bias = jnp.zeros((1,), dtype=jnp.float32)
    # nn.Linear(emb_dim, 1): weight [1, emb_dim], bias [1], default kaiming-uniform-ish init
    bound = 1.0 / np.sqrt(EMB_DIM)
    head_w = jax.random.uniform(k_hw, (1, EMB_DIM), dtype=jnp.float32, minval=-bound, maxval=bound)
    head_b = jax.random.uniform(k_hb, (1,), dtype=jnp.float32, minval=-bound, maxval=bound)
    return {
        'x': x,
        'user_emb': user_emb,
        'item_emb': item_emb,
        'user_bias': user_bias,
        'item_bias': item_bias,
        'global_bias': global_bias,
        'head_w': head_w,
        'head_b': head_b,
    }


def reference(x, user_emb, item_emb, user_bias, item_bias, global_bias, head_w, head_b):
    user_idx = x[:, 0]
    item_idx = x[:, 1]
    ue = jnp.take(user_emb, user_idx, axis=0)          # [B, D]
    ie = jnp.take(item_emb, item_idx, axis=0)          # [B, D]
    out = (ue * ie) @ head_w.T + head_b                # [B, 1]
    out = out + jnp.take(user_bias, user_idx, axis=0) + jnp.take(item_bias, item_idx, axis=0) + global_bias
    return jnp.clip(jnp.squeeze(out, axis=-1), -2.0, 2.0)

if __name__ == "__main__":
    import jax
    _d = setup_inputs()
    print(jax.jit(kernel)(*tuple(_d.values())))

</pallas_src>

<mosaic_0001>
#map = affine_map<(d0, d1) -> (0)>
#map1 = affine_map<(d0, d1) -> (0, 0)>
module attributes {stable_mosaic.version = 14 : i64} {
  func.func @_gmf_body(%arg0: i32, %arg1: i32, %arg2: memref<16384xi32, #tpu.memory_space<hbm>>, %arg3: memref<16384xi32, #tpu.memory_space<hbm>>, %arg4: memref<32x1000000xf32, #tpu.memory_space<hbm>>, %arg5: memref<32x1000000xf32, #tpu.memory_space<hbm>>, %arg6: memref<512xf32, #tpu.memory_space<hbm>>, %arg7: memref<16xf32, #tpu.memory_space<hbm>>, %arg8: memref<16384xf32, #tpu.memory_space<hbm>>, %arg9: memref<528xi32, #tpu.memory_space<vmem>>, %arg10: memref<528xi32, #tpu.memory_space<vmem>>, %arg11: memref<8x32x128xf32, #tpu.memory_space<vmem>>, %arg12: memref<8x32x128xf32, #tpu.memory_space<vmem>>, %arg13: memref<512xf32, #tpu.memory_space<vmem>>, %arg14: memref<512xf32, #tpu.memory_space<vmem>>, %arg15: memref<512xf32, #tpu.memory_space<vmem>>, %arg16: memref<16xf32, #tpu.memory_space<vmem>>, %arg17: memref<512xf32, #tpu.memory_space<vmem>>, %arg18: memref<!tpu.dma_semaphore, #tpu.memory_space<semaphore_mem>>, %arg19: memref<!tpu.dma_semaphore, #tpu.memory_space<semaphore_mem>>, %arg20: memref<!tpu.dma_semaphore, #tpu.memory_space<semaphore_mem>>, %arg21: memref<!tpu.dma_semaphore, #tpu.memory_space<semaphore_mem>>, %arg22: memref<!tpu.dma_semaphore, #tpu.memory_space<semaphore_mem>>, %arg23: memref<!tpu.dma_semaphore, #tpu.memory_space<semaphore_mem>>, %arg24: memref<!tpu.dma_semaphore, #tpu.memory_space<semaphore_mem>>, %arg25: memref<!tpu.dma_semaphore, #tpu.memory_space<semaphore_mem>>) attributes {dimension_semantics = [#tpu.dimension_semantics<core_parallel>, #tpu.dimension_semantics<subcore_parallel>], iteration_bounds = array<i64: 2, 16>, scalar_prefetch = 0 : i64, scratch_operands = 17 : i64, tpu.core_type = #tpu.core_type<sc_vector_subcore>, window_params = [{transform_indices = #map}, {transform_indices = #map}, {transform_indices = #map1}, {transform_indices = #map1}, {transform_indices = #map}, {transform_indices = #map}, {transform_indices = #map}]} {
    %mul3A = arith.constant 2 : i32
    %mul3A_0 = arith.muli %arg1, %mul3A : i32
    %add3A = arith.addi %mul3A_0, %arg0 : i32
    %mul3A_1 = arith.constant 512 : i32
    %mul3A_2 = arith.muli %add3A, %mul3A_1 : i32
    "tpu.region"() ({
      %run_scoped3A = tpu.sem_alloc : memref<!tpu.dma_semaphore, #tpu.memory_space<semaphore_mem>>
      %dma_start3A_181 = arith.constant 0 : i32
      %dma_start3A_182 = tpu.memref_slice %arg9[%dma_start3A_181] : memref<528xi32, #tpu.memory_space<vmem>> -> memref<512xi32, #tpu.memory_space<vmem>>
      %dma_start3A_183 = tpu.memref_slice %arg2[%mul3A_2] : memref<16384xi32, #tpu.memory_space<hbm>> -> memref<512xi32, #tpu.memory_space<hbm>>
      %dma_start3A_184 = arith.constant 0 : i32
      %dma_start3A_185 = tpu.memref_slice %arg9[%dma_start3A_184] : memref<528xi32, #tpu.memory_space<vmem>> -> memref<512xi32, #tpu.memory_space<vmem>>
      %dma_start3A_186 = tpu.memref_slice %arg2[%mul3A_2] : memref<16384xi32, #tpu.memory_space<hbm>> -> memref<512xi32, #tpu.memory_space<hbm>>
      tpu.enqueue_dma source(%dma_start3A_186 : memref<512xi32, #tpu.memory_space<hbm>>) target(%dma_start3A_185 : memref<512xi32, #tpu.memory_space<vmem>>) target_semaphore(%run_scoped3A : memref<!tpu.dma_semaphore, #tpu.memory_space<semaphore_mem>>)
      %dma_wait3A = arith.constant 0 : i32
      %dma_wait3A_187 = tpu.memref_slice %arg9[%dma_wait3A] : memref<528xi32, #tpu.memory_space<vmem>> -> memref<512xi32, #tpu.memory_space<vmem>>
      %dma_wait3A_188 = tpu.memref_slice %arg2[%mul3A_2] : memref<16384xi32, #tpu.memory_space<hbm>> -> memref<512xi32, #tpu.memory_space<hbm>>
      %dma_wait3A_189 = arith.constant 0 : i32
      %dma_wait3A_190 = tpu.memref_slice %arg9[%dma_wait3A_189] : memref<528xi32, #tpu.memory_space<vmem>> -> memref<512xi32, #tpu.memory_space<vmem>>
      %dma_wait3A_191 = tpu.memref_slice %arg2[%mul3A_2] : memref<16384xi32, #tpu.memory_space<hbm>> -> memref<512xi32, #tpu.memory_space<hbm>>
      tpu.wait_dma2 semaphore(%run_scoped3A : memref<!tpu.dma_semaphore, #tpu.memory_space<semaphore_mem>>) src(%dma_wait3A_191 : memref<512xi32, #tpu.memory_space<hbm>>) dst(%dma_wait3A_190 : memref<512xi32, #tpu.memory_space<vmem>>)
      tpu.yield
    }) : () -> ()
    "tpu.region"() ({
      %run_scoped3A = tpu.sem_alloc : memref<!tpu.dma_semaphore, #tpu.memory_space<semaphore_mem>>
      %dma_start3A_181 = arith.constant 0 : i32
      %dma_start3A_182 = tpu.memref_slice %arg10[%dma_start3A_181] : memref<528xi32, #tpu.memory_space<vmem>> -> memref<512xi32, #tpu.memory_space<vmem>>
      %dma_start3A_183 = tpu.memref_slice %arg3[%mul3A_2] : memref<16384xi32, #tpu.memory_space<hbm>> -> memref<512xi32, #tpu.memory_space<hbm>>
      %dma_start3A_184 = arith.constant 0 : i32
      %dma_start3A_185 = tpu.memref_slice %arg10[%dma_start3A_184] : memref<528xi32, #tpu.memory_space<vmem>> -> memref<512xi32, #tpu.memory_space<vmem>>
      %dma_start3A_186 = tpu.memref_slice %arg3[%mul3A_2] : memref<16384xi32, #tpu.memory_space<hbm>> -> memref<512xi32, #tpu.memory_space<hbm>>
      tpu.enqueue_dma source(%dma_start3A_186 : memref<512xi32, #tpu.memory_space<hbm>>) target(%dma_start3A_185 : memref<512xi32, #tpu.memory_space<vmem>>) target_semaphore(%run_scoped3A : memref<!tpu.dma_semaphore, #tpu.memory_space<semaphore_mem>>)
      %dma_wait3A = arith.constant 0 : i32
      %dma_wait3A_187 = tpu.memref_slice %arg10[%dma_wait3A] : memref<528xi32, #tpu.memory_space<vmem>> -> memref<512xi32, #tpu.memory_space<vmem>>
      %dma_wait3A_188 = tpu.memref_slice %arg3[%mul3A_2] : memref<16384xi32, #tpu.memory_space<hbm>> -> memref<512xi32, #tpu.memory_space<hbm>>
      %dma_wait3A_189 = arith.constant 0 : i32
      %dma_wait3A_190 = tpu.memref_slice %arg10[%dma_wait3A_189] : memref<528xi32, #tpu.memory_space<vmem>> -> memref<512xi32, #tpu.memory_space<vmem>>
      %dma_wait3A_191 = tpu.memref_slice %arg3[%mul3A_2] : memref<16384xi32, #tpu.memory_space<hbm>> -> memref<512xi32, #tpu.memory_space<hbm>>
      tpu.wait_dma2 semaphore(%run_scoped3A : memref<!tpu.dma_semaphore, #tpu.memory_space<semaphore_mem>>) src(%dma_wait3A_191 : memref<512xi32, #tpu.memory_space<hbm>>) dst(%dma_wait3A_190 : memref<512xi32, #tpu.memory_space<vmem>>)
      tpu.yield
    }) : () -> ()
    "tpu.region"() ({
      %run_scoped3A = tpu.sem_alloc : memref<!tpu.dma_semaphore, #tpu.memory_space<semaphore_mem>>
      tpu.enqueue_dma source(%arg6 : memref<512xf32, #tpu.memory_space<hbm>>) target(%arg15 : memref<512xf32, #tpu.memory_space<vmem>>) target_semaphore(%run_scoped3A : memref<!tpu.dma_semaphore, #tpu.memory_space<semaphore_mem>>)
      tpu.wait_dma2 semaphore(%run_scoped3A : memref<!tpu.dma_semaphore, #tpu.memory_space<semaphore_mem>>) src(%arg6 : memref<512xf32, #tpu.memory_space<hbm>>) dst(%arg15 : memref<512xf32, #tpu.memory_space<vmem>>)
      tpu.yield
    }) : () -> ()
    "tpu.region"() ({
      %run_scoped3A = tpu.sem_alloc : memref<!tpu.dma_semaphore, #tpu.memory_space<semaphore_mem>>
      tpu.enqueue_dma source(%arg7 : memref<16xf32, #tpu.memory_space<hbm>>) target(%arg16 : memref<16xf32, #tpu.memory_space<vmem>>) target_semaphore(%run_scoped3A : memref<!tpu.dma_semaphore, #tpu.memory_space<semaphore_mem>>)
      tpu.wait_dma2 semaphore(%run_scoped3A : memref<!tpu.dma_semaphore, #tpu.memory_space<semaphore_mem>>) src(%arg7 : memref<16xf32, #tpu.memory_space<hbm>>) dst(%arg16 : memref<16xf32, #tpu.memory_space<vmem>>)
      tpu.yield
    }) : () -> ()
    %iota3A = tpu.iota {dimensions = array<i32: 0>} : vector<16xi32>
    %get3A = arith.constant 0 : index
    %get3A_3 = tpu.vector_load %arg9[%get3A] {strides = array<i32>} : memref<528xi32, #tpu.memory_space<vmem>>, vector<16xi32>,
    %get3A_4 = arith.constant 0 : index
    %get3A_5 = tpu.vector_load %arg10[%get3A_4] {strides = array<i32>} : memref<528xi32, #tpu.memory_space<vmem>>, vector<16xi32>,
    %slice3A = vector.extract_strided_slice %get3A_3 {offsets = [0], sizes = [1], strides = [1]} : vector<16xi32> to vector<1xi32>
    %squeeze3A = vector.extract %slice3A[0] : i32 from vector<1xi32>
    %min3A = arith.constant 999999 : i32
    %min3A_6 = arith.minsi %squeeze3A, %min3A : i32
    %slice3A_7 = vector.extract_strided_slice %get3A_5 {offsets = [0], sizes = [1], strides = [1]} : vector<16xi32> to vector<1xi32>
    %squeeze3A_8 = vector.extract %slice3A_7[0] : i32 from vector<1xi32>
    %min3A_9 = arith.constant 999999 : i32
    %min3A_10 = arith.minsi %squeeze3A_8, %min3A_9 : i32
    %shift_right_arithmetic3A = arith.constant 7 : i32
    %shift_right_arithmetic3A_11 = arith.shrsi %min3A_6, %shift_right_arithmetic3A : i32
    %mul3A_12 = arith.constant 128 : i32
    %mul3A_13 = arith.muli %shift_right_arithmetic3A_11, %mul3A_12 : i32
    %multiple_of3A = tpu.assume_multiple %mul3A_13, 128 : i32
    %shift_right_arithmetic3A_14 = arith.constant 7 : i32
    %shift_right_arithmetic3A_15 = arith.shrsi %min3A_10, %shift_right_arithmetic3A_14 : i32
    %mul3A_16 = arith.constant 128 : i32
    %mul3A_17 = arith.muli %shift_right_arithmetic3A_15, %mul3A_16 : i32
    %multiple_of3A_18 = tpu.assume_multiple %mul3A_17, 128 : i32
    %dma_start3A = arith.constant 0 : i32
    %dma_start3A_19 = arith.constant 0 : i32
    %dma_start3A_20 = arith.constant 0 : i32
    %dma_start3A_21 = tpu.memref_slice %arg11[%dma_start3A, %dma_start3A_19, %dma_start3A_20] : memref<8x32x128xf32, #tpu.memory_space<vmem>> -> memref<1x32x128xf32, #tpu.memory_space<vmem>>
    %dma_start3A_22 = tpu.memref_squeeze %dma_start3A_21 : memref<1x32x128xf32, #tpu.memory_space<vmem>> -> memref<32x128xf32, #tpu.memory_space<vmem>>
    %dma_start3A_23 = arith.constant 0 : i32
    %dma_start3A_24 = tpu.memref_slice %arg4[%dma_start3A_23, %multiple_of3A] : memref<32x1000000xf32, #tpu.memory_space<hbm>> -> memref<32x128xf32, #tpu.memory_space<hbm>>
    %dma_start3A_25 = arith.constant 0 : i32
    %dma_start3A_26 = arith.constant 0 : i32
    %dma_start3A_27 = tpu.memref_slice %arg11[%dma_start3A, %dma_start3A_25, %dma_start3A_26] : memref<8x32x128xf32, #tpu.memory_space<vmem>> -> memref<1x32x128xf32, #tpu.memory_space<vmem>>
    %dma_start3A_28 = tpu.memref_squeeze %dma_start3A_27 : memref<1x32x128xf32, #tpu.memory_space<vmem>> -> memref<32x128xf32, #tpu.memory_space<vmem>>
    %dma_start3A_29 = arith.constant 0 : i32
    %dma_start3A_30 = tpu.memref_slice %arg4[%dma_start3A_29, %multiple_of3A] : memref<32x1000000xf32, #tpu.memory_space<hbm>> -> memref<32x128xf32, #tpu.memory_space<hbm>>
    tpu.enqueue_dma source(%dma_start3A_30 : memref<32x128xf32, #tpu.memory_space<hbm>>) target(%dma_start3A_28 : memref<32x128xf32, #tpu.memory_space<vmem>>) target_semaphore(%arg18 : memref<!tpu.dma_semaphore, #tpu.memory_space<semaphore_mem>>)
    %dma_start3A_31 = arith.constant 0 : i32
    %dma_start3A_32 = arith.constant 0 : i32
    %dma_start3A_33 = arith.constant 0 : i32
    %dma_start3A_34 = tpu.memref_slice %arg12[%dma_start3A_31, %dma_start3A_32, %dma_start3A_33] : memref<8x32x128xf32, #tpu.memory_space<vmem>> -> memref<1x32x128xf32, #tpu.memory_space<vmem>>
    %dma_start3A_35 = tpu.memref_squeeze %dma_start3A_34 : memref<1x32x128xf32, #tpu.memory_space<vmem>> -> memref<32x128xf32, #tpu.memory_space<vmem>>
    %dma_start3A_36 = arith.constant 0 : i32
    %dma_start3A_37 = tpu.memref_slice %arg5[%dma_start3A_36, %multiple_of3A_18] : memref<32x1000000xf32, #tpu.memory_space<hbm>> -> memref<32x128xf32, #tpu.memory_space<hbm>>
    %dma_start3A_38 = arith.constant 0 : i32
    %dma_start3A_39 = arith.constant 0 : i32
    %dma_start3A_40 = tpu.memref_slice %arg12[%dma_start3A_31, %dma_start3A_38, %dma_start3A_39] : memref<8x32x128xf32, #tpu.memory_space<vmem>> -> memref<1x32x128xf32, #tpu.memory_space<vmem>>
    %dma_start3A_41 = tpu.memref_squeeze %dma_start3A_40 : memref<1x32x128xf32, #tpu.memory_space<vmem>> -> memref<32x128xf32, #tpu.memory_space<vmem>>
    %dma_start3A_42 = arith.constant 0 : i32
    %dma_start3A_43 = tpu.memref_slice %arg5[%dma_start3A_42, %multiple_of3A_18] : memref<32x1000000xf32, #tpu.memory_space<hbm>> -> memref<32x128xf32, #tpu.memory_space<hbm>>
    tpu.enqueue_dma source(%dma_start3A_43 : memref<32x128xf32, #tpu.memory_space<hbm>>) target(%dma_start3A_41 : memref<32x128xf32, #tpu.memory_space<vmem>>) target_semaphore(%arg18 : memref<!tpu.dma_semaphore, #tpu.memory_space<semaphore_mem>>)
    %slice3A_44 = vector.extract_strided_slice %get3A_3 {offsets = [1], sizes = [1], strides = [1]} : vector<16xi32> to vector<1xi32>
    %squeeze3A_45 = vector.extract %slice3A_44[0] : i32 from vector<1xi32>
    %min3A_46 = arith.constant 999999 : i32
    %min3A_47 = arith.minsi %squeeze3A_45, %min3A_46 : i32
    %slice3A_48 = vector.extract_strided_slice %get3A_5 {offsets = [1], sizes = [1], strides = [1]} : vector<16xi32> to vector<1xi32>
    %squeeze3A_49 = vector.extract %slice3A_48[0] : i32 from vector<1xi32>
    %min3A_50 = arith.constant 999999 : i32
    %min3A_51 = arith.minsi %squeeze3A_49, %min3A_50 : i32
    %shift_right_arithmetic3A_52 = arith.constant 7 : i32
    %shift_right_arithmetic3A_53 = arith.shrsi %min3A_47, %shift_right_arithmetic3A_52 : i32
    %mul3A_54 = arith.constant 128 : i32
    %mul3A_55 = arith.muli %shift_right_arithmetic3A_53, %mul3A_54 : i32
    %multiple_of3A_56 = tpu.assume_multiple %mul3A_55, 128 : i32
    %shift_right_arithmetic3A_57 = arith.constant 7 : i32
    %shift_right_arithmetic3A_58 = arith.shrsi %min3A_51, %shift_right_arithmetic3A_57 : i32
    %mul3A_59 = arith.constant 128 : i32
    %mul3A_60 = arith.muli %shift_right_arithmetic3A_58, %mul3A_59 : i32
    %multiple_of3A_61 = tpu.assume_multiple %mul3A_60, 128 : i32
    %dma_start3A_62 = arith.constant 1 : i32
    %dma_start3A_63 = arith.constant 0 : i32
    %dma_start3A_64 = arith.constant 0 : i32
    %dma_start3A_65 = tpu.memref_slice %arg11[%dma_start3A_62, %dma_start3A_63, %dma_start3A_64] : memref<8x32x128xf32, #tpu.memory_space<vmem>> -> memref<1x32x128xf32, #tpu.memory_space<vmem>>
    %dma_start3A_66 = tpu.memref_squeeze %dma_start3A_65 : memref<1x32x128xf32, #tpu.memory_space<vmem>> -> memref<32x128xf32, #tpu.memory_space<vmem>>
    %dma_start3A_67 = arith.constant 0 : i32
    %dma_start3A_68 = tpu.memref_slice %arg4[%dma_start3A_67, %multiple_of3A_56] : memref<32x1000000xf32, #tpu.memory_space<hbm>> -> memref<32x128xf32, #tpu.memory_space<hbm>>
    %dma_start3A_69 = arith.constant 0 : i32
    %dma_start3A_70 = arith.constant 0 : i32
    %dma_start3A_71 = tpu.memref_slice %arg11[%dma_start3A_62, %dma_start3A_69, %dma_start3A_70] : memref<8x32x128xf32, #tpu.memory_space<vmem>> -> memref<1x32x128xf32, #tpu.memory_space<vmem>>
    %dma_start3A_72 = tpu.memref_squeeze %dma_start3A_71 : memref<1x32x128xf32, #tpu.memory_space<vmem>> -> memref<32x128xf32, #tpu.memory_space<vmem>>
    %dma_start3A_73 = arith.constant 0 : i32
    %dma_start3A_74 = tpu.memref_slice %arg4[%dma_start3A_73, %multiple_of3A_56] : memref<32x1000000xf32, #tpu.memory_space<hbm>> -> memref<32x128xf32, #tpu.memory_space<hbm>>
    tpu.enqueue_dma source(%dma_start3A_74 : memref<32x128xf32, #tpu.memory_space<hbm>>) target(%dma_start3A_72 : memref<32x128xf32, #tpu.memory_space<vmem>>) target_semaphore(%arg19 : memref<!tpu.dma_semaphore, #tpu.memory_space<semaphore_mem>>)
    %dma_start3A_75 = arith.constant 1 : i32
    %dma_start3A_76 = arith.constant 0 : i32
    %dma_start3A_77 = arith.constant 0 : i32
    %dma_start3A_78 = tpu.memref_slice %arg12[%dma_start3A_75, %dma_start3A_76, %dma_start3A_77] : memref<8x32x128xf32, #tpu.memory_space<vmem>> -> memref<1x32x128xf32, #tpu.memory_space<vmem>>
    %dma_start3A_79 = tpu.memref_squeeze %dma_start3A_78 : memref<1x32x128xf32, #tpu.memory_space<vmem>> -> memref<32x128xf32, #tpu.memory_space<vmem>>
    %dma_start3A_80 = arith.constant 0 : i32
    %dma_start3A_81 = tpu.memref_slice %arg5[%dma_start3A_80, %multiple_of3A_61] : memref<32x1000000xf32, #tpu.memory_space<hbm>> -> memref<32x128xf32, #tpu.memory_space<hbm>>
    %dma_start3A_82 = arith.constant 0 : i32
    %dma_start3A_83 = arith.constant 0 : i32
    %dma_start3A_84 = tpu.memref_slice %arg12[%dma_start3A_75, %dma_start3A_82, %dma_start3A_83] : memref<8x32x128xf32, #tpu.memory_space<vmem>> -> memref<1x32x128xf32, #tpu.memory_space<vmem>>
    %dma_start3A_85 = tpu.memref_squeeze %dma_start3A_84 : memref<1x32x128xf32, #tpu.memory_space<vmem>> -> memref<32x128xf32, #tpu.memory_space<vmem>>
    %dma_start3A_86 = arith.constant 0 : i32
    %dma_start3A_87 = tpu.memref_slice %arg5[%dma_start3A_86, %multiple_of3A_61] : memref<32x1000000xf32, #tpu.memory_space<hbm>> -> memref<32x128xf32, #tpu.memory_space<hbm>>
    tpu.enqueue_dma source(%dma_start3A_87 : memref<32x128xf32, #tpu.memory_space<hbm>>) target(%dma_start3A_85 : memref<32x128xf32, #tpu.memory_space<vmem>>) target_semaphore(%arg19 : memref<!tpu.dma_semaphore, #tpu.memory_space<semaphore_mem>>)
    %slice3A_88 = vector.extract_strided_slice %get3A_3 {offsets = [2], sizes = [1], strides = [1]} : vector<16xi32> to vector<1xi32>
    %squeeze3A_89 = vector.extract %slice3A_88[0] : i32 from vector<1xi32>
    %min3A_90 = arith.constant 999999 : i32
    %min3A_91 = arith.minsi %squeeze3A_89, %min3A_90 : i32
    %slice3A_92 = vector.extract_strided_slice %get3A_5 {offsets = [2], sizes = [1], strides = [1]} : vector<16xi32> to vector<1xi32>
    %squeeze3A_93 = vector.extract %slice3A_92[0] : i32 from vector<1xi32>
    %min3A_94 = arith.constant 999999 : i32
    %min3A_95 = arith.minsi %squeeze3A_93, %min3A_94 : i32
    %shift_right_arithmetic3A_96 = arith.constant 7 : i32
    %shift_right_arithmetic3A_97 = arith.shrsi %min3A_91, %shift_right_arithmetic3A_96 : i32
    %mul3A_98 = arith.constant 128 : i32
    %mul3A_99 = arith.muli %shift_right_arithmetic3A_97, %mul3A_98 : i32
    %multiple_of3A_100 = tpu.assume_multiple %mul3A_99, 128 : i32
    %shift_right_arithmetic3A_101 = arith.constant 7 : i32
    %shift_right_arithmetic3A_102 = arith.shrsi %min3A_95, %shift_right_arithmetic3A_101 : i32
    %mul3A_103 = arith.constant 128 : i32
    %mul3A_104 = arith.muli %shift_right_arithmetic3A_102, %mul3A_103 : i32
    %multiple_of3A_105 = tpu.assume_multiple %mul3A_104, 128 : i32
    %dma_start3A_106 = arith.constant 2 : i32
    %dma_start3A_107 = arith.constant 0 : i32
    %dma_start3A_108 = arith.constant 0 : i32
    %dma_start3A_109 = tpu.memref_slice %arg11[%dma_start3A_106, %dma_start3A_107, %dma_start3A_108] : memref<8x32x128xf32, #tpu.memory_space<vmem>> -> memref<1x32x128xf32, #tpu.memory_space<vmem>>
    %dma_start3A_110 = tpu.memref_squeeze %dma_start3A_109 : memref<1x32x128xf32, #tpu.memory_space<vmem>> -> memref<32x128xf32, #tpu.memory_space<vmem>>
    %dma_start3A_111 = arith.constant 0 : i32
    %dma_start3A_112 = tpu.memref_slice %arg4[%dma_start3A_111, %multiple_of3A_100] : memref<32x1000000xf32, #tpu.memory_space<hbm>> -> memref<32x128xf32, #tpu.memory_space<hbm>>
    %dma_start3A_113 = arith.constant 0 : i32
    %dma_start3A_114 = arith.constant 0 : i32
    %dma_start3A_115 = tpu.memref_slice %arg11[%dma_start3A_106, %dma_start3A_113, %dma_start3A_114] : memref<8x32x128xf32, #tpu.memory_space<vmem>> -> memref<1x32x128xf32, #tpu.memory_space<vmem>>
    %dma_start3A_116 = tpu.memref_squeeze %dma_start3A_115 : memref<1x32x128xf32, #tpu.memory_space<vmem>> -> memref<32x128xf32, #tpu.memory_space<vmem>>
    %dma_start3A_117 = arith.constant 0 : i32
    %dma_start3A_118 = tpu.memref_slice %arg4[%dma_start3A_117, %multiple_of3A_100] : memref<32x1000000xf32, #tpu.memory_space<hbm>> -> memref<32x128xf32, #tpu.memory_space<hbm>>
    tpu.enqueue_dma source(%dma_start3A_118 : memref<32x128xf32, #tpu.memory_space<hbm>>) target(%dma_start3A_116 : memref<32x128xf32, #tpu.memory_space<vmem>>) target_semaphore(%arg20 : memref<!tpu.dma_semaphore, #tpu.memory_space<semaphore_mem>>)
    %dma_start3A_119 = arith.constant 2 : i32
    %dma_start3A_120 = arith.constant 0 : i32
    %dma_start3A_121 = arith.constant 0 : i32
    %dma_start3A_122 = tpu.memref_slice %arg12[%dma_start3A_119, %dma_start3A_120, %dma_start3A_121] : memref<8x32x128xf32, #tpu.memory_space<vmem>> -> memref<1x32x128xf32, #tpu.memory_space<vmem>>
    %dma_start3A_123 = tpu.memref_squeeze %dma_start3A_122 : memref<1x32x128xf32, #tpu.memory_space<vmem>> -> memref<32x128xf32, #tpu.memory_space<vmem>>
    %dma_start3A_124 = arith.constant 0 : i32
    %dma_start3A_125 = tpu.memref_slice %arg5[%dma_start3A_124, %multiple_of3A_105] : memref<32x1000000xf32, #tpu.memory_space<hbm>> -> memref<32x128xf32, #tpu.memory_space<hbm>>
    %dma_start3A_126 = arith.constant 0 : i32
    %dma_start3A_127 = arith.constant 0 : i32
    %dma_start3A_128 = tpu.memref_slice %arg12[%dma_start3A_119, %dma_start3A_126, %dma_start3A_127] : memref<8x32x128xf32, #tpu.memory_space<vmem>> -> memref<1x32x128xf32, #tpu.memory_space<vmem>>
    %dma_start3A_129 = tpu.memref_squeeze %dma_start3A_128 : memref<1x32x128xf32, #tpu.memory_space<vmem>> -> memref<32x128xf32, #tpu.memory_space<vmem>>
    %dma_start3A_130 = arith.constant 0 : i32
    %dma_start3A_131 = tpu.memref_slice %arg5[%dma_start3A_130, %multiple_of3A_105] : memref<32x1000000xf32, #tpu.memory_space<hbm>> -> memref<32x128xf32, #tpu.memory_space<hbm>>
    tpu.enqueue_dma source(%dma_start3A_131 : memref<32x128xf32, #tpu.memory_space<hbm>>) target(%dma_start3A_129 : memref<32x128xf32, #tpu.memory_space<vmem>>) target_semaphore(%arg20 : memref<!tpu.dma_semaphore, #tpu.memory_space<semaphore_mem>>)
    %slice3A_132 = vector.extract_strided_slice %get3A_3 {offsets = [3], sizes = [1], strides = [1]} : vector<16xi32> to vector<1xi32>
    %squeeze3A_133 = vector.extract %slice3A_132[0] : i32 from vector<1xi32>
    %min3A_134 = arith.constant 999999 : i32
    %min3A_135 = arith.minsi %squeeze3A_133, %min3A_134 : i32
    %slice3A_136 = vector.extract_strided_slice %get3A_5 {offsets = [3], sizes = [1], strides = [1]} : vector<16xi32> to vector<1xi32>
    %squeeze3A_137 = vector.extract %slice3A_136[0] : i32 from vector<1xi32>
    %min3A_138 = arith.constant 999999 : i32
    %min3A_139 = arith.minsi %squeeze3A_137, %min3A_138 : i32
    %shift_right_arithmetic3A_140 = arith.constant 7 : i32
    %shift_right_arithmetic3A_141 = arith.shrsi %min3A_135, %shift_right_arithmetic3A_140 : i32
    %mul3A_142 = arith.constant 128 : i32
    %mul3A_143 = arith.muli %shift_right_arithmetic3A_141, %mul3A_142 : i32
    %multiple_of3A_144 = tpu.assume_multiple %mul3A_143, 128 : i32
    %shift_right_arithmetic3A_145 = arith.constant 7 : i32
    %shift_right_arithmetic3A_146 = arith.shrsi %min3A_139, %shift_right_arithmetic3A_145 : i32
    %mul3A_147 = arith.constant 128 : i32
    %mul3A_148 = arith.muli %shift_right_arithmetic3A_146, %mul3A_147 : i32
    %multiple_of3A_149 = tpu.assume_multiple %mul3A_148, 128 : i32
    %dma_start3A_150 = arith.constant 3 : i32
    %dma_start3A_151 = arith.constant 0 : i32
    %dma_start3A_152 = arith.constant 0 : i32
    %dma_start3A_153 = tpu.memref_slice %arg11[%dma_start3A_150, %dma_start3A_151, %dma_start3A_152] : memref<8x32x128xf32, #tpu.memory_space<vmem>> -> memref<1x32x128xf32, #tpu.memory_space<vmem>>
    %dma_start3A_154 = tpu.memref_squeeze %dma_start3A_153 : memref<1x32x128xf32, #tpu.memory_space<vmem>> -> memref<32x128xf32, #tpu.memory_space<vmem>>
    %dma_start3A_155 = arith.constant 0 : i32
    %dma_start3A_156 = tpu.memref_slice %arg4[%dma_start3A_155, %multiple_of3A_144] : memref<32x1000000xf32, #tpu.memory_space<hbm>> -> memref<32x128xf32, #tpu.memory_space<hbm>>
    %dma_start3A_157 = arith.constant 0 : i32
    %dma_start3A_158 = arith.constant 0 : i32
    %dma_start3A_159 = tpu.memref_slice %arg11[%dma_start3A_150, %dma_start3A_157, %dma_start3A_158] : memref<8x32x128xf32, #tpu.memory_space<vmem>> -> memref<1x32x128xf32, #tpu.memory_space<vmem>>
    %dma_start3A_160 = tpu.memref_squeeze %dma_start3A_159 : memref<1x32x128xf32, #tpu.memory_space<vmem>> -> memref<32x128xf32, #tpu.memory_space<vmem>>
    %dma_start3A_161 = arith.constant 0 : i32
    %dma_start3A_162 = tpu.memref_slice %arg4[%dma_start3A_161, %multiple_of3A_144] : memref<32x1000000xf32, #tpu.memory_space<hbm>> -> memref<32x128xf32, #tpu.memory_space<hbm>>
    tpu.enqueue_dma source(%dma_start3A_162 : memref<32x128xf32, #tpu.memory_space<hbm>>) target(%dma_start3A_160 : memref<32x128xf32, #tpu.memory_space<vmem>>) target_semaphore(%arg21 : memref<!tpu.dma_semaphore, #tpu.memory_space<semaphore_mem>>)
    %dma_start3A_163 = arith.constant 3 : i32
    %dma_start3A_164 = arith.constant 0 : i32
    %dma_start3A_165 = arith.constant 0 : i32
    %dma_start3A_166 = tpu.memref_slice %arg12[%dma_start3A_163, %dma_start3A_164, %dma_start3A_165] : memref<8x32x128xf32, #tpu.memory_space<vmem>> -> memref<1x32x128xf32, #tpu.memory_space<vmem>>
    %dma_start3A_167 = tpu.memref_squeeze %dma_start3A_166 : memref<1x32x128xf32, #tpu.memory_space<vmem>> -> memref<32x128xf32, #tpu.memory_space<vmem>>
    %dma_start3A_168 = arith.constant 0 : i32
    %dma_start3A_169 = tpu.memref_slice %arg5[%dma_start3A_168, %multiple_of3A_149] : memref<32x1000000xf32, #tpu.memory_space<hbm>> -> memref<32x128xf32, #tpu.memory_space<hbm>>
    %dma_start3A_170 = arith.constant 0 : i32
    %dma_start3A_171 = arith.constant 0 : i32
    %dma_start3A_172 = tpu.memref_slice %arg12[%dma_start3A_163, %dma_start3A_170, %dma_start3A_171] : memref<8x32x128xf32, #tpu.memory_space<vmem>> -> memref<1x32x128xf32, #tpu.memory_space<vmem>>
    %dma_start3A_173 = tpu.memref_squeeze %dma_start3A_172 : memref<1x32x128xf32, #tpu.memory_space<vmem>> -> memref<32x128xf32, #tpu.memory_space<vmem>>
    %dma_start3A_174 = arith.constant 0 : i32
    %dma_start3A_175 = tpu.memref_slice %arg5[%dma_start3A_174, %multiple_of3A_149] : memref<32x1000000xf32, #tpu.memory_space<hbm>> -> memref<32x128xf32, #tpu.memory_space<hbm>>
    tpu.enqueue_dma source(%dma_start3A_175 : memref<32x128xf32, #tpu.memory_space<hbm>>) target(%dma_start3A_173 : memref<32x128xf32, #tpu.memory_space<vmem>>) target_semaphore(%arg21 : memref<!tpu.dma_semaphore, #tpu.memory_space<semaphore_mem>>)
    %scan3A = arith.constant 0 : i32
    %scan3A_176 = arith.constant 32 : i32
    %scan3A_177 = arith.addi %scan3A, %scan3A_176 : i32
    %scan3A_178 = arith.constant 1 : i32
    %scan3A_179:2 = scf.for %scan3A_181 = %scan3A to %scan3A_177 step %scan3A_178 iter_args(%scan3A_182 = %get3A_3, %scan3A_183 = %get3A_5) -> (vector<16xi32>, vector<16xi32>)  : i32 {
      %slice3A_184 = vector.extract_strided_slice %scan3A_182 {offsets = [4], sizes = [1], strides = [1]} : vector<16xi32> to vector<1xi32>
      %squeeze3A_185 = vector.extract %slice3A_184[0] : i32 from vector<1xi32>
      %min3A_186 = arith.constant 999999 : i32
      %min3A_187 = arith.minsi %squeeze3A_185, %min3A_186 : i32
      %slice3A_188 = vector.extract_strided_slice %scan3A_183 {offsets = [4], sizes = [1], strides = [1]} : vector<16xi32> to vector<1xi32>
      %squeeze3A_189 = vector.extract %slice3A_188[0] : i32 from vector<1xi32>
      %min3A_190 = arith.constant 999999 : i32
      %min3A_191 = arith.minsi %squeeze3A_189, %min3A_190 : i32
      %shift_right_arithmetic3A_192 = arith.constant 7 : i32
      %shift_right_arithmetic3A_193 = arith.shrsi %min3A_187, %shift_right_arithmetic3A_192 : i32
      %mul3A_194 = arith.constant 128 : i32
      %mul3A_195 = arith.muli %shift_right_arithmetic3A_193, %mul3A_194 : i32
      %multiple_of3A_196 = tpu.assume_multiple %mul3A_195, 128 : i32
      %shift_right_arithmetic3A_197 = arith.constant 7 : i32
      %shift_right_arithmetic3A_198 = arith.shrsi %min3A_191, %shift_right_arithmetic3A_197 : i32
      %mul3A_199 = arith.constant 128 : i32
      %mul3A_200 = arith.muli %shift_right_arithmetic3A_198, %mul3A_199 : i32
      %multiple_of3A_201 = tpu.assume_multiple %mul3A_200, 128 : i32
      %dma_start3A_202 = arith.constant 4 : i32
      %dma_start3A_203 = arith.constant 0 : i32
      %dma_start3A_204 = arith.constant 0 : i32
      %dma_start3A_205 = tpu.memref_slice %arg11[%dma_start3A_202, %dma_start3A_203, %dma_start3A_204] : memref<8x32x128xf32, #tpu.memory_space<vmem>> -> memref<1x32x128xf32, #tpu.memory_space<vmem>>
      %dma_start3A_206 = tpu.memref_squeeze %dma_start3A_205 : memref<1x32x128xf32, #tpu.memory_space<vmem>> -> memref<32x128xf32, #tpu.memory_space<vmem>>
      %dma_start3A_207 = arith.constant 0 : i32
      %dma_start3A_208 = tpu.memref_slice %arg4[%dma_start3A_207, %multiple_of3A_196] : memref<32x1000000xf32, #tpu.memory_space<hbm>> -> memref<32x128xf32, #tpu.memory_space<hbm>>
      %dma_start3A_209 = arith.constant 0 : i32
      %dma_start3A_210 = arith.constant 0 : i32
      %dma_start3A_211 = tpu.memref_slice %arg11[%dma_start3A_202, %dma_start3A_209, %dma_start3A_210] : memref<8x32x128xf32, #tpu.memory_space<vmem>> -> memref<1x32x128xf32, #tpu.memory_space<vmem>>
      %dma_start3A_212 = tpu.memref_squeeze %dma_start3A_211 : memref<1x32x128xf32, #tpu.memory_space<vmem>> -> memref<32x128xf32, #tpu.memory_space<vmem>>
      %dma_start3A_213 = arith.constant 0 : i32
      %dma_start3A_214 = tpu.memref_slice %arg4[%dma_start3A_213, %multiple_of3A_196] : memref<32x1000000xf32, #tpu.memory_space<hbm>> -> memref<32x128xf32, #tpu.memory_space<hbm>>
      tpu.enqueue_dma source(%dma_start3A_214 : memref<32x128xf32, #tpu.memory_space<hbm>>) target(%dma_start3A_212 : memref<32x128xf32, #tpu.memory_space<vmem>>) target_semaphore(%arg22 : memref<!tpu.dma_semaphore, #tpu.memory_space<semaphore_mem>>)
      %dma_start3A_215 = arith.constant 4 : i32
      %dma_start3A_216 = arith.constant 0 : i32
      %dma_start3A_217 = arith.constant 0 : i32
      %dma_start3A_218 = tpu.memref_slice %arg12[%dma_start3A_215, %dma_start3A_216, %dma_start3A_217] : memref<8x32x128xf32, #tpu.memory_space<vmem>> -> memref<1x32x128xf32, #tpu.memory_space<vmem>>
      %dma_start3A_219 = tpu.memref_squeeze %dma_start3A_218 : memref<1x32x128xf32, #tpu.memory_space<vmem>> -> memref<32x128xf32, #tpu.memory_space<vmem>>
      %dma_start3A_220 = arith.constant 0 : i32
      %dma_start3A_221 = tpu.memref_slice %arg5[%dma_start3A_220, %multiple_of3A_201] : memref<32x1000000xf32, #tpu.memory_space<hbm>> -> memref<32x128xf32, #tpu.memory_space<hbm>>
      %dma_start3A_222 = arith.constant 0 : i32
      %dma_start3A_223 = arith.constant 0 : i32
      %dma_start3A_224 = tpu.memref_slice %arg12[%dma_start3A_215, %dma_start3A_222, %dma_start3A_223] : memref<8x32x128xf32, #tpu.memory_space<vmem>> -> memref<1x32x128xf32, #tpu.memory_space<vmem>>
      %dma_start3A_225 = tpu.memref_squeeze %dma_start3A_224 : memref<1x32x128xf32, #tpu.memory_space<vmem>> -> memref<32x128xf32, #tpu.memory_space<vmem>>
      %dma_start3A_226 = arith.constant 0 : i32
      %dma_start3A_227 = tpu.memref_slice %arg5[%dma_start3A_226, %multiple_of3A_201] : memref<32x1000000xf32, #tpu.memory_space<hbm>> -> memref<32x128xf32, #tpu.memory_space<hbm>>
      tpu.enqueue_dma source(%dma_start3A_227 : memref<32x128xf32, #tpu.memory_space<hbm>>) target(%dma_start3A_225 : memref<32x128xf32, #tpu.memory_space<vmem>>) target_semaphore(%arg22 : memref<!tpu.dma_semaphore, #tpu.memory_space<semaphore_mem>>)
      %dma_wait3A = arith.constant 0 : i32
      %dma_wait3A_228 = arith.constant 0 : i32
      %dma_wait3A_229 = arith.constant 0 : i32
      %dma_wait3A_230 = tpu.memref_slice %arg11[%dma_wait3A, %dma_wait3A_228, %dma_wait3A_229] : memref<8x32x128xf32, #tpu.memory_space<vmem>> -> memref<1x32x128xf32, #tpu.memory_space<vmem>>
      %dma_wait3A_231 = tpu.memref_squeeze %dma_wait3A_230 : memref<1x32x128xf32, #tpu.memory_space<vmem>> -> memref<32x128xf32, #tpu.memory_space<vmem>>
      %dma_wait3A_232 = arith.constant 0 : i32
      %dma_wait3A_233 = arith.constant 0 : i32
      %dma_wait3A_234 = tpu.memref_slice %arg4[%dma_wait3A_232, %dma_wait3A_233] : memref<32x1000000xf32, #tpu.memory_space<hbm>> -> memref<32x128xf32, #tpu.memory_space<hbm>>
      %dma_wait3A_235 = arith.constant 0 : i32
      %dma_wait3A_236 = arith.constant 0 : i32
      %dma_wait3A_237 = tpu.memref_slice %arg11[%dma_wait3A, %dma_wait3A_235, %dma_wait3A_236] : memref<8x32x128xf32, #tpu.memory_space<vmem>> -> memref<1x32x128xf32, #tpu.memory_space<vmem>>
      %dma_wait3A_238 = tpu.memref_squeeze %dma_wait3A_237 : memref<1x32x128xf32, #tpu.memory_space<vmem>> -> memref<32x128xf32, #tpu.memory_space<vmem>>
      %dma_wait3A_239 = arith.constant 0 : i32
      %dma_wait3A_240 = arith.constant 0 : i32
      %dma_wait3A_241 = tpu.memref_slice %arg4[%dma_wait3A_239, %dma_wait3A_240] : memref<32x1000000xf32, #tpu.memory_space<hbm>> -> memref<32x128xf32, #tpu.memory_space<hbm>>
      tpu.wait_dma2 semaphore(%arg18 : memref<!tpu.dma_semaphore, #tpu.memory_space<semaphore_mem>>) src(%dma_wait3A_241 : memref<32x128xf32, #tpu.memory_space<hbm>>) dst(%dma_wait3A_238 : memref<32x128xf32, #tpu.memory_space<vmem>>)
      %dma_wait3A_242 = arith.constant 0 : i32
      %dma_wait3A_243 = arith.constant 0 : i32
      %dma_wait3A_244 = arith.constant 0 : i32
      %dma_wait3A_245 = tpu.memref_slice %arg12[%dma_wait3A_242, %dma_wait3A_243, %dma_wait3A_244] : memref<8x32x128xf32, #tpu.memory_space<vmem>> -> memref<1x32x128xf32, #tpu.memory_space<vmem>>
      %dma_wait3A_246 = tpu.memref_squeeze %dma_wait3A_245 : memref<1x32x128xf32, #tpu.memory_space<vmem>> -> memref<32x128xf32, #tpu.memory_space<vmem>>
      %dma_wait3A_247 = arith.constant 0 : i32
      %dma_wait3A_248 = arith.constant 0 : i32
      %dma_wait3A_249 = tpu.memref_slice %arg5[%dma_wait3A_247, %dma_wait3A_248] : memref<32x1000000xf32, #tpu.memory_space<hbm>> -> memref<32x128xf32, #tpu.memory_space<hbm>>
      %dma_wait3A_250 = arith.constant 0 : i32
      %dma_wait3A_251 = arith.constant 0 : i32
      %dma_wait3A_252 = tpu.memref_slice %arg12[%dma_wait3A_242, %dma_wait3A_250, %dma_wait3A_251] : memref<8x32x128xf32, #tpu.memory_space<vmem>> -> memref<1x32x128xf32, #tpu.memory_space<vmem>>
      %dma_wait3A_253 = tpu.memref_squeeze %dma_wait3A_252 : memref<1x32x128xf32, #tpu.memory_space<vmem>> -> memref<32x128xf32, #tpu.memory_space<vmem>>
      %dma_wait3A_254 = arith.constant 0 : i32
      %dma_wait3A_255 = arith.constant 0 : i32
      %dma_wait3A_256 = tpu.memref_slice %arg5[%dma_wait3A_254, %dma_wait3A_255] : memref<32x1000000xf32, #tpu.memory_space<hbm>> -> memref<32x128xf32, #tpu.memory_space<hbm>>
      tpu.wait_dma2 semaphore(%arg18 : memref<!tpu.dma_semaphore, #tpu.memory_space<semaphore_mem>>) src(%dma_wait3A_256 : memref<32x128xf32, #tpu.memory_space<hbm>>) dst(%dma_wait3A_253 : memref<32x128xf32, #tpu.memory_space<vmem>>)
      %slice3A_257 = vector.extract_strided_slice %scan3A_182 {offsets = [0], sizes = [1], strides = [1]} : vector<16xi32> to vector<1xi32>
      %squeeze3A_258 = vector.extract %slice3A_257[0] : i32 from vector<1xi32>
      %and3A = arith.constant 127 : i32
      %and3A_259 = arith.andi %squeeze3A_258, %and3A : i32
      %broadcast_in_dim3A = vector.broadcast %and3A_259 : i32 to vector<16xi32>
      %slice3A_260 = vector.extract_strided_slice %scan3A_183 {offsets = [0], sizes = [1], strides = [1]} : vector<16xi32> to vector<1xi32>
      %squeeze3A_261 = vector.extract %slice3A_260[0] : i32 from vector<1xi32>
      %and3A_262 = arith.constant 127 : i32
      %and3A_263 = arith.andi %squeeze3A_261, %and3A_262 : i32
      %broadcast_in_dim3A_264 = vector.broadcast %and3A_263 : i32 to vector<16xi32>
      %gather3A = arith.constant 0 : i32
      %gather3A_265 = arith.constant 0 : i32
      %gather3A_266 = arith.constant 0 : i32
      %gather3A_267 = tpu.memref_slice %arg11[%gather3A, %gather3A_265, %gather3A_266] : memref<8x32x128xf32, #tpu.memory_space<vmem>> -> memref<1x32x128xf32, #tpu.memory_space<vmem>>
      %gather3A_268 = tpu.memref_squeeze %gather3A_267 : memref<1x32x128xf32, #tpu.memory_space<vmem>> -> memref<32x128xf32, #tpu.memory_space<vmem>>
      %gather3A_269 = tpu.vector_load_idx %gather3A_268[%iota3A, %broadcast_in_dim3A] : memref<32x128xf32, #tpu.memory_space<vmem>>[vector<16xi32>, vector<16xi32>], vector<16xf32>,
      %add3A_270 = arith.constant 16 : i32
      %add3A_271 = vector.broadcast %add3A_270 : i32 to vector<16xi32>
      %add3A_272 = arith.addi %iota3A, %add3A_271 : vector<16xi32>
      %gather3A_273 = arith.constant 0 : i32
      %gather3A_274 = arith.constant 0 : i32
      %gather3A_275 = arith.constant 0 : i32
      %gather3A_276 = tpu.memref_slice %arg11[%gather3A_273, %gather3A_274, %gather3A_275] : memref<8x32x128xf32, #tpu.memory_space<vmem>> -> memref<1x32x128xf32, #tpu.memory_space<vmem>>
      %gather3A_277 = tpu.memref_squeeze %gather3A_276 : memref<1x32x128xf32, #tpu.memory_space<vmem>> -> memref<32x128xf32, #tpu.memory_space<vmem>>
      %gather3A_278 = tpu.vector_load_idx %gather3A_277[%add3A_272, %broadcast_in_dim3A] : memref<32x128xf32, #tpu.memory_space<vmem>>[vector<16xi32>, vector<16xi32>], vector<16xf32>,
      %gather3A_279 = arith.constant 0 : i32
      %gather3A_280 = arith.constant 0 : i32
      %gather3A_281 = arith.constant 0 : i32
      %gather3A_282 = tpu.memref_slice %arg12[%gather3A_279, %gather3A_280, %gather3A_281] : memref<8x32x128xf32, #tpu.memory_space<vmem>> -> memref<1x32x128xf32, #tpu.memory_space<vmem>>
      %gather3A_283 = tpu.memref_squeeze %gather3A_282 : memref<1x32x128xf32, #tpu.memory_space<vmem>> -> memref<32x128xf32, #tpu.memory_space<vmem>>
      %gather3A_284 = tpu.vector_load_idx %gather3A_283[%iota3A, %broadcast_in_dim3A_264] : memref<32x128xf32, #tpu.memory_space<vmem>>[vector<16xi32>, vector<16xi32>], vector<16xf32>,
      %add3A_285 = arith.constant 16 : i32
      %add3A_286 = vector.broadcast %add3A_285 : i32 to vector<16xi32>
      %add3A_287 = arith.addi %iota3A, %add3A_286 : vector<16xi32>
      %gather3A_288 = arith.constant 0 : i32
      %gather3A_289 = arith.constant 0 : i32
      %gather3A_290 = arith.constant 0 : i32
      %gather3A_291 = tpu.memref_slice %arg12[%gather3A_288, %gather3A_289, %gather3A_290] : memref<8x32x128xf32, #tpu.memory_space<vmem>> -> memref<1x32x128xf32, #tpu.memory_space<vmem>>
      %gather3A_292 = tpu.memref_squeeze %gather3A_291 : memref<1x32x128xf32, #tpu.memory_space<vmem>> -> memref<32x128xf32, #tpu.memory_space<vmem>>
      %gather3A_293 = tpu.vector_load_idx %gather3A_292[%add3A_287, %broadcast_in_dim3A_264] : memref<32x128xf32, #tpu.memory_space<vmem>>[vector<16xi32>, vector<16xi32>], vector<16xf32>,
      %mul3A_294 = arith.constant 16 : i32
      %mul3A_295 = vector.broadcast %mul3A_294 : i32 to vector<16xi32>
      %mul3A_296 = arith.muli %iota3A, %mul3A_295 : vector<16xi32>
      %add3A_297 = arith.constant 0 : i32
      %add3A_298 = vector.broadcast %add3A_297 : i32 to vector<16xi32>
      %add3A_299 = arith.addi %mul3A_296, %add3A_298 : vector<16xi32>
      %add3A_300 = arith.constant 16 : i32
      %add3A_301 = vector.broadcast %add3A_300 : i32 to vector<16xi32>
      %add3A_302 = arith.addi %iota3A, %add3A_301 : vector<16xi32>
      %mul3A_303 = arith.constant 16 : i32
      %mul3A_304 = vector.broadcast %mul3A_303 : i32 to vector<16xi32>
      %mul3A_305 = arith.muli %add3A_302, %mul3A_304 : vector<16xi32>
      %add3A_306 = arith.constant 0 : i32
      %add3A_307 = vector.broadcast %add3A_306 : i32 to vector<16xi32>
      %add3A_308 = arith.addi %mul3A_305, %add3A_307 : vector<16xi32>
      tpu.vector_store_idx %arg13[%add3A_299], %gather3A_269 : memref<512xf32, #tpu.memory_space<vmem>>[vector<16xi32>], vector<16xf32>,
      tpu.vector_store_idx %arg13[%add3A_308], %gather3A_278 : memref<512xf32, #tpu.memory_space<vmem>>[vector<16xi32>], vector<16xf32>,
      tpu.vector_store_idx %arg14[%add3A_299], %gather3A_284 : memref<512xf32, #tpu.memory_space<vmem>>[vector<16xi32>], vector<16xf32>,
      tpu.vector_store_idx %arg14[%add3A_308], %gather3A_293 : memref<512xf32, #tpu.memory_space<vmem>>[vector<16xi32>], vector<16xf32>,
      %slice3A_309 = vector.extract_strided_slice %scan3A_182 {offsets = [5], sizes = [1], strides = [1]} : vector<16xi32> to vector<1xi32>
      %squeeze3A_310 = vector.extract %slice3A_309[0] : i32 from vector<1xi32>
      %min3A_311 = arith.constant 999999 : i32
      %min3A_312 = arith.minsi %squeeze3A_310, %min3A_311 : i32
      %slice3A_313 = vector.extract_strided_slice %scan3A_183 {offsets = [5], sizes = [1], strides = [1]} : vector<16xi32> to vector<1xi32>
      %squeeze3A_314 = vector.extract %slice3A_313[0] : i32 from vector<1xi32>
      %min3A_315 = arith.constant 999999 : i32
      %min3A_316 = arith.minsi %squeeze3A_314, %min3A_315 : i32
      %shift_right_arithmetic3A_317 = arith.constant 7 : i32
      %shift_right_arithmetic3A_318 = arith.shrsi %min3A_312, %shift_right_arithmetic3A_317 : i32
      %mul3A_319 = arith.constant 128 : i32
      %mul3A_320 = arith.muli %shift_right_arithmetic3A_318, %mul3A_319 : i32
      %multiple_of3A_321 = tpu.assume_multiple %mul3A_320, 128 : i32
      %shift_right_arithmetic3A_322 = arith.constant 7 : i32
      %shift_right_arithmetic3A_323 = arith.shrsi %min3A_316, %shift_right_arithmetic3A_322 : i32
      %mul3A_324 = arith.constant 128 : i32
      %mul3A_325 = arith.muli %shift_right_arithmetic3A_323, %mul3A_324 : i32
      %multiple_of3A_326 = tpu.assume_multiple %mul3A_325, 128 : i32
      %dma_start3A_327 = arith.constant 5 : i32
      %dma_start3A_328 = arith.constant 0 : i32
      %dma_start3A_329 = arith.constant 0 : i32
      %dma_start3A_330 = tpu.memref_slice %arg11[%dma_start3A_327, %dma_start3A_328, %dma_start3A_329] : memref<8x32x128xf32, #tpu.memory_space<vmem>> -> memref<1x32x128xf32, #tpu.memory_space<vmem>>
      %dma_start3A_331 = tpu.memref_squeeze %dma_start3A_330 : memref<1x32x128xf32, #tpu.memory_space<vmem>> -> memref<32x128xf32, #tpu.memory_space<vmem>>
      %dma_start3A_332 = arith.constant 0 : i32
      %dma_start3A_333 = tpu.memref_slice %arg4[%dma_start3A_332, %multiple_of3A_321] : memref<32x1000000xf32, #tpu.memory_space<hbm>> -> memref<32x128xf32, #tpu.memory_space<hbm>>
      %dma_start3A_334 = arith.constant 0 : i32
      %dma_start3A_335 = arith.constant 0 : i32
      %dma_start3A_336 = tpu.memref_slice %arg11[%dma_start3A_327, %dma_start3A_334, %dma_start3A_335] : memref<8x32x128xf32, #tpu.memory_space<vmem>> -> memref<1x32x128xf32, #tpu.memory_space<vmem>>
      %dma_start3A_337 = tpu.memref_squeeze %dma_start3A_336 : memref<1x32x128xf32, #tpu.memory_space<vmem>> -> memref<32x128xf32, #tpu.memory_space<vmem>>
      %dma_start3A_338 = arith.constant 0 : i32
      %dma_start3A_339 = tpu.memref_slice %arg4[%dma_start3A_338, %multiple_of3A_321] : memref<32x1000000xf32, #tpu.memory_space<hbm>> -> memref<32x128xf32, #tpu.memory_space<hbm>>
      tpu.enqueue_dma source(%dma_start3A_339 : memref<32x128xf32, #tpu.memory_space<hbm>>) target(%dma_start3A_337 : memref<32x128xf32, #tpu.memory_space<vmem>>) target_semaphore(%arg23 : memref<!tpu.dma_semaphore, #tpu.memory_space<semaphore_mem>>)
      %dma_start3A_340 = arith.constant 5 : i32
      %dma_start3A_341 = arith.constant 0 : i32
      %dma_start3A_342 = arith.constant 0 : i32
      %dma_start3A_343 = tpu.memref_slice %arg12[%dma_start3A_340, %dma_start3A_341, %dma_start3A_342] : memref<8x32x128xf32, #tpu.memory_space<vmem>> -> memref<1x32x128xf32, #tpu.memory_space<vmem>>
      %dma_start3A_344 = tpu.memref_squeeze %dma_start3A_343 : memref<1x32x128xf32, #tpu.memory_space<vmem>> -> memref<32x128xf32, #tpu.memory_space<vmem>>
      %dma_start3A_345 = arith.constant 0 : i32
      %dma_start3A_346 = tpu.memref_slice %arg5[%dma_start3A_345, %multiple_of3A_326] : memref<32x1000000xf32, #tpu.memory_space<hbm>> -> memref<32x128xf32, #tpu.memory_space<hbm>>
      %dma_start3A_347 = arith.constant 0 : i32
      %dma_start3A_348 = arith.constant 0 : i32
      %dma_start3A_349 = tpu.memref_slice %arg12[%dma_start3A_340, %dma_start3A_347, %dma_start3A_348] : memref<8x32x128xf32, #tpu.memory_space<vmem>> -> memref<1x32x128xf32, #tpu.memory_space<vmem>>
      %dma_start3A_350 = tpu.memref_squeeze %dma_start3A_349 : memref<1x32x128xf32, #tpu.memory_space<vmem>> -> memref<32x128xf32, #tpu.memory_space<vmem>>
      %dma_start3A_351 = arith.constant 0 : i32
      %dma_start3A_352 = tpu.memref_slice %arg5[%dma_start3A_351, %multiple_of3A_326] : memref<32x1000000xf32, #tpu.memory_space<hbm>> -> memref<32x128xf32, #tpu.memory_space<hbm>>
      tpu.enqueue_dma source(%dma_start3A_352 : memref<32x128xf32, #tpu.memory_space<hbm>>) target(%dma_start3A_350 : memref<32x128xf32, #tpu.memory_space<vmem>>) target_semaphore(%arg23 : memref<!tpu.dma_semaphore, #tpu.memory_space<semaphore_mem>>)
      %dma_wait3A_353 = arith.constant 1 : i32
      %dma_wait3A_354 = arith.constant 0 : i32
      %dma_wait3A_355 = arith.constant 0 : i32
      %dma_wait3A_356 = tpu.memref_slice %arg11[%dma_wait3A_353, %dma_wait3A_354, %dma_wait3A_355] : memref<8x32x128xf32, #tpu.memory_space<vmem>> -> memref<1x32x128xf32, #tpu.memory_space<vmem>>
      %dma_wait3A_357 = tpu.memref_squeeze %dma_wait3A_356 : memref<1x32x128xf32, #tpu.memory_space<vmem>> -> memref<32x128xf32, #tpu.memory_space<vmem>>
      %dma_wait3A_358 = arith.constant 0 : i32
      %dma_wait3A_359 = arith.constant 0 : i32
      %dma_wait3A_360 = tpu.memref_slice %arg4[%dma_wait3A_358, %dma_wait3A_359] : memref<32x1000000xf32, #tpu.memory_space<hbm>> -> memref<32x128xf32, #tpu.memory_space<hbm>>
      %dma_wait3A_361 = arith.constant 0 : i32
      %dma_wait3A_362 = arith.constant 0 : i32
      %dma_wait3A_363 = tpu.memref_slice %arg11[%dma_wait3A_353, %dma_wait3A_361, %dma_wait3A_362] : memref<8x32x128xf32, #tpu.memory_space<vmem>> -> memref<1x32x128xf32, #tpu.memory_space<vmem>>
      %dma_wait3A_364 = tpu.memref_squeeze %dma_wait3A_363 : memref<1x32x128xf32, #tpu.memory_space<vmem>> -> memref<32x128xf32, #tpu.memory_space<vmem>>
      %dma_wait3A_365 = arith.constant 0 : i32
      %dma_wait3A_366 = arith.constant 0 : i32
      %dma_wait3A_367 = tpu.memref_slice %arg4[%dma_wait3A_365, %dma_wait3A_366] : memref<32x1000000xf32, #tpu.memory_space<hbm>> -> memref<32x128xf32, #tpu.memory_space<hbm>>
      tpu.wait_dma2 semaphore(%arg19 : memref<!tpu.dma_semaphore, #tpu.memory_space<semaphore_mem>>) src(%dma_wait3A_367 : memref<32x128xf32, #tpu.memory_space<hbm>>) dst(%dma_wait3A_364 : memref<32x128xf32, #tpu.memory_space<vmem>>)
      %dma_wait3A_368 = arith.constant 1 : i32
      %dma_wait3A_369 = arith.constant 0 : i32
      %dma_wait3A_370 = arith.constant 0 : i32
      %dma_wait3A_371 = tpu.memref_slice %arg12[%dma_wait3A_368, %dma_wait3A_369, %dma_wait3A_370] : memref<8x32x128xf32, #tpu.memory_space<vmem>> -> memref<1x32x128xf32, #tpu.memory_space<vmem>>
      %dma_wait3A_372 = tpu.memref_squeeze %dma_wait3A_371 : memref<1x32x128xf32, #tpu.memory_space<vmem>> -> memref<32x128xf32, #tpu.memory_space<vmem>>
      %dma_wait3A_373 = arith.constant 0 : i32
      %dma_wait3A_374 = arith.constant 0 : i32
      %dma_wait3A_375 = tpu.memref_slice %arg5[%dma_wait3A_373, %dma_wait3A_374] : memref<32x1000000xf32, #tpu.memory_space<hbm>> -> memref<32x128xf32, #tpu.memory_space<hbm>>
      %dma_wait3A_376 = arith.constant 0 : i32
      %dma_wait3A_377 = arith.constant 0 : i32
      %dma_wait3A_378 = tpu.memref_slice %arg12[%dma_wait3A_368, %dma_wait3A_376, %dma_wait3A_377] : memref<8x32x128xf32, #tpu.memory_space<vmem>> -> memref<1x32x128xf32, #tpu.memory_space<vmem>>
      %dma_wait3A_379 = tpu.memref_squeeze %dma_wait3A_378 : memref<1x32x128xf32, #tpu.memory_space<vmem>> -> memref<32x128xf32, #tpu.memory_space<vmem>>
      %dma_wait3A_380 = arith.constant 0 : i32
      %dma_wait3A_381 = arith.constant 0 : i32
      %dma_wait3A_382 = tpu.memref_slice %arg5[%dma_wait3A_380, %dma_wait3A_381] : memref<32x1000000xf32, #tpu.memory_space<hbm>> -> memref<32x128xf32, #tpu.memory_space<hbm>>
      tpu.wait_dma2 semaphore(%arg19 : memref<!tpu.dma_semaphore, #tpu.memory_space<semaphore_mem>>) src(%dma_wait3A_382 : memref<32x128xf32, #tpu.memory_space<hbm>>) dst(%dma_wait3A_379 : memref<32x128xf32, #tpu.memory_space<vmem>>)
      %slice3A_383 = vector.extract_strided_slice %scan3A_182 {offsets = [1], sizes = [1], strides = [1]} : vector<16xi32> to vector<1xi32>
      %squeeze3A_384 = vector.extract %slice3A_383[0] : i32 from vector<1xi32>
      %and3A_385 = arith.constant 127 : i32
      %and3A_386 = arith.andi %squeeze3A_384, %and3A_385 : i32
      %broadcast_in_dim3A_387 = vector.broadcast %and3A_386 : i32 to vector<16xi32>
      %slice3A_388 = vector.extract_strided_slice %scan3A_183 {offsets = [1], sizes = [1], strides = [1]} : vector<16xi32> to vector<1xi32>
      %squeeze3A_389 = vector.extract %slice3A_388[0] : i32 from vector<1xi32>
      %and3A_390 = arith.constant 127 : i32
      %and3A_391 = arith.andi %squeeze3A_389, %and3A_390 : i32
      %broadcast_in_dim3A_392 = vector.broadcast %and3A_391 : i32 to vector<16xi32>
      %gather3A_393 = arith.constant 1 : i32
      %gather3A_394 = arith.constant 0 : i32
      %gather3A_395 = arith.constant 0 : i32
      %gather3A_396 = tpu.memref_slice %arg11[%gather3A_393, %gather3A_394, %gather3A_395] : memref<8x32x128xf32, #tpu.memory_space<vmem>> -> memref<1x32x128xf32, #tpu.memory_space<vmem>>
      %gather3A_397 = tpu.memref_squeeze %gather3A_396 : memref<1x32x128xf32, #tpu.memory_space<vmem>> -> memref<32x128xf32, #tpu.memory_space<vmem>>
      %gather3A_398 = tpu.vector_load_idx %gather3A_397[%iota3A, %broadcast_in_dim3A_387] : memref<32x128xf32, #tpu.memory_space<vmem>>[vector<16xi32>, vector<16xi32>], vector<16xf32>,
      %add3A_399 = arith.constant 16 : i32
      %add3A_400 = vector.broadcast %add3A_399 : i32 to vector<16xi32>
      %add3A_401 = arith.addi %iota3A, %add3A_400 : vector<16xi32>
      %gather3A_402 = arith.constant 1 : i32
      %gather3A_403 = arith.constant 0 : i32
      %gather3A_404 = arith.constant 0 : i32
      %gather3A_405 = tpu.memref_slice %arg11[%gather3A_402, %gather3A_403, %gather3A_404] : memref<8x32x128xf32, #tpu.memory_space<vmem>> -> memref<1x32x128xf32, #tpu.memory_space<vmem>>
      %gather3A_406 = tpu.memref_squeeze %gather3A_405 : memref<1x32x128xf32, #tpu.memory_space<vmem>> -> memref<32x128xf32, #tpu.memory_space<vmem>>
      %gather3A_407 = tpu.vector_load_idx %gather3A_406[%add3A_401, %broadcast_in_dim3A_387] : memref<32x128xf32, #tpu.memory_space<vmem>>[vector<16xi32>, vector<16xi32>], vector<16xf32>,
      %gather3A_408 = arith.constant 1 : i32
      %gather3A_409 = arith.constant 0 : i32
      %gather3A_410 = arith.constant 0 : i32
      %gather3A_411 = tpu.memref_slice %arg12[%gather3A_408, %gather3A_409, %gather3A_410] : memref<8x32x128xf32, #tpu.memory_space<vmem>> -> memref<1x32x128xf32, #tpu.memory_space<vmem>>
      %gather3A_412 = tpu.memref_squeeze %gather3A_411 : memref<1x32x128xf32, #tpu.memory_space<vmem>> -> memref<32x128xf32, #tpu.memory_space<vmem>>
      %gather3A_413 = tpu.vector_load_idx %gather3A_412[%iota3A, %broadcast_in_dim3A_392] : memref<32x128xf32, #tpu.memory_space<vmem>>[vector<16xi32>, vector<16xi32>], vector<16xf32>,
      %add3A_414 = arith.constant 16 : i32
      %add3A_415 = vector.broadcast %add3A_414 : i32 to vector<16xi32>
      %add3A_416 = arith.addi %iota3A, %add3A_415 : vector<16xi32>
      %gather3A_417 = arith.constant 1 : i32
      %gather3A_418 = arith.constant 0 : i32
      %gather3A_419 = arith.constant 0 : i32
      %gather3A_420 = tpu.memref_slice %arg12[%gather3A_417, %gather3A_418, %gather3A_419] : memref<8x32x128xf32, #tpu.memory_space<vmem>> -> memref<1x32x128xf32, #tpu.memory_space<vmem>>
      %gather3A_421 = tpu.memref_squeeze %gather3A_420 : memref<1x32x128xf32, #tpu.memory_space<vmem>> -> memref<32x128xf32, #tpu.memory_space<vmem>>
      %gather3A_422 = tpu.vector_load_idx %gather3A_421[%add3A_416, %broadcast_in_dim3A_392] : memref<32x128xf32, #tpu.memory_space<vmem>>[vector<16xi32>, vector<16xi32>], vector<16xf32>,
      %mul3A_423 = arith.constant 16 : i32
      %mul3A_424 = vector.broadcast %mul3A_423 : i32 to vector<16xi32>
      %mul3A_425 = arith.muli %iota3A, %mul3A_424 : vector<16xi32>
      %add3A_426 = arith.constant 1 : i32
      %add3A_427 = vector.broadcast %add3A_426 : i32 to vector<16xi32>
      %add3A_428 = arith.addi %mul3A_425, %add3A_427 : vector<16xi32>
      %add3A_429 = arith.constant 16 : i32
      %add3A_430 = vector.broadcast %add3A_429 : i32 to vector<16xi32>
      %add3A_431 = arith.addi %iota3A, %add3A_430 : vector<16xi32>
      %mul3A_432 = arith.constant 16 : i32
      %mul3A_433 = vector.broadcast %mul3A_432 : i32 to vector<16xi32>
      %mul3A_434 = arith.muli %add3A_431, %mul3A_433 : vector<16xi32>
      %add3A_435 = arith.constant 1 : i32
      %add3A_436 = vector.broadcast %add3A_435 : i32 to vector<16xi32>
      %add3A_437 = arith.addi %mul3A_434, %add3A_436 : vector<16xi32>
      tpu.vector_store_idx %arg13[%add3A_428], %gather3A_398 : memref<512xf32, #tpu.memory_space<vmem>>[vector<16xi32>], vector<16xf32>,
      tpu.vector_store_idx %arg13[%add3A_437], %gather3A_407 : memref<512xf32, #tpu.memory_space<vmem>>[vector<16xi32>], vector<16xf32>,
      tpu.vector_store_idx %arg14[%add3A_428], %gather3A_413 : memref<512xf32, #tpu.memory_space<vmem>>[vector<16xi32>], vector<16xf32>,
      tpu.vector_store_idx %arg14[%add3A_437], %gather3A_422 : memref<512xf32, #tpu.memory_space<vmem>>[vector<16xi32>], vector<16xf32>,
      %slice3A_438 = vector.extract_strided_slice %scan3A_182 {offsets = [6], sizes = [1], strides = [1]} : vector<16xi32> to vector<1xi32>
      %squeeze3A_439 = vector.extract %slice3A_438[0] : i32 from vector<1xi32>
      %min3A_440 = arith.constant 999999 : i32
      %min3A_441 = arith.minsi %squeeze3A_439, %min3A_440 : i32
      %slice3A_442 = vector.extract_strided_slice %scan3A_183 {offsets = [6], sizes = [1], strides = [1]} : vector<16xi32> to vector<1xi32>
      %squeeze3A_443 = vector.extract %slice3A_442[0] : i32 from vector<1xi32>
      %min3A_444 = arith.constant 999999 : i32
      %min3A_445 = arith.minsi %squeeze3A_443, %min3A_444 : i32
      %shift_right_arithmetic3A_446 = arith.constant 7 : i32
      %shift_right_arithmetic3A_447 = arith.shrsi %min3A_441, %shift_right_arithmetic3A_446 : i32
      %mul3A_448 = arith.constant 128 : i32
      %mul3A_449 = arith.muli %shift_right_arithmetic3A_447, %mul3A_448 : i32
      %multiple_of3A_450 = tpu.assume_multiple %mul3A_449, 128 : i32
      %shift_right_arithmetic3A_451 = arith.constant 7 : i32
      %shift_right_arithmetic3A_452 = arith.shrsi %min3A_445, %shift_right_arithmetic3A_451 : i32
      %mul3A_453 = arith.constant 128 : i32
      %mul3A_454 = arith.muli %shift_right_arithmetic3A_452, %mul3A_453 : i32
      %multiple_of3A_455 = tpu.assume_multiple %mul3A_454, 128 : i32
      %dma_start3A_456 = arith.constant 6 : i32
      %dma_start3A_457 = arith.constant 0 : i32
      %dma_start3A_458 = arith.constant 0 : i32
      %dma_start3A_459 = tpu.memref_slice %arg11[%dma_start3A_456, %dma_start3A_457, %dma_start3A_458] : memref<8x32x128xf32, #tpu.memory_space<vmem>> -> memref<1x32x128xf32, #tpu.memory_space<vmem>>
      %dma_start3A_460 = tpu.memref_squeeze %dma_start3A_459 : memref<1x32x128xf32, #tpu.memory_space<vmem>> -> memref<32x128xf32, #tpu.memory_space<vmem>>
      %dma_start3A_461 = arith.constant 0 : i32
      %dma_start3A_462 = tpu.memref_slice %arg4[%dma_start3A_461, %multiple_of3A_450] : memref<32x1000000xf32, #tpu.memory_space<hbm>> -> memref<32x128xf32, #tpu.memory_space<hbm>>
      %dma_start3A_463 = arith.constant 0 : i32
      %dma_start3A_464 = arith.constant 0 : i32
      %dma_start3A_465 = tpu.memref_slice %arg11[%dma_start3A_456, %dma_start3A_463, %dma_start3A_464] : memref<8x32x128xf32, #tpu.memory_space<vmem>> -> memref<1x32x128xf32, #tpu.memory_space<vmem>>
      %dma_start3A_466 = tpu.memref_squeeze %dma_start3A_465 : memref<1x32x128xf32, #tpu.memory_space<vmem>> -> memref<32x128xf32, #tpu.memory_space<vmem>>
      %dma_start3A_467 = arith.constant 0 : i32
      %dma_start3A_468 = tpu.memref_slice %arg4[%dma_start3A_467, %multiple_of3A_450] : memref<32x1000000xf32, #tpu.memory_space<hbm>> -> memref<32x128xf32, #tpu.memory_space<hbm>>
      tpu.enqueue_dma source(%dma_start3A_468 : memref<32x128xf32, #tpu.memory_space<hbm>>) target(%dma_start3A_466 : memref<32x128xf32, #tpu.memory_space<vmem>>) target_semaphore(%arg24 : memref<!tpu.dma_semaphore, #tpu.memory_space<semaphore_mem>>)
      %dma_start3A_469 = arith.constant 6 : i32
      %dma_start3A_470 = arith.constant 0 : i32
      %dma_start3A_471 = arith.constant 0 : i32
      %dma_start3A_472 = tpu.memref_slice %arg12[%dma_start3A_469, %dma_start3A_470, %dma_start3A_471] : memref<8x32x128xf32, #tpu.memory_space<vmem>> -> memref<1x32x128xf32, #tpu.memory_space<vmem>>
      %dma_start3A_473 = tpu.memref_squeeze %dma_start3A_472 : memref<1x32x128xf32, #tpu.memory_space<vmem>> -> memref<32x128xf32, #tpu.memory_space<vmem>>
      %dma_start3A_474 = arith.constant 0 : i32
      %dma_start3A_475 = tpu.memref_slice %arg5[%dma_start3A_474, %multiple_of3A_455] : memref<32x1000000xf32, #tpu.memory_space<hbm>> -> memref<32x128xf32, #tpu.memory_space<hbm>>
      %dma_start3A_476 = arith.constant 0 : i32
      %dma_start3A_477 = arith.constant 0 : i32
      %dma_start3A_478 = tpu.memref_slice %arg12[%dma_start3A_469, %dma_start3A_476, %dma_start3A_477] : memref<8x32x128xf32, #tpu.memory_space<vmem>> -> memref<1x32x128xf32, #tpu.memory_space<vmem>>
      %dma_start3A_479 = tpu.memref_squeeze %dma_start3A_478 : memref<1x32x128xf32, #tpu.memory_space<vmem>> -> memref<32x128xf32, #tpu.memory_space<vmem>>
      %dma_start3A_480 = arith.constant 0 : i32
      %dma_start3A_481 = tpu.memref_slice %arg5[%dma_start3A_480, %multiple_of3A_455] : memref<32x1000000xf32, #tpu.memory_space<hbm>> -> memref<32x128xf32, #tpu.memory_space<hbm>>
      tpu.enqueue_dma source(%dma_start3A_481 : memref<32x128xf32, #tpu.memory_space<hbm>>) target(%dma_start3A_479 : memref<32x128xf32, #tpu.memory_space<vmem>>) target_semaphore(%arg24 : memref<!tpu.dma_semaphore, #tpu.memory_space<semaphore_mem>>)
      %dma_wait3A_482 = arith.constant 2 : i32
      %dma_wait3A_483 = arith.constant 0 : i32
      %dma_wait3A_484 = arith.constant 0 : i32
      %dma_wait3A_485 = tpu.memref_slice %arg11[%dma_wait3A_482, %dma_wait3A_483, %dma_wait3A_484] : memref<8x32x128xf32, #tpu.memory_space<vmem>> -> memref<1x32x128xf32, #tpu.memory_space<vmem>>
      %dma_wait3A_486 = tpu.memref_squeeze %dma_wait3A_485 : memref<1x32x128xf32, #tpu.memory_space<vmem>> -> memref<32x128xf32, #tpu.memory_space<vmem>>
      %dma_wait3A_487 = arith.constant 0 : i32
      %dma_wait3A_488 = arith.constant 0 : i32
      %dma_wait3A_489 = tpu.memref_slice %arg4[%dma_wait3A_487, %dma_wait3A_488] : memref<32x1000000xf32, #tpu.memory_space<hbm>> -> memref<32x128xf32, #tpu.memory_space<hbm>>
      %dma_wait3A_490 = arith.constant 0 : i32
      %dma_wait3A_491 = arith.constant 0 : i32
      %dma_wait3A_492 = tpu.memref_slice %arg11[%dma_wait3A_482, %dma_wait3A_490, %dma_wait3A_491] : memref<8x32x128xf32, #tpu.memory_space<vmem>> -> memref<1x32x128xf32, #tpu.memory_space<vmem>>
      %dma_wait3A_493 = tpu.memref_squeeze %dma_wait3A_492 : memref<1x32x128xf32, #tpu.memory_space<vmem>> -> memref<32x128xf32, #tpu.memory_space<vmem>>
      %dma_wait3A_494 = arith.constant 0 : i32
      %dma_wait3A_495 = arith.constant 0 : i32
      %dma_wait3A_496 = tpu.memref_slice %arg4[%dma_wait3A_494, %dma_wait3A_495] : memref<32x1000000xf32, #tpu.memory_space<hbm>> -> memref<32x128xf32, #tpu.memory_space<hbm>>
      tpu.wait_dma2 semaphore(%arg20 : memref<!tpu.dma_semaphore, #tpu.memory_space<semaphore_mem>>) src(%dma_wait3A_496 : memref<32x128xf32, #tpu.memory_space<hbm>>) dst(%dma_wait3A_493 : memref<32x128xf32, #tpu.memory_space<vmem>>)
      %dma_wait3A_497 = arith.constant 2 : i32
      %dma_wait3A_498 = arith.constant 0 : i32
      %dma_wait3A_499 = arith.constant 0 : i32
      %dma_wait3A_500 = tpu.memref_slice %arg12[%dma_wait3A_497, %dma_wait3A_498, %dma_wait3A_499] : memref<8x32x128xf32, #tpu.memory_space<vmem>> -> memref<1x32x128xf32, #tpu.memory_space<vmem>>
      %dma_wait3A_501 = tpu.memref_squeeze %dma_wait3A_500 : memref<1x32x128xf32, #tpu.memory_space<vmem>> -> memref<32x128xf32, #tpu.memory_space<vmem>>
      %dma_wait3A_502 = arith.constant 0 : i32
      %dma_wait3A_503 = arith.constant 0 : i32
      %dma_wait3A_504 = tpu.memref_slice %arg5[%dma_wait3A_502, %dma_wait3A_503] : memref<32x1000000xf32, #tpu.memory_space<hbm>> -> memref<32x128xf32, #tpu.memory_space<hbm>>
      %dma_wait3A_505 = arith.constant 0 : i32
      %dma_wait3A_506 = arith.constant 0 : i32
      %dma_wait3A_507 = tpu.memref_slice %arg12[%dma_wait3A_497, %dma_wait3A_505, %dma_wait3A_506] : memref<8x32x128xf32, #tpu.memory_space<vmem>> -> memref<1x32x128xf32, #tpu.memory_space<vmem>>
      %dma_wait3A_508 = tpu.memref_squeeze %dma_wait3A_507 : memref<1x32x128xf32, #tpu.memory_space<vmem>> -> memref<32x128xf32, #tpu.memory_space<vmem>>
      %dma_wait3A_509 = arith.constant 0 : i32
      %dma_wait3A_510 = arith.constant 0 : i32
      %dma_wait3A_511 = tpu.memref_slice %arg5[%dma_wait3A_509, %dma_wait3A_510] : memref<32x1000000xf32, #tpu.memory_space<hbm>> -> memref<32x128xf32, #tpu.memory_space<hbm>>
      tpu.wait_dma2 semaphore(%arg20 : memref<!tpu.dma_semaphore, #tpu.memory_space<semaphore_mem>>) src(%dma_wait3A_511 : memref<32x128xf32, #tpu.memory_space<hbm>>) dst(%dma_wait3A_508 : memref<32x128xf32, #tpu.memory_space<vmem>>)
      %slice3A_512 = vector.extract_strided_slice %scan3A_182 {offsets = [2], sizes = [1], strides = [1]} : vector<16xi32> to vector<1xi32>
      %squeeze3A_513 = vector.extract %slice3A_512[0] : i32 from vector<1xi32>
      %and3A_514 = arith.constant 127 : i32
      %and3A_515 = arith.andi %squeeze3A_513, %and3A_514 : i32
      %broadcast_in_dim3A_516 = vector.broadcast %and3A_515 : i32 to vector<16xi32>
      %slice3A_517 = vector.extract_strided_slice %scan3A_183 {offsets = [2], sizes = [1], strides = [1]} : vector<16xi32> to vector<1xi32>
      %squeeze3A_518 = vector.extract %slice3A_517[0] : i32 from vector<1xi32>
      %and3A_519 = arith.constant 127 : i32
      %and3A_520 = arith.andi %squeeze3A_518, %and3A_519 : i32
      %broadcast_in_dim3A_521 = vector.broadcast %and3A_520 : i32 to vector<16xi32>
      %gather3A_522 = arith.constant 2 : i32
      %gather3A_523 = arith.constant 0 : i32
      %gather3A_524 = arith.constant 0 : i32
      %gather3A_525 = tpu.memref_slice %arg11[%gather3A_522, %gather3A_523, %gather3A_524] : memref<8x32x128xf32, #tpu.memory_space<vmem>> -> memref<1x32x128xf32, #tpu.memory_space<vmem>>
      %gather3A_526 = tpu.memref_squeeze %gather3A_525 : memref<1x32x128xf32, #tpu.memory_space<vmem>> -> memref<32x128xf32, #tpu.memory_space<vmem>>
      %gather3A_527 = tpu.vector_load_idx %gather3A_526[%iota3A, %broadcast_in_dim3A_516] : memref<32x128xf32, #tpu.memory_space<vmem>>[vector<16xi32>, vector<16xi32>], vector<16xf32>,
      %add3A_528 = arith.constant 16 : i32
      %add3A_529 = vector.broadcast %add3A_528 : i32 to vector<16xi32>
      %add3A_530 = arith.addi %iota3A, %add3A_529 : vector<16xi32>
      %gather3A_531 = arith.constant 2 : i32
      %gather3A_532 = arith.constant 0 : i32
      %gather3A_533 = arith.constant 0 : i32
      %gather3A_534 = tpu.memref_slice %arg11[%gather3A_531, %gather3A_532, %gather3A_533] : memref<8x32x128xf32, #tpu.memory_space<vmem>> -> memref<1x32x128xf32, #tpu.memory_space<vmem>>
      %gather3A_535 = tpu.memref_squeeze %gather3A_534 : memref<1x32x128xf32, #tpu.memory_space<vmem>> -> memref<32x128xf32, #tpu.memory_space<vmem>>
      %gather3A_536 = tpu.vector_load_idx %gather3A_535[%add3A_530, %broadcast_in_dim3A_516] : memref<32x128xf32, #tpu.memory_space<vmem>>[vector<16xi32>, vector<16xi32>], vector<16xf32>,
      %gather3A_537 = arith.constant 2 : i32
      %gather3A_538 = arith.constant 0 : i32
      %gather3A_539 = arith.constant 0 : i32
      %gather3A_540 = tpu.memref_slice %arg12[%gather3A_537, %gather3A_538, %gather3A_539] : memref<8x32x128xf32, #tpu.memory_space<vmem>> -> memref<1x32x128xf32, #tpu.memory_space<vmem>>
      %gather3A_541 = tpu.memref_squeeze %gather3A_540 : memref<1x32x128xf32, #tpu.memory_space<vmem>> -> memref<32x128xf32, #tpu.memory_space<vmem>>
      %gather3A_542 = tpu.vector_load_idx %gather3A_541[%iota3A, %broadcast_in_dim3A_521] : memref<32x128xf32, #tpu.memory_space<vmem>>[vector<16xi32>, vector<16xi32>], vector<16xf32>,
      %add3A_543 = arith.constant 16 : i32
      %add3A_544 = vector.broadcast %add3A_543 : i32 to vector<16xi32>
      %add3A_545 = arith.addi %iota3A, %add3A_544 : vector<16xi32>
      %gather3A_546 = arith.constant 2 : i32
      %gather3A_547 = arith.constant 0 : i32
      %gather3A_548 = arith.constant 0 : i32
      %gather3A_549 = tpu.memref_slice %arg12[%gather3A_546, %gather3A_547, %gather3A_548] : memref<8x32x128xf32, #tpu.memory_space<vmem>> -> memref<1x32x128xf32, #tpu.memory_space<vmem>>
      %gather3A_550 = tpu.memref_squeeze %gather3A_549 : memref<1x32x128xf32, #tpu.memory_space<vmem>> -> memref<32x128xf32, #tpu.memory_space<vmem>>
      %gather3A_551 = tpu.vector_load_idx %gather3A_550[%add3A_545, %broadcast_in_dim3A_521] : memref<32x128xf32, #tpu.memory_space<vmem>>[vector<16xi32>, vector<16xi32>], vector<16xf32>,
      %mul3A_552 = arith.constant 16 : i32
      %mul3A_553 = vector.broadcast %mul3A_552 : i32 to vector<16xi32>
      %mul3A_554 = arith.muli %iota3A, %mul3A_553 : vector<16xi32>
      %add3A_555 = arith.constant 2 : i32
      %add3A_556 = vector.broadcast %add3A_555 : i32 to vector<16xi32>
      %add3A_557 = arith.addi %mul3A_554, %add3A_556 : vector<16xi32>
      %add3A_558 = arith.constant 16 : i32
      %add3A_559 = vector.broadcast %add3A_558 : i32 to vector<16xi32>
      %add3A_560 = arith.addi %iota3A, %add3A_559 : vector<16xi32>
      %mul3A_561 = arith.constant 16 : i32
      %mul3A_562 = vector.broadcast %mul3A_561 : i32 to vector<16xi32>
      %mul3A_563 = arith.muli %add3A_560, %mul3A_562 : vector<16xi32>
      %add3A_564 = arith.constant 2 : i32
      %add3A_565 = vector.broadcast %add3A_564 : i32 to vector<16xi32>
      %add3A_566 = arith.addi %mul3A_563, %add3A_565 : vector<16xi32>
      tpu.vector_store_idx %arg13[%add3A_557], %gather3A_527 : memref<512xf32, #tpu.memory_space<vmem>>[vector<16xi32>], vector<16xf32>,
      tpu.vector_store_idx %arg13[%add3A_566], %gather3A_536 : memref<512xf32, #tpu.memory_space<vmem>>[vector<16xi32>], vector<16xf32>,
      tpu.vector_store_idx %arg14[%add3A_557], %gather3A_542 : memref<512xf32, #tpu.memory_space<vmem>>[vector<16xi32>], vector<16xf32>,
      tpu.vector_store_idx %arg14[%add3A_566], %gather3A_551 : memref<512xf32, #tpu.memory_space<vmem>>[vector<16xi32>], vector<16xf32>,
      %slice3A_567 = vector.extract_strided_slice %scan3A_182 {offsets = [7], sizes = [1], strides = [1]} : vector<16xi32> to vector<1xi32>
      %squeeze3A_568 = vector.extract %slice3A_567[0] : i32 from vector<1xi32>
      %min3A_569 = arith.constant 999999 : i32
      %min3A_570 = arith.minsi %squeeze3A_568, %min3A_569 : i32
      %slice3A_571 = vector.extract_strided_slice %scan3A_183 {offsets = [7], sizes = [1], strides = [1]} : vector<16xi32> to vector<1xi32>
      %squeeze3A_572 = vector.extract %slice3A_571[0] : i32 from vector<1xi32>
      %min3A_573 = arith.constant 999999 : i32
      %min3A_574 = arith.minsi %squeeze3A_572, %min3A_573 : i32
      %shift_right_arithmetic3A_575 = arith.constant 7 : i32
      %shift_right_arithmetic3A_576 = arith.shrsi %min3A_570, %shift_right_arithmetic3A_575 : i32
      %mul3A_577 = arith.constant 128 : i32
      %mul3A_578 = arith.muli %shift_right_arithmetic3A_576, %mul3A_577 : i32
      %multiple_of3A_579 = tpu.assume_multiple %mul3A_578, 128 : i32
      %shift_right_arithmetic3A_580 = arith.constant 7 : i32
      %shift_right_arithmetic3A_581 = arith.shrsi %min3A_574, %shift_right_arithmetic3A_580 : i32
      %mul3A_582 = arith.constant 128 : i32
      %mul3A_583 = arith.muli %shift_right_arithmetic3A_581, %mul3A_582 : i32
      %multiple_of3A_584 = tpu.assume_multiple %mul3A_583, 128 : i32
      %dma_start3A_585 = arith.constant 7 : i32
      %dma_start3A_586 = arith.constant 0 : i32
      %dma_start3A_587 = arith.constant 0 : i32
      %dma_start3A_588 = tpu.memref_slice %arg11[%dma_start3A_585, %dma_start3A_586, %dma_start3A_587] : memref<8x32x128xf32, #tpu.memory_space<vmem>> -> memref<1x32x128xf32, #tpu.memory_space<vmem>>
      %dma_start3A_589 = tpu.memref_squeeze %dma_start3A_588 : memref<1x32x128xf32, #tpu.memory_space<vmem>> -> memref<32x128xf32, #tpu.memory_space<vmem>>
      %dma_start3A_590 = arith.constant 0 : i32
      %dma_start3A_591 = tpu.memref_slice %arg4[%dma_start3A_590, %multiple_of3A_579] : memref<32x1000000xf32, #tpu.memory_space<hbm>> -> memref<32x128xf32, #tpu.memory_space<hbm>>
      %dma_start3A_592 = arith.constant 0 : i32
      %dma_start3A_593 = arith.constant 0 : i32
      %dma_start3A_594 = tpu.memref_slice %arg11[%dma_start3A_585, %dma_start3A_592, %dma_start3A_593] : memref<8x32x128xf32, #tpu.memory_space<vmem>> -> memref<1x32x128xf32, #tpu.memory_space<vmem>>
      %dma_start3A_595 = tpu.memref_squeeze %dma_start3A_594 : memref<1x32x128xf32, #tpu.memory_space<vmem>> -> memref<32x128xf32, #tpu.memory_space<vmem>>
      %dma_start3A_596 = arith.constant 0 : i32
      %dma_start3A_597 = tpu.memref_slice %arg4[%dma_start3A_596, %multiple_of3A_579] : memref<32x1000000xf32, #tpu.memory_space<hbm>> -> memref<32x128xf32, #tpu.memory_space<hbm>>
      tpu.enqueue_dma source(%dma_start3A_597 : memref<32x128xf32, #tpu.memory_space<hbm>>) target(%dma_start3A_595 : memref<32x128xf32, #tpu.memory_space<vmem>>) target_semaphore(%arg25 : memref<!tpu.dma_semaphore, #tpu.memory_space<semaphore_mem>>)
      %dma_start3A_598 = arith.constant 7 : i32
      %dma_start3A_599 = arith.constant 0 : i32
      %dma_start3A_600 = arith.constant 0 : i32
      %dma_start3A_601 = tpu.memref_slice %arg12[%dma_start3A_598, %dma_start3A_599, %dma_start3A_600] : memref<8x32x128xf32, #tpu.memory_space<vmem>> -> memref<1x32x128xf32, #tpu.memory_space<vmem>>
      %dma_start3A_602 = tpu.memref_squeeze %dma_start3A_601 : memref<1x32x128xf32, #tpu.memory_space<vmem>> -> memref<32x128xf32, #tpu.memory_space<vmem>>
      %dma_start3A_603 = arith.constant 0 : i32
      %dma_start3A_604 = tpu.memref_slice %arg5[%dma_start3A_603, %multiple_of3A_584] : memref<32x1000000xf32, #tpu.memory_space<hbm>> -> memref<32x128xf32, #tpu.memory_space<hbm>>
      %dma_start3A_605 = arith.constant 0 : i32
      %dma_start3A_606 = arith.constant 0 : i32
      %dma_start3A_607 = tpu.memref_slice %arg12[%dma_start3A_598, %dma_start3A_605, %dma_start3A_606] : memref<8x32x128xf32, #tpu.memory_space<vmem>> -> memref<1x32x128xf32, #tpu.memory_space<vmem>>
      %dma_start3A_608 = tpu.memref_squeeze %dma_start3A_607 : memref<1x32x128xf32, #tpu.memory_space<vmem>> -> memref<32x128xf32, #tpu.memory_space<vmem>>
      %dma_start3A_609 = arith.constant 0 : i32
      %dma_start3A_610 = tpu.memref_slice %arg5[%dma_start3A_609, %multiple_of3A_584] : memref<32x1000000xf32, #tpu.memory_space<hbm>> -> memref<32x128xf32, #tpu.memory_space<hbm>>
      tpu.enqueue_dma source(%dma_start3A_610 : memref<32x128xf32, #tpu.memory_space<hbm>>) target(%dma_start3A_608 : memref<32x128xf32, #tpu.memory_space<vmem>>) target_semaphore(%arg25 : memref<!tpu.dma_semaphore, #tpu.memory_space<semaphore_mem>>)
      %dma_wait3A_611 = arith.constant 3 : i32
      %dma_wait3A_612 = arith.constant 0 : i32
      %dma_wait3A_613 = arith.constant 0 : i32
      %dma_wait3A_614 = tpu.memref_slice %arg11[%dma_wait3A_611, %dma_wait3A_612, %dma_wait3A_613] : memref<8x32x128xf32, #tpu.memory_space<vmem>> -> memref<1x32x128xf32, #tpu.memory_space<vmem>>
      %dma_wait3A_615 = tpu.memref_squeeze %dma_wait3A_614 : memref<1x32x128xf32, #tpu.memory_space<vmem>> -> memref<32x128xf32, #tpu.memory_space<vmem>>
      %dma_wait3A_616 = arith.constant 0 : i32
      %dma_wait3A_617 = arith.constant 0 : i32
      %dma_wait3A_618 = tpu.memref_slice %arg4[%dma_wait3A_616, %dma_wait3A_617] : memref<32x1000000xf32, #tpu.memory_space<hbm>> -> memref<32x128xf32, #tpu.memory_space<hbm>>
      %dma_wait3A_619 = arith.constant 0 : i32
      %dma_wait3A_620 = arith.constant 0 : i32
      %dma_wait3A_621 = tpu.memref_slice %arg11[%dma_wait3A_611, %dma_wait3A_619, %dma_wait3A_620] : memref<8x32x128xf32, #tpu.memory_space<vmem>> -> memref<1x32x128xf32, #tpu.memory_space<vmem>>
      %dma_wait3A_622 = tpu.memref_squeeze %dma_wait3A_621 : memref<1x32x128xf32, #tpu.memory_space<vmem>> -> memref<32x128xf32, #tpu.memory_space<vmem>>
      %dma_wait3A_623 = arith.constant 0 : i32
      %dma_wait3A_624 = arith.constant 0 : i32
      %dma_wait3A_625 = tpu.memref_slice %arg4[%dma_wait3A_623, %dma_wait3A_624] : memref<32x1000000xf32, #tpu.memory_space<hbm>> -> memref<32x128xf32, #tpu.memory_space<hbm>>
      tpu.wait_dma2 semaphore(%arg21 : memref<!tpu.dma_semaphore, #tpu.memory_space<semaphore_mem>>) src(%dma_wait3A_625 : memref<32x128xf32, #tpu.memory_space<hbm>>) dst(%dma_wait3A_622 : memref<32x128xf32, #tpu.memory_space<vmem>>)
      %dma_wait3A_626 = arith.constant 3 : i32
      %dma_wait3A_627 = arith.constant 0 : i32
      %dma_wait3A_628 = arith.constant 0 : i32
      %dma_wait3A_629 = tpu.memref_slice %arg12[%dma_wait3A_626, %dma_wait3A_627, %dma_wait3A_628] : memref<8x32x128xf32, #tpu.memory_space<vmem>> -> memref<1x32x128xf32, #tpu.memory_space<vmem>>
      %dma_wait3A_630 = tpu.memref_squeeze %dma_wait3A_629 : memref<1x32x128xf32, #tpu.memory_space<vmem>> -> memref<32x128xf32, #tpu.memory_space<vmem>>
      %dma_wait3A_631 = arith.constant 0 : i32
      %dma_wait3A_632 = arith.constant 0 : i32
      %dma_wait3A_633 = tpu.memref_slice %arg5[%dma_wait3A_631, %dma_wait3A_632] : memref<32x1000000xf32, #tpu.memory_space<hbm>> -> memref<32x128xf32, #tpu.memory_space<hbm>>
      %dma_wait3A_634 = arith.constant 0 : i32
      %dma_wait3A_635 = arith.constant 0 : i32
      %dma_wait3A_636 = tpu.memref_slice %arg12[%dma_wait3A_626, %dma_wait3A_634, %dma_wait3A_635] : memref<8x32x128xf32, #tpu.memory_space<vmem>> -> memref<1x32x128xf32, #tpu.memory_space<vmem>>
      %dma_wait3A_637 = tpu.memref_squeeze %dma_wait3A_636 : memref<1x32x128xf32, #tpu.memory_space<vmem>> -> memref<32x128xf32, #tpu.memory_space<vmem>>
      %dma_wait3A_638 = arith.constant 0 : i32
      %dma_wait3A_639 = arith.constant 0 : i32
      %dma_wait3A_640 = tpu.memref_slice %arg5[%dma_wait3A_638, %dma_wait3A_639] : memref<32x1000000xf32, #tpu.memory_space<hbm>> -> memref<32x128xf32, #tpu.memory_space<hbm>>
      tpu.wait_dma2 semaphore(%arg21 : memref<!tpu.dma_semaphore, #tpu.memory_space<semaphore_mem>>) src(%dma_wait3A_640 : memref<32x128xf32, #tpu.memory_space<hbm>>) dst(%dma_wait3A_637 : memref<32x128xf32, #tpu.memory_space<vmem>>)
      %slice3A_641 = vector.extract_strided_slice %scan3A_182 {offsets = [3], sizes = [1], strides = [1]} : vector<16xi32> to vector<1xi32>
      %squeeze3A_642 = vector.extract %slice3A_641[0] : i32 from vector<1xi32>
      %and3A_643 = arith.constant 127 : i32
      %and3A_644 = arith.andi %squeeze3A_642, %and3A_643 : i32
      %broadcast_in_dim3A_645 = vector.broadcast %and3A_644 : i32 to vector<16xi32>
      %slice3A_646 = vector.extract_strided_slice %scan3A_183 {offsets = [3], sizes = [1], strides = [1]} : vector<16xi32> to vector<1xi32>
      %squeeze3A_647 = vector.extract %slice3A_646[0] : i32 from vector<1xi32>
      %and3A_648 = arith.constant 127 : i32
      %and3A_649 = arith.andi %squeeze3A_647, %and3A_648 : i32
      %broadcast_in_dim3A_650 = vector.broadcast %and3A_649 : i32 to vector<16xi32>
      %gather3A_651 = arith.constant 3 : i32
      %gather3A_652 = arith.constant 0 : i32
      %gather3A_653 = arith.constant 0 : i32
      %gather3A_654 = tpu.memref_slice %arg11[%gather3A_651, %gather3A_652, %gather3A_653] : memref<8x32x128xf32, #tpu.memory_space<vmem>> -> memref<1x32x128xf32, #tpu.memory_space<vmem>>
      %gather3A_655 = tpu.memref_squeeze %gather3A_654 : memref<1x32x128xf32, #tpu.memory_space<vmem>> -> memref<32x128xf32, #tpu.memory_space<vmem>>
      %gather3A_656 = tpu.vector_load_idx %gather3A_655[%iota3A, %broadcast_in_dim3A_645] : memref<32x128xf32, #tpu.memory_space<vmem>>[vector<16xi32>, vector<16xi32>], vector<16xf32>,
      %add3A_657 = arith.constant 16 : i32
      %add3A_658 = vector.broadcast %add3A_657 : i32 to vector<16xi32>
      %add3A_659 = arith.addi %iota3A, %add3A_658 : vector<16xi32>
      %gather3A_660 = arith.constant 3 : i32
      %gather3A_661 = arith.constant 0 : i32
      %gather3A_662 = arith.constant 0 : i32
      %gather3A_663 = tpu.memref_slice %arg11[%gather3A_660, %gather3A_661, %gather3A_662] : memref<8x32x128xf32, #tpu.memory_space<vmem>> -> memref<1x32x128xf32, #tpu.memory_space<vmem>>
      %gather3A_664 = tpu.memref_squeeze %gather3A_663 : memref<1x32x128xf32, #tpu.memory_space<vmem>> -> memref<32x128xf32, #tpu.memory_space<vmem>>
      %gather3A_665 = tpu.vector_load_idx %gather3A_664[%add3A_659, %broadcast_in_dim3A_645] : memref<32x128xf32, #tpu.memory_space<vmem>>[vector<16xi32>, vector<16xi32>], vector<16xf32>,
      %gather3A_666 = arith.constant 3 : i32
      %gather3A_667 = arith.constant 0 : i32
      %gather3A_668 = arith.constant 0 : i32
      %gather3A_669 = tpu.memref_slice %arg12[%gather3A_666, %gather3A_667, %gather3A_668] : memref<8x32x128xf32, #tpu.memory_space<vmem>> -> memref<1x32x128xf32, #tpu.memory_space<vmem>>
      %gather3A_670 = tpu.memref_squeeze %gather3A_669 : memref<1x32x128xf32, #tpu.memory_space<vmem>> -> memref<32x128xf32, #tpu.memory_space<vmem>>
      %gather3A_671 = tpu.vector_load_idx %gather3A_670[%iota3A, %broadcast_in_dim3A_650] : memref<32x128xf32, #tpu.memory_space<vmem>>[vector<16xi32>, vector<16xi32>], vector<16xf32>,
      %add3A_672 = arith.constant 16 : i32
      %add3A_673 = vector.broadcast %add3A_672 : i32 to vector<16xi32>
      %add3A_674 = arith.addi %iota3A, %add3A_673 : vector<16xi32>
      %gather3A_675 = arith.constant 3 : i32
      %gather3A_676 = arith.constant 0 : i32
      %gather3A_677 = arith.constant 0 : i32
      %gather3A_678 = tpu.memref_slice %arg12[%gather3A_675, %gather3A_676, %gather3A_677] : memref<8x32x128xf32, #tpu.memory_space<vmem>> -> memref<1x32x128xf32, #tpu.memory_space<vmem>>
      %gather3A_679 = tpu.memref_squeeze %gather3A_678 : memref<1x32x128xf32, #tpu.memory_space<vmem>> -> memref<32x128xf32, #tpu.memory_space<vmem>>
      %gather3A_680 = tpu.vector_load_idx %gather3A_679[%add3A_674, %broadcast_in_dim3A_650] : memref<32x128xf32, #tpu.memory_space<vmem>>[vector<16xi32>, vector<16xi32>], vector<16xf32>,
      %mul3A_681 = arith.constant 16 : i32
      %mul3A_682 = vector.broadcast %mul3A_681 : i32 to vector<16xi32>
      %mul3A_683 = arith.muli %iota3A, %mul3A_682 : vector<16xi32>
      %add3A_684 = arith.constant 3 : i32
      %add3A_685 = vector.broadcast %add3A_684 : i32 to vector<16xi32>
      %add3A_686 = arith.addi %mul3A_683, %add3A_685 : vector<16xi32>
      %add3A_687 = arith.constant 16 : i32
      %add3A_688 = vector.broadcast %add3A_687 : i32 to vector<16xi32>
      %add3A_689 = arith.addi %iota3A, %add3A_688 : vector<16xi32>
      %mul3A_690 = arith.constant 16 : i32
      %mul3A_691 = vector.broadcast %mul3A_690 : i32 to vector<16xi32>
      %mul3A_692 = arith.muli %add3A_689, %mul3A_691 : vector<16xi32>
      %add3A_693 = arith.constant 3 : i32
      %add3A_694 = vector.broadcast %add3A_693 : i32 to vector<16xi32>
      %add3A_695 = arith.addi %mul3A_692, %add3A_694 : vector<16xi32>
      tpu.vector_store_idx %arg13[%add3A_686], %gather3A_656 : memref<512xf32, #tpu.memory_space<vmem>>[vector<16xi32>], vector<16xf32>,
      tpu.vector_store_idx %arg13[%add3A_695], %gather3A_665 : memref<512xf32, #tpu.memory_space<vmem>>[vector<16xi32>], vector<16xf32>,
      tpu.vector_store_idx %arg14[%add3A_686], %gather3A_671 : memref<512xf32, #tpu.memory_space<vmem>>[vector<16xi32>], vector<16xf32>,
      tpu.vector_store_idx %arg14[%add3A_695], %gather3A_680 : memref<512xf32, #tpu.memory_space<vmem>>[vector<16xi32>], vector<16xf32>,
      %slice3A_696 = vector.extract_strided_slice %scan3A_182 {offsets = [8], sizes = [1], strides = [1]} : vector<16xi32> to vector<1xi32>
      %squeeze3A_697 = vector.extract %slice3A_696[0] : i32 from vector<1xi32>
      %min3A_698 = arith.constant 999999 : i32
      %min3A_699 = arith.minsi %squeeze3A_697, %min3A_698 : i32
      %slice3A_700 = vector.extract_strided_slice %scan3A_183 {offsets = [8], sizes = [1], strides = [1]} : vector<16xi32> to vector<1xi32>
      %squeeze3A_701 = vector.extract %slice3A_700[0] : i32 from vector<1xi32>
      %min3A_702 = arith.constant 999999 : i32
      %min3A_703 = arith.minsi %squeeze3A_701, %min3A_702 : i32
      %shift_right_arithmetic3A_704 = arith.constant 7 : i32
      %shift_right_arithmetic3A_705 = arith.shrsi %min3A_699, %shift_right_arithmetic3A_704 : i32
      %mul3A_706 = arith.constant 128 : i32
      %mul3A_707 = arith.muli %shift_right_arithmetic3A_705, %mul3A_706 : i32
      %multiple_of3A_708 = tpu.assume_multiple %mul3A_707, 128 : i32
      %shift_right_arithmetic3A_709 = arith.constant 7 : i32
      %shift_right_arithmetic3A_710 = arith.shrsi %min3A_703, %shift_right_arithmetic3A_709 : i32
      %mul3A_711 = arith.constant 128 : i32
      %mul3A_712 = arith.muli %shift_right_arithmetic3A_710, %mul3A_711 : i32
      %multiple_of3A_713 = tpu.assume_multiple %mul3A_712, 128 : i32
      %dma_start3A_714 = arith.constant 0 : i32
      %dma_start3A_715 = arith.constant 0 : i32
      %dma_start3A_716 = arith.constant 0 : i32
      %dma_start3A_717 = tpu.memref_slice %arg11[%dma_start3A_714, %dma_start3A_715, %dma_start3A_716] : memref<8x32x128xf32, #tpu.memory_space<vmem>> -> memref<1x32x128xf32, #tpu.memory_space<vmem>>
      %dma_start3A_718 = tpu.memref_squeeze %dma_start3A_717 : memref<1x32x128xf32, #tpu.memory_space<vmem>> -> memref<32x128xf32, #tpu.memory_space<vmem>>
      %dma_start3A_719 = arith.constant 0 : i32
      %dma_start3A_720 = tpu.memref_slice %arg4[%dma_start3A_719, %multiple_of3A_708] : memref<32x1000000xf32, #tpu.memory_space<hbm>> -> memref<32x128xf32, #tpu.memory_space<hbm>>
      %dma_start3A_721 = arith.constant 0 : i32
      %dma_start3A_722 = arith.constant 0 : i32
      %dma_start3A_723 = tpu.memref_slice %arg11[%dma_start3A_714, %dma_start3A_721, %dma_start3A_722] : memref<8x32x128xf32, #tpu.memory_space<vmem>> -> memref<1x32x128xf32, #tpu.memory_space<vmem>>
      %dma_start3A_724 = tpu.memref_squeeze %dma_start3A_723 : memref<1x32x128xf32, #tpu.memory_space<vmem>> -> memref<32x128xf32, #tpu.memory_space<vmem>>
      %dma_start3A_725 = arith.constant 0 : i32
      %dma_start3A_726 = tpu.memref_slice %arg4[%dma_start3A_725, %multiple_of3A_708] : memref<32x1000000xf32, #tpu.memory_space<hbm>> -> memref<32x128xf32, #tpu.memory_space<hbm>>
      tpu.enqueue_dma source(%dma_start3A_726 : memref<32x128xf32, #tpu.memory_space<hbm>>) target(%dma_start3A_724 : memref<32x128xf32, #tpu.memory_space<vmem>>) target_semaphore(%arg18 : memref<!tpu.dma_semaphore, #tpu.memory_space<semaphore_mem>>)
      %dma_start3A_727 = arith.constant 0 : i32
      %dma_start3A_728 = arith.constant 0 : i32
      %dma_start3A_729 = arith.constant 0 : i32
      %dma_start3A_730 = tpu.memref_slice %arg12[%dma_start3A_727, %dma_start3A_728, %dma_start3A_729] : memref<8x32x128xf32, #tpu.memory_space<vmem>> -> memref<1x32x128xf32, #tpu.memory_space<vmem>>
      %dma_start3A_731 = tpu.memref_squeeze %dma_start3A_730 : memref<1x32x128xf32, #tpu.memory_space<vmem>> -> memref<32x128xf32, #tpu.memory_space<vmem>>
      %dma_start3A_732 = arith.constant 0 : i32
      %dma_start3A_733 = tpu.memref_slice %arg5[%dma_start3A_732, %multiple_of3A_713] : memref<32x1000000xf32, #tpu.memory_space<hbm>> -> memref<32x128xf32, #tpu.memory_space<hbm>>
      %dma_start3A_734 = arith.constant 0 : i32
      %dma_start3A_735 = arith.constant 0 : i32
      %dma_start3A_736 = tpu.memref_slice %arg12[%dma_start3A_727, %dma_start3A_734, %dma_start3A_735] : memref<8x32x128xf32, #tpu.memory_space<vmem>> -> memref<1x32x128xf32, #tpu.memory_space<vmem>>
      %dma_start3A_737 = tpu.memref_squeeze %dma_start3A_736 : memref<1x32x128xf32, #tpu.memory_space<vmem>> -> memref<32x128xf32, #tpu.memory_space<vmem>>
      %dma_start3A_738 = arith.constant 0 : i32
      %dma_start3A_739 = tpu.memref_slice %arg5[%dma_start3A_738, %multiple_of3A_713] : memref<32x1000000xf32, #tpu.memory_space<hbm>> -> memref<32x128xf32, #tpu.memory_space<hbm>>
      tpu.enqueue_dma source(%dma_start3A_739 : memref<32x128xf32, #tpu.memory_space<hbm>>) target(%dma_start3A_737 : memref<32x128xf32, #tpu.memory_space<vmem>>) target_semaphore(%arg18 : memref<!tpu.dma_semaphore, #tpu.memory_space<semaphore_mem>>)
      %dma_wait3A_740 = arith.constant 4 : i32
      %dma_wait3A_741 = arith.constant 0 : i32
      %dma_wait3A_742 = arith.constant 0 : i32
      %dma_wait3A_743 = tpu.memref_slice %arg11[%dma_wait3A_740, %dma_wait3A_741, %dma_wait3A_742] : memref<8x32x128xf32, #tpu.memory_space<vmem>> -> memref<1x32x128xf32, #tpu.memory_space<vmem>>
      %dma_wait3A_744 = tpu.memref_squeeze %dma_wait3A_743 : memref<1x32x128xf32, #tpu.memory_space<vmem>> -> memref<32x128xf32, #tpu.memory_space<vmem>>
      %dma_wait3A_745 = arith.constant 0 : i32
      %dma_wait3A_746 = arith.constant 0 : i32
      %dma_wait3A_747 = tpu.memref_slice %arg4[%dma_wait3A_745, %dma_wait3A_746] : memref<32x1000000xf32, #tpu.memory_space<hbm>> -> memref<32x128xf32, #tpu.memory_space<hbm>>
      %dma_wait3A_748 = arith.constant 0 : i32
      %dma_wait3A_749 = arith.constant 0 : i32
      %dma_wait3A_750 = tpu.memref_slice %arg11[%dma_wait3A_740, %dma_wait3A_748, %dma_wait3A_749] : memref<8x32x128xf32, #tpu.memory_space<vmem>> -> memref<1x32x128xf32, #tpu.memory_space<vmem>>
      %dma_wait3A_751 = tpu.memref_squeeze %dma_wait3A_750 : memref<1x32x128xf32, #tpu.memory_space<vmem>> -> memref<32x128xf32, #tpu.memory_space<vmem>>
      %dma_wait3A_752 = arith.constant 0 : i32
      %dma_wait3A_753 = arith.constant 0 : i32
      %dma_wait3A_754 = tpu.memref_slice %arg4[%dma_wait3A_752, %dma_wait3A_753] : memref<32x1000000xf32, #tpu.memory_space<hbm>> -> memref<32x128xf32, #tpu.memory_space<hbm>>
      tpu.wait_dma2 semaphore(%arg22 : memref<!tpu.dma_semaphore, #tpu.memory_space<semaphore_mem>>) src(%dma_wait3A_754 : memref<32x128xf32, #tpu.memory_space<hbm>>) dst(%dma_wait3A_751 : memref<32x128xf32, #tpu.memory_space<vmem>>)
      %dma_wait3A_755 = arith.constant 4 : i32
      %dma_wait3A_756 = arith.constant 0 : i32
      %dma_wait3A_757 = arith.constant 0 : i32
      %dma_wait3A_758 = tpu.memref_slice %arg12[%dma_wait3A_755, %dma_wait3A_756, %dma_wait3A_757] : memref<8x32x128xf32, #tpu.memory_space<vmem>> -> memref<1x32x128xf32, #tpu.memory_space<vmem>>
      %dma_wait3A_759 = tpu.memref_squeeze %dma_wait3A_758 : memref<1x32x128xf32, #tpu.memory_space<vmem>> -> memref<32x128xf32, #tpu.memory_space<vmem>>
      %dma_wait3A_760 = arith.constant 0 : i32
      %dma_wait3A_761 = arith.constant 0 : i32
      %dma_wait3A_762 = tpu.memref_slice %arg5[%dma_wait3A_760, %dma_wait3A_761] : memref<32x1000000xf32, #tpu.memory_space<hbm>> -> memref<32x128xf32, #tpu.memory_space<hbm>>
      %dma_wait3A_763 = arith.constant 0 : i32
      %dma_wait3A_764 = arith.constant 0 : i32
      %dma_wait3A_765 = tpu.memref_slice %arg12[%dma_wait3A_755, %dma_wait3A_763, %dma_wait3A_764] : memref<8x32x128xf32, #tpu.memory_space<vmem>> -> memref<1x32x128xf32, #tpu.memory_space<vmem>>
      %dma_wait3A_766 = tpu.memref_squeeze %dma_wait3A_765 : memref<1x32x128xf32, #tpu.memory_space<vmem>> -> memref<32x128xf32, #tpu.memory_space<vmem>>
      %dma_wait3A_767 = arith.constant 0 : i32
      %dma_wait3A_768 = arith.constant 0 : i32
      %dma_wait3A_769 = tpu.memref_slice %arg5[%dma_wait3A_767, %dma_wait3A_768] : memref<32x1000000xf32, #tpu.memory_space<hbm>> -> memref<32x128xf32, #tpu.memory_space<hbm>>
      tpu.wait_dma2 semaphore(%arg22 : memref<!tpu.dma_semaphore, #tpu.memory_space<semaphore_mem>>) src(%dma_wait3A_769 : memref<32x128xf32, #tpu.memory_space<hbm>>) dst(%dma_wait3A_766 : memref<32x128xf32, #tpu.memory_space<vmem>>)
      %slice3A_770 = vector.extract_strided_slice %scan3A_182 {offsets = [4], sizes = [1], strides = [1]} : vector<16xi32> to vector<1xi32>
      %squeeze3A_771 = vector.extract %slice3A_770[0] : i32 from vector<1xi32>
      %and3A_772 = arith.constant 127 : i32
      %and3A_773 = arith.andi %squeeze3A_771, %and3A_772 : i32
      %broadcast_in_dim3A_774 = vector.broadcast %and3A_773 : i32 to vector<16xi32>
      %slice3A_775 = vector.extract_strided_slice %scan3A_183 {offsets = [4], sizes = [1], strides = [1]} : vector<16xi32> to vector<1xi32>
      %squeeze3A_776 = vector.extract %slice3A_775[0] : i32 from vector<1xi32>
      %and3A_777 = arith.constant 127 : i32
      %and3A_778 = arith.andi %squeeze3A_776, %and3A_777 : i32
      %broadcast_in_dim3A_779 = vector.broadcast %and3A_778 : i32 to vector<16xi32>
      %gather3A_780 = arith.constant 4 : i32
      %gather3A_781 = arith.constant 0 : i32
      %gather3A_782 = arith.constant 0 : i32
      %gather3A_783 = tpu.memref_slice %arg11[%gather3A_780, %gather3A_781, %gather3A_782] : memref<8x32x128xf32, #tpu.memory_space<vmem>> -> memref<1x32x128xf32, #tpu.memory_space<vmem>>
      %gather3A_784 = tpu.memref_squeeze %gather3A_783 : memref<1x32x128xf32, #tpu.memory_space<vmem>> -> memref<32x128xf32, #tpu.memory_space<vmem>>
      %gather3A_785 = tpu.vector_load_idx %gather3A_784[%iota3A, %broadcast_in_dim3A_774] : memref<32x128xf32, #tpu.memory_space<vmem>>[vector<16xi32>, vector<16xi32>], vector<16xf32>,
      %add3A_786 = arith.constant 16 : i32
      %add3A_787 = vector.broadcast %add3A_786 : i32 to vector<16xi32>
      %add3A_788 = arith.addi %iota3A, %add3A_787 : vector<16xi32>
      %gather3A_789 = arith.constant 4 : i32
      %gather3A_790 = arith.constant 0 : i32
      %gather3A_791 = arith.constant 0 : i32
      %gather3A_792 = tpu.memref_slice %arg11[%gather3A_789, %gather3A_790, %gather3A_791] : memref<8x32x128xf32, #tpu.memory_space<vmem>> -> memref<1x32x128xf32, #tpu.memory_space<vmem>>
      %gather3A_793 = tpu.memref_squeeze %gather3A_792 : memref<1x32x128xf32, #tpu.memory_space<vmem>> -> memref<32x128xf32, #tpu.memory_space<vmem>>
      %gather3A_794 = tpu.vector_load_idx %gather3A_793[%add3A_788, %broadcast_in_dim3A_774] : memref<32x128xf32, #tpu.memory_space<vmem>>[vector<16xi32>, vector<16xi32>], vector<16xf32>,
      %gather3A_795 = arith.constant 4 : i32
      %gather3A_796 = arith.constant 0 : i32
      %gather3A_797 = arith.constant 0 : i32
      %gather3A_798 = tpu.memref_slice %arg12[%gather3A_795, %gather3A_796, %gather3A_797] : memref<8x32x128xf32, #tpu.memory_space<vmem>> -> memref<1x32x128xf32, #tpu.memory_space<vmem>>
      %gather3A_799 = tpu.memref_squeeze %gather3A_798 : memref<1x32x128xf32, #tpu.memory_space<vmem>> -> memref<32x128xf32, #tpu.memory_space<vmem>>
      %gather3A_800 = tpu.vector_load_idx %gather3A_799[%iota3A, %broadcast_in_dim3A_779] : memref<32x128xf32, #tpu.memory_space<vmem>>[vector<16xi32>, vector<16xi32>], vector<16xf32>,
      %add3A_801 = arith.constant 16 : i32
      %add3A_802 = vector.broadcast %add3A_801 : i32 to vector<16xi32>
      %add3A_803 = arith.addi %iota3A, %add3A_802 : vector<16xi32>
      %gather3A_804 = arith.constant 4 : i32
      %gather3A_805 = arith.constant 0 : i32
      %gather3A_806 = arith.constant 0 : i32
      %gather3A_807 = tpu.memref_slice %arg12[%gather3A_804, %gather3A_805, %gather3A_806] : memref<8x32x128xf32, #tpu.memory_space<vmem>> -> memref<1x32x128xf32, #tpu.memory_space<vmem>>
      %gather3A_808 = tpu.memref_squeeze %gather3A_807 : memref<1x32x128xf32, #tpu.memory_space<vmem>> -> memref<32x128xf32, #tpu.memory_space<vmem>>
      %gather3A_809 = tpu.vector_load_idx %gather3A_808[%add3A_803, %broadcast_in_dim3A_779] : memref<32x128xf32, #tpu.memory_space<vmem>>[vector<16xi32>, vector<16xi32>], vector<16xf32>,
      %mul3A_810 = arith.constant 16 : i32
      %mul3A_811 = vector.broadcast %mul3A_810 : i32 to vector<16xi32>
      %mul3A_812 = arith.muli %iota3A, %mul3A_811 : vector<16xi32>
      %add3A_813 = arith.constant 4 : i32
      %add3A_814 = vector.broadcast %add3A_813 : i32 to vector<16xi32>
      %add3A_815 = arith.addi %mul3A_812, %add3A_814 : vector<16xi32>
      %add3A_816 = arith.constant 16 : i32
      %add3A_817 = vector.broadcast %add3A_816 : i32 to vector<16xi32>
      %add3A_818 = arith.addi %iota3A, %add3A_817 : vector<16xi32>
      %mul3A_819 = arith.constant 16 : i32
      %mul3A_820 = vector.broadcast %mul3A_819 : i32 to vector<16xi32>
      %mul3A_821 = arith.muli %add3A_818, %mul3A_820 : vector<16xi32>
      %add3A_822 = arith.constant 4 : i32
      %add3A_823 = vector.broadcast %add3A_822 : i32 to vector<16xi32>
      %add3A_824 = arith.addi %mul3A_821, %add3A_823 : vector<16xi32>
      tpu.vector_store_idx %arg13[%add3A_815], %gather3A_785 : memref<512xf32, #tpu.memory_space<vmem>>[vector<16xi32>], vector<16xf32>,
      tpu.vector_store_idx %arg13[%add3A_824], %gather3A_794 : memref<512xf32, #tpu.memory_space<vmem>>[vector<16xi32>], vector<16xf32>,
      tpu.vector_store_idx %arg14[%add3A_815], %gather3A_800 : memref<512xf32, #tpu.memory_space<vmem>>[vector<16xi32>], vector<16xf32>,
      tpu.vector_store_idx %arg14[%add3A_824], %gather3A_809 : memref<512xf32, #tpu.memory_space<vmem>>[vector<16xi32>], vector<16xf32>,
      %slice3A_825 = vector.extract_strided_slice %scan3A_182 {offsets = [9], sizes = [1], strides = [1]} : vector<16xi32> to vector<1xi32>
      %squeeze3A_826 = vector.extract %slice3A_825[0] : i32 from vector<1xi32>
      %min3A_827 = arith.constant 999999 : i32
      %min3A_828 = arith.minsi %squeeze3A_826, %min3A_827 : i32
      %slice3A_829 = vector.extract_strided_slice %scan3A_183 {offsets = [9], sizes = [1], strides = [1]} : vector<16xi32> to vector<1xi32>
      %squeeze3A_830 = vector.extract %slice3A_829[0] : i32 from vector<1xi32>
      %min3A_831 = arith.constant 999999 : i32
      %min3A_832 = arith.minsi %squeeze3A_830, %min3A_831 : i32
      %shift_right_arithmetic3A_833 = arith.constant 7 : i32
      %shift_right_arithmetic3A_834 = arith.shrsi %min3A_828, %shift_right_arithmetic3A_833 : i32
      %mul3A_835 = arith.constant 128 : i32
      %mul3A_836 = arith.muli %shift_right_arithmetic3A_834, %mul3A_835 : i32
      %multiple_of3A_837 = tpu.assume_multiple %mul3A_836, 128 : i32
      %shift_right_arithmetic3A_838 = arith.constant 7 : i32
      %shift_right_arithmetic3A_839 = arith.shrsi %min3A_832, %shift_right_arithmetic3A_838 : i32
      %mul3A_840 = arith.constant 128 : i32
      %mul3A_841 = arith.muli %shift_right_arithmetic3A_839, %mul3A_840 : i32
      %multiple_of3A_842 = tpu.assume_multiple %mul3A_841, 128 : i32
      %dma_start3A_843 = arith.constant 1 : i32
      %dma_start3A_844 = arith.constant 0 : i32
      %dma_start3A_845 = arith.constant 0 : i32
      %dma_start3A_846 = tpu.memref_slice %arg11[%dma_start3A_843, %dma_start3A_844, %dma_start3A_845] : memref<8x32x128xf32, #tpu.memory_space<vmem>> -> memref<1x32x128xf32, #tpu.memory_space<vmem>>
      %dma_start3A_847 = tpu.memref_squeeze %dma_start3A_846 : memref<1x32x128xf32, #tpu.memory_space<vmem>> -> memref<32x128xf32, #tpu.memory_space<vmem>>
      %dma_start3A_848 = arith.constant 0 : i32
      %dma_start3A_849 = tpu.memref_slice %arg4[%dma_start3A_848, %multiple_of3A_837] : memref<32x1000000xf32, #tpu.memory_space<hbm>> -> memref<32x128xf32, #tpu.memory_space<hbm>>
      %dma_start3A_850 = arith.constant 0 : i32
      %dma_start3A_851 = arith.constant 0 : i32
      %dma_start3A_852 = tpu.memref_slice %arg11[%dma_start3A_843, %dma_start3A_850, %dma_start3A_851] : memref<8x32x128xf32, #tpu.memory_space<vmem>> -> memref<1x32x128xf32, #tpu.memory_space<vmem>>
      %dma_start3A_853 = tpu.memref_squeeze %dma_start3A_852 : memref<1x32x128xf32, #tpu.memory_space<vmem>> -> memref<32x128xf32, #tpu.memory_space<vmem>>
      %dma_start3A_854 = arith.constant 0 : i32
      %dma_start3A_855 = tpu.memref_slice %arg4[%dma_start3A_854, %multiple_of3A_837] : memref<32x1000000xf32, #tpu.memory_space<hbm>> -> memref<32x128xf32, #tpu.memory_space<hbm>>
      tpu.enqueue_dma source(%dma_start3A_855 : memref<32x128xf32, #tpu.memory_space<hbm>>) target(%dma_start3A_853 : memref<32x128xf32, #tpu.memory_space<vmem>>) target_semaphore(%arg19 : memref<!tpu.dma_semaphore, #tpu.memory_space<semaphore_mem>>)
      %dma_start3A_856 = arith.constant 1 : i32
      %dma_start3A_857 = arith.constant 0 : i32
      %dma_start3A_858 = arith.constant 0 : i32
      %dma_start3A_859 = tpu.memref_slice %arg12[%dma_start3A_856, %dma_start3A_857, %dma_start3A_858] : memref<8x32x128xf32, #tpu.memory_space<vmem>> -> memref<1x32x128xf32, #tpu.memory_space<vmem>>
      %dma_start3A_860 = tpu.memref_squeeze %dma_start3A_859 : memref<1x32x128xf32, #tpu.memory_space<vmem>> -> memref<32x128xf32, #tpu.memory_space<vmem>>
      %dma_start3A_861 = arith.constant 0 : i32
      %dma_start3A_862 = tpu.memref_slice %arg5[%dma_start3A_861, %multiple_of3A_842] : memref<32x1000000xf32, #tpu.memory_space<hbm>> -> memref<32x128xf32, #tpu.memory_space<hbm>>
      %dma_start3A_863 = arith.constant 0 : i32
      %dma_start3A_864 = arith.constant 0 : i32
      %dma_start3A_865 = tpu.memref_slice %arg12[%dma_start3A_856, %dma_start3A_863, %dma_start3A_864] : memref<8x32x128xf32, #tpu.memory_space<vmem>> -> memref<1x32x128xf32, #tpu.memory_space<vmem>>
      %dma_start3A_866 = tpu.memref_squeeze %dma_start3A_865 : memref<1x32x128xf32, #tpu.memory_space<vmem>> -> memref<32x128xf32, #tpu.memory_space<vmem>>
      %dma_start3A_867 = arith.constant 0 : i32
      %dma_start3A_868 = tpu.memref_slice %arg5[%dma_start3A_867, %multiple_of3A_842] : memref<32x1000000xf32, #tpu.memory_space<hbm>> -> memref<32x128xf32, #tpu.memory_space<hbm>>
      tpu.enqueue_dma source(%dma_start3A_868 : memref<32x128xf32, #tpu.memory_space<hbm>>) target(%dma_start3A_866 : memref<32x128xf32, #tpu.memory_space<vmem>>) target_semaphore(%arg19 : memref<!tpu.dma_semaphore, #tpu.memory_space<semaphore_mem>>)
      %dma_wait3A_869 = arith.constant 5 : i32
      %dma_wait3A_870 = arith.constant 0 : i32
      %dma_wait3A_871 = arith.constant 0 : i32
      %dma_wait3A_872 = tpu.memref_slice %arg11[%dma_wait3A_869, %dma_wait3A_870, %dma_wait3A_871] : memref<8x32x128xf32, #tpu.memory_space<vmem>> -> memref<1x32x128xf32, #tpu.memory_space<vmem>>
      %dma_wait3A_873 = tpu.memref_squeeze %dma_wait3A_872 : memref<1x32x128xf32, #tpu.memory_space<vmem>> -> memref<32x128xf32, #tpu.memory_space<vmem>>
      %dma_wait3A_874 = arith.constant 0 : i32
      %dma_wait3A_875 = arith.constant 0 : i32
      %dma_wait3A_876 = tpu.memref_slice %arg4[%dma_wait3A_874, %dma_wait3A_875] : memref<32x1000000xf32, #tpu.memory_space<hbm>> -> memref<32x128xf32, #tpu.memory_space<hbm>>
      %dma_wait3A_877 = arith.constant 0 : i32
      %dma_wait3A_878 = arith.constant 0 : i32
      %dma_wait3A_879 = tpu.memref_slice %arg11[%dma_wait3A_869, %dma_wait3A_877, %dma_wait3A_878] : memref<8x32x128xf32, #tpu.memory_space<vmem>> -> memref<1x32x128xf32, #tpu.memory_space<vmem>>
      %dma_wait3A_880 = tpu.memref_squeeze %dma_wait3A_879 : memref<1x32x128xf32, #tpu.memory_space<vmem>> -> memref<32x128xf32, #tpu.memory_space<vmem>>
      %dma_wait3A_881 = arith.constant 0 : i32
      %dma_wait3A_882 = arith.constant 0 : i32
      %dma_wait3A_883 = tpu.memref_slice %arg4[%dma_wait3A_881, %dma_wait3A_882] : memref<32x1000000xf32, #tpu.memory_space<hbm>> -> memref<32x128xf32, #tpu.memory_space<hbm>>
      tpu.wait_dma2 semaphore(%arg23 : memref<!tpu.dma_semaphore, #tpu.memory_space<semaphore_mem>>) src(%dma_wait3A_883 : memref<32x128xf32, #tpu.memory_space<hbm>>) dst(%dma_wait3A_880 : memref<32x128xf32, #tpu.memory_space<vmem>>)
      %dma_wait3A_884 = arith.constant 5 : i32
      %dma_wait3A_885 = arith.constant 0 : i32
      %dma_wait3A_886 = arith.constant 0 : i32
      %dma_wait3A_887 = tpu.memref_slice %arg12[%dma_wait3A_884, %dma_wait3A_885, %dma_wait3A_886] : memref<8x32x128xf32, #tpu.memory_space<vmem>> -> memref<1x32x128xf32, #tpu.memory_space<vmem>>
      %dma_wait3A_888 = tpu.memref_squeeze %dma_wait3A_887 : memref<1x32x128xf32, #tpu.memory_space<vmem>> -> memref<32x128xf32, #tpu.memory_space<vmem>>
      %dma_wait3A_889 = arith.constant 0 : i32
      %dma_wait3A_890 = arith.constant 0 : i32
      %dma_wait3A_891 = tpu.memref_slice %arg5[%dma_wait3A_889, %dma_wait3A_890] : memref<32x1000000xf32, #tpu.memory_space<hbm>> -> memref<32x128xf32, #tpu.memory_space<hbm>>
      %dma_wait3A_892 = arith.constant 0 : i32
      %dma_wait3A_893 = arith.constant 0 : i32
      %dma_wait3A_894 = tpu.memref_slice %arg12[%dma_wait3A_884, %dma_wait3A_892, %dma_wait3A_893] : memref<8x32x128xf32, #tpu.memory_space<vmem>> -> memref<1x32x128xf32, #tpu.memory_space<vmem>>
      %dma_wait3A_895 = tpu.memref_squeeze %dma_wait3A_894 : memref<1x32x128xf32, #tpu.memory_space<vmem>> -> memref<32x128xf32, #tpu.memory_space<vmem>>
      %dma_wait3A_896 = arith.constant 0 : i32
      %dma_wait3A_897 = arith.constant 0 : i32
      %dma_wait3A_898 = tpu.memref_slice %arg5[%dma_wait3A_896, %dma_wait3A_897] : memref<32x1000000xf32, #tpu.memory_space<hbm>> -> memref<32x128xf32, #tpu.memory_space<hbm>>
      tpu.wait_dma2 semaphore(%arg23 : memref<!tpu.dma_semaphore, #tpu.memory_space<semaphore_mem>>) src(%dma_wait3A_898 : memref<32x128xf32, #tpu.memory_space<hbm>>) dst(%dma_wait3A_895 : memref<32x128xf32, #tpu.memory_space<vmem>>)
      %slice3A_899 = vector.extract_strided_slice %scan3A_182 {offsets = [5], sizes = [1], strides = [1]} : vector<16xi32> to vector<1xi32>
      %squeeze3A_900 = vector.extract %slice3A_899[0] : i32 from vector<1xi32>
      %and3A_901 = arith.constant 127 : i32
      %and3A_902 = arith.andi %squeeze3A_900, %and3A_901 : i32
      %broadcast_in_dim3A_903 = vector.broadcast %and3A_902 : i32 to vector<16xi32>
      %slice3A_904 = vector.extract_strided_slice %scan3A_183 {offsets = [5], sizes = [1], strides = [1]} : vector<16xi32> to vector<1xi32>
      %squeeze3A_905 = vector.extract %slice3A_904[0] : i32 from vector<1xi32>
      %and3A_906 = arith.constant 127 : i32
      %and3A_907 = arith.andi %squeeze3A_905, %and3A_906 : i32
      %broadcast_in_dim3A_908 = vector.broadcast %and3A_907 : i32 to vector<16xi32>
      %gather3A_909 = arith.constant 5 : i32
      %gather3A_910 = arith.constant 0 : i32
      %gather3A_911 = arith.constant 0 : i32
      %gather3A_912 = tpu.memref_slice %arg11[%gather3A_909, %gather3A_910, %gather3A_911] : memref<8x32x128xf32, #tpu.memory_space<vmem>> -> memref<1x32x128xf32, #tpu.memory_space<vmem>>
      %gather3A_913 = tpu.memref_squeeze %gather3A_912 : memref<1x32x128xf32, #tpu.memory_space<vmem>> -> memref<32x128xf32, #tpu.memory_space<vmem>>
      %gather3A_914 = tpu.vector_load_idx %gather3A_913[%iota3A, %broadcast_in_dim3A_903] : memref<32x128xf32, #tpu.memory_space<vmem>>[vector<16xi32>, vector<16xi32>], vector<16xf32>,
      %add3A_915 = arith.constant 16 : i32
      %add3A_916 = vector.broadcast %add3A_915 : i32 to vector<16xi32>
      %add3A_917 = arith.addi %iota3A, %add3A_916 : vector<16xi32>
      %gather3A_918 = arith.constant 5 : i32
      %gather3A_919 = arith.constant 0 : i32
      %gather3A_920 = arith.constant 0 : i32
      %gather3A_921 = tpu.memref_slice %arg11[%gather3A_918, %gather3A_919, %gather3A_920] : memref<8x32x128xf32, #tpu.memory_space<vmem>> -> memref<1x32x128xf32, #tpu.memory_space<vmem>>
      %gather3A_922 = tpu.memref_squeeze %gather3A_921 : memref<1x32x128xf32, #tpu.memory_space<vmem>> -> memref<32x128xf32, #tpu.memory_space<vmem>>
      %gather3A_923 = tpu.vector_load_idx %gather3A_922[%add3A_917, %broadcast_in_dim3A_903] : memref<32x128xf32, #tpu.memory_space<vmem>>[vector<16xi32>, vector<16xi32>], vector<16xf32>,
      %gather3A_924 = arith.constant 5 : i32
      %gather3A_925 = arith.constant 0 : i32
      %gather3A_926 = arith.constant 0 : i32
      %gather3A_927 = tpu.memref_slice %arg12[%gather3A_924, %gather3A_925, %gather3A_926] : memref<8x32x128xf32, #tpu.memory_space<vmem>> -> memref<1x32x128xf32, #tpu.memory_space<vmem>>
      %gather3A_928 = tpu.memref_squeeze %gather3A_927 : memref<1x32x128xf32, #tpu.memory_space<vmem>> -> memref<32x128xf32, #tpu.memory_space<vmem>>
      %gather3A_929 = tpu.vector_load_idx %gather3A_928[%iota3A, %broadcast_in_dim3A_908] : memref<32x128xf32, #tpu.memory_space<vmem>>[vector<16xi32>, vector<16xi32>], vector<16xf32>,
      %add3A_930 = arith.constant 16 : i32
      %add3A_931 = vector.broadcast %add3A_930 : i32 to vector<16xi32>
      %add3A_932 = arith.addi %iota3A, %add3A_931 : vector<16xi32>
      %gather3A_933 = arith.constant 5 : i32
      %gather3A_934 = arith.constant 0 : i32
      %gather3A_935 = arith.constant 0 : i32
      %gather3A_936 = tpu.memref_slice %arg12[%gather3A_933, %gather3A_934, %gather3A_935] : memref<8x32x128xf32, #tpu.memory_space<vmem>> -> memref<1x32x128xf32, #tpu.memory_space<vmem>>
      %gather3A_937 = tpu.memref_squeeze %gather3A_936 : memref<1x32x128xf32, #tpu.memory_space<vmem>> -> memref<32x128xf32, #tpu.memory_space<vmem>>
      %gather3A_938 = tpu.vector_load_idx %gather3A_937[%add3A_932, %broadcast_in_dim3A_908] : memref<32x128xf32, #tpu.memory_space<vmem>>[vector<16xi32>, vector<16xi32>], vector<16xf32>,
      %mul3A_939 = arith.constant 16 : i32
      %mul3A_940 = vector.broadcast %mul3A_939 : i32 to vector<16xi32>
      %mul3A_941 = arith.muli %iota3A, %mul3A_940 : vector<16xi32>
      %add3A_942 = arith.constant 5 : i32
      %add3A_943 = vector.broadcast %add3A_942 : i32 to vector<16xi32>
      %add3A_944 = arith.addi %mul3A_941, %add3A_943 : vector<16xi32>
      %add3A_945 = arith.constant 16 : i32
      %add3A_946 = vector.broadcast %add3A_945 : i32 to vector<16xi32>
      %add3A_947 = arith.addi %iota3A, %add3A_946 : vector<16xi32>
      %mul3A_948 = arith.constant 16 : i32
      %mul3A_949 = vector.broadcast %mul3A_948 : i32 to vector<16xi32>
      %mul3A_950 = arith.muli %add3A_947, %mul3A_949 : vector<16xi32>
      %add3A_951 = arith.constant 5 : i32
      %add3A_952 = vector.broadcast %add3A_951 : i32 to vector<16xi32>
      %add3A_953 = arith.addi %mul3A_950, %add3A_952 : vector<16xi32>
      tpu.vector_store_idx %arg13[%add3A_944], %gather3A_914 : memref<512xf32, #tpu.memory_space<vmem>>[vector<16xi32>], vector<16xf32>,
      tpu.vector_store_idx %arg13[%add3A_953], %gather3A_923 : memref<512xf32, #tpu.memory_space<vmem>>[vector<16xi32>], vector<16xf32>,
      tpu.vector_store_idx %arg14[%add3A_944], %gather3A_929 : memref<512xf32, #tpu.memory_space<vmem>>[vector<16xi32>], vector<16xf32>,
      tpu.vector_store_idx %arg14[%add3A_953], %gather3A_938 : memref<512xf32, #tpu.memory_space<vmem>>[vector<16xi32>], vector<16xf32>,
      %slice3A_954 = vector.extract_strided_slice %scan3A_182 {offsets = [10], sizes = [1], strides = [1]} : vector<16xi32> to vector<1xi32>
      %squeeze3A_955 = vector.extract %slice3A_954[0] : i32 from vector<1xi32>
      %min3A_956 = arith.constant 999999 : i32
      %min3A_957 = arith.minsi %squeeze3A_955, %min3A_956 : i32
      %slice3A_958 = vector.extract_strided_slice %scan3A_183 {offsets = [10], sizes = [1], strides = [1]} : vector<16xi32> to vector<1xi32>
      %squeeze3A_959 = vector.extract %slice3A_958[0] : i32 from vector<1xi32>
      %min3A_960 = arith.constant 999999 : i32
      %min3A_961 = arith.minsi %squeeze3A_959, %min3A_960 : i32
      %shift_right_arithmetic3A_962 = arith.constant 7 : i32
      %shift_right_arithmetic3A_963 = arith.shrsi %min3A_957, %shift_right_arithmetic3A_962 : i32
      %mul3A_964 = arith.constant 128 : i32
      %mul3A_965 = arith.muli %shift_right_arithmetic3A_963, %mul3A_964 : i32
      %multiple_of3A_966 = tpu.assume_multiple %mul3A_965, 128 : i32
      %shift_right_arithmetic3A_967 = arith.constant 7 : i32
      %shift_right_arithmetic3A_968 = arith.shrsi %min3A_961, %shift_right_arithmetic3A_967 : i32
      %mul3A_969 = arith.constant 128 : i32
      %mul3A_970 = arith.muli %shift_right_arithmetic3A_968, %mul3A_969 : i32
      %multiple_of3A_971 = tpu.assume_multiple %mul3A_970, 128 : i32
      %dma_start3A_972 = arith.constant 2 : i32
      %dma_start3A_973 = arith.constant 0 : i32
      %dma_start3A_974 = arith.constant 0 : i32
      %dma_start3A_975 = tpu.memref_slice %arg11[%dma_start3A_972, %dma_start3A_973, %dma_start3A_974] : memref<8x32x128xf32, #tpu.memory_space<vmem>> -> memref<1x32x128xf32, #tpu.memory_space<vmem>>
      %dma_start3A_976 = tpu.memref_squeeze %dma_start3A_975 : memref<1x32x128xf32, #tpu.memory_space<vmem>> -> memref<32x128xf32, #tpu.memory_space<vmem>>
      %dma_start3A_977 = arith.constant 0 : i32
      %dma_start3A_978 = tpu.memref_slice %arg4[%dma_start3A_977, %multiple_of3A_966] : memref<32x1000000xf32, #tpu.memory_space<hbm>> -> memref<32x128xf32, #tpu.memory_space<hbm>>
      %dma_start3A_979 = arith.constant 0 : i32
      %dma_start3A_980 = arith.constant 0 : i32
      %dma_start3A_981 = tpu.memref_slice %arg11[%dma_start3A_972, %dma_start3A_979, %dma_start3A_980] : memref<8x32x128xf32, #tpu.memory_space<vmem>> -> memref<1x32x128xf32, #tpu.memory_space<vmem>>
      %dma_start3A_982 = tpu.memref_squeeze %dma_start3A_981 : memref<1x32x128xf32, #tpu.memory_space<vmem>> -> memref<32x128xf32, #tpu.memory_space<vmem>>
      %dma_start3A_983 = arith.constant 0 : i32
      %dma_start3A_984 = tpu.memref_slice %arg4[%dma_start3A_983, %multiple_of3A_966] : memref<32x1000000xf32, #tpu.memory_space<hbm>> -> memref<32x128xf32, #tpu.memory_space<hbm>>
      tpu.enqueue_dma source(%dma_start3A_984 : memref<32x128xf32, #tpu.memory_space<hbm>>) target(%dma_start3A_982 : memref<32x128xf32, #tpu.memory_space<vmem>>) target_semaphore(%arg20 : memref<!tpu.dma_semaphore, #tpu.memory_space<semaphore_mem>>)
      %dma_start3A_985 = arith.constant 2 : i32
      %dma_start3A_986 = arith.constant 0 : i32
      %dma_start3A_987 = arith.constant 0 : i32
      %dma_start3A_988 = tpu.memref_slice %arg12[%dma_start3A_985, %dma_start3A_986, %dma_start3A_987] : memref<8x32x128xf32, #tpu.memory_space<vmem>> -> memref<1x32x128xf32, #tpu.memory_space<vmem>>
      %dma_start3A_989 = tpu.memref_squeeze %dma_start3A_988 : memref<1x32x128xf32, #tpu.memory_space<vmem>> -> memref<32x128xf32, #tpu.memory_space<vmem>>
      %dma_start3A_990 = arith.constant 0 : i32
      %dma_start3A_991 = tpu.memref_slice %arg5[%dma_start3A_990, %multiple_of3A_971] : memref<32x1000000xf32, #tpu.memory_space<hbm>> -> memref<32x128xf32, #tpu.memory_space<hbm>>
      %dma_start3A_992 = arith.constant 0 : i32
      %dma_start3A_993 = arith.constant 0 : i32
      %dma_start3A_994 = tpu.memref_slice %arg12[%dma_start3A_985, %dma_start3A_992, %dma_start3A_993] : memref<8x32x128xf32, #tpu.memory_space<vmem>> -> memref<1x32x128xf32, #tpu.memory_space<vmem>>
      %dma_start3A_995 = tpu.memref_squeeze %dma_start3A_994 : memref<1x32x128xf32, #tpu.memory_space<vmem>> -> memref<32x128xf32, #tpu.memory_space<vmem>>
      %dma_start3A_996 = arith.constant 0 : i32
      %dma_start3A_997 = tpu.memref_slice %arg5[%dma_start3A_996, %multiple_of3A_971] : memref<32x1000000xf32, #tpu.memory_space<hbm>> -> memref<32x128xf32, #tpu.memory_space<hbm>>
      tpu.enqueue_dma source(%dma_start3A_997 : memref<32x128xf32, #tpu.memory_space<hbm>>) target(%dma_start3A_995 : memref<32x128xf32, #tpu.memory_space<vmem>>) target_semaphore(%arg20 : memref<!tpu.dma_semaphore, #tpu.memory_space<semaphore_mem>>)
      %dma_wait3A_998 = arith.constant 6 : i32
      %dma_wait3A_999 = arith.constant 0 : i32
      %dma_wait3A_1000 = arith.constant 0 : i32
      %dma_wait3A_1001 = tpu.memref_slice %arg11[%dma_wait3A_998, %dma_wait3A_999, %dma_wait3A_1000] : memref<8x32x128xf32, #tpu.memory_space<vmem>> -> memref<1x32x128xf32, #tpu.memory_space<vmem>>
      %dma_wait3A_1002 = tpu.memref_squeeze %dma_wait3A_1001 : memref<1x32x128xf32, #tpu.memory_space<vmem>> -> memref<32x128xf32, #tpu.memory_space<vmem>>
      %dma_wait3A_1003 = arith.constant 0 : i32
      %dma_wait3A_1004 = arith.constant 0 : i32
      %dma_wait3A_1005 = tpu.memref_slice %arg4[%dma_wait3A_1003, %dma_wait3A_1004] : memref<32x1000000xf32, #tpu.memory_space<hbm>> -> memref<32x128xf32, #tpu.memory_space<hbm>>
      %dma_wait3A_1006 = arith.constant 0 : i32
      %dma_wait3A_1007 = arith.constant 0 : i32
      %dma_wait3A_1008 = tpu.memref_slice %arg11[%dma_wait3A_998, %dma_wait3A_1006, %dma_wait3A_1007] : memref<8x32x128xf32, #tpu.memory_space<vmem>> -> memref<1x32x128xf32, #tpu.memory_space<vmem>>
      %dma_wait3A_1009 = tpu.memref_squeeze %dma_wait3A_1008 : memref<1x32x128xf32, #tpu.memory_space<vmem>> -> memref<32x128xf32, #tpu.memory_space<vmem>>
      %dma_wait3A_1010 = arith.constant 0 : i32
      %dma_wait3A_1011 = arith.constant 0 : i32
      %dma_wait3A_1012 = tpu.memref_slice %arg4[%dma_wait3A_1010, %dma_wait3A_1011] : memref<32x1000000xf32, #tpu.memory_space<hbm>> -> memref<32x128xf32, #tpu.memory_space<hbm>>
      tpu.wait_dma2 semaphore(%arg24 : memref<!tpu.dma_semaphore, #tpu.memory_space<semaphore_mem>>) src(%dma_wait3A_1012 : memref<32x128xf32, #tpu.memory_space<hbm>>) dst(%dma_wait3A_1009 : memref<32x128xf32, #tpu.memory_space<vmem>>)
      %dma_wait3A_1013 = arith.constant 6 : i32
      %dma_wait3A_1014 = arith.constant 0 : i32
      %dma_wait3A_1015 = arith.constant 0 : i32
      %dma_wait3A_1016 = tpu.memref_slice %arg12[%dma_wait3A_1013, %dma_wait3A_1014, %dma_wait3A_1015] : memref<8x32x128xf32, #tpu.memory_space<vmem>> -> memref<1x32x128xf32, #tpu.memory_space<vmem>>
      %dma_wait3A_1017 = tpu.memref_squeeze %dma_wait3A_1016 : memref<1x32x128xf32, #tpu.memory_space<vmem>> -> memref<32x128xf32, #tpu.memory_space<vmem>>
      %dma_wait3A_1018 = arith.constant 0 : i32
      %dma_wait3A_1019 = arith.constant 0 : i32
      %dma_wait3A_1020 = tpu.memref_slice %arg5[%dma_wait3A_1018, %dma_wait3A_1019] : memref<32x1000000xf32, #tpu.memory_space<hbm>> -> memref<32x128xf32, #tpu.memory_space<hbm>>
      %dma_wait3A_1021 = arith.constant 0 : i32
      %dma_wait3A_1022 = arith.constant 0 : i32
      %dma_wait3A_1023 = tpu.memref_slice %arg12[%dma_wait3A_1013, %dma_wait3A_1021, %dma_wait3A_1022] : memref<8x32x128xf32, #tpu.memory_space<vmem>> -> memref<1x32x128xf32, #tpu.memory_space<vmem>>
      %dma_wait3A_1024 = tpu.memref_squeeze %dma_wait3A_1023 : memref<1x32x128xf32, #tpu.memory_space<vmem>> -> memref<32x128xf32, #tpu.memory_space<vmem>>
      %dma_wait3A_1025 = arith.constant 0 : i32
      %dma_wait3A_1026 = arith.constant 0 : i32
      %dma_wait3A_1027 = tpu.memref_slice %arg5[%dma_wait3A_1025, %dma_wait3A_1026] : memref<32x1000000xf32, #tpu.memory_space<hbm>> -> memref<32x128xf32, #tpu.memory_space<hbm>>
      tpu.wait_dma2 semaphore(%arg24 : memref<!tpu.dma_semaphore, #tpu.memory_space<semaphore_mem>>) src(%dma_wait3A_1027 : memref<32x128xf32, #tpu.memory_space<hbm>>) dst(%dma_wait3A_1024 : memref<32x128xf32, #tpu.memory_space<vmem>>)
      %slice3A_1028 = vector.extract_strided_slice %scan3A_182 {offsets = [6], sizes = [1], strides = [1]} : vector<16xi32> to vector<1xi32>
      %squeeze3A_1029 = vector.extract %slice3A_1028[0] : i32 from vector<1xi32>
      %and3A_1030 = arith.constant 127 : i32
      %and3A_1031 = arith.andi %squeeze3A_1029, %and3A_1030 : i32
      %broadcast_in_dim3A_1032 = vector.broadcast %and3A_1031 : i32 to vector<16xi32>
      %slice3A_1033 = vector.extract_strided_slice %scan3A_183 {offsets = [6], sizes = [1], strides = [1]} : vector<16xi32> to vector<1xi32>
      %squeeze3A_1034 = vector.extract %slice3A_1033[0] : i32 from vector<1xi32>
      %and3A_1035 = arith.constant 127 : i32
      %and3A_1036 = arith.andi %squeeze3A_1034, %and3A_1035 : i32
      %broadcast_in_dim3A_1037 = vector.broadcast %and3A_1036 : i32 to vector<16xi32>
      %gather3A_1038 = arith.constant 6 : i32
      %gather3A_1039 = arith.constant 0 : i32
      %gather3A_1040 = arith.constant 0 : i32
      %gather3A_1041 = tpu.memref_slice %arg11[%gather3A_1038, %gather3A_1039, %gather3A_1040] : memref<8x32x128xf32, #tpu.memory_space<vmem>> -> memref<1x32x128xf32, #tpu.memory_space<vmem>>
      %gather3A_1042 = tpu.memref_squeeze %gather3A_1041 : memref<1x32x128xf32, #tpu.memory_space<vmem>> -> memref<32x128xf32, #tpu.memory_space<vmem>>
      %gather3A_1043 = tpu.vector_load_idx %gather3A_1042[%iota3A, %broadcast_in_dim3A_1032] : memref<32x128xf32, #tpu.memory_space<vmem>>[vector<16xi32>, vector<16xi32>], vector<16xf32>,
      %add3A_1044 = arith.constant 16 : i32
      %add3A_1045 = vector.broadcast %add3A_1044 : i32 to vector<16xi32>
      %add3A_1046 = arith.addi %iota3A, %add3A_1045 : vector<16xi32>
      %gather3A_1047 = arith.constant 6 : i32
      %gather3A_1048 = arith.constant 0 : i32
      %gather3A_1049 = arith.constant 0 : i32
      %gather3A_1050 = tpu.memref_slice %arg11[%gather3A_1047, %gather3A_1048, %gather3A_1049] : memref<8x32x128xf32, #tpu.memory_space<vmem>> -> memref<1x32x128xf32, #tpu.memory_space<vmem>>
      %gather3A_1051 = tpu.memref_squeeze %gather3A_1050 : memref<1x32x128xf32, #tpu.memory_space<vmem>> -> memref<32x128xf32, #tpu.memory_space<vmem>>
      %gather3A_1052 = tpu.vector_load_idx %gather3A_1051[%add3A_1046, %broadcast_in_dim3A_1032] : memref<32x128xf32, #tpu.memory_space<vmem>>[vector<16xi32>, vector<16xi32>], vector<16xf32>,
      %gather3A_1053 = arith.constant 6 : i32
      %gather3A_1054 = arith.constant 0 : i32
      %gather3A_1055 = arith.constant 0 : i32
      %gather3A_1056 = tpu.memref_slice %arg12[%gather3A_1053, %gather3A_1054, %gather3A_1055] : memref<8x32x128xf32, #tpu.memory_space<vmem>> -> memref<1x32x128xf32, #tpu.memory_space<vmem>>
      %gather3A_1057 = tpu.memref_squeeze %gather3A_1056 : memref<1x32x128xf32, #tpu.memory_space<vmem>> -> memref<32x128xf32, #tpu.memory_space<vmem>>
      %gather3A_1058 = tpu.vector_load_idx %gather3A_1057[%iota3A, %broadcast_in_dim3A_1037] : memref<32x128xf32, #tpu.memory_space<vmem>>[vector<16xi32>, vector<16xi32>], vector<16xf32>,
      %add3A_1059 = arith.constant 16 : i32
      %add3A_1060 = vector.broadcast %add3A_1059 : i32 to vector<16xi32>
      %add3A_1061 = arith.addi %iota3A, %add3A_1060 : vector<16xi32>
      %gather3A_1062 = arith.constant 6 : i32
      %gather3A_1063 = arith.constant 0 : i32
      %gather3A_1064 = arith.constant 0 : i32
      %gather3A_1065 = tpu.memref_slice %arg12[%gather3A_1062, %gather3A_1063, %gather3A_1064] : memref<8x32x128xf32, #tpu.memory_space<vmem>> -> memref<1x32x128xf32, #tpu.memory_space<vmem>>
      %gather3A_1066 = tpu.memref_squeeze %gather3A_1065 : memref<1x32x128xf32, #tpu.memory_space<vmem>> -> memref<32x128xf32, #tpu.memory_space<vmem>>
      %gather3A_1067 = tpu.vector_load_idx %gather3A_1066[%add3A_1061, %broadcast_in_dim3A_1037] : memref<32x128xf32, #tpu.memory_space<vmem>>[vector<16xi32>, vector<16xi32>], vector<16xf32>,
      %mul3A_1068 = arith.constant 16 : i32
      %mul3A_1069 = vector.broadcast %mul3A_1068 : i32 to vector<16xi32>
      %mul3A_1070 = arith.muli %iota3A, %mul3A_1069 : vector<16xi32>
      %add3A_1071 = arith.constant 6 : i32
      %add3A_1072 = vector.broadcast %add3A_1071 : i32 to vector<16xi32>
      %add3A_1073 = arith.addi %mul3A_1070, %add3A_1072 : vector<16xi32>
      %add3A_1074 = arith.constant 16 : i32
      %add3A_1075 = vector.broadcast %add3A_1074 : i32 to vector<16xi32>
      %add3A_1076 = arith.addi %iota3A, %add3A_1075 : vector<16xi32>
      %mul3A_1077 = arith.constant 16 : i32
      %mul3A_1078 = vector.broadcast %mul3A_1077 : i32 to vector<16xi32>
      %mul3A_1079 = arith.muli %add3A_1076, %mul3A_1078 : vector<16xi32>
      %add3A_1080 = arith.constant 6 : i32
      %add3A_1081 = vector.broadcast %add3A_1080 : i32 to vector<16xi32>
      %add3A_1082 = arith.addi %mul3A_1079, %add3A_1081 : vector<16xi32>
      tpu.vector_store_idx %arg13[%add3A_1073], %gather3A_1043 : memref<512xf32, #tpu.memory_space<vmem>>[vector<16xi32>], vector<16xf32>,
      tpu.vector_store_idx %arg13[%add3A_1082], %gather3A_1052 : memref<512xf32, #tpu.memory_space<vmem>>[vector<16xi32>], vector<16xf32>,
      tpu.vector_store_idx %arg14[%add3A_1073], %gather3A_1058 : memref<512xf32, #tpu.memory_space<vmem>>[vector<16xi32>], vector<16xf32>,
      tpu.vector_store_idx %arg14[%add3A_1082], %gather3A_1067 : memref<512xf32, #tpu.memory_space<vmem>>[vector<16xi32>], vector<16xf32>,
      %slice3A_1083 = vector.extract_strided_slice %scan3A_182 {offsets = [11], sizes = [1], strides = [1]} : vector<16xi32> to vector<1xi32>
      %squeeze3A_1084 = vector.extract %slice3A_1083[0] : i32 from vector<1xi32>
      %min3A_1085 = arith.constant 999999 : i32
      %min3A_1086 = arith.minsi %squeeze3A_1084, %min3A_1085 : i32
      %slice3A_1087 = vector.extract_strided_slice %scan3A_183 {offsets = [11], sizes = [1], strides = [1]} : vector<16xi32> to vector<1xi32>
      %squeeze3A_1088 = vector.extract %slice3A_1087[0] : i32 from vector<1xi32>
      %min3A_1089 = arith.constant 999999 : i32
      %min3A_1090 = arith.minsi %squeeze3A_1088, %min3A_1089 : i32
      %shift_right_arithmetic3A_1091 = arith.constant 7 : i32
      %shift_right_arithmetic3A_1092 = arith.shrsi %min3A_1086, %shift_right_arithmetic3A_1091 : i32
      %mul3A_1093 = arith.constant 128 : i32
      %mul3A_1094 = arith.muli %shift_right_arithmetic3A_1092, %mul3A_1093 : i32
      %multiple_of3A_1095 = tpu.assume_multiple %mul3A_1094, 128 : i32
      %shift_right_arithmetic3A_1096 = arith.constant 7 : i32
      %shift_right_arithmetic3A_1097 = arith.shrsi %min3A_1090, %shift_right_arithmetic3A_1096 : i32
      %mul3A_1098 = arith.constant 128 : i32
      %mul3A_1099 = arith.muli %shift_right_arithmetic3A_1097, %mul3A_1098 : i32
      %multiple_of3A_1100 = tpu.assume_multiple %mul3A_1099, 128 : i32
      %dma_start3A_1101 = arith.constant 3 : i32
      %dma_start3A_1102 = arith.constant 0 : i32
      %dma_start3A_1103 = arith.constant 0 : i32
      %dma_start3A_1104 = tpu.memref_slice %arg11[%dma_start3A_1101, %dma_start3A_1102, %dma_start3A_1103] : memref<8x32x128xf32, #tpu.memory_space<vmem>> -> memref<1x32x128xf32, #tpu.memory_space<vmem>>
      %dma_start3A_1105 = tpu.memref_squeeze %dma_start3A_1104 : memref<1x32x128xf32, #tpu.memory_space<vmem>> -> memref<32x128xf32, #tpu.memory_space<vmem>>
      %dma_start3A_1106 = arith.constant 0 : i32
      %dma_start3A_1107 = tpu.memref_slice %arg4[%dma_start3A_1106, %multiple_of3A_1095] : memref<32x1000000xf32, #tpu.memory_space<hbm>> -> memref<32x128xf32, #tpu.memory_space<hbm>>
      %dma_start3A_1108 = arith.constant 0 : i32
      %dma_start3A_1109 = arith.constant 0 : i32
      %dma_start3A_1110 = tpu.memref_slice %arg11[%dma_start3A_1101, %dma_start3A_1108, %dma_start3A_1109] : memref<8x32x128xf32, #tpu.memory_space<vmem>> -> memref<1x32x128xf32, #tpu.memory_space<vmem>>
      %dma_start3A_1111 = tpu.memref_squeeze %dma_start3A_1110 : memref<1x32x128xf32, #tpu.memory_space<vmem>> -> memref<32x128xf32, #tpu.memory_space<vmem>>
      %dma_start3A_1112 = arith.constant 0 : i32
      %dma_start3A_1113 = tpu.memref_slice %arg4[%dma_start3A_1112, %multiple_of3A_1095] : memref<32x1000000xf32, #tpu.memory_space<hbm>> -> memref<32x128xf32, #tpu.memory_space<hbm>>
      tpu.enqueue_dma source(%dma_start3A_1113 : memref<32x128xf32, #tpu.memory_space<hbm>>) target(%dma_start3A_1111 : memref<32x128xf32, #tpu.memory_space<vmem>>) target_semaphore(%arg21 : memref<!tpu.dma_semaphore, #tpu.memory_space<semaphore_mem>>)
      %dma_start3A_1114 = arith.constant 3 : i32
      %dma_start3A_1115 = arith.constant 0 : i32
      %dma_start3A_1116 = arith.constant 0 : i32
      %dma_start3A_1117 = tpu.memref_slice %arg12[%dma_start3A_1114, %dma_start3A_1115, %dma_start3A_1116] : memref<8x32x128xf32, #tpu.memory_space<vmem>> -> memref<1x32x128xf32, #tpu.memory_space<vmem>>
      %dma_start3A_1118 = tpu.memref_squeeze %dma_start3A_1117 : memref<1x32x128xf32, #tpu.memory_space<vmem>> -> memref<32x128xf32, #tpu.memory_space<vmem>>
      %dma_start3A_1119 = arith.constant 0 : i32
      %dma_start3A_1120 = tpu.memref_slice %arg5[%dma_start3A_1119, %multiple_of3A_1100] : memref<32x1000000xf32, #tpu.memory_space<hbm>> -> memref<32x128xf32, #tpu.memory_space<hbm>>
      %dma_start3A_1121 = arith.constant 0 : i32
      %dma_start3A_1122 = arith.constant 0 : i32
      %dma_start3A_1123 = tpu.memref_slice %arg12[%dma_start3A_1114, %dma_start3A_1121, %dma_start3A_1122] : memref<8x32x128xf32, #tpu.memory_space<vmem>> -> memref<1x32x128xf32, #tpu.memory_space<vmem>>
      %dma_start3A_1124 = tpu.memref_squeeze %dma_start3A_1123 : memref<1x32x128xf32, #tpu.memory_space<vmem>> -> memref<32x128xf32, #tpu.memory_space<vmem>>
      %dma_start3A_1125 = arith.constant 0 : i32
      %dma_start3A_1126 = tpu.memref_slice %arg5[%dma_start3A_1125, %multiple_of3A_1100] : memref<32x1000000xf32, #tpu.memory_space<hbm>> -> memref<32x128xf32, #tpu.memory_space<hbm>>
      tpu.enqueue_dma source(%dma_start3A_1126 : memref<32x128xf32, #tpu.memory_space<hbm>>) target(%dma_start3A_1124 : memref<32x128xf32, #tpu.memory_space<vmem>>) target_semaphore(%arg21 : memref<!tpu.dma_semaphore, #tpu.memory_space<semaphore_mem>>)
      %dma_wait3A_1127 = arith.constant 7 : i32
      %dma_wait3A_1128 = arith.constant 0 : i32
      %dma_wait3A_1129 = arith.constant 0 : i32
      %dma_wait3A_1130 = tpu.memref_slice %arg11[%dma_wait3A_1127, %dma_wait3A_1128, %dma_wait3A_1129] : memref<8x32x128xf32, #tpu.memory_space<vmem>> -> memref<1x32x128xf32, #tpu.memory_space<vmem>>
      %dma_wait3A_1131 = tpu.memref_squeeze %dma_wait3A_1130 : memref<1x32x128xf32, #tpu.memory_space<vmem>> -> memref<32x128xf32, #tpu.memory_space<vmem>>
      %dma_wait3A_1132 = arith.constant 0 : i32
      %dma_wait3A_1133 = arith.constant 0 : i32
      %dma_wait3A_1134 = tpu.memref_slice %arg4[%dma_wait3A_1132, %dma_wait3A_1133] : memref<32x1000000xf32, #tpu.memory_space<hbm>> -> memref<32x128xf32, #tpu.memory_space<hbm>>
      %dma_wait3A_1135 = arith.constant 0 : i32
      %dma_wait3A_1136 = arith.constant 0 : i32
      %dma_wait3A_1137 = tpu.memref_slice %arg11[%dma_wait3A_1127, %dma_wait3A_1135, %dma_wait3A_1136] : memref<8x32x128xf32, #tpu.memory_space<vmem>> -> memref<1x32x128xf32, #tpu.memory_space<vmem>>
      %dma_wait3A_1138 = tpu.memref_squeeze %dma_wait3A_1137 : memref<1x32x128xf32, #tpu.memory_space<vmem>> -> memref<32x128xf32, #tpu.memory_space<vmem>>
      %dma_wait3A_1139 = arith.constant 0 : i32
      %dma_wait3A_1140 = arith.constant 0 : i32
      %dma_wait3A_1141 = tpu.memref_slice %arg4[%dma_wait3A_1139, %dma_wait3A_1140] : memref<32x1000000xf32, #tpu.memory_space<hbm>> -> memref<32x128xf32, #tpu.memory_space<hbm>>
      tpu.wait_dma2 semaphore(%arg25 : memref<!tpu.dma_semaphore, #tpu.memory_space<semaphore_mem>>) src(%dma_wait3A_1141 : memref<32x128xf32, #tpu.memory_space<hbm>>) dst(%dma_wait3A_1138 : memref<32x128xf32, #tpu.memory_space<vmem>>)
      %dma_wait3A_1142 = arith.constant 7 : i32
      %dma_wait3A_1143 = arith.constant 0 : i32
      %dma_wait3A_1144 = arith.constant 0 : i32
      %dma_wait3A_1145 = tpu.memref_slice %arg12[%dma_wait3A_1142, %dma_wait3A_1143, %dma_wait3A_1144] : memref<8x32x128xf32, #tpu.memory_space<vmem>> -> memref<1x32x128xf32, #tpu.memory_space<vmem>>
      %dma_wait3A_1146 = tpu.memref_squeeze %dma_wait3A_1145 : memref<1x32x128xf32, #tpu.memory_space<vmem>> -> memref<32x128xf32, #tpu.memory_space<vmem>>
      %dma_wait3A_1147 = arith.constant 0 : i32
      %dma_wait3A_1148 = arith.constant 0 : i32
      %dma_wait3A_1149 = tpu.memref_slice %arg5[%dma_wait3A_1147, %dma_wait3A_1148] : memref<32x1000000xf32, #tpu.memory_space<hbm>> -> memref<32x128xf32, #tpu.memory_space<hbm>>
      %dma_wait3A_1150 = arith.constant 0 : i32
      %dma_wait3A_1151 = arith.constant 0 : i32
      %dma_wait3A_1152 = tpu.memref_slice %arg12[%dma_wait3A_1142, %dma_wait3A_1150, %dma_wait3A_1151] : memref<8x32x128xf32, #tpu.memory_space<vmem>> -> memref<1x32x128xf32, #tpu.memory_space<vmem>>
      %dma_wait3A_1153 = tpu.memref_squeeze %dma_wait3A_1152 : memref<1x32x128xf32, #tpu.memory_space<vmem>> -> memref<32x128xf32, #tpu.memory_space<vmem>>
      %dma_wait3A_1154 = arith.constant 0 : i32
      %dma_wait3A_1155 = arith.constant 0 : i32
      %dma_wait3A_1156 = tpu.memref_slice %arg5[%dma_wait3A_1154, %dma_wait3A_1155] : memref<32x1000000xf32, #tpu.memory_space<hbm>> -> memref<32x128xf32, #tpu.memory_space<hbm>>
      tpu.wait_dma2 semaphore(%arg25 : memref<!tpu.dma_semaphore, #tpu.memory_space<semaphore_mem>>) src(%dma_wait3A_1156 : memref<32x128xf32, #tpu.memory_space<hbm>>) dst(%dma_wait3A_1153 : memref<32x128xf32, #tpu.memory_space<vmem>>)
      %slice3A_1157 = vector.extract_strided_slice %scan3A_182 {offsets = [7], sizes = [1], strides = [1]} : vector<16xi32> to vector<1xi32>
      %squeeze3A_1158 = vector.extract %slice3A_1157[0] : i32 from vector<1xi32>
      %and3A_1159 = arith.constant 127 : i32
      %and3A_1160 = arith.andi %squeeze3A_1158, %and3A_1159 : i32
      %broadcast_in_dim3A_1161 = vector.broadcast %and3A_1160 : i32 to vector<16xi32>
      %slice3A_1162 = vector.extract_strided_slice %scan3A_183 {offsets = [7], sizes = [1], strides = [1]} : vector<16xi32> to vector<1xi32>
      %squeeze3A_1163 = vector.extract %slice3A_1162[0] : i32 from vector<1xi32>
      %and3A_1164 = arith.constant 127 : i32
      %and3A_1165 = arith.andi %squeeze3A_1163, %and3A_1164 : i32
      %broadcast_in_dim3A_1166 = vector.broadcast %and3A_1165 : i32 to vector<16xi32>
      %gather3A_1167 = arith.constant 7 : i32
      %gather3A_1168 = arith.constant 0 : i32
      %gather3A_1169 = arith.constant 0 : i32
      %gather3A_1170 = tpu.memref_slice %arg11[%gather3A_1167, %gather3A_1168, %gather3A_1169] : memref<8x32x128xf32, #tpu.memory_space<vmem>> -> memref<1x32x128xf32, #tpu.memory_space<vmem>>
      %gather3A_1171 = tpu.memref_squeeze %gather3A_1170 : memref<1x32x128xf32, #tpu.memory_space<vmem>> -> memref<32x128xf32, #tpu.memory_space<vmem>>
      %gather3A_1172 = tpu.vector_load_idx %gather3A_1171[%iota3A, %broadcast_in_dim3A_1161] : memref<32x128xf32, #tpu.memory_space<vmem>>[vector<16xi32>, vector<16xi32>], vector<16xf32>,
      %add3A_1173 = arith.constant 16 : i32
      %add3A_1174 = vector.broadcast %add3A_1173 : i32 to vector<16xi32>
      %add3A_1175 = arith.addi %iota3A, %add3A_1174 : vector<16xi32>
      %gather3A_1176 = arith.constant 7 : i32
      %gather3A_1177 = arith.constant 0 : i32
      %gather3A_1178 = arith.constant 0 : i32
      %gather3A_1179 = tpu.memref_slice %arg11[%gather3A_1176, %gather3A_1177, %gather3A_1178] : memref<8x32x128xf32, #tpu.memory_space<vmem>> -> memref<1x32x128xf32, #tpu.memory_space<vmem>>
      %gather3A_1180 = tpu.memref_squeeze %gather3A_1179 : memref<1x32x128xf32, #tpu.memory_space<vmem>> -> memref<32x128xf32, #tpu.memory_space<vmem>>
      %gather3A_1181 = tpu.vector_load_idx %gather3A_1180[%add3A_1175, %broadcast_in_dim3A_1161] : memref<32x128xf32, #tpu.memory_space<vmem>>[vector<16xi32>, vector<16xi32>], vector<16xf32>,
      %gather3A_1182 = arith.constant 7 : i32
      %gather3A_1183 = arith.constant 0 : i32
      %gather3A_1184 = arith.constant 0 : i32
      %gather3A_1185 = tpu.memref_slice %arg12[%gather3A_1182, %gather3A_1183, %gather3A_1184] : memref<8x32x128xf32, #tpu.memory_space<vmem>> -> memref<1x32x128xf32, #tpu.memory_space<vmem>>
      %gather3A_1186 = tpu.memref_squeeze %gather3A_1185 : memref<1x32x128xf32, #tpu.memory_space<vmem>> -> memref<32x128xf32, #tpu.memory_space<vmem>>
      %gather3A_1187 = tpu.vector_load_idx %gather3A_1186[%iota3A, %broadcast_in_dim3A_1166] : memref<32x128xf32, #tpu.memory_space<vmem>>[vector<16xi32>, vector<16xi32>], vector<16xf32>,
      %add3A_1188 = arith.constant 16 : i32
      %add3A_1189 = vector.broadcast %add3A_1188 : i32 to vector<16xi32>
      %add3A_1190 = arith.addi %iota3A, %add3A_1189 : vector<16xi32>
      %gather3A_1191 = arith.constant 7 : i32
      %gather3A_1192 = arith.constant 0 : i32
      %gather3A_1193 = arith.constant 0 : i32
      %gather3A_1194 = tpu.memref_slice %arg12[%gather3A_1191, %gather3A_1192, %gather3A_1193] : memref<8x32x128xf32, #tpu.memory_space<vmem>> -> memref<1x32x128xf32, #tpu.memory_space<vmem>>
      %gather3A_1195 = tpu.memref_squeeze %gather3A_1194 : memref<1x32x128xf32, #tpu.memory_space<vmem>> -> memref<32x128xf32, #tpu.memory_space<vmem>>
      %gather3A_1196 = tpu.vector_load_idx %gather3A_1195[%add3A_1190, %broadcast_in_dim3A_1166] : memref<32x128xf32, #tpu.memory_space<vmem>>[vector<16xi32>, vector<16xi32>], vector<16xf32>,
      %mul3A_1197 = arith.constant 16 : i32
      %mul3A_1198 = vector.broadcast %mul3A_1197 : i32 to vector<16xi32>
      %mul3A_1199 = arith.muli %iota3A, %mul3A_1198 : vector<16xi32>
      %add3A_1200 = arith.constant 7 : i32
      %add3A_1201 = vector.broadcast %add3A_1200 : i32 to vector<16xi32>
      %add3A_1202 = arith.addi %mul3A_1199, %add3A_1201 : vector<16xi32>
      %add3A_1203 = arith.constant 16 : i32
      %add3A_1204 = vector.broadcast %add3A_1203 : i32 to vector<16xi32>
      %add3A_1205 = arith.addi %iota3A, %add3A_1204 : vector<16xi32>
      %mul3A_1206 = arith.constant 16 : i32
      %mul3A_1207 = vector.broadcast %mul3A_1206 : i32 to vector<16xi32>
      %mul3A_1208 = arith.muli %add3A_1205, %mul3A_1207 : vector<16xi32>
      %add3A_1209 = arith.constant 7 : i32
      %add3A_1210 = vector.broadcast %add3A_1209 : i32 to vector<16xi32>
      %add3A_1211 = arith.addi %mul3A_1208, %add3A_1210 : vector<16xi32>
      tpu.vector_store_idx %arg13[%add3A_1202], %gather3A_1172 : memref<512xf32, #tpu.memory_space<vmem>>[vector<16xi32>], vector<16xf32>,
      tpu.vector_store_idx %arg13[%add3A_1211], %gather3A_1181 : memref<512xf32, #tpu.memory_space<vmem>>[vector<16xi32>], vector<16xf32>,
      tpu.vector_store_idx %arg14[%add3A_1202], %gather3A_1187 : memref<512xf32, #tpu.memory_space<vmem>>[vector<16xi32>], vector<16xf32>,
      tpu.vector_store_idx %arg14[%add3A_1211], %gather3A_1196 : memref<512xf32, #tpu.memory_space<vmem>>[vector<16xi32>], vector<16xf32>,
      %slice3A_1212 = vector.extract_strided_slice %scan3A_182 {offsets = [12], sizes = [1], strides = [1]} : vector<16xi32> to vector<1xi32>
      %squeeze3A_1213 = vector.extract %slice3A_1212[0] : i32 from vector<1xi32>
      %min3A_1214 = arith.constant 999999 : i32
      %min3A_1215 = arith.minsi %squeeze3A_1213, %min3A_1214 : i32
      %slice3A_1216 = vector.extract_strided_slice %scan3A_183 {offsets = [12], sizes = [1], strides = [1]} : vector<16xi32> to vector<1xi32>
      %squeeze3A_1217 = vector.extract %slice3A_1216[0] : i32 from vector<1xi32>
      %min3A_1218 = arith.constant 999999 : i32
      %min3A_1219 = arith.minsi %squeeze3A_1217, %min3A_1218 : i32
      %shift_right_arithmetic3A_1220 = arith.constant 7 : i32
      %shift_right_arithmetic3A_1221 = arith.shrsi %min3A_1215, %shift_right_arithmetic3A_1220 : i32
      %mul3A_1222 = arith.constant 128 : i32
      %mul3A_1223 = arith.muli %shift_right_arithmetic3A_1221, %mul3A_1222 : i32
      %multiple_of3A_1224 = tpu.assume_multiple %mul3A_1223, 128 : i32
      %shift_right_arithmetic3A_1225 = arith.constant 7 : i32
      %shift_right_arithmetic3A_1226 = arith.shrsi %min3A_1219, %shift_right_arithmetic3A_1225 : i32
      %mul3A_1227 = arith.constant 128 : i32
      %mul3A_1228 = arith.muli %shift_right_arithmetic3A_1226, %mul3A_1227 : i32
      %multiple_of3A_1229 = tpu.assume_multiple %mul3A_1228, 128 : i32
      %dma_start3A_1230 = arith.constant 4 : i32
      %dma_start3A_1231 = arith.constant 0 : i32
      %dma_start3A_1232 = arith.constant 0 : i32
      %dma_start3A_1233 = tpu.memref_slice %arg11[%dma_start3A_1230, %dma_start3A_1231, %dma_start3A_1232] : memref<8x32x128xf32, #tpu.memory_space<vmem>> -> memref<1x32x128xf32, #tpu.memory_space<vmem>>
      %dma_start3A_1234 = tpu.memref_squeeze %dma_start3A_1233 : memref<1x32x128xf32, #tpu.memory_space<vmem>> -> memref<32x128xf32, #tpu.memory_space<vmem>>
      %dma_start3A_1235 = arith.constant 0 : i32
      %dma_start3A_1236 = tpu.memref_slice %arg4[%dma_start3A_1235, %multiple_of3A_1224] : memref<32x1000000xf32, #tpu.memory_space<hbm>> -> memref<32x128xf32, #tpu.memory_space<hbm>>
      %dma_start3A_1237 = arith.constant 0 : i32
      %dma_start3A_1238 = arith.constant 0 : i32
      %dma_start3A_1239 = tpu.memref_slice %arg11[%dma_start3A_1230, %dma_start3A_1237, %dma_start3A_1238] : memref<8x32x128xf32, #tpu.memory_space<vmem>> -> memref<1x32x128xf32, #tpu.memory_space<vmem>>
      %dma_start3A_1240 = tpu.memref_squeeze %dma_start3A_1239 : memref<1x32x128xf32, #tpu.memory_space<vmem>> -> memref<32x128xf32, #tpu.memory_space<vmem>>
      %dma_start3A_1241 = arith.constant 0 : i32
      %dma_start3A_1242 = tpu.memref_slice %arg4[%dma_start3A_1241, %multiple_of3A_1224] : memref<32x1000000xf32, #tpu.memory_space<hbm>> -> memref<32x128xf32, #tpu.memory_space<hbm>>
      tpu.enqueue_dma source(%dma_start3A_1242 : memref<32x128xf32, #tpu.memory_space<hbm>>) target(%dma_start3A_1240 : memref<32x128xf32, #tpu.memory_space<vmem>>) target_semaphore(%arg22 : memref<!tpu.dma_semaphore, #tpu.memory_space<semaphore_mem>>)
      %dma_start3A_1243 = arith.constant 4 : i32
      %dma_start3A_1244 = arith.constant 0 : i32
      %dma_start3A_1245 = arith.constant 0 : i32
      %dma_start3A_1246 = tpu.memref_slice %arg12[%dma_start3A_1243, %dma_start3A_1244, %dma_start3A_1245] : memref<8x32x128xf32, #tpu.memory_space<vmem>> -> memref<1x32x128xf32, #tpu.memory_space<vmem>>
      %dma_start3A_1247 = tpu.memref_squeeze %dma_start3A_1246 : memref<1x32x128xf32, #tpu.memory_space<vmem>> -> memref<32x128xf32, #tpu.memory_space<vmem>>
      %dma_start3A_1248 = arith.constant 0 : i32
      %dma_start3A_1249 = tpu.memref_slice %arg5[%dma_start3A_1248, %multiple_of3A_1229] : memref<32x1000000xf32, #tpu.memory_space<hbm>> -> memref<32x128xf32, #tpu.memory_space<hbm>>
      %dma_start3A_1250 = arith.constant 0 : i32
      %dma_start3A_1251 = arith.constant 0 : i32
      %dma_start3A_1252 = tpu.memref_slice %arg12[%dma_start3A_1243, %dma_start3A_1250, %dma_start3A_1251] : memref<8x32x128xf32, #tpu.memory_space<vmem>> -> memref<1x32x128xf32, #tpu.memory_space<vmem>>
      %dma_start3A_1253 = tpu.memref_squeeze %dma_start3A_1252 : memref<1x32x128xf32, #tpu.memory_space<vmem>> -> memref<32x128xf32, #tpu.memory_space<vmem>>
      %dma_start3A_1254 = arith.constant 0 : i32
      %dma_start3A_1255 = tpu.memref_slice %arg5[%dma_start3A_1254, %multiple_of3A_1229] : memref<32x1000000xf32, #tpu.memory_space<hbm>> -> memref<32x128xf32, #tpu.memory_space<hbm>>
      tpu.enqueue_dma source(%dma_start3A_1255 : memref<32x128xf32, #tpu.memory_space<hbm>>) target(%dma_start3A_1253 : memref<32x128xf32, #tpu.memory_space<vmem>>) target_semaphore(%arg22 : memref<!tpu.dma_semaphore, #tpu.memory_space<semaphore_mem>>)
      %dma_wait3A_1256 = arith.constant 0 : i32
      %dma_wait3A_1257 = arith.constant 0 : i32
      %dma_wait3A_1258 = arith.constant 0 : i32
      %dma_wait3A_1259 = tpu.memref_slice %arg11[%dma_wait3A_1256, %dma_wait3A_1257, %dma_wait3A_1258] : memref<8x32x128xf32, #tpu.memory_space<vmem>> -> memref<1x32x128xf32, #tpu.memory_space<vmem>>
      %dma_wait3A_1260 = tpu.memref_squeeze %dma_wait3A_1259 : memref<1x32x128xf32, #tpu.memory_space<vmem>> -> memref<32x128xf32, #tpu.memory_space<vmem>>
      %dma_wait3A_1261 = arith.constant 0 : i32
      %dma_wait3A_1262 = arith.constant 0 : i32
      %dma_wait3A_1263 = tpu.memref_slice %arg4[%dma_wait3A_1261, %dma_wait3A_1262] : memref<32x1000000xf32, #tpu.memory_space<hbm>> -> memref<32x128xf32, #tpu.memory_space<hbm>>
      %dma_wait3A_1264 = arith.constant 0 : i32
      %dma_wait3A_1265 = arith.constant 0 : i32
      %dma_wait3A_1266 = tpu.memref_slice %arg11[%dma_wait3A_1256, %dma_wait3A_1264, %dma_wait3A_1265] : memref<8x32x128xf32, #tpu.memory_space<vmem>> -> memref<1x32x128xf32, #tpu.memory_space<vmem>>
      %dma_wait3A_1267 = tpu.memref_squeeze %dma_wait3A_1266 : memref<1x32x128xf32, #tpu.memory_space<vmem>> -> memref<32x128xf32, #tpu.memory_space<vmem>>
      %dma_wait3A_1268 = arith.constant 0 : i32
      %dma_wait3A_1269 = arith.constant 0 : i32
      %dma_wait3A_1270 = tpu.memref_slice %arg4[%dma_wait3A_1268, %dma_wait3A_1269] : memref<32x1000000xf32, #tpu.memory_space<hbm>> -> memref<32x128xf32, #tpu.memory_space<hbm>>
      tpu.wait_dma2 semaphore(%arg18 : memref<!tpu.dma_semaphore, #tpu.memory_space<semaphore_mem>>) src(%dma_wait3A_1270 : memref<32x128xf32, #tpu.memory_space<hbm>>) dst(%dma_wait3A_1267 : memref<32x128xf32, #tpu.memory_space<vmem>>)
      %dma_wait3A_1271 = arith.constant 0 : i32
      %dma_wait3A_1272 = arith.constant 0 : i32
      %dma_wait3A_1273 = arith.constant 0 : i32
      %dma_wait3A_1274 = tpu.memref_slice %arg12[%dma_wait3A_1271, %dma_wait3A_1272, %dma_wait3A_1273] : memref<8x32x128xf32, #tpu.memory_space<vmem>> -> memref<1x32x128xf32, #tpu.memory_space<vmem>>
      %dma_wait3A_1275 = tpu.memref_squeeze %dma_wait3A_1274 : memref<1x32x128xf32, #tpu.memory_space<vmem>> -> memref<32x128xf32, #tpu.memory_space<vmem>>
      %dma_wait3A_1276 = arith.constant 0 : i32
      %dma_wait3A_1277 = arith.constant 0 : i32
      %dma_wait3A_1278 = tpu.memref_slice %arg5[%dma_wait3A_1276, %dma_wait3A_1277] : memref<32x1000000xf32, #tpu.memory_space<hbm>> -> memref<32x128xf32, #tpu.memory_space<hbm>>
      %dma_wait3A_1279 = arith.constant 0 : i32
      %dma_wait3A_1280 = arith.constant 0 : i32
      %dma_wait3A_1281 = tpu.memref_slice %arg12[%dma_wait3A_1271, %dma_wait3A_1279, %dma_wait3A_1280] : memref<8x32x128xf32, #tpu.memory_space<vmem>> -> memref<1x32x128xf32, #tpu.memory_space<vmem>>
      %dma_wait3A_1282 = tpu.memref_squeeze %dma_wait3A_1281 : memref<1x32x128xf32, #tpu.memory_space<vmem>> -> memref<32x128xf32, #tpu.memory_space<vmem>>
      %dma_wait3A_1283 = arith.constant 0 : i32
      %dma_wait3A_1284 = arith.constant 0 : i32
      %dma_wait3A_1285 = tpu.memref_slice %arg5[%dma_wait3A_1283, %dma_wait3A_1284] : memref<32x1000000xf32, #tpu.memory_space<hbm>> -> memref<32x128xf32, #tpu.memory_space<hbm>>
      tpu.wait_dma2 semaphore(%arg18 : memref<!tpu.dma_semaphore, #tpu.memory_space<semaphore_mem>>) src(%dma_wait3A_1285 : memref<32x128xf32, #tpu.memory_space<hbm>>) dst(%dma_wait3A_1282 : memref<32x128xf32, #tpu.memory_space<vmem>>)
      %slice3A_1286 = vector.extract_strided_slice %scan3A_182 {offsets = [8], sizes = [1], strides = [1]} : vector<16xi32> to vector<1xi32>
      %squeeze3A_1287 = vector.extract %slice3A_1286[0] : i32 from vector<1xi32>
      %and3A_1288 = arith.constant 127 : i32
      %and3A_1289 = arith.andi %squeeze3A_1287, %and3A_1288 : i32
      %broadcast_in_dim3A_1290 = vector.broadcast %and3A_1289 : i32 to vector<16xi32>
      %slice3A_1291 = vector.extract_strided_slice %scan3A_183 {offsets = [8], sizes = [1], strides = [1]} : vector<16xi32> to vector<1xi32>
      %squeeze3A_1292 = vector.extract %slice3A_1291[0] : i32 from vector<1xi32>
      %and3A_1293 = arith.constant 127 : i32
      %and3A_1294 = arith.andi %squeeze3A_1292, %and3A_1293 : i32
      %broadcast_in_dim3A_1295 = vector.broadcast %and3A_1294 : i32 to vector<16xi32>
      %gather3A_1296 = arith.constant 0 : i32
      %gather3A_1297 = arith.constant 0 : i32
      %gather3A_1298 = arith.constant 0 : i32
      %gather3A_1299 = tpu.memref_slice %arg11[%gather3A_1296, %gather3A_1297, %gather3A_1298] : memref<8x32x128xf32, #tpu.memory_space<vmem>> -> memref<1x32x128xf32, #tpu.memory_space<vmem>>
      %gather3A_1300 = tpu.memref_squeeze %gather3A_1299 : memref<1x32x128xf32, #tpu.memory_space<vmem>> -> memref<32x128xf32, #tpu.memory_space<vmem>>
      %gather3A_1301 = tpu.vector_load_idx %gather3A_1300[%iota3A, %broadcast_in_dim3A_1290] : memref<32x128xf32, #tpu.memory_space<vmem>>[vector<16xi32>, vector<16xi32>], vector<16xf32>,
      %add3A_1302 = arith.constant 16 : i32
      %add3A_1303 = vector.broadcast %add3A_1302 : i32 to vector<16xi32>
      %add3A_1304 = arith.addi %iota3A, %add3A_1303 : vector<16xi32>
      %gather3A_1305 = arith.constant 0 : i32
      %gather3A_1306 = arith.constant 0 : i32
      %gather3A_1307 = arith.constant 0 : i32
      %gather3A_1308 = tpu.memref_slice %arg11[%gather3A_1305, %gather3A_1306, %gather3A_1307] : memref<8x32x128xf32, #tpu.memory_space<vmem>> -> memref<1x32x128xf32, #tpu.memory_space<vmem>>
      %gather3A_1309 = tpu.memref_squeeze %gather3A_1308 : memref<1x32x128xf32, #tpu.memory_space<vmem>> -> memref<32x128xf32, #tpu.memory_space<vmem>>
      %gather3A_1310 = tpu.vector_load_idx %gather3A_1309[%add3A_1304, %broadcast_in_dim3A_1290] : memref<32x128xf32, #tpu.memory_space<vmem>>[vector<16xi32>, vector<16xi32>], vector<16xf32>,
      %gather3A_1311 = arith.constant 0 : i32
      %gather3A_1312 = arith.constant 0 : i32
      %gather3A_1313 = arith.constant 0 : i32
      %gather3A_1314 = tpu.memref_slice %arg12[%gather3A_1311, %gather3A_1312, %gather3A_1313] : memref<8x32x128xf32, #tpu.memory_space<vmem>> -> memref<1x32x128xf32, #tpu.memory_space<vmem>>
      %gather3A_1315 = tpu.memref_squeeze %gather3A_1314 : memref<1x32x128xf32, #tpu.memory_space<vmem>> -> memref<32x128xf32, #tpu.memory_space<vmem>>
      %gather3A_1316 = tpu.vector_load_idx %gather3A_1315[%iota3A, %broadcast_in_dim3A_1295] : memref<32x128xf32, #tpu.memory_space<vmem>>[vector<16xi32>, vector<16xi32>], vector<16xf32>,
      %add3A_1317 = arith.constant 16 : i32
      %add3A_1318 = vector.broadcast %add3A_1317 : i32 to vector<16xi32>
      %add3A_1319 = arith.addi %iota3A, %add3A_1318 : vector<16xi32>
      %gather3A_1320 = arith.constant 0 : i32
      %gather3A_1321 = arith.constant 0 : i32
      %gather3A_1322 = arith.constant 0 : i32
      %gather3A_1323 = tpu.memref_slice %arg12[%gather3A_1320, %gather3A_1321, %gather3A_1322] : memref<8x32x128xf32, #tpu.memory_space<vmem>> -> memref<1x32x128xf32, #tpu.memory_space<vmem>>
      %gather3A_1324 = tpu.memref_squeeze %gather3A_1323 : memref<1x32x128xf32, #tpu.memory_space<vmem>> -> memref<32x128xf32, #tpu.memory_space<vmem>>
      %gather3A_1325 = tpu.vector_load_idx %gather3A_1324[%add3A_1319, %broadcast_in_dim3A_1295] : memref<32x128xf32, #tpu.memory_space<vmem>>[vector<16xi32>, vector<16xi32>], vector<16xf32>,
      %mul3A_1326 = arith.constant 16 : i32
      %mul3A_1327 = vector.broadcast %mul3A_1326 : i32 to vector<16xi32>
      %mul3A_1328 = arith.muli %iota3A, %mul3A_1327 : vector<16xi32>
      %add3A_1329 = arith.constant 8 : i32
      %add3A_1330 = vector.broadcast %add3A_1329 : i32 to vector<16xi32>
      %add3A_1331 = arith.addi %mul3A_1328, %add3A_1330 : vector<16xi32>
      %add3A_1332 = arith.constant 16 : i32
      %add3A_1333 = vector.broadcast %add3A_1332 : i32 to vector<16xi32>
      %add3A_1334 = arith.addi %iota3A, %add3A_1333 : vector<16xi32>
      %mul3A_1335 = arith.constant 16 : i32
      %mul3A_1336 = vector.broadcast %mul3A_1335 : i32 to vector<16xi32>
      %mul3A_1337 = arith.muli %add3A_1334, %mul3A_1336 : vector<16xi32>
      %add3A_1338 = arith.constant 8 : i32
      %add3A_1339 = vector.broadcast %add3A_1338 : i32 to vector<16xi32>
      %add3A_1340 = arith.addi %mul3A_1337, %add3A_1339 : vector<16xi32>
      tpu.vector_store_idx %arg13[%add3A_1331], %gather3A_1301 : memref<512xf32, #tpu.memory_space<vmem>>[vector<16xi32>], vector<16xf32>,
      tpu.vector_store_idx %arg13[%add3A_1340], %gather3A_1310 : memref<512xf32, #tpu.memory_space<vmem>>[vector<16xi32>], vector<16xf32>,
      tpu.vector_store_idx %arg14[%add3A_1331], %gather3A_1316 : memref<512xf32, #tpu.memory_space<vmem>>[vector<16xi32>], vector<16xf32>,
      tpu.vector_store_idx %arg14[%add3A_1340], %gather3A_1325 : memref<512xf32, #tpu.memory_space<vmem>>[vector<16xi32>], vector<16xf32>,
      %slice3A_1341 = vector.extract_strided_slice %scan3A_182 {offsets = [13], sizes = [1], strides = [1]} : vector<16xi32> to vector<1xi32>
      %squeeze3A_1342 = vector.extract %slice3A_1341[0] : i32 from vector<1xi32>
      %min3A_1343 = arith.constant 999999 : i32
      %min3A_1344 = arith.minsi %squeeze3A_1342, %min3A_1343 : i32
      %slice3A_1345 = vector.extract_strided_slice %scan3A_183 {offsets = [13], sizes = [1], strides = [1]} : vector<16xi32> to vector<1xi32>
      %squeeze3A_1346 = vector.extract %slice3A_1345[0] : i32 from vector<1xi32>
      %min3A_1347 = arith.constant 999999 : i32
      %min3A_1348 = arith.minsi %squeeze3A_1346, %min3A_1347 : i32
      %shift_right_arithmetic3A_1349 = arith.constant 7 : i32
      %shift_right_arithmetic3A_1350 = arith.shrsi %min3A_1344, %shift_right_arithmetic3A_1349 : i32
      %mul3A_1351 = arith.constant 128 : i32
      %mul3A_1352 = arith.muli %shift_right_arithmetic3A_1350, %mul3A_1351 : i32
      %multiple_of3A_1353 = tpu.assume_multiple %mul3A_1352, 128 : i32
      %shift_right_arithmetic3A_1354 = arith.constant 7 : i32
      %shift_right_arithmetic3A_1355 = arith.shrsi %min3A_1348, %shift_right_arithmetic3A_1354 : i32
      %mul3A_1356 = arith.constant 128 : i32
      %mul3A_1357 = arith.muli %shift_right_arithmetic3A_1355, %mul3A_1356 : i32
      %multiple_of3A_1358 = tpu.assume_multiple %mul3A_1357, 128 : i32
      %dma_start3A_1359 = arith.constant 5 : i32
      %dma_start3A_1360 = arith.constant 0 : i32
      %dma_start3A_1361 = arith.constant 0 : i32
      %dma_start3A_1362 = tpu.memref_slice %arg11[%dma_start3A_1359, %dma_start3A_1360, %dma_start3A_1361] : memref<8x32x128xf32, #tpu.memory_space<vmem>> -> memref<1x32x128xf32, #tpu.memory_space<vmem>>
      %dma_start3A_1363 = tpu.memref_squeeze %dma_start3A_1362 : memref<1x32x128xf32, #tpu.memory_space<vmem>> -> memref<32x128xf32, #tpu.memory_space<vmem>>
      %dma_start3A_1364 = arith.constant 0 : i32
      %dma_start3A_1365 = tpu.memref_slice %arg4[%dma_start3A_1364, %multiple_of3A_1353] : memref<32x1000000xf32, #tpu.memory_space<hbm>> -> memref<32x128xf32, #tpu.memory_space<hbm>>
      %dma_start3A_1366 = arith.constant 0 : i32
      %dma_start3A_1367 = arith.constant 0 : i32
      %dma_start3A_1368 = tpu.memref_slice %arg11[%dma_start3A_1359, %dma_start3A_1366, %dma_start3A_1367] : memref<8x32x128xf32, #tpu.memory_space<vmem>> -> memref<1x32x128xf32, #tpu.memory_space<vmem>>
      %dma_start3A_1369 = tpu.memref_squeeze %dma_start3A_1368 : memref<1x32x128xf32, #tpu.memory_space<vmem>> -> memref<32x128xf32, #tpu.memory_space<vmem>>
      %dma_start3A_1370 = arith.constant 0 : i32
      %dma_start3A_1371 = tpu.memref_slice %arg4[%dma_start3A_1370, %multiple_of3A_1353] : memref<32x1000000xf32, #tpu.memory_space<hbm>> -> memref<32x128xf32, #tpu.memory_space<hbm>>
      tpu.enqueue_dma source(%dma_start3A_1371 : memref<32x128xf32, #tpu.memory_space<hbm>>) target(%dma_start3A_1369 : memref<32x128xf32, #tpu.memory_space<vmem>>) target_semaphore(%arg23 : memref<!tpu.dma_semaphore, #tpu.memory_space<semaphore_mem>>)
      %dma_start3A_1372 = arith.constant 5 : i32
      %dma_start3A_1373 = arith.constant 0 : i32
      %dma_start3A_1374 = arith.constant 0 : i32
      %dma_start3A_1375 = tpu.memref_slice %arg12[%dma_start3A_1372, %dma_start3A_1373, %dma_start3A_1374] : memref<8x32x128xf32, #tpu.memory_space<vmem>> -> memref<1x32x128xf32, #tpu.memory_space<vmem>>
      %dma_start3A_1376 = tpu.memref_squeeze %dma_start3A_1375 : memref<1x32x128xf32, #tpu.memory_space<vmem>> -> memref<32x128xf32, #tpu.memory_space<vmem>>
      %dma_start3A_1377 = arith.constant 0 : i32
      %dma_start3A_1378 = tpu.memref_slice %arg5[%dma_start3A_1377, %multiple_of3A_1358] : memref<32x1000000xf32, #tpu.memory_space<hbm>> -> memref<32x128xf32, #tpu.memory_space<hbm>>
      %dma_start3A_1379 = arith.constant 0 : i32
      %dma_start3A_1380 = arith.constant 0 : i32
      %dma_start3A_1381 = tpu.memref_slice %arg12[%dma_start3A_1372, %dma_start3A_1379, %dma_start3A_1380] : memref<8x32x128xf32, #tpu.memory_space<vmem>> -> memref<1x32x128xf32, #tpu.memory_space<vmem>>
      %dma_start3A_1382 = tpu.memref_squeeze %dma_start3A_1381 : memref<1x32x128xf32, #tpu.memory_space<vmem>> -> memref<32x128xf32, #tpu.memory_space<vmem>>
      %dma_start3A_1383 = arith.constant 0 : i32
      %dma_start3A_1384 = tpu.memref_slice %arg5[%dma_start3A_1383, %multiple_of3A_1358] : memref<32x1000000xf32, #tpu.memory_space<hbm>> -> memref<32x128xf32, #tpu.memory_space<hbm>>
      tpu.enqueue_dma source(%dma_start3A_1384 : memref<32x128xf32, #tpu.memory_space<hbm>>) target(%dma_start3A_1382 : memref<32x128xf32, #tpu.memory_space<vmem>>) target_semaphore(%arg23 : memref<!tpu.dma_semaphore, #tpu.memory_space<semaphore_mem>>)
      %dma_wait3A_1385 = arith.constant 1 : i32
      %dma_wait3A_1386 = arith.constant 0 : i32
      %dma_wait3A_1387 = arith.constant 0 : i32
      %dma_wait3A_1388 = tpu.memref_slice %arg11[%dma_wait3A_1385, %dma_wait3A_1386, %dma_wait3A_1387] : memref<8x32x128xf32, #tpu.memory_space<vmem>> -> memref<1x32x128xf32, #tpu.memory_space<vmem>>
      %dma_wait3A_1389 = tpu.memref_squeeze %dma_wait3A_1388 : memref<1x32x128xf32, #tpu.memory_space<vmem>> -> memref<32x128xf32, #tpu.memory_space<vmem>>
      %dma_wait3A_1390 = arith.constant 0 : i32
      %dma_wait3A_1391 = arith.constant 0 : i32
      %dma_wait3A_1392 = tpu.memref_slice %arg4[%dma_wait3A_1390, %dma_wait3A_1391] : memref<32x1000000xf32, #tpu.memory_space<hbm>> -> memref<32x128xf32, #tpu.memory_space<hbm>>
      %dma_wait3A_1393 = arith.constant 0 : i32
      %dma_wait3A_1394 = arith.constant 0 : i32
      %dma_wait3A_1395 = tpu.memref_slice %arg11[%dma_wait3A_1385, %dma_wait3A_1393, %dma_wait3A_1394] : memref<8x32x128xf32, #tpu.memory_space<vmem>> -> memref<1x32x128xf32, #tpu.memory_space<vmem>>
      %dma_wait3A_1396 = tpu.memref_squeeze %dma_wait3A_1395 : memref<1x32x128xf32, #tpu.memory_space<vmem>> -> memref<32x128xf32, #tpu.memory_space<vmem>>
      %dma_wait3A_1397 = arith.constant 0 : i32
      %dma_wait3A_1398 = arith.constant 0 : i32
      %dma_wait3A_1399 = tpu.memref_slice %arg4[%dma_wait3A_1397, %dma_wait3A_1398] : memref<32x1000000xf32, #tpu.memory_space<hbm>> -> memref<32x128xf32, #tpu.memory_space<hbm>>
      tpu.wait_dma2 semaphore(%arg19 : memref<!tpu.dma_semaphore, #tpu.memory_space<semaphore_mem>>) src(%dma_wait3A_1399 : memref<32x128xf32, #tpu.memory_space<hbm>>) dst(%dma_wait3A_1396 : memref<32x128xf32, #tpu.memory_space<vmem>>)
      %dma_wait3A_1400 = arith.constant 1 : i32
      %dma_wait3A_1401 = arith.constant 0 : i32
      %dma_wait3A_1402 = arith.constant 0 : i32
      %dma_wait3A_1403 = tpu.memref_slice %arg12[%dma_wait3A_1400, %dma_wait3A_1401, %dma_wait3A_1402] : memref<8x32x128xf32, #tpu.memory_space<vmem>> -> memref<1x32x128xf32, #tpu.memory_space<vmem>>
      %dma_wait3A_1404 = tpu.memref_squeeze %dma_wait3A_1403 : memref<1x32x128xf32, #tpu.memory_space<vmem>> -> memref<32x128xf32, #tpu.memory_space<vmem>>
      %dma_wait3A_1405 = arith.constant 0 : i32
      %dma_wait3A_1406 = arith.constant 0 : i32
      %dma_wait3A_1407 = tpu.memref_slice %arg5[%dma_wait3A_1405, %dma_wait3A_1406] : memref<32x1000000xf32, #tpu.memory_space<hbm>> -> memref<32x128xf32, #tpu.memory_space<hbm>>
      %dma_wait3A_1408 = arith.constant 0 : i32
      %dma_wait3A_1409 = arith.constant 0 : i32
      %dma_wait3A_1410 = tpu.memref_slice %arg12[%dma_wait3A_1400, %dma_wait3A_1408, %dma_wait3A_1409] : memref<8x32x128xf32, #tpu.memory_space<vmem>> -> memref<1x32x128xf32, #tpu.memory_space<vmem>>
      %dma_wait3A_1411 = tpu.memref_squeeze %dma_wait3A_1410 : memref<1x32x128xf32, #tpu.memory_space<vmem>> -> memref<32x128xf32, #tpu.memory_space<vmem>>
      %dma_wait3A_1412 = arith.constant 0 : i32
      %dma_wait3A_1413 = arith.constant 0 : i32
      %dma_wait3A_1414 = tpu.memref_slice %arg5[%dma_wait3A_1412, %dma_wait3A_1413] : memref<32x1000000xf32, #tpu.memory_space<hbm>> -> memref<32x128xf32, #tpu.memory_space<hbm>>
      tpu.wait_dma2 semaphore(%arg19 : memref<!tpu.dma_semaphore, #tpu.memory_space<semaphore_mem>>) src(%dma_wait3A_1414 : memref<32x128xf32, #tpu.memory_space<hbm>>) dst(%dma_wait3A_1411 : memref<32x128xf32, #tpu.memory_space<vmem>>)
      %slice3A_1415 = vector.extract_strided_slice %scan3A_182 {offsets = [9], sizes = [1], strides = [1]} : vector<16xi32> to vector<1xi32>
      %squeeze3A_1416 = vector.extract %slice3A_1415[0] : i32 from vector<1xi32>
      %and3A_1417 = arith.constant 127 : i32
      %and3A_1418 = arith.andi %squeeze3A_1416, %and3A_1417 : i32
      %broadcast_in_dim3A_1419 = vector.broadcast %and3A_1418 : i32 to vector<16xi32>
      %slice3A_1420 = vector.extract_strided_slice %scan3A_183 {offsets = [9], sizes = [1], strides = [1]} : vector<16xi32> to vector<1xi32>
      %squeeze3A_1421 = vector.extract %slice3A_1420[0] : i32 from vector<1xi32>
      %and3A_1422 = arith.constant 127 : i32
      %and3A_1423 = arith.andi %squeeze3A_1421, %and3A_1422 : i32
      %broadcast_in_dim3A_1424 = vector.broadcast %and3A_1423 : i32 to vector<16xi32>
      %gather3A_1425 = arith.constant 1 : i32
      %gather3A_1426 = arith.constant 0 : i32
      %gather3A_1427 = arith.constant 0 : i32
      %gather3A_1428 = tpu.memref_slice %arg11[%gather3A_1425, %gather3A_1426, %gather3A_1427] : memref<8x32x128xf32, #tpu.memory_space<vmem>> -> memref<1x32x128xf32, #tpu.memory_space<vmem>>
      %gather3A_1429 = tpu.memref_squeeze %gather3A_1428 : memref<1x32x128xf32, #tpu.memory_space<vmem>> -> memref<32x128xf32, #tpu.memory_space<vmem>>
      %gather3A_1430 = tpu.vector_load_idx %gather3A_1429[%iota3A, %broadcast_in_dim3A_1419] : memref<32x128xf32, #tpu.memory_space<vmem>>[vector<16xi32>, vector<16xi32>], vector<16xf32>,
      %add3A_1431 = arith.constant 16 : i32
      %add3A_1432 = vector.broadcast %add3A_1431 : i32 to vector<16xi32>
      %add3A_1433 = arith.addi %iota3A, %add3A_1432 : vector<16xi32>
      %gather3A_1434 = arith.constant 1 : i32
      %gather3A_1435 = arith.constant 0 : i32
      %gather3A_1436 = arith.constant 0 : i32
      %gather3A_1437 = tpu.memref_slice %arg11[%gather3A_1434, %gather3A_1435, %gather3A_1436] : memref<8x32x128xf32, #tpu.memory_space<vmem>> -> memref<1x32x128xf32, #tpu.memory_space<vmem>>
      %gather3A_1438 = tpu.memref_squeeze %gather3A_1437 : memref<1x32x128xf32, #tpu.memory_space<vmem>> -> memref<32x128xf32, #tpu.memory_space<vmem>>
      %gather3A_1439 = tpu.vector_load_idx %gather3A_1438[%add3A_1433, %broadcast_in_dim3A_1419] : memref<32x128xf32, #tpu.memory_space<vmem>>[vector<16xi32>, vector<16xi32>], vector<16xf32>,
      %gather3A_1440 = arith.constant 1 : i32
      %gather3A_1441 = arith.constant 0 : i32
      %gather3A_1442 = arith.constant 0 : i32
      %gather3A_1443 = tpu.memref_slice %arg12[%gather3A_1440, %gather3A_1441, %gather3A_1442] : memref<8x32x128xf32, #tpu.memory_space<vmem>> -> memref<1x32x128xf32, #tpu.memory_space<vmem>>
      %gather3A_1444 = tpu.memref_squeeze %gather3A_1443 : memref<1x32x128xf32, #tpu.memory_space<vmem>> -> memref<32x128xf32, #tpu.memory_space<vmem>>
      %gather3A_1445 = tpu.vector_load_idx %gather3A_1444[%iota3A, %broadcast_in_dim3A_1424] : memref<32x128xf32, #tpu.memory_space<vmem>>[vector<16xi32>, vector<16xi32>], vector<16xf32>,
      %add3A_1446 = arith.constant 16 : i32
      %add3A_1447 = vector.broadcast %add3A_1446 : i32 to vector<16xi32>
      %add3A_1448 = arith.addi %iota3A, %add3A_1447 : vector<16xi32>
      %gather3A_1449 = arith.constant 1 : i32
      %gather3A_1450 = arith.constant 0 : i32
      %gather3A_1451 = arith.constant 0 : i32
      %gather3A_1452 = tpu.memref_slice %arg12[%gather3A_1449, %gather3A_1450, %gather3A_1451] : memref<8x32x128xf32, #tpu.memory_space<vmem>> -> memref<1x32x128xf32, #tpu.memory_space<vmem>>
      %gather3A_1453 = tpu.memref_squeeze %gather3A_1452 : memref<1x32x128xf32, #tpu.memory_space<vmem>> -> memref<32x128xf32, #tpu.memory_space<vmem>>
      %gather3A_1454 = tpu.vector_load_idx %gather3A_1453[%add3A_1448, %broadcast_in_dim3A_1424] : memref<32x128xf32, #tpu.memory_space<vmem>>[vector<16xi32>, vector<16xi32>], vector<16xf32>,
      %mul3A_1455 = arith.constant 16 : i32
      %mul3A_1456 = vector.broadcast %mul3A_1455 : i32 to vector<16xi32>
      %mul3A_1457 = arith.muli %iota3A, %mul3A_1456 : vector<16xi32>
      %add3A_1458 = arith.constant 9 : i32
      %add3A_1459 = vector.broadcast %add3A_1458 : i32 to vector<16xi32>
      %add3A_1460 = arith.addi %mul3A_1457, %add3A_1459 : vector<16xi32>
      %add3A_1461 = arith.constant 16 : i32
      %add3A_1462 = vector.broadcast %add3A_1461 : i32 to vector<16xi32>
      %add3A_1463 = arith.addi %iota3A, %add3A_1462 : vector<16xi32>
      %mul3A_1464 = arith.constant 16 : i32
      %mul3A_1465 = vector.broadcast %mul3A_1464 : i32 to vector<16xi32>
      %mul3A_1466 = arith.muli %add3A_1463, %mul3A_1465 : vector<16xi32>
      %add3A_1467 = arith.constant 9 : i32
      %add3A_1468 = vector.broadcast %add3A_1467 : i32 to vector<16xi32>
      %add3A_1469 = arith.addi %mul3A_1466, %add3A_1468 : vector<16xi32>
      tpu.vector_store_idx %arg13[%add3A_1460], %gather3A_1430 : memref<512xf32, #tpu.memory_space<vmem>>[vector<16xi32>], vector<16xf32>,
      tpu.vector_store_idx %arg13[%add3A_1469], %gather3A_1439 : memref<512xf32, #tpu.memory_space<vmem>>[vector<16xi32>], vector<16xf32>,
      tpu.vector_store_idx %arg14[%add3A_1460], %gather3A_1445 : memref<512xf32, #tpu.memory_space<vmem>>[vector<16xi32>], vector<16xf32>,
      tpu.vector_store_idx %arg14[%add3A_1469], %gather3A_1454 : memref<512xf32, #tpu.memory_space<vmem>>[vector<16xi32>], vector<16xf32>,
      %slice3A_1470 = vector.extract_strided_slice %scan3A_182 {offsets = [14], sizes = [1], strides = [1]} : vector<16xi32> to vector<1xi32>
      %squeeze3A_1471 = vector.extract %slice3A_1470[0] : i32 from vector<1xi32>
      %min3A_1472 = arith.constant 999999 : i32
      %min3A_1473 = arith.minsi %squeeze3A_1471, %min3A_1472 : i32
      %slice3A_1474 = vector.extract_strided_slice %scan3A_183 {offsets = [14], sizes = [1], strides = [1]} : vector<16xi32> to vector<1xi32>
      %squeeze3A_1475 = vector.extract %slice3A_1474[0] : i32 from vector<1xi32>
      %min3A_1476 = arith.constant 999999 : i32
      %min3A_1477 = arith.minsi %squeeze3A_1475, %min3A_1476 : i32
      %shift_right_arithmetic3A_1478 = arith.constant 7 : i32
      %shift_right_arithmetic3A_1479 = arith.shrsi %min3A_1473, %shift_right_arithmetic3A_1478 : i32
      %mul3A_1480 = arith.constant 128 : i32
      %mul3A_1481 = arith.muli %shift_right_arithmetic3A_1479, %mul3A_1480 : i32
      %multiple_of3A_1482 = tpu.assume_multiple %mul3A_1481, 128 : i32
      %shift_right_arithmetic3A_1483 = arith.constant 7 : i32
      %shift_right_arithmetic3A_1484 = arith.shrsi %min3A_1477, %shift_right_arithmetic3A_1483 : i32
      %mul3A_1485 = arith.constant 128 : i32
      %mul3A_1486 = arith.muli %shift_right_arithmetic3A_1484, %mul3A_1485 : i32
      %multiple_of3A_1487 = tpu.assume_multiple %mul3A_1486, 128 : i32
      %dma_start3A_1488 = arith.constant 6 : i32
      %dma_start3A_1489 = arith.constant 0 : i32
      %dma_start3A_1490 = arith.constant 0 : i32
      %dma_start3A_1491 = tpu.memref_slice %arg11[%dma_start3A_1488, %dma_start3A_1489, %dma_start3A_1490] : memref<8x32x128xf32, #tpu.memory_space<vmem>> -> memref<1x32x128xf32, #tpu.memory_space<vmem>>
      %dma_start3A_1492 = tpu.memref_squeeze %dma_start3A_1491 : memref<1x32x128xf32, #tpu.memory_space<vmem>> -> memref<32x128xf32, #tpu.memory_space<vmem>>
      %dma_start3A_1493 = arith.constant 0 : i32
      %dma_start3A_1494 = tpu.memref_slice %arg4[%dma_start3A_1493, %multiple_of3A_1482] : memref<32x1000000xf32, #tpu.memory_space<hbm>> -> memref<32x128xf32, #tpu.memory_space<hbm>>
      %dma_start3A_1495 = arith.constant 0 : i32
      %dma_start3A_1496 = arith.constant 0 : i32
      %dma_start3A_1497 = tpu.memref_slice %arg11[%dma_start3A_1488, %dma_start3A_1495, %dma_start3A_1496] : memref<8x32x128xf32, #tpu.memory_space<vmem>> -> memref<1x32x128xf32, #tpu.memory_space<vmem>>
      %dma_start3A_1498 = tpu.memref_squeeze %dma_start3A_1497 : memref<1x32x128xf32, #tpu.memory_space<vmem>> -> memref<32x128xf32, #tpu.memory_space<vmem>>
      %dma_start3A_1499 = arith.constant 0 : i32
      %dma_start3A_1500 = tpu.memref_slice %arg4[%dma_start3A_1499, %multiple_of3A_1482] : memref<32x1000000xf32, #tpu.memory_space<hbm>> -> memref<32x128xf32, #tpu.memory_space<hbm>>
      tpu.enqueue_dma source(%dma_start3A_1500 : memref<32x128xf32, #tpu.memory_space<hbm>>) target(%dma_start3A_1498 : memref<32x128xf32, #tpu.memory_space<vmem>>) target_semaphore(%arg24 : memref<!tpu.dma_semaphore, #tpu.memory_space<semaphore_mem>>)
      %dma_start3A_1501 = arith.constant 6 : i32
      %dma_start3A_1502 = arith.constant 0 : i32
      %dma_start3A_1503 = arith.constant 0 : i32
      %dma_start3A_1504 = tpu.memref_slice %arg12[%dma_start3A_1501, %dma_start3A_1502, %dma_start3A_1503] : memref<8x32x128xf32, #tpu.memory_space<vmem>> -> memref<1x32x128xf32, #tpu.memory_space<vmem>>
      %dma_start3A_1505 = tpu.memref_squeeze %dma_start3A_1504 : memref<1x32x128xf32, #tpu.memory_space<vmem>> -> memref<32x128xf32, #tpu.memory_space<vmem>>
      %dma_start3A_1506 = arith.constant 0 : i32
      %dma_start3A_1507 = tpu.memref_slice %arg5[%dma_start3A_1506, %multiple_of3A_1487] : memref<32x1000000xf32, #tpu.memory_space<hbm>> -> memref<32x128xf32, #tpu.memory_space<hbm>>
      %dma_start3A_1508 = arith.constant 0 : i32
      %dma_start3A_1509 = arith.constant 0 : i32
      %dma_start3A_1510 = tpu.memref_slice %arg12[%dma_start3A_1501, %dma_start3A_1508, %dma_start3A_1509] : memref<8x32x128xf32, #tpu.memory_space<vmem>> -> memref<1x32x128xf32, #tpu.memory_space<vmem>>
      %dma_start3A_1511 = tpu.memref_squeeze %dma_start3A_1510 : memref<1x32x128xf32, #tpu.memory_space<vmem>> -> memref<32x128xf32, #tpu.memory_space<vmem>>
      %dma_start3A_1512 = arith.constant 0 : i32
      %dma_start3A_1513 = tpu.memref_slice %arg5[%dma_start3A_1512, %multiple_of3A_1487] : memref<32x1000000xf32, #tpu.memory_space<hbm>> -> memref<32x128xf32, #tpu.memory_space<hbm>>
      tpu.enqueue_dma source(%dma_start3A_1513 : memref<32x128xf32, #tpu.memory_space<hbm>>) target(%dma_start3A_1511 : memref<32x128xf32, #tpu.memory_space<vmem>>) target_semaphore(%arg24 : memref<!tpu.dma_semaphore, #tpu.memory_space<semaphore_mem>>)
      %dma_wait3A_1514 = arith.constant 2 : i32
      %dma_wait3A_1515 = arith.constant 0 : i32
      %dma_wait3A_1516 = arith.constant 0 : i32
      %dma_wait3A_1517 = tpu.memref_slice %arg11[%dma_wait3A_1514, %dma_wait3A_1515, %dma_wait3A_1516] : memref<8x32x128xf32, #tpu.memory_space<vmem>> -> memref<1x32x128xf32, #tpu.memory_space<vmem>>
      %dma_wait3A_1518 = tpu.memref_squeeze %dma_wait3A_1517 : memref<1x32x128xf32, #tpu.memory_space<vmem>> -> memref<32x128xf32, #tpu.memory_space<vmem>>
      %dma_wait3A_1519 = arith.constant 0 : i32
      %dma_wait3A_1520 = arith.constant 0 : i32
      %dma_wait3A_1521 = tpu.memref_slice %arg4[%dma_wait3A_1519, %dma_wait3A_1520] : memref<32x1000000xf32, #tpu.memory_space<hbm>> -> memref<32x128xf32, #tpu.memory_space<hbm>>
      %dma_wait3A_1522 = arith.constant 0 : i32
      %dma_wait3A_1523 = arith.constant 0 : i32
      %dma_wait3A_1524 = tpu.memref_slice %arg11[%dma_wait3A_1514, %dma_wait3A_1522, %dma_wait3A_1523] : memref<8x32x128xf32, #tpu.memory_space<vmem>> -> memref<1x32x128xf32, #tpu.memory_space<vmem>>
      %dma_wait3A_1525 = tpu.memref_squeeze %dma_wait3A_1524 : memref<1x32x128xf32, #tpu.memory_space<vmem>> -> memref<32x128xf32, #tpu.memory_space<vmem>>
      %dma_wait3A_1526 = arith.constant 0 : i32
      %dma_wait3A_1527 = arith.constant 0 : i32
      %dma_wait3A_1528 = tpu.memref_slice %arg4[%dma_wait3A_1526, %dma_wait3A_1527] : memref<32x1000000xf32, #tpu.memory_space<hbm>> -> memref<32x128xf32, #tpu.memory_space<hbm>>
      tpu.wait_dma2 semaphore(%arg20 : memref<!tpu.dma_semaphore, #tpu.memory_space<semaphore_mem>>) src(%dma_wait3A_1528 : memref<32x128xf32, #tpu.memory_space<hbm>>) dst(%dma_wait3A_1525 : memref<32x128xf32, #tpu.memory_space<vmem>>)
      %dma_wait3A_1529 = arith.constant 2 : i32
      %dma_wait3A_1530 = arith.constant 0 : i32
      %dma_wait3A_1531 = arith.constant 0 : i32
      %dma_wait3A_1532 = tpu.memref_slice %arg12[%dma_wait3A_1529, %dma_wait3A_1530, %dma_wait3A_1531] : memref<8x32x128xf32, #tpu.memory_space<vmem>> -> memref<1x32x128xf32, #tpu.memory_space<vmem>>
      %dma_wait3A_1533 = tpu.memref_squeeze %dma_wait3A_1532 : memref<1x32x128xf32, #tpu.memory_space<vmem>> -> memref<32x128xf32, #tpu.memory_space<vmem>>
      %dma_wait3A_1534 = arith.constant 0 : i32
      %dma_wait3A_1535 = arith.constant 0 : i32
      %dma_wait3A_1536 = tpu.memref_slice %arg5[%dma_wait3A_1534, %dma_wait3A_1535] : memref<32x1000000xf32, #tpu.memory_space<hbm>> -> memref<32x128xf32, #tpu.memory_space<hbm>>
      %dma_wait3A_1537 = arith.constant 0 : i32
      %dma_wait3A_1538 = arith.constant 0 : i32
      %dma_wait3A_1539 = tpu.memref_slice %arg12[%dma_wait3A_1529, %dma_wait3A_1537, %dma_wait3A_1538] : memref<8x32x128xf32, #tpu.memory_space<vmem>> -> memref<1x32x128xf32, #tpu.memory_space<vmem>>
      %dma_wait3A_1540 = tpu.memref_squeeze %dma_wait3A_1539 : memref<1x32x128xf32, #tpu.memory_space<vmem>> -> memref<32x128xf32, #tpu.memory_space<vmem>>
      %dma_wait3A_1541 = arith.constant 0 : i32
      %dma_wait3A_1542 = arith.constant 0 : i32
      %dma_wait3A_1543 = tpu.memref_slice %arg5[%dma_wait3A_1541, %dma_wait3A_1542] : memref<32x1000000xf32, #tpu.memory_space<hbm>> -> memref<32x128xf32, #tpu.memory_space<hbm>>
      tpu.wait_dma2 semaphore(%arg20 : memref<!tpu.dma_semaphore, #tpu.memory_space<semaphore_mem>>) src(%dma_wait3A_1543 : memref<32x128xf32, #tpu.memory_space<hbm>>) dst(%dma_wait3A_1540 : memref<32x128xf32, #tpu.memory_space<vmem>>)
      %slice3A_1544 = vector.extract_strided_slice %scan3A_182 {offsets = [10], sizes = [1], strides = [1]} : vector<16xi32> to vector<1xi32>
      %squeeze3A_1545 = vector.extract %slice3A_1544[0] : i32 from vector<1xi32>
      %and3A_1546 = arith.constant 127 : i32
      %and3A_1547 = arith.andi %squeeze3A_1545, %and3A_1546 : i32
      %broadcast_in_dim3A_1548 = vector.broadcast %and3A_1547 : i32 to vector<16xi32>
      %slice3A_1549 = vector.extract_strided_slice %scan3A_183 {offsets = [10], sizes = [1], strides = [1]} : vector<16xi32> to vector<1xi32>
      %squeeze3A_1550 = vector.extract %slice3A_1549[0] : i32 from vector<1xi32>
      %and3A_1551 = arith.constant 127 : i32
      %and3A_1552 = arith.andi %squeeze3A_1550, %and3A_1551 : i32
      %broadcast_in_dim3A_1553 = vector.broadcast %and3A_1552 : i32 to vector<16xi32>
      %gather3A_1554 = arith.constant 2 : i32
      %gather3A_1555 = arith.constant 0 : i32
      %gather3A_1556 = arith.constant 0 : i32
      %gather3A_1557 = tpu.memref_slice %arg11[%gather3A_1554, %gather3A_1555, %gather3A_1556] : memref<8x32x128xf32, #tpu.memory_space<vmem>> -> memref<1x32x128xf32, #tpu.memory_space<vmem>>
      %gather3A_1558 = tpu.memref_squeeze %gather3A_1557 : memref<1x32x128xf32, #tpu.memory_space<vmem>> -> memref<32x128xf32, #tpu.memory_space<vmem>>
      %gather3A_1559 = tpu.vector_load_idx %gather3A_1558[%iota3A, %broadcast_in_dim3A_1548] : memref<32x128xf32, #tpu.memory_space<vmem>>[vector<16xi32>, vector<16xi32>], vector<16xf32>,
      %add3A_1560 = arith.constant 16 : i32
      %add3A_1561 = vector.broadcast %add3A_1560 : i32 to vector<16xi32>
      %add3A_1562 = arith.addi %iota3A, %add3A_1561 : vector<16xi32>
      %gather3A_1563 = arith.constant 2 : i32
      %gather3A_1564 = arith.constant 0 : i32
      %gather3A_1565 = arith.constant 0 : i32
      %gather3A_1566 = tpu.memref_slice %arg11[%gather3A_1563, %gather3A_1564, %gather3A_1565] : memref<8x32x128xf32, #tpu.memory_space<vmem>> -> memref<1x32x128xf32, #tpu.memory_space<vmem>>
      %gather3A_1567 = tpu.memref_squeeze %gather3A_1566 : memref<1x32x128xf32, #tpu.memory_space<vmem>> -> memref<32x128xf32, #tpu.memory_space<vmem>>
      %gather3A_1568 = tpu.vector_load_idx %gather3A_1567[%add3A_1562, %broadcast_in_dim3A_1548] : memref<32x128xf32, #tpu.memory_space<vmem>>[vector<16xi32>, vector<16xi32>], vector<16xf32>,
      %gather3A_1569 = arith.constant 2 : i32
      %gather3A_1570 = arith.constant 0 : i32
      %gather3A_1571 = arith.constant 0 : i32
      %gather3A_1572 = tpu.memref_slice %arg12[%gather3A_1569, %gather3A_1570, %gather3A_1571] : memref<8x32x128xf32, #tpu.memory_space<vmem>> -> memref<1x32x128xf32, #tpu.memory_space<vmem>>
      %gather3A_1573 = tpu.memref_squeeze %gather3A_1572 : memref<1x32x128xf32, #tpu.memory_space<vmem>> -> memref<32x128xf32, #tpu.memory_space<vmem>>
      %gather3A_1574 = tpu.vector_load_idx %gather3A_1573[%iota3A, %broadcast_in_dim3A_1553] : memref<32x128xf32, #tpu.memory_space<vmem>>[vector<16xi32>, vector<16xi32>], vector<16xf32>,
      %add3A_1575 = arith.constant 16 : i32
      %add3A_1576 = vector.broadcast %add3A_1575 : i32 to vector<16xi32>
      %add3A_1577 = arith.addi %iota3A, %add3A_1576 : vector<16xi32>
      %gather3A_1578 = arith.constant 2 : i32
      %gather3A_1579 = arith.constant 0 : i32
      %gather3A_1580 = arith.constant 0 : i32
      %gather3A_1581 = tpu.memref_slice %arg12[%gather3A_1578, %gather3A_1579, %gather3A_1580] : memref<8x32x128xf32, #tpu.memory_space<vmem>> -> memref<1x32x128xf32, #tpu.memory_space<vmem>>
      %gather3A_1582 = tpu.memref_squeeze %gather3A_1581 : memref<1x32x128xf32, #tpu.memory_space<vmem>> -> memref<32x128xf32, #tpu.memory_space<vmem>>
      %gather3A_1583 = tpu.vector_load_idx %gather3A_1582[%add3A_1577, %broadcast_in_dim3A_1553] : memref<32x128xf32, #tpu.memory_space<vmem>>[vector<16xi32>, vector<16xi32>], vector<16xf32>,
      %mul3A_1584 = arith.constant 16 : i32
      %mul3A_1585 = vector.broadcast %mul3A_1584 : i32 to vector<16xi32>
      %mul3A_1586 = arith.muli %iota3A, %mul3A_1585 : vector<16xi32>
      %add3A_1587 = arith.constant 10 : i32
      %add3A_1588 = vector.broadcast %add3A_1587 : i32 to vector<16xi32>
      %add3A_1589 = arith.addi %mul3A_1586, %add3A_1588 : vector<16xi32>
      %add3A_1590 = arith.constant 16 : i32
      %add3A_1591 = vector.broadcast %add3A_1590 : i32 to vector<16xi32>
      %add3A_1592 = arith.addi %iota3A, %add3A_1591 : vector<16xi32>
      %mul3A_1593 = arith.constant 16 : i32
      %mul3A_1594 = vector.broadcast %mul3A_1593 : i32 to vector<16xi32>
      %mul3A_1595 = arith.muli %add3A_1592, %mul3A_1594 : vector<16xi32>
      %add3A_1596 = arith.constant 10 : i32
      %add3A_1597 = vector.broadcast %add3A_1596 : i32 to vector<16xi32>
      %add3A_1598 = arith.addi %mul3A_1595, %add3A_1597 : vector<16xi32>
      tpu.vector_store_idx %arg13[%add3A_1589], %gather3A_1559 : memref<512xf32, #tpu.memory_space<vmem>>[vector<16xi32>], vector<16xf32>,
      tpu.vector_store_idx %arg13[%add3A_1598], %gather3A_1568 : memref<512xf32, #tpu.memory_space<vmem>>[vector<16xi32>], vector<16xf32>,
      tpu.vector_store_idx %arg14[%add3A_1589], %gather3A_1574 : memref<512xf32, #tpu.memory_space<vmem>>[vector<16xi32>], vector<16xf32>,
      tpu.vector_store_idx %arg14[%add3A_1598], %gather3A_1583 : memref<512xf32, #tpu.memory_space<vmem>>[vector<16xi32>], vector<16xf32>,
      %slice3A_1599 = vector.extract_strided_slice %scan3A_182 {offsets = [15], sizes = [1], strides = [1]} : vector<16xi32> to vector<1xi32>
      %squeeze3A_1600 = vector.extract %slice3A_1599[0] : i32 from vector<1xi32>
      %min3A_1601 = arith.constant 999999 : i32
      %min3A_1602 = arith.minsi %squeeze3A_1600, %min3A_1601 : i32
      %slice3A_1603 = vector.extract_strided_slice %scan3A_183 {offsets = [15], sizes = [1], strides = [1]} : vector<16xi32> to vector<1xi32>
      %squeeze3A_1604 = vector.extract %slice3A_1603[0] : i32 from vector<1xi32>
      %min3A_1605 = arith.constant 999999 : i32
      %min3A_1606 = arith.minsi %squeeze3A_1604, %min3A_1605 : i32
      %shift_right_arithmetic3A_1607 = arith.constant 7 : i32
      %shift_right_arithmetic3A_1608 = arith.shrsi %min3A_1602, %shift_right_arithmetic3A_1607 : i32
      %mul3A_1609 = arith.constant 128 : i32
      %mul3A_1610 = arith.muli %shift_right_arithmetic3A_1608, %mul3A_1609 : i32
      %multiple_of3A_1611 = tpu.assume_multiple %mul3A_1610, 128 : i32
      %shift_right_arithmetic3A_1612 = arith.constant 7 : i32
      %shift_right_arithmetic3A_1613 = arith.shrsi %min3A_1606, %shift_right_arithmetic3A_1612 : i32
      %mul3A_1614 = arith.constant 128 : i32
      %mul3A_1615 = arith.muli %shift_right_arithmetic3A_1613, %mul3A_1614 : i32
      %multiple_of3A_1616 = tpu.assume_multiple %mul3A_1615, 128 : i32
      %dma_start3A_1617 = arith.constant 7 : i32
      %dma_start3A_1618 = arith.constant 0 : i32
      %dma_start3A_1619 = arith.constant 0 : i32
      %dma_start3A_1620 = tpu.memref_slice %arg11[%dma_start3A_1617, %dma_start3A_1618, %dma_start3A_1619] : memref<8x32x128xf32, #tpu.memory_space<vmem>> -> memref<1x32x128xf32, #tpu.memory_space<vmem>>
      %dma_start3A_1621 = tpu.memref_squeeze %dma_start3A_1620 : memref<1x32x128xf32, #tpu.memory_space<vmem>> -> memref<32x128xf32, #tpu.memory_space<vmem>>
      %dma_start3A_1622 = arith.constant 0 : i32
      %dma_start3A_1623 = tpu.memref_slice %arg4[%dma_start3A_1622, %multiple_of3A_1611] : memref<32x1000000xf32, #tpu.memory_space<hbm>> -> memref<32x128xf32, #tpu.memory_space<hbm>>
      %dma_start3A_1624 = arith.constant 0 : i32
      %dma_start3A_1625 = arith.constant 0 : i32
      %dma_start3A_1626 = tpu.memref_slice %arg11[%dma_start3A_1617, %dma_start3A_1624, %dma_start3A_1625] : memref<8x32x128xf32, #tpu.memory_space<vmem>> -> memref<1x32x128xf32, #tpu.memory_space<vmem>>
      %dma_start3A_1627 = tpu.memref_squeeze %dma_start3A_1626 : memref<1x32x128xf32, #tpu.memory_space<vmem>> -> memref<32x128xf32, #tpu.memory_space<vmem>>
      %dma_start3A_1628 = arith.constant 0 : i32
      %dma_start3A_1629 = tpu.memref_slice %arg4[%dma_start3A_1628, %multiple_of3A_1611] : memref<32x1000000xf32, #tpu.memory_space<hbm>> -> memref<32x128xf32, #tpu.memory_space<hbm>>
      tpu.enqueue_dma source(%dma_start3A_1629 : memref<32x128xf32, #tpu.memory_space<hbm>>) target(%dma_start3A_1627 : memref<32x128xf32, #tpu.memory_space<vmem>>) target_semaphore(%arg25 : memref<!tpu.dma_semaphore, #tpu.memory_space<semaphore_mem>>)
      %dma_start3A_1630 = arith.constant 7 : i32
      %dma_start3A_1631 = arith.constant 0 : i32
      %dma_start3A_1632 = arith.constant 0 : i32
      %dma_start3A_1633 = tpu.memref_slice %arg12[%dma_start3A_1630, %dma_start3A_1631, %dma_start3A_1632] : memref<8x32x128xf32, #tpu.memory_space<vmem>> -> memref<1x32x128xf32, #tpu.memory_space<vmem>>
      %dma_start3A_1634 = tpu.memref_squeeze %dma_start3A_1633 : memref<1x32x128xf32, #tpu.memory_space<vmem>> -> memref<32x128xf32, #tpu.memory_space<vmem>>
      %dma_start3A_1635 = arith.constant 0 : i32
      %dma_start3A_1636 = tpu.memref_slice %arg5[%dma_start3A_1635, %multiple_of3A_1616] : memref<32x1000000xf32, #tpu.memory_space<hbm>> -> memref<32x128xf32, #tpu.memory_space<hbm>>
      %dma_start3A_1637 = arith.constant 0 : i32
      %dma_start3A_1638 = arith.constant 0 : i32
      %dma_start3A_1639 = tpu.memref_slice %arg12[%dma_start3A_1630, %dma_start3A_1637, %dma_start3A_1638] : memref<8x32x128xf32, #tpu.memory_space<vmem>> -> memref<1x32x128xf32, #tpu.memory_space<vmem>>
      %dma_start3A_1640 = tpu.memref_squeeze %dma_start3A_1639 : memref<1x32x128xf32, #tpu.memory_space<vmem>> -> memref<32x128xf32, #tpu.memory_space<vmem>>
      %dma_start3A_1641 = arith.constant 0 : i32
      %dma_start3A_1642 = tpu.memref_slice %arg5[%dma_start3A_1641, %multiple_of3A_1616] : memref<32x1000000xf32, #tpu.memory_space<hbm>> -> memref<32x128xf32, #tpu.memory_space<hbm>>
      tpu.enqueue_dma source(%dma_start3A_1642 : memref<32x128xf32, #tpu.memory_space<hbm>>) target(%dma_start3A_1640 : memref<32x128xf32, #tpu.memory_space<vmem>>) target_semaphore(%arg25 : memref<!tpu.dma_semaphore, #tpu.memory_space<semaphore_mem>>)
      %dma_wait3A_1643 = arith.constant 3 : i32
      %dma_wait3A_1644 = arith.constant 0 : i32
      %dma_wait3A_1645 = arith.constant 0 : i32
      %dma_wait3A_1646 = tpu.memref_slice %arg11[%dma_wait3A_1643, %dma_wait3A_1644, %dma_wait3A_1645] : memref<8x32x128xf32, #tpu.memory_space<vmem>> -> memref<1x32x128xf32, #tpu.memory_space<vmem>>
      %dma_wait3A_1647 = tpu.memref_squeeze %dma_wait3A_1646 : memref<1x32x128xf32, #tpu.memory_space<vmem>> -> memref<32x128xf32, #tpu.memory_space<vmem>>
      %dma_wait3A_1648 = arith.constant 0 : i32
      %dma_wait3A_1649 = arith.constant 0 : i32
      %dma_wait3A_1650 = tpu.memref_slice %arg4[%dma_wait3A_1648, %dma_wait3A_1649] : memref<32x1000000xf32, #tpu.memory_space<hbm>> -> memref<32x128xf32, #tpu.memory_space<hbm>>
      %dma_wait3A_1651 = arith.constant 0 : i32
      %dma_wait3A_1652 = arith.constant 0 : i32
      %dma_wait3A_1653 = tpu.memref_slice %arg11[%dma_wait3A_1643, %dma_wait3A_1651, %dma_wait3A_1652] : memref<8x32x128xf32, #tpu.memory_space<vmem>> -> memref<1x32x128xf32, #tpu.memory_space<vmem>>
      %dma_wait3A_1654 = tpu.memref_squeeze %dma_wait3A_1653 : memref<1x32x128xf32, #tpu.memory_space<vmem>> -> memref<32x128xf32, #tpu.memory_space<vmem>>
      %dma_wait3A_1655 = arith.constant 0 : i32
      %dma_wait3A_1656 = arith.constant 0 : i32
      %dma_wait3A_1657 = tpu.memref_slice %arg4[%dma_wait3A_1655, %dma_wait3A_1656] : memref<32x1000000xf32, #tpu.memory_space<hbm>> -> memref<32x128xf32, #tpu.memory_space<hbm>>
      tpu.wait_dma2 semaphore(%arg21 : memref<!tpu.dma_semaphore, #tpu.memory_space<semaphore_mem>>) src(%dma_wait3A_1657 : memref<32x128xf32, #tpu.memory_space<hbm>>) dst(%dma_wait3A_1654 : memref<32x128xf32, #tpu.memory_space<vmem>>)
      %dma_wait3A_1658 = arith.constant 3 : i32
      %dma_wait3A_1659 = arith.constant 0 : i32
      %dma_wait3A_1660 = arith.constant 0 : i32
      %dma_wait3A_1661 = tpu.memref_slice %arg12[%dma_wait3A_1658, %dma_wait3A_1659, %dma_wait3A_1660] : memref<8x32x128xf32, #tpu.memory_space<vmem>> -> memref<1x32x128xf32, #tpu.memory_space<vmem>>
      %dma_wait3A_1662 = tpu.memref_squeeze %dma_wait3A_1661 : memref<1x32x128xf32, #tpu.memory_space<vmem>> -> memref<32x128xf32, #tpu.memory_space<vmem>>
      %dma_wait3A_1663 = arith.constant 0 : i32
      %dma_wait3A_1664 = arith.constant 0 : i32
      %dma_wait3A_1665 = tpu.memref_slice %arg5[%dma_wait3A_1663, %dma_wait3A_1664] : memref<32x1000000xf32, #tpu.memory_space<hbm>> -> memref<32x128xf32, #tpu.memory_space<hbm>>
      %dma_wait3A_1666 = arith.constant 0 : i32
      %dma_wait3A_1667 = arith.constant 0 : i32
      %dma_wait3A_1668 = tpu.memref_slice %arg12[%dma_wait3A_1658, %dma_wait3A_1666, %dma_wait3A_1667] : memref<8x32x128xf32, #tpu.memory_space<vmem>> -> memref<1x32x128xf32, #tpu.memory_space<vmem>>
      %dma_wait3A_1669 = tpu.memref_squeeze %dma_wait3A_1668 : memref<1x32x128xf32, #tpu.memory_space<vmem>> -> memref<32x128xf32, #tpu.memory_space<vmem>>
      %dma_wait3A_1670 = arith.constant 0 : i32
      %dma_wait3A_1671 = arith.constant 0 : i32
      %dma_wait3A_1672 = tpu.memref_slice %arg5[%dma_wait3A_1670, %dma_wait3A_1671] : memref<32x1000000xf32, #tpu.memory_space<hbm>> -> memref<32x128xf32, #tpu.memory_space<hbm>>
      tpu.wait_dma2 semaphore(%arg21 : memref<!tpu.dma_semaphore, #tpu.memory_space<semaphore_mem>>) src(%dma_wait3A_1672 : memref<32x128xf32, #tpu.memory_space<hbm>>) dst(%dma_wait3A_1669 : memref<32x128xf32, #tpu.memory_space<vmem>>)
      %slice3A_1673 = vector.extract_strided_slice %scan3A_182 {offsets = [11], sizes = [1], strides = [1]} : vector<16xi32> to vector<1xi32>
      %squeeze3A_1674 = vector.extract %slice3A_1673[0] : i32 from vector<1xi32>
      %and3A_1675 = arith.constant 127 : i32
      %and3A_1676 = arith.andi %squeeze3A_1674, %and3A_1675 : i32
      %broadcast_in_dim3A_1677 = vector.broadcast %and3A_1676 : i32 to vector<16xi32>
      %slice3A_1678 = vector.extract_strided_slice %scan3A_183 {offsets = [11], sizes = [1], strides = [1]} : vector<16xi32> to vector<1xi32>
      %squeeze3A_1679 = vector.extract %slice3A_1678[0] : i32 from vector<1xi32>
      %and3A_1680 = arith.constant 127 : i32
      %and3A_1681 = arith.andi %squeeze3A_1679, %and3A_1680 : i32
      %broadcast_in_dim3A_1682 = vector.broadcast %and3A_1681 : i32 to vector<16xi32>
      %gather3A_1683 = arith.constant 3 : i32
      %gather3A_1684 = arith.constant 0 : i32
      %gather3A_1685 = arith.constant 0 : i32
      %gather3A_1686 = tpu.memref_slice %arg11[%gather3A_1683, %gather3A_1684, %gather3A_1685] : memref<8x32x128xf32, #tpu.memory_space<vmem>> -> memref<1x32x128xf32, #tpu.memory_space<vmem>>
      %gather3A_1687 = tpu.memref_squeeze %gather3A_1686 : memref<1x32x128xf32, #tpu.memory_space<vmem>> -> memref<32x128xf32, #tpu.memory_space<vmem>>
      %gather3A_1688 = tpu.vector_load_idx %gather3A_1687[%iota3A, %broadcast_in_dim3A_1677] : memref<32x128xf32, #tpu.memory_space<vmem>>[vector<16xi32>, vector<16xi32>], vector<16xf32>,
      %add3A_1689 = arith.constant 16 : i32
      %add3A_1690 = vector.broadcast %add3A_1689 : i32 to vector<16xi32>
      %add3A_1691 = arith.addi %iota3A, %add3A_1690 : vector<16xi32>
      %gather3A_1692 = arith.constant 3 : i32
      %gather3A_1693 = arith.constant 0 : i32
      %gather3A_1694 = arith.constant 0 : i32
      %gather3A_1695 = tpu.memref_slice %arg11[%gather3A_1692, %gather3A_1693, %gather3A_1694] : memref<8x32x128xf32, #tpu.memory_space<vmem>> -> memref<1x32x128xf32, #tpu.memory_space<vmem>>
      %gather3A_1696 = tpu.memref_squeeze %gather3A_1695 : memref<1x32x128xf32, #tpu.memory_space<vmem>> -> memref<32x128xf32, #tpu.memory_space<vmem>>
      %gather3A_1697 = tpu.vector_load_idx %gather3A_1696[%add3A_1691, %broadcast_in_dim3A_1677] : memref<32x128xf32, #tpu.memory_space<vmem>>[vector<16xi32>, vector<16xi32>], vector<16xf32>,
      %gather3A_1698 = arith.constant 3 : i32
      %gather3A_1699 = arith.constant 0 : i32
      %gather3A_1700 = arith.constant 0 : i32
      %gather3A_1701 = tpu.memref_slice %arg12[%gather3A_1698, %gather3A_1699, %gather3A_1700] : memref<8x32x128xf32, #tpu.memory_space<vmem>> -> memref<1x32x128xf32, #tpu.memory_space<vmem>>
      %gather3A_1702 = tpu.memref_squeeze %gather3A_1701 : memref<1x32x128xf32, #tpu.memory_space<vmem>> -> memref<32x128xf32, #tpu.memory_space<vmem>>
      %gather3A_1703 = tpu.vector_load_idx %gather3A_1702[%iota3A, %broadcast_in_dim3A_1682] : memref<32x128xf32, #tpu.memory_space<vmem>>[vector<16xi32>, vector<16xi32>], vector<16xf32>,
      %add3A_1704 = arith.constant 16 : i32
      %add3A_1705 = vector.broadcast %add3A_1704 : i32 to vector<16xi32>
      %add3A_1706 = arith.addi %iota3A, %add3A_1705 : vector<16xi32>
      %gather3A_1707 = arith.constant 3 : i32
      %gather3A_1708 = arith.constant 0 : i32
      %gather3A_1709 = arith.constant 0 : i32
      %gather3A_1710 = tpu.memref_slice %arg12[%gather3A_1707, %gather3A_1708, %gather3A_1709] : memref<8x32x128xf32, #tpu.memory_space<vmem>> -> memref<1x32x128xf32, #tpu.memory_space<vmem>>
      %gather3A_1711 = tpu.memref_squeeze %gather3A_1710 : memref<1x32x128xf32, #tpu.memory_space<vmem>> -> memref<32x128xf32, #tpu.memory_space<vmem>>
      %gather3A_1712 = tpu.vector_load_idx %gather3A_1711[%add3A_1706, %broadcast_in_dim3A_1682] : memref<32x128xf32, #tpu.memory_space<vmem>>[vector<16xi32>, vector<16xi32>], vector<16xf32>,
      %mul3A_1713 = arith.constant 16 : i32
      %mul3A_1714 = vector.broadcast %mul3A_1713 : i32 to vector<16xi32>
      %mul3A_1715 = arith.muli %iota3A, %mul3A_1714 : vector<16xi32>
      %add3A_1716 = arith.constant 11 : i32
      %add3A_1717 = vector.broadcast %add3A_1716 : i32 to vector<16xi32>
      %add3A_1718 = arith.addi %mul3A_1715, %add3A_1717 : vector<16xi32>
      %add3A_1719 = arith.constant 16 : i32
      %add3A_1720 = vector.broadcast %add3A_1719 : i32 to vector<16xi32>
      %add3A_1721 = arith.addi %iota3A, %add3A_1720 : vector<16xi32>
      %mul3A_1722 = arith.constant 16 : i32
      %mul3A_1723 = vector.broadcast %mul3A_1722 : i32 to vector<16xi32>
      %mul3A_1724 = arith.muli %add3A_1721, %mul3A_1723 : vector<16xi32>
      %add3A_1725 = arith.constant 11 : i32
      %add3A_1726 = vector.broadcast %add3A_1725 : i32 to vector<16xi32>
      %add3A_1727 = arith.addi %mul3A_1724, %add3A_1726 : vector<16xi32>
      tpu.vector_store_idx %arg13[%add3A_1718], %gather3A_1688 : memref<512xf32, #tpu.memory_space<vmem>>[vector<16xi32>], vector<16xf32>,
      tpu.vector_store_idx %arg13[%add3A_1727], %gather3A_1697 : memref<512xf32, #tpu.memory_space<vmem>>[vector<16xi32>], vector<16xf32>,
      tpu.vector_store_idx %arg14[%add3A_1718], %gather3A_1703 : memref<512xf32, #tpu.memory_space<vmem>>[vector<16xi32>], vector<16xf32>,
      tpu.vector_store_idx %arg14[%add3A_1727], %gather3A_1712 : memref<512xf32, #tpu.memory_space<vmem>>[vector<16xi32>], vector<16xf32>,
      %add3A_1728 = arith.constant 1 : i32
      %add3A_1729 = arith.addi %scan3A_181, %add3A_1728 : i32
      %mul3A_1730 = arith.constant 16 : i32
      %mul3A_1731 = arith.muli %add3A_1729, %mul3A_1730 : i32
      %get3A_1732 = arith.index_cast %mul3A_1731 : i32 to index
      %get3A_1733 = tpu.vector_load %arg9[%get3A_1732] {strides = array<i32>} : memref<528xi32, #tpu.memory_space<vmem>>, vector<16xi32>,
      %get3A_1734 = arith.index_cast %mul3A_1731 : i32 to index
      %get3A_1735 = tpu.vector_load %arg10[%get3A_1734] {strides = array<i32>} : memref<528xi32, #tpu.memory_space<vmem>>, vector<16xi32>,
      %lt3A = arith.constant 31 : i32
      %lt3A_1736 = arith.cmpi slt, %scan3A_181, %lt3A : i32
      %convert_element_type3A = arith.extui %lt3A_1736 : i1 to i32
      %cond3A = arith.constant 0 : i32
      %cond3A_1737 = arith.cmpi ne, %convert_element_type3A, %cond3A : i32
      scf.if %cond3A_1737 {
        %slice3A_2390 = vector.extract_strided_slice %get3A_1733 {offsets = [0], sizes = [1], strides = [1]} : vector<16xi32> to vector<1xi32>
        %squeeze3A_2391 = vector.extract %slice3A_2390[0] : i32 from vector<1xi32>
        %min3A_2392 = arith.constant 999999 : i32
        %min3A_2393 = arith.minsi %squeeze3A_2391, %min3A_2392 : i32
        %slice3A_2394 = vector.extract_strided_slice %get3A_1735 {offsets = [0], sizes = [1], strides = [1]} : vector<16xi32> to vector<1xi32>
        %squeeze3A_2395 = vector.extract %slice3A_2394[0] : i32 from vector<1xi32>
        %min3A_2396 = arith.constant 999999 : i32
        %min3A_2397 = arith.minsi %squeeze3A_2395, %min3A_2396 : i32
        %shift_right_arithmetic3A_2398 = arith.constant 7 : i32
        %shift_right_arithmetic3A_2399 = arith.shrsi %min3A_2393, %shift_right_arithmetic3A_2398 : i32
        %mul3A_2400 = arith.constant 128 : i32
        %mul3A_2401 = arith.muli %shift_right_arithmetic3A_2399, %mul3A_2400 : i32
        %multiple_of3A_2402 = tpu.assume_multiple %mul3A_2401, 128 : i32
        %shift_right_arithmetic3A_2403 = arith.constant 7 : i32
        %shift_right_arithmetic3A_2404 = arith.shrsi %min3A_2397, %shift_right_arithmetic3A_2403 : i32
        %mul3A_2405 = arith.constant 128 : i32
        %mul3A_2406 = arith.muli %shift_right_arithmetic3A_2404, %mul3A_2405 : i32
        %multiple_of3A_2407 = tpu.assume_multiple %mul3A_2406, 128 : i32
        %dma_start3A_2408 = arith.constant 0 : i32
        %dma_start3A_2409 = arith.constant 0 : i32
        %dma_start3A_2410 = arith.constant 0 : i32
        %dma_start3A_2411 = tpu.memref_slice %arg11[%dma_start3A_2408, %dma_start3A_2409, %dma_start3A_2410] : memref<8x32x128xf32, #tpu.memory_space<vmem>> -> memref<1x32x128xf32, #tpu.memory_space<vmem>>
        %dma_start3A_2412 = tpu.memref_squeeze %dma_start3A_2411 : memref<1x32x128xf32, #tpu.memory_space<vmem>> -> memref<32x128xf32, #tpu.memory_space<vmem>>
        %dma_start3A_2413 = arith.constant 0 : i32
        %dma_start3A_2414 = tpu.memref_slice %arg4[%dma_start3A_2413, %multiple_of3A_2402] : memref<32x1000000xf32, #tpu.memory_space<hbm>> -> memref<32x128xf32, #tpu.memory_space<hbm>>
        %dma_start3A_2415 = arith.constant 0 : i32
        %dma_start3A_2416 = arith.constant 0 : i32
        %dma_start3A_2417 = tpu.memref_slice %arg11[%dma_start3A_2408, %dma_start3A_2415, %dma_start3A_2416] : memref<8x32x128xf32, #tpu.memory_space<vmem>> -> memref<1x32x128xf32, #tpu.memory_space<vmem>>
        %dma_start3A_2418 = tpu.memref_squeeze %dma_start3A_2417 : memref<1x32x128xf32, #tpu.memory_space<vmem>> -> memref<32x128xf32, #tpu.memory_space<vmem>>
        %dma_start3A_2419 = arith.constant 0 : i32
        %dma_start3A_2420 = tpu.memref_slice %arg4[%dma_start3A_2419, %multiple_of3A_2402] : memref<32x1000000xf32, #tpu.memory_space<hbm>> -> memref<32x128xf32, #tpu.memory_space<hbm>>
        tpu.enqueue_dma source(%dma_start3A_2420 : memref<32x128xf32, #tpu.memory_space<hbm>>) target(%dma_start3A_2418 : memref<32x128xf32, #tpu.memory_space<vmem>>) target_semaphore(%arg18 : memref<!tpu.dma_semaphore, #tpu.memory_space<semaphore_mem>>)
        %dma_start3A_2421 = arith.constant 0 : i32
        %dma_start3A_2422 = arith.constant 0 : i32
        %dma_start3A_2423 = arith.constant 0 : i32
        %dma_start3A_2424 = tpu.memref_slice %arg12[%dma_start3A_2421, %dma_start3A_2422, %dma_start3A_2423] : memref<8x32x128xf32, #tpu.memory_space<vmem>> -> memref<1x32x128xf32, #tpu.memory_space<vmem>>
        %dma_start3A_2425 = tpu.memref_squeeze %dma_start3A_2424 : memref<1x32x128xf32, #tpu.memory_space<vmem>> -> memref<32x128xf32, #tpu.memory_space<vmem>>
        %dma_start3A_2426 = arith.constant 0 : i32
        %dma_start3A_2427 = tpu.memref_slice %arg5[%dma_start3A_2426, %multiple_of3A_2407] : memref<32x1000000xf32, #tpu.memory_space<hbm>> -> memref<32x128xf32, #tpu.memory_space<hbm>>
        %dma_start3A_2428 = arith.constant 0 : i32
        %dma_start3A_2429 = arith.constant 0 : i32
        %dma_start3A_2430 = tpu.memref_slice %arg12[%dma_start3A_2421, %dma_start3A_2428, %dma_start3A_2429] : memref<8x32x128xf32, #tpu.memory_space<vmem>> -> memref<1x32x128xf32, #tpu.memory_space<vmem>>
        %dma_start3A_2431 = tpu.memref_squeeze %dma_start3A_2430 : memref<1x32x128xf32, #tpu.memory_space<vmem>> -> memref<32x128xf32, #tpu.memory_space<vmem>>
        %dma_start3A_2432 = arith.constant 0 : i32
        %dma_start3A_2433 = tpu.memref_slice %arg5[%dma_start3A_2432, %multiple_of3A_2407] : memref<32x1000000xf32, #tpu.memory_space<hbm>> -> memref<32x128xf32, #tpu.memory_space<hbm>>
        tpu.enqueue_dma source(%dma_start3A_2433 : memref<32x128xf32, #tpu.memory_space<hbm>>) target(%dma_start3A_2431 : memref<32x128xf32, #tpu.memory_space<vmem>>) target_semaphore(%arg18 : memref<!tpu.dma_semaphore, #tpu.memory_space<semaphore_mem>>)
      } else {
      }
      %dma_wait3A_1738 = arith.constant 4 : i32
      %dma_wait3A_1739 = arith.constant 0 : i32
      %dma_wait3A_1740 = arith.constant 0 : i32
      %dma_wait3A_1741 = tpu.memref_slice %arg11[%dma_wait3A_1738, %dma_wait3A_1739, %dma_wait3A_1740] : memref<8x32x128xf32, #tpu.memory_space<vmem>> -> memref<1x32x128xf32, #tpu.memory_space<vmem>>
      %dma_wait3A_1742 = tpu.memref_squeeze %dma_wait3A_1741 : memref<1x32x128xf32, #tpu.memory_space<vmem>> -> memref<32x128xf32, #tpu.memory_space<vmem>>
      %dma_wait3A_1743 = arith.constant 0 : i32
      %dma_wait3A_1744 = arith.constant 0 : i32
      %dma_wait3A_1745 = tpu.memref_slice %arg4[%dma_wait3A_1743, %dma_wait3A_1744] : memref<32x1000000xf32, #tpu.memory_space<hbm>> -> memref<32x128xf32, #tpu.memory_space<hbm>>
      %dma_wait3A_1746 = arith.constant 0 : i32
      %dma_wait3A_1747 = arith.constant 0 : i32
      %dma_wait3A_1748 = tpu.memref_slice %arg11[%dma_wait3A_1738, %dma_wait3A_1746, %dma_wait3A_1747] : memref<8x32x128xf32, #tpu.memory_space<vmem>> -> memref<1x32x128xf32, #tpu.memory_space<vmem>>
      %dma_wait3A_1749 = tpu.memref_squeeze %dma_wait3A_1748 : memref<1x32x128xf32, #tpu.memory_space<vmem>> -> memref<32x128xf32, #tpu.memory_space<vmem>>
      %dma_wait3A_1750 = arith.constant 0 : i32
      %dma_wait3A_1751 = arith.constant 0 : i32
      %dma_wait3A_1752 = tpu.memref_slice %arg4[%dma_wait3A_1750, %dma_wait3A_1751] : memref<32x1000000xf32, #tpu.memory_space<hbm>> -> memref<32x128xf32, #tpu.memory_space<hbm>>
      tpu.wait_dma2 semaphore(%arg22 : memref<!tpu.dma_semaphore, #tpu.memory_space<semaphore_mem>>) src(%dma_wait3A_1752 : memref<32x128xf32, #tpu.memory_space<hbm>>) dst(%dma_wait3A_1749 : memref<32x128xf32, #tpu.memory_space<vmem>>)
      %dma_wait3A_1753 = arith.constant 4 : i32
      %dma_wait3A_1754 = arith.constant 0 : i32
      %dma_wait3A_1755 = arith.constant 0 : i32
      %dma_wait3A_1756 = tpu.memref_slice %arg12[%dma_wait3A_1753, %dma_wait3A_1754, %dma_wait3A_1755] : memref<8x32x128xf32, #tpu.memory_space<vmem>> -> memref<1x32x128xf32, #tpu.memory_space<vmem>>
      %dma_wait3A_1757 = tpu.memref_squeeze %dma_wait3A_1756 : memref<1x32x128xf32, #tpu.memory_space<vmem>> -> memref<32x128xf32, #tpu.memory_space<vmem>>
      %dma_wait3A_1758 = arith.constant 0 : i32
      %dma_wait3A_1759 = arith.constant 0 : i32
      %dma_wait3A_1760 = tpu.memref_slice %arg5[%dma_wait3A_1758, %dma_wait3A_1759] : memref<32x1000000xf32, #tpu.memory_space<hbm>> -> memref<32x128xf32, #tpu.memory_space<hbm>>
      %dma_wait3A_1761 = arith.constant 0 : i32
      %dma_wait3A_1762 = arith.constant 0 : i32
      %dma_wait3A_1763 = tpu.memref_slice %arg12[%dma_wait3A_1753, %dma_wait3A_1761, %dma_wait3A_1762] : memref<8x32x128xf32, #tpu.memory_space<vmem>> -> memref<1x32x128xf32, #tpu.memory_space<vmem>>
      %dma_wait3A_1764 = tpu.memref_squeeze %dma_wait3A_1763 : memref<1x32x128xf32, #tpu.memory_space<vmem>> -> memref<32x128xf32, #tpu.memory_space<vmem>>
      %dma_wait3A_1765 = arith.constant 0 : i32
      %dma_wait3A_1766 = arith.constant 0 : i32
      %dma_wait3A_1767 = tpu.memref_slice %arg5[%dma_wait3A_1765, %dma_wait3A_1766] : memref<32x1000000xf32, #tpu.memory_space<hbm>> -> memref<32x128xf32, #tpu.memory_space<hbm>>
      tpu.wait_dma2 semaphore(%arg22 : memref<!tpu.dma_semaphore, #tpu.memory_space<semaphore_mem>>) src(%dma_wait3A_1767 : memref<32x128xf32, #tpu.memory_space<hbm>>) dst(%dma_wait3A_1764 : memref<32x128xf32, #tpu.memory_space<vmem>>)
      %slice3A_1768 = vector.extract_strided_slice %scan3A_182 {offsets = [12], sizes = [1], strides = [1]} : vector<16xi32> to vector<1xi32>
      %squeeze3A_1769 = vector.extract %slice3A_1768[0] : i32 from vector<1xi32>
      %and3A_1770 = arith.constant 127 : i32
      %and3A_1771 = arith.andi %squeeze3A_1769, %and3A_1770 : i32
      %broadcast_in_dim3A_1772 = vector.broadcast %and3A_1771 : i32 to vector<16xi32>
      %slice3A_1773 = vector.extract_strided_slice %scan3A_183 {offsets = [12], sizes = [1], strides = [1]} : vector<16xi32> to vector<1xi32>
      %squeeze3A_1774 = vector.extract %slice3A_1773[0] : i32 from vector<1xi32>
      %and3A_1775 = arith.constant 127 : i32
      %and3A_1776 = arith.andi %squeeze3A_1774, %and3A_1775 : i32
      %broadcast_in_dim3A_1777 = vector.broadcast %and3A_1776 : i32 to vector<16xi32>
      %gather3A_1778 = arith.constant 4 : i32
      %gather3A_1779 = arith.constant 0 : i32
      %gather3A_1780 = arith.constant 0 : i32
      %gather3A_1781 = tpu.memref_slice %arg11[%gather3A_1778, %gather3A_1779, %gather3A_1780] : memref<8x32x128xf32, #tpu.memory_space<vmem>> -> memref<1x32x128xf32, #tpu.memory_space<vmem>>
      %gather3A_1782 = tpu.memref_squeeze %gather3A_1781 : memref<1x32x128xf32, #tpu.memory_space<vmem>> -> memref<32x128xf32, #tpu.memory_space<vmem>>
      %gather3A_1783 = tpu.vector_load_idx %gather3A_1782[%iota3A, %broadcast_in_dim3A_1772] : memref<32x128xf32, #tpu.memory_space<vmem>>[vector<16xi32>, vector<16xi32>], vector<16xf32>,
      %add3A_1784 = arith.constant 16 : i32
      %add3A_1785 = vector.broadcast %add3A_1784 : i32 to vector<16xi32>
      %add3A_1786 = arith.addi %iota3A, %add3A_1785 : vector<16xi32>
      %gather3A_1787 = arith.constant 4 : i32
      %gather3A_1788 = arith.constant 0 : i32
      %gather3A_1789 = arith.constant 0 : i32
      %gather3A_1790 = tpu.memref_slice %arg11[%gather3A_1787, %gather3A_1788, %gather3A_1789] : memref<8x32x128xf32, #tpu.memory_space<vmem>> -> memref<1x32x128xf32, #tpu.memory_space<vmem>>
      %gather3A_1791 = tpu.memref_squeeze %gather3A_1790 : memref<1x32x128xf32, #tpu.memory_space<vmem>> -> memref<32x128xf32, #tpu.memory_space<vmem>>
      %gather3A_1792 = tpu.vector_load_idx %gather3A_1791[%add3A_1786, %broadcast_in_dim3A_1772] : memref<32x128xf32, #tpu.memory_space<vmem>>[vector<16xi32>, vector<16xi32>], vector<16xf32>,
      %gather3A_1793 = arith.constant 4 : i32
      %gather3A_1794 = arith.constant 0 : i32
      %gather3A_1795 = arith.constant 0 : i32
      %gather3A_1796 = tpu.memref_slice %arg12[%gather3A_1793, %gather3A_1794, %gather3A_1795] : memref<8x32x128xf32, #tpu.memory_space<vmem>> -> memref<1x32x128xf32, #tpu.memory_space<vmem>>
      %gather3A_1797 = tpu.memref_squeeze %gather3A_1796 : memref<1x32x128xf32, #tpu.memory_space<vmem>> -> memref<32x128xf32, #tpu.memory_space<vmem>>
      %gather3A_1798 = tpu.vector_load_idx %gather3A_1797[%iota3A, %broadcast_in_dim3A_1777] : memref<32x128xf32, #tpu.memory_space<vmem>>[vector<16xi32>, vector<16xi32>], vector<16xf32>,
      %add3A_1799 = arith.constant 16 : i32
      %add3A_1800 = vector.broadcast %add3A_1799 : i32 to vector<16xi32>
      %add3A_1801 = arith.addi %iota3A, %add3A_1800 : vector<16xi32>
      %gather3A_1802 = arith.constant 4 : i32
      %gather3A_1803 = arith.constant 0 : i32
      %gather3A_1804 = arith.constant 0 : i32
      %gather3A_1805 = tpu.memref_slice %arg12[%gather3A_1802, %gather3A_1803, %gather3A_1804] : memref<8x32x128xf32, #tpu.memory_space<vmem>> -> memref<1x32x128xf32, #tpu.memory_space<vmem>>
      %gather3A_1806 = tpu.memref_squeeze %gather3A_1805 : memref<1x32x128xf32, #tpu.memory_space<vmem>> -> memref<32x128xf32, #tpu.memory_space<vmem>>
      %gather3A_1807 = tpu.vector_load_idx %gather3A_1806[%add3A_1801, %broadcast_in_dim3A_1777] : memref<32x128xf32, #tpu.memory_space<vmem>>[vector<16xi32>, vector<16xi32>], vector<16xf32>,
      %mul3A_1808 = arith.constant 16 : i32
      %mul3A_1809 = vector.broadcast %mul3A_1808 : i32 to vector<16xi32>
      %mul3A_1810 = arith.muli %iota3A, %mul3A_1809 : vector<16xi32>
      %add3A_1811 = arith.constant 12 : i32
      %add3A_1812 = vector.broadcast %add3A_1811 : i32 to vector<16xi32>
      %add3A_1813 = arith.addi %mul3A_1810, %add3A_1812 : vector<16xi32>
      %add3A_1814 = arith.constant 16 : i32
      %add3A_1815 = vector.broadcast %add3A_1814 : i32 to vector<16xi32>
      %add3A_1816 = arith.addi %iota3A, %add3A_1815 : vector<16xi32>
      %mul3A_1817 = arith.constant 16 : i32
      %mul3A_1818 = vector.broadcast %mul3A_1817 : i32 to vector<16xi32>
      %mul3A_1819 = arith.muli %add3A_1816, %mul3A_1818 : vector<16xi32>
      %add3A_1820 = arith.constant 12 : i32
      %add3A_1821 = vector.broadcast %add3A_1820 : i32 to vector<16xi32>
      %add3A_1822 = arith.addi %mul3A_1819, %add3A_1821 : vector<16xi32>
      tpu.vector_store_idx %arg13[%add3A_1813], %gather3A_1783 : memref<512xf32, #tpu.memory_space<vmem>>[vector<16xi32>], vector<16xf32>,
      tpu.vector_store_idx %arg13[%add3A_1822], %gather3A_1792 : memref<512xf32, #tpu.memory_space<vmem>>[vector<16xi32>], vector<16xf32>,
      tpu.vector_store_idx %arg14[%add3A_1813], %gather3A_1798 : memref<512xf32, #tpu.memory_space<vmem>>[vector<16xi32>], vector<16xf32>,
      tpu.vector_store_idx %arg14[%add3A_1822], %gather3A_1807 : memref<512xf32, #tpu.memory_space<vmem>>[vector<16xi32>], vector<16xf32>,
      %lt3A_1823 = arith.constant 31 : i32
      %lt3A_1824 = arith.cmpi slt, %scan3A_181, %lt3A_1823 : i32
      %convert_element_type3A_1825 = arith.extui %lt3A_1824 : i1 to i32
      %cond3A_1826 = arith.constant 0 : i32
      %cond3A_1827 = arith.cmpi ne, %convert_element_type3A_1825, %cond3A_1826 : i32
      scf.if %cond3A_1827 {
        %slice3A_2390 = vector.extract_strided_slice %get3A_1733 {offsets = [1], sizes = [1], strides = [1]} : vector<16xi32> to vector<1xi32>
        %squeeze3A_2391 = vector.extract %slice3A_2390[0] : i32 from vector<1xi32>
        %min3A_2392 = arith.constant 999999 : i32
        %min3A_2393 = arith.minsi %squeeze3A_2391, %min3A_2392 : i32
        %slice3A_2394 = vector.extract_strided_slice %get3A_1735 {offsets = [1], sizes = [1], strides = [1]} : vector<16xi32> to vector<1xi32>
        %squeeze3A_2395 = vector.extract %slice3A_2394[0] : i32 from vector<1xi32>
        %min3A_2396 = arith.constant 999999 : i32
        %min3A_2397 = arith.minsi %squeeze3A_2395, %min3A_2396 : i32
        %shift_right_arithmetic3A_2398 = arith.constant 7 : i32
        %shift_right_arithmetic3A_2399 = arith.shrsi %min3A_2393, %shift_right_arithmetic3A_2398 : i32
        %mul3A_2400 = arith.constant 128 : i32
        %mul3A_2401 = arith.muli %shift_right_arithmetic3A_2399, %mul3A_2400 : i32
        %multiple_of3A_2402 = tpu.assume_multiple %mul3A_2401, 128 : i32
        %shift_right_arithmetic3A_2403 = arith.constant 7 : i32
        %shift_right_arithmetic3A_2404 = arith.shrsi %min3A_2397, %shift_right_arithmetic3A_2403 : i32
        %mul3A_2405 = arith.constant 128 : i32
        %mul3A_2406 = arith.muli %shift_right_arithmetic3A_2404, %mul3A_2405 : i32
        %multiple_of3A_2407 = tpu.assume_multiple %mul3A_2406, 128 : i32
        %dma_start3A_2408 = arith.constant 1 : i32
        %dma_start3A_2409 = arith.constant 0 : i32
        %dma_start3A_2410 = arith.constant 0 : i32
        %dma_start3A_2411 = tpu.memref_slice %arg11[%dma_start3A_2408, %dma_start3A_2409, %dma_start3A_2410] : memref<8x32x128xf32, #tpu.memory_space<vmem>> -> memref<1x32x128xf32, #tpu.memory_space<vmem>>
        %dma_start3A_2412 = tpu.memref_squeeze %dma_start3A_2411 : memref<1x32x128xf32, #tpu.memory_space<vmem>> -> memref<32x128xf32, #tpu.memory_space<vmem>>
        %dma_start3A_2413 = arith.constant 0 : i32
        %dma_start3A_2414 = tpu.memref_slice %arg4[%dma_start3A_2413, %multiple_of3A_2402] : memref<32x1000000xf32, #tpu.memory_space<hbm>> -> memref<32x128xf32, #tpu.memory_space<hbm>>
        %dma_start3A_2415 = arith.constant 0 : i32
        %dma_start3A_2416 = arith.constant 0 : i32
        %dma_start3A_2417 = tpu.memref_slice %arg11[%dma_start3A_2408, %dma_start3A_2415, %dma_start3A_2416] : memref<8x32x128xf32, #tpu.memory_space<vmem>> -> memref<1x32x128xf32, #tpu.memory_space<vmem>>
        %dma_start3A_2418 = tpu.memref_squeeze %dma_start3A_2417 : memref<1x32x128xf32, #tpu.memory_space<vmem>> -> memref<32x128xf32, #tpu.memory_space<vmem>>
        %dma_start3A_2419 = arith.constant 0 : i32
        %dma_start3A_2420 = tpu.memref_slice %arg4[%dma_start3A_2419, %multiple_of3A_2402] : memref<32x1000000xf32, #tpu.memory_space<hbm>> -> memref<32x128xf32, #tpu.memory_space<hbm>>
        tpu.enqueue_dma source(%dma_start3A_2420 : memref<32x128xf32, #tpu.memory_space<hbm>>) target(%dma_start3A_2418 : memref<32x128xf32, #tpu.memory_space<vmem>>) target_semaphore(%arg19 : memref<!tpu.dma_semaphore, #tpu.memory_space<semaphore_mem>>)
        %dma_start3A_2421 = arith.constant 1 : i32
        %dma_start3A_2422 = arith.constant 0 : i32
        %dma_start3A_2423 = arith.constant 0 : i32
        %dma_start3A_2424 = tpu.memref_slice %arg12[%dma_start3A_2421, %dma_start3A_2422, %dma_start3A_2423] : memref<8x32x128xf32, #tpu.memory_space<vmem>> -> memref<1x32x128xf32, #tpu.memory_space<vmem>>
        %dma_start3A_2425 = tpu.memref_squeeze %dma_start3A_2424 : memref<1x32x128xf32, #tpu.memory_space<vmem>> -> memref<32x128xf32, #tpu.memory_space<vmem>>
        %dma_start3A_2426 = arith.constant 0 : i32
        %dma_start3A_2427 = tpu.memref_slice %arg5[%dma_start3A_2426, %multiple_of3A_2407] : memref<32x1000000xf32, #tpu.memory_space<hbm>> -> memref<32x128xf32, #tpu.memory_space<hbm>>
        %dma_start3A_2428 = arith.constant 0 : i32
        %dma_start3A_2429 = arith.constant 0 : i32
        %dma_start3A_2430 = tpu.memref_slice %arg12[%dma_start3A_2421, %dma_start3A_2428, %dma_start3A_2429] : memref<8x32x128xf32, #tpu.memory_space<vmem>> -> memref<1x32x128xf32, #tpu.memory_space<vmem>>
        %dma_start3A_2431 = tpu.memref_squeeze %dma_start3A_2430 : memref<1x32x128xf32, #tpu.memory_space<vmem>> -> memref<32x128xf32, #tpu.memory_space<vmem>>
        %dma_start3A_2432 = arith.constant 0 : i32
        %dma_start3A_2433 = tpu.memref_slice %arg5[%dma_start3A_2432, %multiple_of3A_2407] : memref<32x1000000xf32, #tpu.memory_space<hbm>> -> memref<32x128xf32, #tpu.memory_space<hbm>>
        tpu.enqueue_dma source(%dma_start3A_2433 : memref<32x128xf32, #tpu.memory_space<hbm>>) target(%dma_start3A_2431 : memref<32x128xf32, #tpu.memory_space<vmem>>) target_semaphore(%arg19 : memref<!tpu.dma_semaphore, #tpu.memory_space<semaphore_mem>>)
      } else {
      }
      %dma_wait3A_1828 = arith.constant 5 : i32
      %dma_wait3A_1829 = arith.constant 0 : i32
      %dma_wait3A_1830 = arith.constant 0 : i32
      %dma_wait3A_1831 = tpu.memref_slice %arg11[%dma_wait3A_1828, %dma_wait3A_1829, %dma_wait3A_1830] : memref<8x32x128xf32, #tpu.memory_space<vmem>> -> memref<1x32x128xf32, #tpu.memory_space<vmem>>
      %dma_wait3A_1832 = tpu.memref_squeeze %dma_wait3A_1831 : memref<1x32x128xf32, #tpu.memory_space<vmem>> -> memref<32x128xf32, #tpu.memory_space<vmem>>
      %dma_wait3A_1833 = arith.constant 0 : i32
      %dma_wait3A_1834 = arith.constant 0 : i32
      %dma_wait3A_1835 = tpu.memref_slice %arg4[%dma_wait3A_1833, %dma_wait3A_1834] : memref<32x1000000xf32, #tpu.memory_space<hbm>> -> memref<32x128xf32, #tpu.memory_space<hbm>>
      %dma_wait3A_1836 = arith.constant 0 : i32
      %dma_wait3A_1837 = arith.constant 0 : i32
      %dma_wait3A_1838 = tpu.memref_slice %arg11[%dma_wait3A_1828, %dma_wait3A_1836, %dma_wait3A_1837] : memref<8x32x128xf32, #tpu.memory_space<vmem>> -> memref<1x32x128xf32, #tpu.memory_space<vmem>>
      %dma_wait3A_1839 = tpu.memref_squeeze %dma_wait3A_1838 : memref<1x32x128xf32, #tpu.memory_space<vmem>> -> memref<32x128xf32, #tpu.memory_space<vmem>>
      %dma_wait3A_1840 = arith.constant 0 : i32
      %dma_wait3A_1841 = arith.constant 0 : i32
      %dma_wait3A_1842 = tpu.memref_slice %arg4[%dma_wait3A_1840, %dma_wait3A_1841] : memref<32x1000000xf32, #tpu.memory_space<hbm>> -> memref<32x128xf32, #tpu.memory_space<hbm>>
      tpu.wait_dma2 semaphore(%arg23 : memref<!tpu.dma_semaphore, #tpu.memory_space<semaphore_mem>>) src(%dma_wait3A_1842 : memref<32x128xf32, #tpu.memory_space<hbm>>) dst(%dma_wait3A_1839 : memref<32x128xf32, #tpu.memory_space<vmem>>)
      %dma_wait3A_1843 = arith.constant 5 : i32
      %dma_wait3A_1844 = arith.constant 0 : i32
      %dma_wait3A_1845 = arith.constant 0 : i32
      %dma_wait3A_1846 = tpu.memref_slice %arg12[%dma_wait3A_1843, %dma_wait3A_1844, %dma_wait3A_1845] : memref<8x32x128xf32, #tpu.memory_space<vmem>> -> memref<1x32x128xf32, #tpu.memory_space<vmem>>
      %dma_wait3A_1847 = tpu.memref_squeeze %dma_wait3A_1846 : memref<1x32x128xf32, #tpu.memory_space<vmem>> -> memref<32x128xf32, #tpu.memory_space<vmem>>
      %dma_wait3A_1848 = arith.constant 0 : i32
      %dma_wait3A_1849 = arith.constant 0 : i32
      %dma_wait3A_1850 = tpu.memref_slice %arg5[%dma_wait3A_1848, %dma_wait3A_1849] : memref<32x1000000xf32, #tpu.memory_space<hbm>> -> memref<32x128xf32, #tpu.memory_space<hbm>>
      %dma_wait3A_1851 = arith.constant 0 : i32
      %dma_wait3A_1852 = arith.constant 0 : i32
      %dma_wait3A_1853 = tpu.memref_slice %arg12[%dma_wait3A_1843, %dma_wait3A_1851, %dma_wait3A_1852] : memref<8x32x128xf32, #tpu.memory_space<vmem>> -> memref<1x32x128xf32, #tpu.memory_space<vmem>>
      %dma_wait3A_1854 = tpu.memref_squeeze %dma_wait3A_1853 : memref<1x32x128xf32, #tpu.memory_space<vmem>> -> memref<32x128xf32, #tpu.memory_space<vmem>>
      %dma_wait3A_1855 = arith.constant 0 : i32
      %dma_wait3A_1856 = arith.constant 0 : i32
      %dma_wait3A_1857 = tpu.memref_slice %arg5[%dma_wait3A_1855, %dma_wait3A_1856] : memref<32x1000000xf32, #tpu.memory_space<hbm>> -> memref<32x128xf32, #tpu.memory_space<hbm>>
      tpu.wait_dma2 semaphore(%arg23 : memref<!tpu.dma_semaphore, #tpu.memory_space<semaphore_mem>>) src(%dma_wait3A_1857 : memref<32x128xf32, #tpu.memory_space<hbm>>) dst(%dma_wait3A_1854 : memref<32x128xf32, #tpu.memory_space<vmem>>)
      %slice3A_1858 = vector.extract_strided_slice %scan3A_182 {offsets = [13], sizes = [1], strides = [1]} : vector<16xi32> to vector<1xi32>
      %squeeze3A_1859 = vector.extract %slice3A_1858[0] : i32 from vector<1xi32>
      %and3A_1860 = arith.constant 127 : i32
      %and3A_1861 = arith.andi %squeeze3A_1859, %and3A_1860 : i32
      %broadcast_in_dim3A_1862 = vector.broadcast %and3A_1861 : i32 to vector<16xi32>
      %slice3A_1863 = vector.extract_strided_slice %scan3A_183 {offsets = [13], sizes = [1], strides = [1]} : vector<16xi32> to vector<1xi32>
      %squeeze3A_1864 = vector.extract %slice3A_1863[0] : i32 from vector<1xi32>
      %and3A_1865 = arith.constant 127 : i32
      %and3A_1866 = arith.andi %squeeze3A_1864, %and3A_1865 : i32
      %broadcast_in_dim3A_1867 = vector.broadcast %and3A_1866 : i32 to vector<16xi32>
      %gather3A_1868 = arith.constant 5 : i32
      %gather3A_1869 = arith.constant 0 : i32
      %gather3A_1870 = arith.constant 0 : i32
      %gather3A_1871 = tpu.memref_slice %arg11[%gather3A_1868, %gather3A_1869, %gather3A_1870] : memref<8x32x128xf32, #tpu.memory_space<vmem>> -> memref<1x32x128xf32, #tpu.memory_space<vmem>>
      %gather3A_1872 = tpu.memref_squeeze %gather3A_1871 : memref<1x32x128xf32, #tpu.memory_space<vmem>> -> memref<32x128xf32, #tpu.memory_space<vmem>>
      %gather3A_1873 = tpu.vector_load_idx %gather3A_1872[%iota3A, %broadcast_in_dim3A_1862] : memref<32x128xf32, #tpu.memory_space<vmem>>[vector<16xi32>, vector<16xi32>], vector<16xf32>,
      %add3A_1874 = arith.constant 16 : i32
      %add3A_1875 = vector.broadcast %add3A_1874 : i32 to vector<16xi32>
      %add3A_1876 = arith.addi %iota3A, %add3A_1875 : vector<16xi32>
      %gather3A_1877 = arith.constant 5 : i32
      %gather3A_1878 = arith.constant 0 : i32
      %gather3A_1879 = arith.constant 0 : i32
      %gather3A_1880 = tpu.memref_slice %arg11[%gather3A_1877, %gather3A_1878, %gather3A_1879] : memref<8x32x128xf32, #tpu.memory_space<vmem>> -> memref<1x32x128xf32, #tpu.memory_space<vmem>>
      %gather3A_1881 = tpu.memref_squeeze %gather3A_1880 : memref<1x32x128xf32, #tpu.memory_space<vmem>> -> memref<32x128xf32, #tpu.memory_space<vmem>>
      %gather3A_1882 = tpu.vector_load_idx %gather3A_1881[%add3A_1876, %broadcast_in_dim3A_1862] : memref<32x128xf32, #tpu.memory_space<vmem>>[vector<16xi32>, vector<16xi32>], vector<16xf32>,
      %gather3A_1883 = arith.constant 5 : i32
      %gather3A_1884 = arith.constant 0 : i32
      %gather3A_1885 = arith.constant 0 : i32
      %gather3A_1886 = tpu.memref_slice %arg12[%gather3A_1883, %gather3A_1884, %gather3A_1885] : memref<8x32x128xf32, #tpu.memory_space<vmem>> -> memref<1x32x128xf32, #tpu.memory_space<vmem>>
      %gather3A_1887 = tpu.memref_squeeze %gather3A_1886 : memref<1x32x128xf32, #tpu.memory_space<vmem>> -> memref<32x128xf32, #tpu.memory_space<vmem>>
      %gather3A_1888 = tpu.vector_load_idx %gather3A_1887[%iota3A, %broadcast_in_dim3A_1867] : memref<32x128xf32, #tpu.memory_space<vmem>>[vector<16xi32>, vector<16xi32>], vector<16xf32>,
      %add3A_1889 = arith.constant 16 : i32
      %add3A_1890 = vector.broadcast %add3A_1889 : i32 to vector<16xi32>
      %add3A_1891 = arith.addi %iota3A, %add3A_1890 : vector<16xi32>
      %gather3A_1892 = arith.constant 5 : i32
      %gather3A_1893 = arith.constant 0 : i32
      %gather3A_1894 = arith.constant 0 : i32
      %gather3A_1895 = tpu.memref_slice %arg12[%gather3A_1892, %gather3A_1893, %gather3A_1894] : memref<8x32x128xf32, #tpu.memory_space<vmem>> -> memref<1x32x128xf32, #tpu.memory_space<vmem>>
      %gather3A_1896 = tpu.memref_squeeze %gather3A_1895 : memref<1x32x128xf32, #tpu.memory_space<vmem>> -> memref<32x128xf32, #tpu.memory_space<vmem>>
      %gather3A_1897 = tpu.vector_load_idx %gather3A_1896[%add3A_1891, %broadcast_in_dim3A_1867] : memref<32x128xf32, #tpu.memory_space<vmem>>[vector<16xi32>, vector<16xi32>], vector<16xf32>,
      %mul3A_1898 = arith.constant 16 : i32
      %mul3A_1899 = vector.broadcast %mul3A_1898 : i32 to vector<16xi32>
      %mul3A_1900 = arith.muli %iota3A, %mul3A_1899 : vector<16xi32>
      %add3A_1901 = arith.constant 13 : i32
      %add3A_1902 = vector.broadcast %add3A_1901 : i32 to vector<16xi32>
      %add3A_1903 = arith.addi %mul3A_1900, %add3A_1902 : vector<16xi32>
      %add3A_1904 = arith.constant 16 : i32
      %add3A_1905 = vector.broadcast %add3A_1904 : i32 to vector<16xi32>
      %add3A_1906 = arith.addi %iota3A, %add3A_1905 : vector<16xi32>
      %mul3A_1907 = arith.constant 16 : i32
      %mul3A_1908 = vector.broadcast %mul3A_1907 : i32 to vector<16xi32>
      %mul3A_1909 = arith.muli %add3A_1906, %mul3A_1908 : vector<16xi32>
      %add3A_1910 = arith.constant 13 : i32
      %add3A_1911 = vector.broadcast %add3A_1910 : i32 to vector<16xi32>
      %add3A_1912 = arith.addi %mul3A_1909, %add3A_1911 : vector<16xi32>
      tpu.vector_store_idx %arg13[%add3A_1903], %gather3A_1873 : memref<512xf32, #tpu.memory_space<vmem>>[vector<16xi32>], vector<16xf32>,
      tpu.vector_store_idx %arg13[%add3A_1912], %gather3A_1882 : memref<512xf32, #tpu.memory_space<vmem>>[vector<16xi32>], vector<16xf32>,
      tpu.vector_store_idx %arg14[%add3A_1903], %gather3A_1888 : memref<512xf32, #tpu.memory_space<vmem>>[vector<16xi32>], vector<16xf32>,
      tpu.vector_store_idx %arg14[%add3A_1912], %gather3A_1897 : memref<512xf32, #tpu.memory_space<vmem>>[vector<16xi32>], vector<16xf32>,
      %lt3A_1913 = arith.constant 31 : i32
      %lt3A_1914 = arith.cmpi slt, %scan3A_181, %lt3A_1913 : i32
      %convert_element_type3A_1915 = arith.extui %lt3A_1914 : i1 to i32
      %cond3A_1916 = arith.constant 0 : i32
      %cond3A_1917 = arith.cmpi ne, %convert_element_type3A_1915, %cond3A_1916 : i32
      scf.if %cond3A_1917 {
        %slice3A_2390 = vector.extract_strided_slice %get3A_1733 {offsets = [2], sizes = [1], strides = [1]} : vector<16xi32> to vector<1xi32>
        %squeeze3A_2391 = vector.extract %slice3A_2390[0] : i32 from vector<1xi32>
        %min3A_2392 = arith.constant 999999 : i32
        %min3A_2393 = arith.minsi %squeeze3A_2391, %min3A_2392 : i32
        %slice3A_2394 = vector.extract_strided_slice %get3A_1735 {offsets = [2], sizes = [1], strides = [1]} : vector<16xi32> to vector<1xi32>
        %squeeze3A_2395 = vector.extract %slice3A_2394[0] : i32 from vector<1xi32>
        %min3A_2396 = arith.constant 999999 : i32
        %min3A_2397 = arith.minsi %squeeze3A_2395, %min3A_2396 : i32
        %shift_right_arithmetic3A_2398 = arith.constant 7 : i32
        %shift_right_arithmetic3A_2399 = arith.shrsi %min3A_2393, %shift_right_arithmetic3A_2398 : i32
        %mul3A_2400 = arith.constant 128 : i32
        %mul3A_2401 = arith.muli %shift_right_arithmetic3A_2399, %mul3A_2400 : i32
        %multiple_of3A_2402 = tpu.assume_multiple %mul3A_2401, 128 : i32
        %shift_right_arithmetic3A_2403 = arith.constant 7 : i32
        %shift_right_arithmetic3A_2404 = arith.shrsi %min3A_2397, %shift_right_arithmetic3A_2403 : i32
        %mul3A_2405 = arith.constant 128 : i32
        %mul3A_2406 = arith.muli %shift_right_arithmetic3A_2404, %mul3A_2405 : i32
        %multiple_of3A_2407 = tpu.assume_multiple %mul3A_2406, 128 : i32
        %dma_start3A_2408 = arith.constant 2 : i32
        %dma_start3A_2409 = arith.constant 0 : i32
        %dma_start3A_2410 = arith.constant 0 : i32
        %dma_start3A_2411 = tpu.memref_slice %arg11[%dma_start3A_2408, %dma_start3A_2409, %dma_start3A_2410] : memref<8x32x128xf32, #tpu.memory_space<vmem>> -> memref<1x32x128xf32, #tpu.memory_space<vmem>>
        %dma_start3A_2412 = tpu.memref_squeeze %dma_start3A_2411 : memref<1x32x128xf32, #tpu.memory_space<vmem>> -> memref<32x128xf32, #tpu.memory_space<vmem>>
        %dma_start3A_2413 = arith.constant 0 : i32
        %dma_start3A_2414 = tpu.memref_slice %arg4[%dma_start3A_2413, %multiple_of3A_2402] : memref<32x1000000xf32, #tpu.memory_space<hbm>> -> memref<32x128xf32, #tpu.memory_space<hbm>>
        %dma_start3A_2415 = arith.constant 0 : i32
        %dma_start3A_2416 = arith.constant 0 : i32
        %dma_start3A_2417 = tpu.memref_slice %arg11[%dma_start3A_2408, %dma_start3A_2415, %dma_start3A_2416] : memref<8x32x128xf32, #tpu.memory_space<vmem>> -> memref<1x32x128xf32, #tpu.memory_space<vmem>>
        %dma_start3A_2418 = tpu.memref_squeeze %dma_start3A_2417 : memref<1x32x128xf32, #tpu.memory_space<vmem>> -> memref<32x128xf32, #tpu.memory_space<vmem>>
        %dma_start3A_2419 = arith.constant 0 : i32
        %dma_start3A_2420 = tpu.memref_slice %arg4[%dma_start3A_2419, %multiple_of3A_2402] : memref<32x1000000xf32, #tpu.memory_space<hbm>> -> memref<32x128xf32, #tpu.memory_space<hbm>>
        tpu.enqueue_dma source(%dma_start3A_2420 : memref<32x128xf32, #tpu.memory_space<hbm>>) target(%dma_start3A_2418 : memref<32x128xf32, #tpu.memory_space<vmem>>) target_semaphore(%arg20 : memref<!tpu.dma_semaphore, #tpu.memory_space<semaphore_mem>>)
        %dma_start3A_2421 = arith.constant 2 : i32
        %dma_start3A_2422 = arith.constant 0 : i32
        %dma_start3A_2423 = arith.constant 0 : i32
        %dma_start3A_2424 = tpu.memref_slice %arg12[%dma_start3A_2421, %dma_start3A_2422, %dma_start3A_2423] : memref<8x32x128xf32, #tpu.memory_space<vmem>> -> memref<1x32x128xf32, #tpu.memory_space<vmem>>
        %dma_start3A_2425 = tpu.memref_squeeze %dma_start3A_2424 : memref<1x32x128xf32, #tpu.memory_space<vmem>> -> memref<32x128xf32, #tpu.memory_space<vmem>>
        %dma_start3A_2426 = arith.constant 0 : i32
        %dma_start3A_2427 = tpu.memref_slice %arg5[%dma_start3A_2426, %multiple_of3A_2407] : memref<32x1000000xf32, #tpu.memory_space<hbm>> -> memref<32x128xf32, #tpu.memory_space<hbm>>
        %dma_start3A_2428 = arith.constant 0 : i32
        %dma_start3A_2429 = arith.constant 0 : i32
        %dma_start3A_2430 = tpu.memref_slice %arg12[%dma_start3A_2421, %dma_start3A_2428, %dma_start3A_2429] : memref<8x32x128xf32, #tpu.memory_space<vmem>> -> memref<1x32x128xf32, #tpu.memory_space<vmem>>
        %dma_start3A_2431 = tpu.memref_squeeze %dma_start3A_2430 : memref<1x32x128xf32, #tpu.memory_space<vmem>> -> memref<32x128xf32, #tpu.memory_space<vmem>>
        %dma_start3A_2432 = arith.constant 0 : i32
        %dma_start3A_2433 = tpu.memref_slice %arg5[%dma_start3A_2432, %multiple_of3A_2407] : memref<32x1000000xf32, #tpu.memory_space<hbm>> -> memref<32x128xf32, #tpu.memory_space<hbm>>
        tpu.enqueue_dma source(%dma_start3A_2433 : memref<32x128xf32, #tpu.memory_space<hbm>>) target(%dma_start3A_2431 : memref<32x128xf32, #tpu.memory_space<vmem>>) target_semaphore(%arg20 : memref<!tpu.dma_semaphore, #tpu.memory_space<semaphore_mem>>)
      } else {
      }
      %dma_wait3A_1918 = arith.constant 6 : i32
      %dma_wait3A_1919 = arith.constant 0 : i32
      %dma_wait3A_1920 = arith.constant 0 : i32
      %dma_wait3A_1921 = tpu.memref_slice %arg11[%dma_wait3A_1918, %dma_wait3A_1919, %dma_wait3A_1920] : memref<8x32x128xf32, #tpu.memory_space<vmem>> -> memref<1x32x128xf32, #tpu.memory_space<vmem>>
      %dma_wait3A_1922 = tpu.memref_squeeze %dma_wait3A_1921 : memref<1x32x128xf32, #tpu.memory_space<vmem>> -> memref<32x128xf32, #tpu.memory_space<vmem>>
      %dma_wait3A_1923 = arith.constant 0 : i32
      %dma_wait3A_1924 = arith.constant 0 : i32
      %dma_wait3A_1925 = tpu.memref_slice %arg4[%dma_wait3A_1923, %dma_wait3A_1924] : memref<32x1000000xf32, #tpu.memory_space<hbm>> -> memref<32x128xf32, #tpu.memory_space<hbm>>
      %dma_wait3A_1926 = arith.constant 0 : i32
      %dma_wait3A_1927 = arith.constant 0 : i32
      %dma_wait3A_1928 = tpu.memref_slice %arg11[%dma_wait3A_1918, %dma_wait3A_1926, %dma_wait3A_1927] : memref<8x32x128xf32, #tpu.memory_space<vmem>> -> memref<1x32x128xf32, #tpu.memory_space<vmem>>
      %dma_wait3A_1929 = tpu.memref_squeeze %dma_wait3A_1928 : memref<1x32x128xf32, #tpu.memory_space<vmem>> -> memref<32x128xf32, #tpu.memory_space<vmem>>
      %dma_wait3A_1930 = arith.constant 0 : i32
      %dma_wait3A_1931 = arith.constant 0 : i32
      %dma_wait3A_1932 = tpu.memref_slice %arg4[%dma_wait3A_1930, %dma_wait3A_1931] : memref<32x1000000xf32, #tpu.memory_space<hbm>> -> memref<32x128xf32, #tpu.memory_space<hbm>>
      tpu.wait_dma2 semaphore(%arg24 : memref<!tpu.dma_semaphore, #tpu.memory_space<semaphore_mem>>) src(%dma_wait3A_1932 : memref<32x128xf32, #tpu.memory_space<hbm>>) dst(%dma_wait3A_1929 : memref<32x128xf32, #tpu.memory_space<vmem>>)
      %dma_wait3A_1933 = arith.constant 6 : i32
      %dma_wait3A_1934 = arith.constant 0 : i32
      %dma_wait3A_1935 = arith.constant 0 : i32
      %dma_wait3A_1936 = tpu.memref_slice %arg12[%dma_wait3A_1933, %dma_wait3A_1934, %dma_wait3A_1935] : memref<8x32x128xf32, #tpu.memory_space<vmem>> -> memref<1x32x128xf32, #tpu.memory_space<vmem>>
      %dma_wait3A_1937 = tpu.memref_squeeze %dma_wait3A_1936 : memref<1x32x128xf32, #tpu.memory_space<vmem>> -> memref<32x128xf32, #tpu.memory_space<vmem>>
      %dma_wait3A_1938 = arith.constant 0 : i32
      %dma_wait3A_1939 = arith.constant 0 : i32
      %dma_wait3A_1940 = tpu.memref_slice %arg5[%dma_wait3A_1938, %dma_wait3A_1939] : memref<32x1000000xf32, #tpu.memory_space<hbm>> -> memref<32x128xf32, #tpu.memory_space<hbm>>
      %dma_wait3A_1941 = arith.constant 0 : i32
      %dma_wait3A_1942 = arith.constant 0 : i32
      %dma_wait3A_1943 = tpu.memref_slice %arg12[%dma_wait3A_1933, %dma_wait3A_1941, %dma_wait3A_1942] : memref<8x32x128xf32, #tpu.memory_space<vmem>> -> memref<1x32x128xf32, #tpu.memory_space<vmem>>
      %dma_wait3A_1944 = tpu.memref_squeeze %dma_wait3A_1943 : memref<1x32x128xf32, #tpu.memory_space<vmem>> -> memref<32x128xf32, #tpu.memory_space<vmem>>
      %dma_wait3A_1945 = arith.constant 0 : i32
      %dma_wait3A_1946 = arith.constant 0 : i32
      %dma_wait3A_1947 = tpu.memref_slice %arg5[%dma_wait3A_1945, %dma_wait3A_1946] : memref<32x1000000xf32, #tpu.memory_space<hbm>> -> memref<32x128xf32, #tpu.memory_space<hbm>>
      tpu.wait_dma2 semaphore(%arg24 : memref<!tpu.dma_semaphore, #tpu.memory_space<semaphore_mem>>) src(%dma_wait3A_1947 : memref<32x128xf32, #tpu.memory_space<hbm>>) dst(%dma_wait3A_1944 : memref<32x128xf32, #tpu.memory_space<vmem>>)
      %slice3A_1948 = vector.extract_strided_slice %scan3A_182 {offsets = [14], sizes = [1], strides = [1]} : vector<16xi32> to vector<1xi32>
      %squeeze3A_1949 = vector.extract %slice3A_1948[0] : i32 from vector<1xi32>
      %and3A_1950 = arith.constant 127 : i32
      %and3A_1951 = arith.andi %squeeze3A_1949, %and3A_1950 : i32
      %broadcast_in_dim3A_1952 = vector.broadcast %and3A_1951 : i32 to vector<16xi32>
      %slice3A_1953 = vector.extract_strided_slice %scan3A_183 {offsets = [14], sizes = [1], strides = [1]} : vector<16xi32> to vector<1xi32>
      %squeeze3A_1954 = vector.extract %slice3A_1953[0] : i32 from vector<1xi32>
      %and3A_1955 = arith.constant 127 : i32
      %and3A_1956 = arith.andi %squeeze3A_1954, %and3A_1955 : i32
      %broadcast_in_dim3A_1957 = vector.broadcast %and3A_1956 : i32 to vector<16xi32>
      %gather3A_1958 = arith.constant 6 : i32
      %gather3A_1959 = arith.constant 0 : i32
      %gather3A_1960 = arith.constant 0 : i32
      %gather3A_1961 = tpu.memref_slice %arg11[%gather3A_1958, %gather3A_1959, %gather3A_1960] : memref<8x32x128xf32, #tpu.memory_space<vmem>> -> memref<1x32x128xf32, #tpu.memory_space<vmem>>
      %gather3A_1962 = tpu.memref_squeeze %gather3A_1961 : memref<1x32x128xf32, #tpu.memory_space<vmem>> -> memref<32x128xf32, #tpu.memory_space<vmem>>
      %gather3A_1963 = tpu.vector_load_idx %gather3A_1962[%iota3A, %broadcast_in_dim3A_1952] : memref<32x128xf32, #tpu.memory_space<vmem>>[vector<16xi32>, vector<16xi32>], vector<16xf32>,
      %add3A_1964 = arith.constant 16 : i32
      %add3A_1965 = vector.broadcast %add3A_1964 : i32 to vector<16xi32>
      %add3A_1966 = arith.addi %iota3A, %add3A_1965 : vector<16xi32>
      %gather3A_1967 = arith.constant 6 : i32
      %gather3A_1968 = arith.constant 0 : i32
      %gather3A_1969 = arith.constant 0 : i32
      %gather3A_1970 = tpu.memref_slice %arg11[%gather3A_1967, %gather3A_1968, %gather3A_1969] : memref<8x32x128xf32, #tpu.memory_space<vmem>> -> memref<1x32x128xf32, #tpu.memory_space<vmem>>
      %gather3A_1971 = tpu.memref_squeeze %gather3A_1970 : memref<1x32x128xf32, #tpu.memory_space<vmem>> -> memref<32x128xf32, #tpu.memory_space<vmem>>
      %gather3A_1972 = tpu.vector_load_idx %gather3A_1971[%add3A_1966, %broadcast_in_dim3A_1952] : memref<32x128xf32, #tpu.memory_space<vmem>>[vector<16xi32>, vector<16xi32>], vector<16xf32>,
      %gather3A_1973 = arith.constant 6 : i32
      %gather3A_1974 = arith.constant 0 : i32
      %gather3A_1975 = arith.constant 0 : i32
      %gather3A_1976 = tpu.memref_slice %arg12[%gather3A_1973, %gather3A_1974, %gather3A_1975] : memref<8x32x128xf32, #tpu.memory_space<vmem>> -> memref<1x32x128xf32, #tpu.memory_space<vmem>>
      %gather3A_1977 = tpu.memref_squeeze %gather3A_1976 : memref<1x32x128xf32, #tpu.memory_space<vmem>> -> memref<32x128xf32, #tpu.memory_space<vmem>>
      %gather3A_1978 = tpu.vector_load_idx %gather3A_1977[%iota3A, %broadcast_in_dim3A_1957] : memref<32x128xf32, #tpu.memory_space<vmem>>[vector<16xi32>, vector<16xi32>], vector<16xf32>,
      %add3A_1979 = arith.constant 16 : i32
      %add3A_1980 = vector.broadcast %add3A_1979 : i32 to vector<16xi32>
      %add3A_1981 = arith.addi %iota3A, %add3A_1980 : vector<16xi32>
      %gather3A_1982 = arith.constant 6 : i32
      %gather3A_1983 = arith.constant 0 : i32
      %gather3A_1984 = arith.constant 0 : i32
      %gather3A_1985 = tpu.memref_slice %arg12[%gather3A_1982, %gather3A_1983, %gather3A_1984] : memref<8x32x128xf32, #tpu.memory_space<vmem>> -> memref<1x32x128xf32, #tpu.memory_space<vmem>>
      %gather3A_1986 = tpu.memref_squeeze %gather3A_1985 : memref<1x32x128xf32, #tpu.memory_space<vmem>> -> memref<32x128xf32, #tpu.memory_space<vmem>>
      %gather3A_1987 = tpu.vector_load_idx %gather3A_1986[%add3A_1981, %broadcast_in_dim3A_1957] : memref<32x128xf32, #tpu.memory_space<vmem>>[vector<16xi32>, vector<16xi32>], vector<16xf32>,
      %mul3A_1988 = arith.constant 16 : i32
      %mul3A_1989 = vector.broadcast %mul3A_1988 : i32 to vector<16xi32>
      %mul3A_1990 = arith.muli %iota3A, %mul3A_1989 : vector<16xi32>
      %add3A_1991 = arith.constant 14 : i32
      %add3A_1992 = vector.broadcast %add3A_1991 : i32 to vector<16xi32>
      %add3A_1993 = arith.addi %mul3A_1990, %add3A_1992 : vector<16xi32>
      %add3A_1994 = arith.constant 16 : i32
      %add3A_1995 = vector.broadcast %add3A_1994 : i32 to vector<16xi32>
      %add3A_1996 = arith.addi %iota3A, %add3A_1995 : vector<16xi32>
      %mul3A_1997 = arith.constant 16 : i32
      %mul3A_1998 = vector.broadcast %mul3A_1997 : i32 to vector<16xi32>
      %mul3A_1999 = arith.muli %add3A_1996, %mul3A_1998 : vector<16xi32>
      %add3A_2000 = arith.constant 14 : i32
      %add3A_2001 = vector.broadcast %add3A_2000 : i32 to vector<16xi32>
      %add3A_2002 = arith.addi %mul3A_1999, %add3A_2001 : vector<16xi32>
      tpu.vector_store_idx %arg13[%add3A_1993], %gather3A_1963 : memref<512xf32, #tpu.memory_space<vmem>>[vector<16xi32>], vector<16xf32>,
      tpu.vector_store_idx %arg13[%add3A_2002], %gather3A_1972 : memref<512xf32, #tpu.memory_space<vmem>>[vector<16xi32>], vector<16xf32>,
      tpu.vector_store_idx %arg14[%add3A_1993], %gather3A_1978 : memref<512xf32, #tpu.memory_space<vmem>>[vector<16xi32>], vector<16xf32>,
      tpu.vector_store_idx %arg14[%add3A_2002], %gather3A_1987 : memref<512xf32, #tpu.memory_space<vmem>>[vector<16xi32>], vector<16xf32>,
      %lt3A_2003 = arith.constant 31 : i32
      %lt3A_2004 = arith.cmpi slt, %scan3A_181, %lt3A_2003 : i32
      %convert_element_type3A_2005 = arith.extui %lt3A_2004 : i1 to i32
      %cond3A_2006 = arith.constant 0 : i32
      %cond3A_2007 = arith.cmpi ne, %convert_element_type3A_2005, %cond3A_2006 : i32
      scf.if %cond3A_2007 {
        %slice3A_2390 = vector.extract_strided_slice %get3A_1733 {offsets = [3], sizes = [1], strides = [1]} : vector<16xi32> to vector<1xi32>
        %squeeze3A_2391 = vector.extract %slice3A_2390[0] : i32 from vector<1xi32>
        %min3A_2392 = arith.constant 999999 : i32
        %min3A_2393 = arith.minsi %squeeze3A_2391, %min3A_2392 : i32
        %slice3A_2394 = vector.extract_strided_slice %get3A_1735 {offsets = [3], sizes = [1], strides = [1]} : vector<16xi32> to vector<1xi32>
        %squeeze3A_2395 = vector.extract %slice3A_2394[0] : i32 from vector<1xi32>
        %min3A_2396 = arith.constant 999999 : i32
        %min3A_2397 = arith.minsi %squeeze3A_2395, %min3A_2396 : i32
        %shift_right_arithmetic3A_2398 = arith.constant 7 : i32
        %shift_right_arithmetic3A_2399 = arith.shrsi %min3A_2393, %shift_right_arithmetic3A_2398 : i32
        %mul3A_2400 = arith.constant 128 : i32
        %mul3A_2401 = arith.muli %shift_right_arithmetic3A_2399, %mul3A_2400 : i32
        %multiple_of3A_2402 = tpu.assume_multiple %mul3A_2401, 128 : i32
        %shift_right_arithmetic3A_2403 = arith.constant 7 : i32
        %shift_right_arithmetic3A_2404 = arith.shrsi %min3A_2397, %shift_right_arithmetic3A_2403 : i32
        %mul3A_2405 = arith.constant 128 : i32
        %mul3A_2406 = arith.muli %shift_right_arithmetic3A_2404, %mul3A_2405 : i32
        %multiple_of3A_2407 = tpu.assume_multiple %mul3A_2406, 128 : i32
        %dma_start3A_2408 = arith.constant 3 : i32
        %dma_start3A_2409 = arith.constant 0 : i32
        %dma_start3A_2410 = arith.constant 0 : i32
        %dma_start3A_2411 = tpu.memref_slice %arg11[%dma_start3A_2408, %dma_start3A_2409, %dma_start3A_2410] : memref<8x32x128xf32, #tpu.memory_space<vmem>> -> memref<1x32x128xf32, #tpu.memory_space<vmem>>
        %dma_start3A_2412 = tpu.memref_squeeze %dma_start3A_2411 : memref<1x32x128xf32, #tpu.memory_space<vmem>> -> memref<32x128xf32, #tpu.memory_space<vmem>>
        %dma_start3A_2413 = arith.constant 0 : i32
        %dma_start3A_2414 = tpu.memref_slice %arg4[%dma_start3A_2413, %multiple_of3A_2402] : memref<32x1000000xf32, #tpu.memory_space<hbm>> -> memref<32x128xf32, #tpu.memory_space<hbm>>
        %dma_start3A_2415 = arith.constant 0 : i32
        %dma_start3A_2416 = arith.constant 0 : i32
        %dma_start3A_2417 = tpu.memref_slice %arg11[%dma_start3A_2408, %dma_start3A_2415, %dma_start3A_2416] : memref<8x32x128xf32, #tpu.memory_space<vmem>> -> memref<1x32x128xf32, #tpu.memory_space<vmem>>
        %dma_start3A_2418 = tpu.memref_squeeze %dma_start3A_2417 : memref<1x32x128xf32, #tpu.memory_space<vmem>> -> memref<32x128xf32, #tpu.memory_space<vmem>>
        %dma_start3A_2419 = arith.constant 0 : i32
        %dma_start3A_2420 = tpu.memref_slice %arg4[%dma_start3A_2419, %multiple_of3A_2402] : memref<32x1000000xf32, #tpu.memory_space<hbm>> -> memref<32x128xf32, #tpu.memory_space<hbm>>
        tpu.enqueue_dma source(%dma_start3A_2420 : memref<32x128xf32, #tpu.memory_space<hbm>>) target(%dma_start3A_2418 : memref<32x128xf32, #tpu.memory_space<vmem>>) target_semaphore(%arg21 : memref<!tpu.dma_semaphore, #tpu.memory_space<semaphore_mem>>)
        %dma_start3A_2421 = arith.constant 3 : i32
        %dma_start3A_2422 = arith.constant 0 : i32
        %dma_start3A_2423 = arith.constant 0 : i32
        %dma_start3A_2424 = tpu.memref_slice %arg12[%dma_start3A_2421, %dma_start3A_2422, %dma_start3A_2423] : memref<8x32x128xf32, #tpu.memory_space<vmem>> -> memref<1x32x128xf32, #tpu.memory_space<vmem>>
        %dma_start3A_2425 = tpu.memref_squeeze %dma_start3A_2424 : memref<1x32x128xf32, #tpu.memory_space<vmem>> -> memref<32x128xf32, #tpu.memory_space<vmem>>
        %dma_start3A_2426 = arith.constant 0 : i32
        %dma_start3A_2427 = tpu.memref_slice %arg5[%dma_start3A_2426, %multiple_of3A_2407] : memref<32x1000000xf32, #tpu.memory_space<hbm>> -> memref<32x128xf32, #tpu.memory_space<hbm>>
        %dma_start3A_2428 = arith.constant 0 : i32
        %dma_start3A_2429 = arith.constant 0 : i32
        %dma_start3A_2430 = tpu.memref_slice %arg12[%dma_start3A_2421, %dma_start3A_2428, %dma_start3A_2429] : memref<8x32x128xf32, #tpu.memory_space<vmem>> -> memref<1x32x128xf32, #tpu.memory_space<vmem>>
        %dma_start3A_2431 = tpu.memref_squeeze %dma_start3A_2430 : memref<1x32x128xf32, #tpu.memory_space<vmem>> -> memref<32x128xf32, #tpu.memory_space<vmem>>
        %dma_start3A_2432 = arith.constant 0 : i32
        %dma_start3A_2433 = tpu.memref_slice %arg5[%dma_start3A_2432, %multiple_of3A_2407] : memref<32x1000000xf32, #tpu.memory_space<hbm>> -> memref<32x128xf32, #tpu.memory_space<hbm>>
        tpu.enqueue_dma source(%dma_start3A_2433 : memref<32x128xf32, #tpu.memory_space<hbm>>) target(%dma_start3A_2431 : memref<32x128xf32, #tpu.memory_space<vmem>>) target_semaphore(%arg21 : memref<!tpu.dma_semaphore, #tpu.memory_space<semaphore_mem>>)
      } else {
      }
      %dma_wait3A_2008 = arith.constant 7 : i32
      %dma_wait3A_2009 = arith.constant 0 : i32
      %dma_wait3A_2010 = arith.constant 0 : i32
      %dma_wait3A_2011 = tpu.memref_slice %arg11[%dma_wait3A_2008, %dma_wait3A_2009, %dma_wait3A_2010] : memref<8x32x128xf32, #tpu.memory_space<vmem>> -> memref<1x32x128xf32, #tpu.memory_space<vmem>>
      %dma_wait3A_2012 = tpu.memref_squeeze %dma_wait3A_2011 : memref<1x32x128xf32, #tpu.memory_space<vmem>> -> memref<32x128xf32, #tpu.memory_space<vmem>>
      %dma_wait3A_2013 = arith.constant 0 : i32
      %dma_wait3A_2014 = arith.constant 0 : i32
      %dma_wait3A_2015 = tpu.memref_slice %arg4[%dma_wait3A_2013, %dma_wait3A_2014] : memref<32x1000000xf32, #tpu.memory_space<hbm>> -> memref<32x128xf32, #tpu.memory_space<hbm>>
      %dma_wait3A_2016 = arith.constant 0 : i32
      %dma_wait3A_2017 = arith.constant 0 : i32
      %dma_wait3A_2018 = tpu.memref_slice %arg11[%dma_wait3A_2008, %dma_wait3A_2016, %dma_wait3A_2017] : memref<8x32x128xf32, #tpu.memory_space<vmem>> -> memref<1x32x128xf32, #tpu.memory_space<vmem>>
      %dma_wait3A_2019 = tpu.memref_squeeze %dma_wait3A_2018 : memref<1x32x128xf32, #tpu.memory_space<vmem>> -> memref<32x128xf32, #tpu.memory_space<vmem>>
      %dma_wait3A_2020 = arith.constant 0 : i32
      %dma_wait3A_2021 = arith.constant 0 : i32
      %dma_wait3A_2022 = tpu.memref_slice %arg4[%dma_wait3A_2020, %dma_wait3A_2021] : memref<32x1000000xf32, #tpu.memory_space<hbm>> -> memref<32x128xf32, #tpu.memory_space<hbm>>
      tpu.wait_dma2 semaphore(%arg25 : memref<!tpu.dma_semaphore, #tpu.memory_space<semaphore_mem>>) src(%dma_wait3A_2022 : memref<32x128xf32, #tpu.memory_space<hbm>>) dst(%dma_wait3A_2019 : memref<32x128xf32, #tpu.memory_space<vmem>>)
      %dma_wait3A_2023 = arith.constant 7 : i32
      %dma_wait3A_2024 = arith.constant 0 : i32
      %dma_wait3A_2025 = arith.constant 0 : i32
      %dma_wait3A_2026 = tpu.memref_slice %arg12[%dma_wait3A_2023, %dma_wait3A_2024, %dma_wait3A_2025] : memref<8x32x128xf32, #tpu.memory_space<vmem>> -> memref<1x32x128xf32, #tpu.memory_space<vmem>>
      %dma_wait3A_2027 = tpu.memref_squeeze %dma_wait3A_2026 : memref<1x32x128xf32, #tpu.memory_space<vmem>> -> memref<32x128xf32, #tpu.memory_space<vmem>>
      %dma_wait3A_2028 = arith.constant 0 : i32
      %dma_wait3A_2029 = arith.constant 0 : i32
      %dma_wait3A_2030 = tpu.memref_slice %arg5[%dma_wait3A_2028, %dma_wait3A_2029] : memref<32x1000000xf32, #tpu.memory_space<hbm>> -> memref<32x128xf32, #tpu.memory_space<hbm>>
      %dma_wait3A_2031 = arith.constant 0 : i32
      %dma_wait3A_2032 = arith.constant 0 : i32
      %dma_wait3A_2033 = tpu.memref_slice %arg12[%dma_wait3A_2023, %dma_wait3A_2031, %dma_wait3A_2032] : memref<8x32x128xf32, #tpu.memory_space<vmem>> -> memref<1x32x128xf32, #tpu.memory_space<vmem>>
      %dma_wait3A_2034 = tpu.memref_squeeze %dma_wait3A_2033 : memref<1x32x128xf32, #tpu.memory_space<vmem>> -> memref<32x128xf32, #tpu.memory_space<vmem>>
      %dma_wait3A_2035 = arith.constant 0 : i32
      %dma_wait3A_2036 = arith.constant 0 : i32
      %dma_wait3A_2037 = tpu.memref_slice %arg5[%dma_wait3A_2035, %dma_wait3A_2036] : memref<32x1000000xf32, #tpu.memory_space<hbm>> -> memref<32x128xf32, #tpu.memory_space<hbm>>
      tpu.wait_dma2 semaphore(%arg25 : memref<!tpu.dma_semaphore, #tpu.memory_space<semaphore_mem>>) src(%dma_wait3A_2037 : memref<32x128xf32, #tpu.memory_space<hbm>>) dst(%dma_wait3A_2034 : memref<32x128xf32, #tpu.memory_space<vmem>>)
      %slice3A_2038 = vector.extract_strided_slice %scan3A_182 {offsets = [15], sizes = [1], strides = [1]} : vector<16xi32> to vector<1xi32>
      %squeeze3A_2039 = vector.extract %slice3A_2038[0] : i32 from vector<1xi32>
      %and3A_2040 = arith.constant 127 : i32
      %and3A_2041 = arith.andi %squeeze3A_2039, %and3A_2040 : i32
      %broadcast_in_dim3A_2042 = vector.broadcast %and3A_2041 : i32 to vector<16xi32>
      %slice3A_2043 = vector.extract_strided_slice %scan3A_183 {offsets = [15], sizes = [1], strides = [1]} : vector<16xi32> to vector<1xi32>
      %squeeze3A_2044 = vector.extract %slice3A_2043[0] : i32 from vector<1xi32>
      %and3A_2045 = arith.constant 127 : i32
      %and3A_2046 = arith.andi %squeeze3A_2044, %and3A_2045 : i32
      %broadcast_in_dim3A_2047 = vector.broadcast %and3A_2046 : i32 to vector<16xi32>
      %gather3A_2048 = arith.constant 7 : i32
      %gather3A_2049 = arith.constant 0 : i32
      %gather3A_2050 = arith.constant 0 : i32
      %gather3A_2051 = tpu.memref_slice %arg11[%gather3A_2048, %gather3A_2049, %gather3A_2050] : memref<8x32x128xf32, #tpu.memory_space<vmem>> -> memref<1x32x128xf32, #tpu.memory_space<vmem>>
      %gather3A_2052 = tpu.memref_squeeze %gather3A_2051 : memref<1x32x128xf32, #tpu.memory_space<vmem>> -> memref<32x128xf32, #tpu.memory_space<vmem>>
      %gather3A_2053 = tpu.vector_load_idx %gather3A_2052[%iota3A, %broadcast_in_dim3A_2042] : memref<32x128xf32, #tpu.memory_space<vmem>>[vector<16xi32>, vector<16xi32>], vector<16xf32>,
      %add3A_2054 = arith.constant 16 : i32
      %add3A_2055 = vector.broadcast %add3A_2054 : i32 to vector<16xi32>
      %add3A_2056 = arith.addi %iota3A, %add3A_2055 : vector<16xi32>
      %gather3A_2057 = arith.constant 7 : i32
      %gather3A_2058 = arith.constant 0 : i32
      %gather3A_2059 = arith.constant 0 : i32
      %gather3A_2060 = tpu.memref_slice %arg11[%gather3A_2057, %gather3A_2058, %gather3A_2059] : memref<8x32x128xf32, #tpu.memory_space<vmem>> -> memref<1x32x128xf32, #tpu.memory_space<vmem>>
      %gather3A_2061 = tpu.memref_squeeze %gather3A_2060 : memref<1x32x128xf32, #tpu.memory_space<vmem>> -> memref<32x128xf32, #tpu.memory_space<vmem>>
      %gather3A_2062 = tpu.vector_load_idx %gather3A_2061[%add3A_2056, %broadcast_in_dim3A_2042] : memref<32x128xf32, #tpu.memory_space<vmem>>[vector<16xi32>, vector<16xi32>], vector<16xf32>,
      %gather3A_2063 = arith.constant 7 : i32
      %gather3A_2064 = arith.constant 0 : i32
      %gather3A_2065 = arith.constant 0 : i32
      %gather3A_2066 = tpu.memref_slice %arg12[%gather3A_2063, %gather3A_2064, %gather3A_2065] : memref<8x32x128xf32, #tpu.memory_space<vmem>> -> memref<1x32x128xf32, #tpu.memory_space<vmem>>
      %gather3A_2067 = tpu.memref_squeeze %gather3A_2066 : memref<1x32x128xf32, #tpu.memory_space<vmem>> -> memref<32x128xf32, #tpu.memory_space<vmem>>
      %gather3A_2068 = tpu.vector_load_idx %gather3A_2067[%iota3A, %broadcast_in_dim3A_2047] : memref<32x128xf32, #tpu.memory_space<vmem>>[vector<16xi32>, vector<16xi32>], vector<16xf32>,
      %add3A_2069 = arith.constant 16 : i32
      %add3A_2070 = vector.broadcast %add3A_2069 : i32 to vector<16xi32>
      %add3A_2071 = arith.addi %iota3A, %add3A_2070 : vector<16xi32>
      %gather3A_2072 = arith.constant 7 : i32
      %gather3A_2073 = arith.constant 0 : i32
      %gather3A_2074 = arith.constant 0 : i32
      %gather3A_2075 = tpu.memref_slice %arg12[%gather3A_2072, %gather3A_2073, %gather3A_2074] : memref<8x32x128xf32, #tpu.memory_space<vmem>> -> memref<1x32x128xf32, #tpu.memory_space<vmem>>
      %gather3A_2076 = tpu.memref_squeeze %gather3A_2075 : memref<1x32x128xf32, #tpu.memory_space<vmem>> -> memref<32x128xf32, #tpu.memory_space<vmem>>
      %gather3A_2077 = tpu.vector_load_idx %gather3A_2076[%add3A_2071, %broadcast_in_dim3A_2047] : memref<32x128xf32, #tpu.memory_space<vmem>>[vector<16xi32>, vector<16xi32>], vector<16xf32>,
      %mul3A_2078 = arith.constant 16 : i32
      %mul3A_2079 = vector.broadcast %mul3A_2078 : i32 to vector<16xi32>
      %mul3A_2080 = arith.muli %iota3A, %mul3A_2079 : vector<16xi32>
      %add3A_2081 = arith.constant 15 : i32
      %add3A_2082 = vector.broadcast %add3A_2081 : i32 to vector<16xi32>
      %add3A_2083 = arith.addi %mul3A_2080, %add3A_2082 : vector<16xi32>
      %add3A_2084 = arith.constant 16 : i32
      %add3A_2085 = vector.broadcast %add3A_2084 : i32 to vector<16xi32>
      %add3A_2086 = arith.addi %iota3A, %add3A_2085 : vector<16xi32>
      %mul3A_2087 = arith.constant 16 : i32
      %mul3A_2088 = vector.broadcast %mul3A_2087 : i32 to vector<16xi32>
      %mul3A_2089 = arith.muli %add3A_2086, %mul3A_2088 : vector<16xi32>
      %add3A_2090 = arith.constant 15 : i32
      %add3A_2091 = vector.broadcast %add3A_2090 : i32 to vector<16xi32>
      %add3A_2092 = arith.addi %mul3A_2089, %add3A_2091 : vector<16xi32>
      tpu.vector_store_idx %arg13[%add3A_2083], %gather3A_2053 : memref<512xf32, #tpu.memory_space<vmem>>[vector<16xi32>], vector<16xf32>,
      tpu.vector_store_idx %arg13[%add3A_2092], %gather3A_2062 : memref<512xf32, #tpu.memory_space<vmem>>[vector<16xi32>], vector<16xf32>,
      tpu.vector_store_idx %arg14[%add3A_2083], %gather3A_2068 : memref<512xf32, #tpu.memory_space<vmem>>[vector<16xi32>], vector<16xf32>,
      tpu.vector_store_idx %arg14[%add3A_2092], %gather3A_2077 : memref<512xf32, #tpu.memory_space<vmem>>[vector<16xi32>], vector<16xf32>,
      %get3A_2093 = arith.constant 0 : index
      %get3A_2094 = tpu.vector_load %arg16[%get3A_2093] {strides = array<i32>} : memref<16xf32, #tpu.memory_space<vmem>>, vector<16xf32>,
      %get3A_2095 = arith.constant 0 : index
      %get3A_2096 = tpu.vector_load %arg13[%get3A_2095] {strides = array<i32>} : memref<512xf32, #tpu.memory_space<vmem>>, vector<16xf32>,
      %get3A_2097 = arith.constant 0 : index
      %get3A_2098 = tpu.vector_load %arg14[%get3A_2097] {strides = array<i32>} : memref<512xf32, #tpu.memory_space<vmem>>, vector<16xf32>,
      %get3A_2099 = arith.constant 0 : index
      %get3A_2100 = tpu.vector_load %arg15[%get3A_2099] {strides = array<i32>} : memref<512xf32, #tpu.memory_space<vmem>>, vector<16xf32>,
      %mul3A_2101 = arith.mulf %get3A_2096, %get3A_2098 : vector<16xf32>
      %mul3A_2102 = arith.mulf %mul3A_2101, %get3A_2100 : vector<16xf32>
      %add3A_2103 = arith.addf %get3A_2094, %mul3A_2102 : vector<16xf32>
      %get3A_2104 = arith.constant 16 : index
      %get3A_2105 = tpu.vector_load %arg13[%get3A_2104] {strides = array<i32>} : memref<512xf32, #tpu.memory_space<vmem>>, vector<16xf32>,
      %get3A_2106 = arith.constant 16 : index
      %get3A_2107 = tpu.vector_load %arg14[%get3A_2106] {strides = array<i32>} : memref<512xf32, #tpu.memory_space<vmem>>, vector<16xf32>,
      %get3A_2108 = arith.constant 16 : index
      %get3A_2109 = tpu.vector_load %arg15[%get3A_2108] {strides = array<i32>} : memref<512xf32, #tpu.memory_space<vmem>>, vector<16xf32>,
      %mul3A_2110 = arith.mulf %get3A_2105, %get3A_2107 : vector<16xf32>
      %mul3A_2111 = arith.mulf %mul3A_2110, %get3A_2109 : vector<16xf32>
      %add3A_2112 = arith.addf %add3A_2103, %mul3A_2111 : vector<16xf32>
      %get3A_2113 = arith.constant 32 : index
      %get3A_2114 = tpu.vector_load %arg13[%get3A_2113] {strides = array<i32>} : memref<512xf32, #tpu.memory_space<vmem>>, vector<16xf32>,
      %get3A_2115 = arith.constant 32 : index
      %get3A_2116 = tpu.vector_load %arg14[%get3A_2115] {strides = array<i32>} : memref<512xf32, #tpu.memory_space<vmem>>, vector<16xf32>,
      %get3A_2117 = arith.constant 32 : index
      %get3A_2118 = tpu.vector_load %arg15[%get3A_2117] {strides = array<i32>} : memref<512xf32, #tpu.memory_space<vmem>>, vector<16xf32>,
      %mul3A_2119 = arith.mulf %get3A_2114, %get3A_2116 : vector<16xf32>
      %mul3A_2120 = arith.mulf %mul3A_2119, %get3A_2118 : vector<16xf32>
      %add3A_2121 = arith.addf %add3A_2112, %mul3A_2120 : vector<16xf32>
      %get3A_2122 = arith.constant 48 : index
      %get3A_2123 = tpu.vector_load %arg13[%get3A_2122] {strides = array<i32>} : memref<512xf32, #tpu.memory_space<vmem>>, vector<16xf32>,
      %get3A_2124 = arith.constant 48 : index
      %get3A_2125 = tpu.vector_load %arg14[%get3A_2124] {strides = array<i32>} : memref<512xf32, #tpu.memory_space<vmem>>, vector<16xf32>,
      %get3A_2126 = arith.constant 48 : index
      %get3A_2127 = tpu.vector_load %arg15[%get3A_2126] {strides = array<i32>} : memref<512xf32, #tpu.memory_space<vmem>>, vector<16xf32>,
      %mul3A_2128 = arith.mulf %get3A_2123, %get3A_2125 : vector<16xf32>
      %mul3A_2129 = arith.mulf %mul3A_2128, %get3A_2127 : vector<16xf32>
      %add3A_2130 = arith.addf %add3A_2121, %mul3A_2129 : vector<16xf32>
      %get3A_2131 = arith.constant 64 : index
      %get3A_2132 = tpu.vector_load %arg13[%get3A_2131] {strides = array<i32>} : memref<512xf32, #tpu.memory_space<vmem>>, vector<16xf32>,
      %get3A_2133 = arith.constant 64 : index
      %get3A_2134 = tpu.vector_load %arg14[%get3A_2133] {strides = array<i32>} : memref<512xf32, #tpu.memory_space<vmem>>, vector<16xf32>,
      %get3A_2135 = arith.constant 64 : index
      %get3A_2136 = tpu.vector_load %arg15[%get3A_2135] {strides = array<i32>} : memref<512xf32, #tpu.memory_space<vmem>>, vector<16xf32>,
      %mul3A_2137 = arith.mulf %get3A_2132, %get3A_2134 : vector<16xf32>
      %mul3A_2138 = arith.mulf %mul3A_2137, %get3A_2136 : vector<16xf32>
      %add3A_2139 = arith.addf %add3A_2130, %mul3A_2138 : vector<16xf32>
      %get3A_2140 = arith.constant 80 : index
      %get3A_2141 = tpu.vector_load %arg13[%get3A_2140] {strides = array<i32>} : memref<512xf32, #tpu.memory_space<vmem>>, vector<16xf32>,
      %get3A_2142 = arith.constant 80 : index
      %get3A_2143 = tpu.vector_load %arg14[%get3A_2142] {strides = array<i32>} : memref<512xf32, #tpu.memory_space<vmem>>, vector<16xf32>,
      %get3A_2144 = arith.constant 80 : index
      %get3A_2145 = tpu.vector_load %arg15[%get3A_2144] {strides = array<i32>} : memref<512xf32, #tpu.memory_space<vmem>>, vector<16xf32>,
      %mul3A_2146 = arith.mulf %get3A_2141, %get3A_2143 : vector<16xf32>
      %mul3A_2147 = arith.mulf %mul3A_2146, %get3A_2145 : vector<16xf32>
      %add3A_2148 = arith.addf %add3A_2139, %mul3A_2147 : vector<16xf32>
      %get3A_2149 = arith.constant 96 : index
      %get3A_2150 = tpu.vector_load %arg13[%get3A_2149] {strides = array<i32>} : memref<512xf32, #tpu.memory_space<vmem>>, vector<16xf32>,
      %get3A_2151 = arith.constant 96 : index
      %get3A_2152 = tpu.vector_load %arg14[%get3A_2151] {strides = array<i32>} : memref<512xf32, #tpu.memory_space<vmem>>, vector<16xf32>,
      %get3A_2153 = arith.constant 96 : index
      %get3A_2154 = tpu.vector_load %arg15[%get3A_2153] {strides = array<i32>} : memref<512xf32, #tpu.memory_space<vmem>>, vector<16xf32>,
      %mul3A_2155 = arith.mulf %get3A_2150, %get3A_2152 : vector<16xf32>
      %mul3A_2156 = arith.mulf %mul3A_2155, %get3A_2154 : vector<16xf32>
      %add3A_2157 = arith.addf %add3A_2148, %mul3A_2156 : vector<16xf32>
      %get3A_2158 = arith.constant 112 : index
      %get3A_2159 = tpu.vector_load %arg13[%get3A_2158] {strides = array<i32>} : memref<512xf32, #tpu.memory_space<vmem>>, vector<16xf32>,
      %get3A_2160 = arith.constant 112 : index
      %get3A_2161 = tpu.vector_load %arg14[%get3A_2160] {strides = array<i32>} : memref<512xf32, #tpu.memory_space<vmem>>, vector<16xf32>,
      %get3A_2162 = arith.constant 112 : index
      %get3A_2163 = tpu.vector_load %arg15[%get3A_2162] {strides = array<i32>} : memref<512xf32, #tpu.memory_space<vmem>>, vector<16xf32>,
      %mul3A_2164 = arith.mulf %get3A_2159, %get3A_2161 : vector<16xf32>
      %mul3A_2165 = arith.mulf %mul3A_2164, %get3A_2163 : vector<16xf32>
      %add3A_2166 = arith.addf %add3A_2157, %mul3A_2165 : vector<16xf32>
      %get3A_2167 = arith.constant 128 : index
      %get3A_2168 = tpu.vector_load %arg13[%get3A_2167] {strides = array<i32>} : memref<512xf32, #tpu.memory_space<vmem>>, vector<16xf32>,
      %get3A_2169 = arith.constant 128 : index
      %get3A_2170 = tpu.vector_load %arg14[%get3A_2169] {strides = array<i32>} : memref<512xf32, #tpu.memory_space<vmem>>, vector<16xf32>,
      %get3A_2171 = arith.constant 128 : index
      %get3A_2172 = tpu.vector_load %arg15[%get3A_2171] {strides = array<i32>} : memref<512xf32, #tpu.memory_space<vmem>>, vector<16xf32>,
      %mul3A_2173 = arith.mulf %get3A_2168, %get3A_2170 : vector<16xf32>
      %mul3A_2174 = arith.mulf %mul3A_2173, %get3A_2172 : vector<16xf32>
      %add3A_2175 = arith.addf %add3A_2166, %mul3A_2174 : vector<16xf32>
      %get3A_2176 = arith.constant 144 : index
      %get3A_2177 = tpu.vector_load %arg13[%get3A_2176] {strides = array<i32>} : memref<512xf32, #tpu.memory_space<vmem>>, vector<16xf32>,
      %get3A_2178 = arith.constant 144 : index
      %get3A_2179 = tpu.vector_load %arg14[%get3A_2178] {strides = array<i32>} : memref<512xf32, #tpu.memory_space<vmem>>, vector<16xf32>,
      %get3A_2180 = arith.constant 144 : index
      %get3A_2181 = tpu.vector_load %arg15[%get3A_2180] {strides = array<i32>} : memref<512xf32, #tpu.memory_space<vmem>>, vector<16xf32>,
      %mul3A_2182 = arith.mulf %get3A_2177, %get3A_2179 : vector<16xf32>
      %mul3A_2183 = arith.mulf %mul3A_2182, %get3A_2181 : vector<16xf32>
      %add3A_2184 = arith.addf %add3A_2175, %mul3A_2183 : vector<16xf32>
      %get3A_2185 = arith.constant 160 : index
      %get3A_2186 = tpu.vector_load %arg13[%get3A_2185] {strides = array<i32>} : memref<512xf32, #tpu.memory_space<vmem>>, vector<16xf32>,
      %get3A_2187 = arith.constant 160 : index
      %get3A_2188 = tpu.vector_load %arg14[%get3A_2187] {strides = array<i32>} : memref<512xf32, #tpu.memory_space<vmem>>, vector<16xf32>,
      %get3A_2189 = arith.constant 160 : index
      %get3A_2190 = tpu.vector_load %arg15[%get3A_2189] {strides = array<i32>} : memref<512xf32, #tpu.memory_space<vmem>>, vector<16xf32>,
      %mul3A_2191 = arith.mulf %get3A_2186, %get3A_2188 : vector<16xf32>
      %mul3A_2192 = arith.mulf %mul3A_2191, %get3A_2190 : vector<16xf32>
      %add3A_2193 = arith.addf %add3A_2184, %mul3A_2192 : vector<16xf32>
      %get3A_2194 = arith.constant 176 : index
      %get3A_2195 = tpu.vector_load %arg13[%get3A_2194] {strides = array<i32>} : memref<512xf32, #tpu.memory_space<vmem>>, vector<16xf32>,
      %get3A_2196 = arith.constant 176 : index
      %get3A_2197 = tpu.vector_load %arg14[%get3A_2196] {strides = array<i32>} : memref<512xf32, #tpu.memory_space<vmem>>, vector<16xf32>,
      %get3A_2198 = arith.constant 176 : index
      %get3A_2199 = tpu.vector_load %arg15[%get3A_2198] {strides = array<i32>} : memref<512xf32, #tpu.memory_space<vmem>>, vector<16xf32>,
      %mul3A_2200 = arith.mulf %get3A_2195, %get3A_2197 : vector<16xf32>
      %mul3A_2201 = arith.mulf %mul3A_2200, %get3A_2199 : vector<16xf32>
      %add3A_2202 = arith.addf %add3A_2193, %mul3A_2201 : vector<16xf32>
      %get3A_2203 = arith.constant 192 : index
      %get3A_2204 = tpu.vector_load %arg13[%get3A_2203] {strides = array<i32>} : memref<512xf32, #tpu.memory_space<vmem>>, vector<16xf32>,
      %get3A_2205 = arith.constant 192 : index
      %get3A_2206 = tpu.vector_load %arg14[%get3A_2205] {strides = array<i32>} : memref<512xf32, #tpu.memory_space<vmem>>, vector<16xf32>,
      %get3A_2207 = arith.constant 192 : index
      %get3A_2208 = tpu.vector_load %arg15[%get3A_2207] {strides = array<i32>} : memref<512xf32, #tpu.memory_space<vmem>>, vector<16xf32>,
      %mul3A_2209 = arith.mulf %get3A_2204, %get3A_2206 : vector<16xf32>
      %mul3A_2210 = arith.mulf %mul3A_2209, %get3A_2208 : vector<16xf32>
      %add3A_2211 = arith.addf %add3A_2202, %mul3A_2210 : vector<16xf32>
      %get3A_2212 = arith.constant 208 : index
      %get3A_2213 = tpu.vector_load %arg13[%get3A_2212] {strides = array<i32>} : memref<512xf32, #tpu.memory_space<vmem>>, vector<16xf32>,
      %get3A_2214 = arith.constant 208 : index
      %get3A_2215 = tpu.vector_load %arg14[%get3A_2214] {strides = array<i32>} : memref<512xf32, #tpu.memory_space<vmem>>, vector<16xf32>,
      %get3A_2216 = arith.constant 208 : index
      %get3A_2217 = tpu.vector_load %arg15[%get3A_2216] {strides = array<i32>} : memref<512xf32, #tpu.memory_space<vmem>>, vector<16xf32>,
      %mul3A_2218 = arith.mulf %get3A_2213, %get3A_2215 : vector<16xf32>
      %mul3A_2219 = arith.mulf %mul3A_2218, %get3A_2217 : vector<16xf32>
      %add3A_2220 = arith.addf %add3A_2211, %mul3A_2219 : vector<16xf32>
      %get3A_2221 = arith.constant 224 : index
      %get3A_2222 = tpu.vector_load %arg13[%get3A_2221] {strides = array<i32>} : memref<512xf32, #tpu.memory_space<vmem>>, vector<16xf32>,
      %get3A_2223 = arith.constant 224 : index
      %get3A_2224 = tpu.vector_load %arg14[%get3A_2223] {strides = array<i32>} : memref<512xf32, #tpu.memory_space<vmem>>, vector<16xf32>,
      %get3A_2225 = arith.constant 224 : index
      %get3A_2226 = tpu.vector_load %arg15[%get3A_2225] {strides = array<i32>} : memref<512xf32, #tpu.memory_space<vmem>>, vector<16xf32>,
      %mul3A_2227 = arith.mulf %get3A_2222, %get3A_2224 : vector<16xf32>
      %mul3A_2228 = arith.mulf %mul3A_2227, %get3A_2226 : vector<16xf32>
      %add3A_2229 = arith.addf %add3A_2220, %mul3A_2228 : vector<16xf32>
      %get3A_2230 = arith.constant 240 : index
      %get3A_2231 = tpu.vector_load %arg13[%get3A_2230] {strides = array<i32>} : memref<512xf32, #tpu.memory_space<vmem>>, vector<16xf32>,
      %get3A_2232 = arith.constant 240 : index
      %get3A_2233 = tpu.vector_load %arg14[%get3A_2232] {strides = array<i32>} : memref<512xf32, #tpu.memory_space<vmem>>, vector<16xf32>,
      %get3A_2234 = arith.constant 240 : index
      %get3A_2235 = tpu.vector_load %arg15[%get3A_2234] {strides = array<i32>} : memref<512xf32, #tpu.memory_space<vmem>>, vector<16xf32>,
      %mul3A_2236 = arith.mulf %get3A_2231, %get3A_2233 : vector<16xf32>
      %mul3A_2237 = arith.mulf %mul3A_2236, %get3A_2235 : vector<16xf32>
      %add3A_2238 = arith.addf %add3A_2229, %mul3A_2237 : vector<16xf32>
      %get3A_2239 = arith.constant 256 : index
      %get3A_2240 = tpu.vector_load %arg13[%get3A_2239] {strides = array<i32>} : memref<512xf32, #tpu.memory_space<vmem>>, vector<16xf32>,
      %get3A_2241 = arith.constant 256 : index
      %get3A_2242 = tpu.vector_load %arg14[%get3A_2241] {strides = array<i32>} : memref<512xf32, #tpu.memory_space<vmem>>, vector<16xf32>,
      %get3A_2243 = arith.constant 256 : index
      %get3A_2244 = tpu.vector_load %arg15[%get3A_2243] {strides = array<i32>} : memref<512xf32, #tpu.memory_space<vmem>>, vector<16xf32>,
      %mul3A_2245 = arith.mulf %get3A_2240, %get3A_2242 : vector<16xf32>
      %mul3A_2246 = arith.mulf %mul3A_2245, %get3A_2244 : vector<16xf32>
      %add3A_2247 = arith.addf %add3A_2238, %mul3A_2246 : vector<16xf32>
      %get3A_2248 = arith.constant 272 : index
      %get3A_2249 = tpu.vector_load %arg13[%get3A_2248] {strides = array<i32>} : memref<512xf32, #tpu.memory_space<vmem>>, vector<16xf32>,
      %get3A_2250 = arith.constant 272 : index
      %get3A_2251 = tpu.vector_load %arg14[%get3A_2250] {strides = array<i32>} : memref<512xf32, #tpu.memory_space<vmem>>, vector<16xf32>,
      %get3A_2252 = arith.constant 272 : index
      %get3A_2253 = tpu.vector_load %arg15[%get3A_2252] {strides = array<i32>} : memref<512xf32, #tpu.memory_space<vmem>>, vector<16xf32>,
      %mul3A_2254 = arith.mulf %get3A_2249, %get3A_2251 : vector<16xf32>
      %mul3A_2255 = arith.mulf %mul3A_2254, %get3A_2253 : vector<16xf32>
      %add3A_2256 = arith.addf %add3A_2247, %mul3A_2255 : vector<16xf32>
      %get3A_2257 = arith.constant 288 : index
      %get3A_2258 = tpu.vector_load %arg13[%get3A_2257] {strides = array<i32>} : memref<512xf32, #tpu.memory_space<vmem>>, vector<16xf32>,
      %get3A_2259 = arith.constant 288 : index
      %get3A_2260 = tpu.vector_load %arg14[%get3A_2259] {strides = array<i32>} : memref<512xf32, #tpu.memory_space<vmem>>, vector<16xf32>,
      %get3A_2261 = arith.constant 288 : index
      %get3A_2262 = tpu.vector_load %arg15[%get3A_2261] {strides = array<i32>} : memref<512xf32, #tpu.memory_space<vmem>>, vector<16xf32>,
      %mul3A_2263 = arith.mulf %get3A_2258, %get3A_2260 : vector<16xf32>
      %mul3A_2264 = arith.mulf %mul3A_2263, %get3A_2262 : vector<16xf32>
      %add3A_2265 = arith.addf %add3A_2256, %mul3A_2264 : vector<16xf32>
      %get3A_2266 = arith.constant 304 : index
      %get3A_2267 = tpu.vector_load %arg13[%get3A_2266] {strides = array<i32>} : memref<512xf32, #tpu.memory_space<vmem>>, vector<16xf32>,
      %get3A_2268 = arith.constant 304 : index
      %get3A_2269 = tpu.vector_load %arg14[%get3A_2268] {strides = array<i32>} : memref<512xf32, #tpu.memory_space<vmem>>, vector<16xf32>,
      %get3A_2270 = arith.constant 304 : index
      %get3A_2271 = tpu.vector_load %arg15[%get3A_2270] {strides = array<i32>} : memref<512xf32, #tpu.memory_space<vmem>>, vector<16xf32>,
      %mul3A_2272 = arith.mulf %get3A_2267, %get3A_2269 : vector<16xf32>
      %mul3A_2273 = arith.mulf %mul3A_2272, %get3A_2271 : vector<16xf32>
      %add3A_2274 = arith.addf %add3A_2265, %mul3A_2273 : vector<16xf32>
      %get3A_2275 = arith.constant 320 : index
      %get3A_2276 = tpu.vector_load %arg13[%get3A_2275] {strides = array<i32>} : memref<512xf32, #tpu.memory_space<vmem>>, vector<16xf32>,
      %get3A_2277 = arith.constant 320 : index
      %get3A_2278 = tpu.vector_load %arg14[%get3A_2277] {strides = array<i32>} : memref<512xf32, #tpu.memory_space<vmem>>, vector<16xf32>,
      %get3A_2279 = arith.constant 320 : index
      %get3A_2280 = tpu.vector_load %arg15[%get3A_2279] {strides = array<i32>} : memref<512xf32, #tpu.memory_space<vmem>>, vector<16xf32>,
      %mul3A_2281 = arith.mulf %get3A_2276, %get3A_2278 : vector<16xf32>
      %mul3A_2282 = arith.mulf %mul3A_2281, %get3A_2280 : vector<16xf32>
      %add3A_2283 = arith.addf %add3A_2274, %mul3A_2282 : vector<16xf32>
      %get3A_2284 = arith.constant 336 : index
      %get3A_2285 = tpu.vector_load %arg13[%get3A_2284] {strides = array<i32>} : memref<512xf32, #tpu.memory_space<vmem>>, vector<16xf32>,
      %get3A_2286 = arith.constant 336 : index
      %get3A_2287 = tpu.vector_load %arg14[%get3A_2286] {strides = array<i32>} : memref<512xf32, #tpu.memory_space<vmem>>, vector<16xf32>,
      %get3A_2288 = arith.constant 336 : index
      %get3A_2289 = tpu.vector_load %arg15[%get3A_2288] {strides = array<i32>} : memref<512xf32, #tpu.memory_space<vmem>>, vector<16xf32>,
      %mul3A_2290 = arith.mulf %get3A_2285, %get3A_2287 : vector<16xf32>
      %mul3A_2291 = arith.mulf %mul3A_2290, %get3A_2289 : vector<16xf32>
      %add3A_2292 = arith.addf %add3A_2283, %mul3A_2291 : vector<16xf32>
      %get3A_2293 = arith.constant 352 : index
      %get3A_2294 = tpu.vector_load %arg13[%get3A_2293] {strides = array<i32>} : memref<512xf32, #tpu.memory_space<vmem>>, vector<16xf32>,
      %get3A_2295 = arith.constant 352 : index
      %get3A_2296 = tpu.vector_load %arg14[%get3A_2295] {strides = array<i32>} : memref<512xf32, #tpu.memory_space<vmem>>, vector<16xf32>,
      %get3A_2297 = arith.constant 352 : index
      %get3A_2298 = tpu.vector_load %arg15[%get3A_2297] {strides = array<i32>} : memref<512xf32, #tpu.memory_space<vmem>>, vector<16xf32>,
      %mul3A_2299 = arith.mulf %get3A_2294, %get3A_2296 : vector<16xf32>
      %mul3A_2300 = arith.mulf %mul3A_2299, %get3A_2298 : vector<16xf32>
      %add3A_2301 = arith.addf %add3A_2292, %mul3A_2300 : vector<16xf32>
      %get3A_2302 = arith.constant 368 : index
      %get3A_2303 = tpu.vector_load %arg13[%get3A_2302] {strides = array<i32>} : memref<512xf32, #tpu.memory_space<vmem>>, vector<16xf32>,
      %get3A_2304 = arith.constant 368 : index
      %get3A_2305 = tpu.vector_load %arg14[%get3A_2304] {strides = array<i32>} : memref<512xf32, #tpu.memory_space<vmem>>, vector<16xf32>,
      %get3A_2306 = arith.constant 368 : index
      %get3A_2307 = tpu.vector_load %arg15[%get3A_2306] {strides = array<i32>} : memref<512xf32, #tpu.memory_space<vmem>>, vector<16xf32>,
      %mul3A_2308 = arith.mulf %get3A_2303, %get3A_2305 : vector<16xf32>
      %mul3A_2309 = arith.mulf %mul3A_2308, %get3A_2307 : vector<16xf32>
      %add3A_2310 = arith.addf %add3A_2301, %mul3A_2309 : vector<16xf32>
      %get3A_2311 = arith.constant 384 : index
      %get3A_2312 = tpu.vector_load %arg13[%get3A_2311] {strides = array<i32>} : memref<512xf32, #tpu.memory_space<vmem>>, vector<16xf32>,
      %get3A_2313 = arith.constant 384 : index
      %get3A_2314 = tpu.vector_load %arg14[%get3A_2313] {strides = array<i32>} : memref<512xf32, #tpu.memory_space<vmem>>, vector<16xf32>,
      %get3A_2315 = arith.constant 384 : index
      %get3A_2316 = tpu.vector_load %arg15[%get3A_2315] {strides = array<i32>} : memref<512xf32, #tpu.memory_space<vmem>>, vector<16xf32>,
      %mul3A_2317 = arith.mulf %get3A_2312, %get3A_2314 : vector<16xf32>
      %mul3A_2318 = arith.mulf %mul3A_2317, %get3A_2316 : vector<16xf32>
      %add3A_2319 = arith.addf %add3A_2310, %mul3A_2318 : vector<16xf32>
      %get3A_2320 = arith.constant 400 : index
      %get3A_2321 = tpu.vector_load %arg13[%get3A_2320] {strides = array<i32>} : memref<512xf32, #tpu.memory_space<vmem>>, vector<16xf32>,
      %get3A_2322 = arith.constant 400 : index
      %get3A_2323 = tpu.vector_load %arg14[%get3A_2322] {strides = array<i32>} : memref<512xf32, #tpu.memory_space<vmem>>, vector<16xf32>,
      %get3A_2324 = arith.constant 400 : index
      %get3A_2325 = tpu.vector_load %arg15[%get3A_2324] {strides = array<i32>} : memref<512xf32, #tpu.memory_space<vmem>>, vector<16xf32>,
      %mul3A_2326 = arith.mulf %get3A_2321, %get3A_2323 : vector<16xf32>
      %mul3A_2327 = arith.mulf %mul3A_2326, %get3A_2325 : vector<16xf32>
      %add3A_2328 = arith.addf %add3A_2319, %mul3A_2327 : vector<16xf32>
      %get3A_2329 = arith.constant 416 : index
      %get3A_2330 = tpu.vector_load %arg13[%get3A_2329] {strides = array<i32>} : memref<512xf32, #tpu.memory_space<vmem>>, vector<16xf32>,
      %get3A_2331 = arith.constant 416 : index
      %get3A_2332 = tpu.vector_load %arg14[%get3A_2331] {strides = array<i32>} : memref<512xf32, #tpu.memory_space<vmem>>, vector<16xf32>,
      %get3A_2333 = arith.constant 416 : index
      %get3A_2334 = tpu.vector_load %arg15[%get3A_2333] {strides = array<i32>} : memref<512xf32, #tpu.memory_space<vmem>>, vector<16xf32>,
      %mul3A_2335 = arith.mulf %get3A_2330, %get3A_2332 : vector<16xf32>
      %mul3A_2336 = arith.mulf %mul3A_2335, %get3A_2334 : vector<16xf32>
      %add3A_2337 = arith.addf %add3A_2328, %mul3A_2336 : vector<16xf32>
      %get3A_2338 = arith.constant 432 : index
      %get3A_2339 = tpu.vector_load %arg13[%get3A_2338] {strides = array<i32>} : memref<512xf32, #tpu.memory_space<vmem>>, vector<16xf32>,
      %get3A_2340 = arith.constant 432 : index
      %get3A_2341 = tpu.vector_load %arg14[%get3A_2340] {strides = array<i32>} : memref<512xf32, #tpu.memory_space<vmem>>, vector<16xf32>,
      %get3A_2342 = arith.constant 432 : index
      %get3A_2343 = tpu.vector_load %arg15[%get3A_2342] {strides = array<i32>} : memref<512xf32, #tpu.memory_space<vmem>>, vector<16xf32>,
      %mul3A_2344 = arith.mulf %get3A_2339, %get3A_2341 : vector<16xf32>
      %mul3A_2345 = arith.mulf %mul3A_2344, %get3A_2343 : vector<16xf32>
      %add3A_2346 = arith.addf %add3A_2337, %mul3A_2345 : vector<16xf32>
      %get3A_2347 = arith.constant 448 : index
      %get3A_2348 = tpu.vector_load %arg13[%get3A_2347] {strides = array<i32>} : memref<512xf32, #tpu.memory_space<vmem>>, vector<16xf32>,
      %get3A_2349 = arith.constant 448 : index
      %get3A_2350 = tpu.vector_load %arg14[%get3A_2349] {strides = array<i32>} : memref<512xf32, #tpu.memory_space<vmem>>, vector<16xf32>,
      %get3A_2351 = arith.constant 448 : index
      %get3A_2352 = tpu.vector_load %arg15[%get3A_2351] {strides = array<i32>} : memref<512xf32, #tpu.memory_space<vmem>>, vector<16xf32>,
      %mul3A_2353 = arith.mulf %get3A_2348, %get3A_2350 : vector<16xf32>
      %mul3A_2354 = arith.mulf %mul3A_2353, %get3A_2352 : vector<16xf32>
      %add3A_2355 = arith.addf %add3A_2346, %mul3A_2354 : vector<16xf32>
      %get3A_2356 = arith.constant 464 : index
      %get3A_2357 = tpu.vector_load %arg13[%get3A_2356] {strides = array<i32>} : memref<512xf32, #tpu.memory_space<vmem>>, vector<16xf32>,
      %get3A_2358 = arith.constant 464 : index
      %get3A_2359 = tpu.vector_load %arg14[%get3A_2358] {strides = array<i32>} : memref<512xf32, #tpu.memory_space<vmem>>, vector<16xf32>,
      %get3A_2360 = arith.constant 464 : index
      %get3A_2361 = tpu.vector_load %arg15[%get3A_2360] {strides = array<i32>} : memref<512xf32, #tpu.memory_space<vmem>>, vector<16xf32>,
      %mul3A_2362 = arith.mulf %get3A_2357, %get3A_2359 : vector<16xf32>
      %mul3A_2363 = arith.mulf %mul3A_2362, %get3A_2361 : vector<16xf32>
      %add3A_2364 = arith.addf %add3A_2355, %mul3A_2363 : vector<16xf32>
      %get3A_2365 = arith.constant 480 : index
      %get3A_2366 = tpu.vector_load %arg13[%get3A_2365] {strides = array<i32>} : memref<512xf32, #tpu.memory_space<vmem>>, vector<16xf32>,
      %get3A_2367 = arith.constant 480 : index
      %get3A_2368 = tpu.vector_load %arg14[%get3A_2367] {strides = array<i32>} : memref<512xf32, #tpu.memory_space<vmem>>, vector<16xf32>,
      %get3A_2369 = arith.constant 480 : index
      %get3A_2370 = tpu.vector_load %arg15[%get3A_2369] {strides = array<i32>} : memref<512xf32, #tpu.memory_space<vmem>>, vector<16xf32>,
      %mul3A_2371 = arith.mulf %get3A_2366, %get3A_2368 : vector<16xf32>
      %mul3A_2372 = arith.mulf %mul3A_2371, %get3A_2370 : vector<16xf32>
      %add3A_2373 = arith.addf %add3A_2364, %mul3A_2372 : vector<16xf32>
      %get3A_2374 = arith.constant 496 : index
      %get3A_2375 = tpu.vector_load %arg13[%get3A_2374] {strides = array<i32>} : memref<512xf32, #tpu.memory_space<vmem>>, vector<16xf32>,
      %get3A_2376 = arith.constant 496 : index
      %get3A_2377 = tpu.vector_load %arg14[%get3A_2376] {strides = array<i32>} : memref<512xf32, #tpu.memory_space<vmem>>, vector<16xf32>,
      %get3A_2378 = arith.constant 496 : index
      %get3A_2379 = tpu.vector_load %arg15[%get3A_2378] {strides = array<i32>} : memref<512xf32, #tpu.memory_space<vmem>>, vector<16xf32>,
      %mul3A_2380 = arith.mulf %get3A_2375, %get3A_2377 : vector<16xf32>
      %mul3A_2381 = arith.mulf %mul3A_2380, %get3A_2379 : vector<16xf32>
      %add3A_2382 = arith.addf %add3A_2373, %mul3A_2381 : vector<16xf32>
      %jit3A = arith.constant -2.000000e+00 : f32
      %jit3A_2383 = arith.constant 2.000000e+00 : f32
      %max3A = vector.broadcast %jit3A : f32 to vector<16xf32>
      %max3A_2384 = arith.maximumf %max3A, %add3A_2382 : vector<16xf32>
      %min3A_2385 = vector.broadcast %jit3A_2383 : f32 to vector<16xf32>
      %min3A_2386 = arith.minimumf %min3A_2385, %max3A_2384 : vector<16xf32>
      %mul3A_2387 = arith.constant 16 : i32
      %mul3A_2388 = arith.muli %scan3A_181, %mul3A_2387 : i32
      %swap3A = arith.index_cast %mul3A_2388 : i32 to index
      %swap3A_2389 = tpu.vector_load %arg17[%swap3A] {strides = array<i32>} : memref<512xf32, #tpu.memory_space<vmem>>, vector<16xf32>,
      tpu.vector_store %arg17[%swap3A], %min3A_2386 {strides = array<i32>} : memref<512xf32, #tpu.memory_space<vmem>>, vector<16xf32>,
      scf.yield %get3A_1733, %get3A_1735 : vector<16xi32>, vector<16xi32>
    }
    %scan3A_180 = arith.constant 32 : i32
    "tpu.region"() ({
      %run_scoped3A = tpu.sem_alloc : memref<!tpu.dma_semaphore, #tpu.memory_space<semaphore_mem>>
      %dma_start3A_181 = tpu.memref_slice %arg8[%mul3A_2] : memref<16384xf32, #tpu.memory_space<hbm>> -> memref<512xf32, #tpu.memory_space<hbm>>
      %dma_start3A_182 = tpu.memref_slice %arg8[%mul3A_2] : memref<16384xf32, #tpu.memory_space<hbm>> -> memref<512xf32, #tpu.memory_space<hbm>>
      tpu.enqueue_dma source(%arg17 : memref<512xf32, #tpu.memory_space<vmem>>) target(%dma_start3A_182 : memref<512xf32, #tpu.memory_space<hbm>>) target_semaphore(%run_scoped3A : memref<!tpu.dma_semaphore, #tpu.memory_space<semaphore_mem>>)
      %dma_wait3A = tpu.memref_slice %arg8[%mul3A_2] : memref<16384xf32, #tpu.memory_space<hbm>> -> memref<512xf32, #tpu.memory_space<hbm>>
      %dma_wait3A_183 = tpu.memref_slice %arg8[%mul3A_2] : memref<16384xf32, #tpu.memory_space<hbm>> -> memref<512xf32, #tpu.memory_space<hbm>>
      tpu.wait_dma2 semaphore(%run_scoped3A : memref<!tpu.dma_semaphore, #tpu.memory_space<semaphore_mem>>) src(%arg17 : memref<512xf32, #tpu.memory_space<vmem>>) dst(%dma_wait3A_183 : memref<512xf32, #tpu.memory_space<hbm>>)
      tpu.yield
    }) : () -> ()
    return
  }
}

</mosaic_0001>

<sc_bundles>
// kernel: _gmf.3.cloned.1.call-start
scs
__scs_entry_jumppad:
0x0: {  	(pc) =	sbr.rel $0x88, $3  }
0x1: {  	(tag) =	ssettag $0x0;
	lr =	simm.s32 $0x1  }
0x2: {  	[smem:$0x3F9B] =	sst lr;
	_ =	strace $0xD0000000  }
0x3: {  	_ = 	snop  }
0x4: {  	_ = 	snop  }
0x5: {  	_ = 	snop  }
0x6: {  	_ = 	snop  }
0x7: {  	_ = 	snop  }
__scs_overlays_trampoline_lowered:
0x8: {  	[smem:$0x3FAA] =	sst s0  }
0x9: {  	[smem:$0x3FAB] =	sst s1  }
0xa: {  	[smem:$0x3FAC] =	sst s2  }
0xb: {  	[smem:$0x3FAD] =	sst s3  }
0xc: {  	[smem:$0x3FAE] =	sst s4  }
0xd: {  	[smem:$0x3FAF] =	sst s5  }
0xe: {  	[smem:$0x3FB0] =	sst s6  }
0xf: {  	[smem:$0x3FB1] =	sst s7  }
0x10: {  	[smem:$0x3FB2] =	sst s8  }
0x11: {  	[smem:$0x3FB3] =	sst s9;
	s0 =	simm.s32 @!p0 $0x0  }
0x12: {  	s1 =	sld [smem:$0x3F99];
	s0 =	simm.s32 @p0 $0x1  }
0x13: {  	[smem:$0x3FB4] =	sst s0;
	s0 =	simm.s32 @!p1 $0x0  }
0x14: {  	s2 =	sld [smem:$0x3F98];
	s0 =	simm.s32 @p1 $0x1  }
0x15: {  	[smem:$0x3FB5] =	sst s0;
	s0 =	simm.s32 @!p2 $0x0  }
0x16: {  	s3 =	sld [smem:$0x3FDB];
	s0 =	simm.s32 @p2 $0x1  }
0x17: {  	s4 =	simm.s32 $0x1BF5;
	[smem:$0x3FB7] =	sst s0  }
0x18: {  	s0 =	sld [smem:$0x3F9A];
	_ =	swait.ge [sflag:s4], $0x0  }
0x19: {  	s7 =	sld [smem:$0x3F9B]  }
0x1a: {  	s8 =	sadd.s32 $0xFFFFE003, lr  }
0x1b: {  	s9 =	sadd.s32 $0xFFFFFEF7, lr;
	s5 =	simm.s32 $0xFFFFFFFF;
	p2 =	slt.u32 s8, $0xFFFFF086  }
0x1c: {  	p1 =	slt.u32 s9, $0xF7A;
	s5 =	simm.s32 @!p2 $0x0  }
0x1d: {  	s5 =	simm.s32 @p1 $0x1;
	p0 =	seq.s32 s7, s2  }
0x1e: {  	s7 =	smul.u32 @!p0 $0xF7A, s2;
	p2 =	seq.s32 @!p0 s5, $0x0  }
0x1f: {  	s9 =	smul.u32 $0xF7A, s1;
	s8 =	simm.s32 @!p0 $0x1BF5;
	p2 =	por !p2, p0  }
0x20: {  	[sflag:s8] =	ssyncset.s32 @!p0 $0xFFFFF086;
	s6 =	sadd.s32 @!p0 s3, s7;
	s7 =	simm.s32 @!p0 $0x108  }
0x21: {  	s3 =	sadd.s32 s3, s9;
	s6 =	sadd.s32 @!p0 $0x88, s6;
	s7 =	simm.s32 @p2 $0x1082  }
0x22: {  	[simem:s7], [sflag:s8] =	dma.local @!p0 [hbm:s6], $0xF7A  }
0x23: {  	s9 =	sor.u32 $0xD0000000, s2;
	s6 =	simm.s32 $0x108;
	_ =	swait.ge @!p0 [sflag:s8], $0x0  }
0x24: {  	s3 =	sadd.s32 $0x88, s3;
	s6 =	simm.s32 @!p1 $0x1082;
	[sflag:s4] =	ssyncset.s32 $0xFFFFF086  }
0x25: {  	[simem:s6], [sflag:s4] =	dma.local [hbm:s3], $0xF7A  }
0x26: {  	[smem:$0x3F9B] =	sst s1;
	(tag) =	ssettag s2;
	_ =	strace s9  }
0x27: {  	s1 =	sld [smem:$0x3FAB]  }
0x28: {  	s2 =	sld [smem:$0x3FAC]  }
0x29: {  	s4 =	sld [smem:$0x3FAE]  }
0x2a: {  	p0 =	seq.s32 s5, $0x0;
	s5 =	sld [smem:$0x3FAF]  }
0x2b: {  	s6 =	sld [smem:$0x3FB0]  }
0x2c: {  	s7 =	sld [smem:$0x3FB1]  }
0x2d: {  	s3 =	simm.s32 $0x108;
	s8 =	sld [smem:$0x3FB2]  }
0x2e: {  	s3 =	simm.s32 @!p0 $0x1082;
	s9 =	sld [smem:$0x3FB3]  }
0x2f: {  	lr =	sadd.s32 s0, s3;
	s0 =	sld [smem:$0x3FAA]  }
0x30: {  	s3 =	sld [smem:$0x3FAD]  }
0x31: {  	[smem:$0x3FB6] =	sst s10  }
0x32: {  	s10 =	sld [smem:$0x3FB4];
	_ =	sdelay $0x3  }
0x33: {  	p0 =	seq.s32 s10, $0x1;
	s10 =	sld [smem:$0x3FB6];
	_ =	sdelay $0x3  }
0x34: {  	[smem:$0x3FB6] =	sst s10  }
0x35: {  	s10 =	sld [smem:$0x3FB5];
	_ =	sdelay $0x3  }
0x36: {  	p1 =	seq.s32 s10, $0x1;
	s10 =	sld [smem:$0x3FB6];
	_ =	sdelay $0x3  }
0x37: {  	[smem:$0x3FB6] =	sst s10  }
0x38: {  	s10 =	sld [smem:$0x3FB7]  }
0x39: {  	_ = 	snop;
	(pc) =	sbr.ind lr, $3  }
0x3a: {  	_ = 	snop  }
0x3b: {  	_ = 	snop  }
0x3c: {  	p2 =	seq.s32 s10, $0x1;
	s10 =	sld [smem:$0x3FB6]  }
0x3d: {  	_ =	shalt  }
0x3e: {  	_ =	shalt  }
0x3f: {  	_ =	shalt  }
0x40: {  	_ =	shalt  }
0x41: {  	_ =	shalt  }
0x42: {  	_ =	shalt  }
0x43: {  	_ =	shalt  }
0x44: {  	_ =	shalt  }
0x45: {  	_ =	shalt  }
0x46: {  	_ =	shalt  }
0x47: {  	_ =	shalt  }
0x48: {  	_ =	shalt  }
0x49: {  	_ =	shalt  }
0x4a: {  	_ =	shalt  }
0x4b: {  	_ =	shalt  }
0x4c: {  	_ =	shalt  }
0x4d: {  	_ =	shalt  }
0x4e: {  	_ =	shalt  }
0x4f: {  	_ =	shalt  }
0x50: {  	_ =	shalt  }
0x51: {  	_ =	shalt  }
0x52: {  	_ =	shalt  }
0x53: {  	_ =	shalt  }
0x54: {  	_ =	shalt  }
0x55: {  	_ =	shalt  }
0x56: {  	_ =	shalt  }
0x57: {  	_ =	shalt  }
0x58: {  	_ =	shalt  }
0x59: {  	_ =	shalt  }
0x5a: {  	_ =	shalt  }
0x5b: {  	_ =	shalt  }
0x5c: {  	_ =	shalt  }
0x5d: {  	_ =	shalt  }
0x5e: {  	_ =	shalt  }
0x5f: {  	_ =	shalt  }
0x60: {  	_ =	shalt  }
0x61: {  	_ =	shalt  }
0x62: {  	_ =	shalt  }
0x63: {  	_ =	shalt  }
0x64: {  	_ =	shalt  }
0x65: {  	_ =	shalt  }
0x66: {  	_ =	shalt  }
0x67: {  	_ =	shalt  }
0x68: {  	_ =	shalt  }
0x69: {  	_ =	shalt  }
0x6a: {  	_ =	shalt  }
0x6b: {  	_ =	shalt  }
0x6c: {  	_ =	shalt  }
0x6d: {  	_ =	shalt  }
0x6e: {  	_ =	shalt  }
0x6f: {  	_ =	shalt  }
0x70: {  	_ =	shalt  }
0x71: {  	_ =	shalt  }
0x72: {  	_ =	shalt  }
0x73: {  	_ =	shalt  }
0x74: {  	_ =	shalt  }
0x75: {  	_ =	shalt  }
0x76: {  	_ =	shalt  }
0x77: {  	_ =	shalt  }
0x78: {  	_ =	shalt  }
0x79: {  	_ =	shalt  }
0x7a: {  	_ =	shalt  }
0x7b: {  	_ =	shalt  }
0x7c: {  	_ =	shalt  }
0x7d: {  	_ =	shalt  }
0x7e: {  	_ =	shalt  }
0x7f: {  	_ =	shalt  }
0x80: {  	_ =	shalt  }
0x81: {  	_ =	shalt  }
0x82: {  	_ =	shalt  }
0x83: {  	_ =	shalt  }
0x84: {  	_ =	shalt  }
0x85: {  	_ =	shalt  }
0x86: {  	_ =	shalt  }
0x87: {  	_ =	shalt  }
.Lfunc_end0:
.L_simem_size_0:
called_computation_lowered:
.L_overlay_start_0:
0x88: {  	s2 =	sld [smem:$0x3FD9]  }
0x89: {  	s3 =	sld [smem:$0x3FFE];
	_ =	sdelay $0x1  }
0x8a: {  	s1 =	srdreg.scid  }
0x8b: {  	s0 =	sand.u32 $0x1, s1  }
0x8c: {  	s18 =	sshll.u32 s0, $0xA;
	s2 =	sadd.s32 s3, s2  }
0x8d: {  	s2 =	sadd.s32 s2, s18  }
0x8e: {  	[smem:$0x3FC2] =	sst s2  }
0x8f: {  	_ = 	snop  }
0x90: {  	s2 =	sld [smem:$0x3FC9]  }
0x91: {  	s19 =	sld [smem:$0x3FC8]  }
0x92: {  	s4 =	sld [smem:$0x3FC7]  }
0x93: {  	s5 =	sld [smem:$0x3FC6]  }
0x94: {  	s6 =	sld [smem:$0x3FC5]  }
0x95: {  	s7 =	sld [smem:$0x3FC4]  }
0x96: {  	s8 =	sld [smem:$0x3FD0];
	(tm) =	ssettm $0x1  }
0x97: {  	s9 =	sld [smem:$0x3FFB];
	_ =	sdelay $0x3  }
0x98: {  	_ =	strace s9  }
0x99: {  	s9 =	sld [smem:$0x3FFC];
	_ =	sdelay $0x3  }
0x9a: {  	_ =	strace s9  }
0x9b: {  	s9 =	sld [smem:$0x3FFD];
	_ =	sdelay $0x3  }
0x9c: {  	_ =	strace s9  }
0x9d: {  	_ =	strace $0x8FFFFFFF  }
0x9e: {  	s20 =	sld [smem:$0x3FDB];
	_ =	sdelay $0x1  }
0x9f: {  	s10 =	simm.s32 $_scs_section_size  }
0xa0: {  	s11 =	simm.s32 $_size__tile_overlayer_lowered;
	s12 =	simm.s32 $_tile_overlayer_lowered  }
0xa1: {  	s23 =	simm.s32 $0x1BFF;
	s22 =	sshll.u32 s12, $0x1;
	s9 =	sadd.s32 s10, s20  }
0xa2: {  	s13 =	simm.s32 $0x0;
	s21 =	sshll.u32 s11, $0x1;
	s11 =	sadd.s32 s22, s9  }
0xa3: {  	[timem:s13], [sflag:s23] =	dma.local [hbm:s11], s21  }
0xa4: {  	_ =	swait.ge [sflag:s23], s21  }
0xa5: {  	s10 =	ssub.s32 $0x0, s21;
	[sflag:s23] =	ssyncset.done $0x0  }
0xa6: {  	[sflag:s23] =	ssyncadd.s32 s10;
	_ =	sdelay $0x1  }
0xa7: {  	s24 =	simm.s32 $0x1B8B  }
0xa8: {  	_ =	swait.ge [sflag:s24], $0x1  }
0xa9: {  	[sflag:s24] =	ssyncset.done $0x0  }
0xaa: {  	s25 =	simm.s32 $0x1B8E;
	[sflag:s24] =	ssyncadd.s32 $0xFFFFFFFF  }
0xab: {  	s26 =	simm.s32 $execute0_lowered;
	[smem:$0x3FD2] =	sst s25  }
0xac: {  	s10 =	sshll.u32 s26, $0x1;
	_ =	strace $0x80000046;
	[dreg:$0x1] =	wrdreg $0xFFFFFFFF  }
0xad: {  	s28 =	simm.s32 $_size_execute0_lowered;
	s9 =	sadd.s32 s9, s10;
	[dreg:$0x0] =	wrdreg $0x0  }
0xae: {  	s10 =	sshll.u32 s28, $0x1;
	[dreg:$0x2] =	wrdreg s9  }
0xaf: {  	[dreg:$0x3] =	wrdreg s10  }
0xb0: {  	[dreg:$0x4] =	wrdreg $0xC0  }
0xb1: {  	_ =	task [dreg:s13], $0x5FFFF  }
0xb2: {  	[dreg:$0x1] =	wrdreg $0xFFFFFFFF  }
0xb3: {  	[dreg:$0x0] =	wrdreg $0x60  }
0xb4: {  	[dreg:$0x2] =	wrdreg s2  }
0xb5: {  	[dreg:$0x3] =	wrdreg s19  }
0xb6: {  	[dreg:$0x4] =	wrdreg s4  }
0xb7: {  	[dreg:$0x5] =	wrdreg s5  }
0xb8: {  	[dreg:$0x6] =	wrdreg s6  }
0xb9: {  	[dreg:$0x7] =	wrdreg s7  }
0xba: {  	[dreg:$0x8] =	wrdreg s8  }
0xbb: {  	[dreg:$0x9] =	wrdreg $0x9  }
0xbc: {  	_ =	task.clear_ibuf [dreg:s13], $0xAFFFF;
	_ =	strace $0x90000046  }
0xbd: {  	s29 =	simm.s32 $0x9;
	_ =	strace $0x80000048  }
0xbe: {  	_ =	swait.ge [sflag:s29], $0x1  }
0xbf: {  	[sflag:s29] =	ssyncadd.s32 $0xFFFFFFFF  }
0xc0: {  	_ =	strace $0x90000048  }
0xc1: {  	_ =	sfence  }
0xc2: {  	s30 =	sld [smem:$0x0];
	_ =	sdelay $0x2  }
0xc3: {  	s31 =	sshll.u32 s1, $0xD;
	s1 =	sshrl.u32 s1, $0x2  }
0xc4: {  	s3 =	sand.u32 $0x4000, s31;
	s1 =	sadd.s32 s1, s30  }
0xc5: {  	s0 =	sor.u32 s3, s0;
	s1 =	sshll.u32 s1, $0x11  }
0xc6: {  	s0 =	sor.u32 s1, s0  }
0xc7: {  	s0 =	sadd.s32 $0x8F2B, s0  }
0xc8: {  	[sflag:s0] =	ssyncadd.remote.s32 $0x1  }
0xc9: {  	_ =	sfence.sel $0xFFFF  }
0xca: {  	[dreg:$0x0] =	wrdreg $0xFFFFFFFF;
	(pc) =	sbr.abs _section_cstart, $3  }
0xcb: {  	[dreg:$0x1] =	wrdreg $0xFFFFFFFF  }
0xcc: {  	_ =	task.clear_ibuf [dreg:s13], $0x2FFFF;
	_ =	strace $0x9FFFFFFF  }
0xcd: {  	(tm) =	ssettm $0x7FFFFFFF  }
tec
execute0_lowered:
.L_overlay_start_1:
0x0: {  	(tag) =	ssettag $0x1  }
0x1: {  	s0 =	rddreg [dreg:$0x0]  }
0x2: {  	s3 =	rddreg [dreg:$0x1]  }
0x3: {  	s9 =	rddreg [dreg:$0x2]  }
0x4: {  	s2 =	rddreg [dreg:$0x3]  }
0x5: {  	s4 =	rddreg [dreg:$0x6]  }
0x6: {  	s11 =	simm.s32 $0x0;
	s5 =	srdreg.scid;
	v1 =	vlaneseq.u32;
	s15 =	simm.s32 $0x400  }
0x7: {  	s16 =	simm.s32 $0x7A1400;
	s13 =	simm.s32 $0x500;
	s17 =	simm.s32 $0x8500;
	v0 =	vmul.u32 $0x80, v1;
	v1 =	vmul.u32 $0x10, v1  }
0x8: {  	s18 =	simm.s32 $0x1500;
	s19 =	simm.s32 $0x9500;
	[smem:$0x7FF] =	sst s11  }
0x9: {  	s7 =	stileid.u32;
	s20 =	simm.s32 $0xA500;
	_ =	strace $0x80000047;
	v2 =	vor.u32 $0x800, v0;
	v13 =	vor.u32 $0x105, v1;
	[tilespmem:$0x1FF80] =	vst v1  }
0xa: {  	s31 =	simm.s32 $0x3500;
	s21 =	simm.s32 $0xB500;
	s14 =	simm.s32 $0xC500;
	v3 =	vor.u32 $0x100, v1;
	v4 =	vor.u32 $0x1, v1;
	v24 =	vor.u32 $0xB, v1;
	[tilespmem:$0x1FF50] =	vst v13  }
0xb: {  	s22 =	simm.s32 $0x1;
	s29 =	simm.s32 $0x10500;
	s30 =	simm.s32 $0x10700;
	v5 =	vor.u32 $0x101, v1;
	v6 =	vor.u32 $0x2, v1;
	v25 =	vor.u32 $0x10B, v1;
	[tilespmem:$0x1FF60] =	vst v24  }
0xc: {  	s28 =	simm.s32 $0x2;
	s12 =	simm.s32 $0x3;
	s5 =	sand.u32 $0x1, s5;
	v7 =	vor.u32 $0x102, v1;
	v8 =	vor.u32 $0x3, v1;
	v14 =	vor.u32 $0x6, v1;
	[tilespmem:$0x1FF70] =	vst v25  }
0xd: {  	s7 =	sshll.u32 s7, $0x7;
	s6 =	ssub.s32 $0x2, s5;
	s5 =	sshll.u32 s5, $0x6;
	v9 =	vor.u32 $0x103, v1;
	v10 =	vor.u32 $0x4, v1;
	v26 =	vor.u32 $0xC, v1;
	[tilespmem:$0x1FF90] =	vst v14  }
0xe: {  	s8 =	sshrl.u32 s6, $0x1;
	s5 =	sor.u32 s5, s7;
	v11 =	vor.u32 $0x104, v1;
	v12 =	vor.u32 $0x5, v1;
	v15 =	vor.u32 $0x106, v1;
	s7 =	simm.s32 $0x4;
	[tilespmem:$0x1FFA0] =	vst v26  }
0xf: {  	v16 =	vor.u32 $0x7, v1;
	v17 =	vor.u32 $0x107, v1;
	v33 =	vor.u32 $0x8, v1;
	s6 =	ssub.s32 s6, s8;
	s0 =	sadd.s32 s0, s5;
	s24 =	sadd.s32 s3, s5;
	[tilespmem:$0x1FFB0] =	vst v3  }
0x10: {  	v19 =	vor.u32 $0x108, v1;
	v20 =	vor.u32 $0x9, v1;
	v21 =	vor.u32 $0x109, v1;
	s25 =	sadd.s32 s4, s5;
	s3 =	simm.s32 $0x9;
	[tilespmem:$0x1FFC0] =	vst v15;
	[dreg:$0x8] =	wrdreg s0  }
0x11: {  	v22 =	vor.u32 $0xA, v1;
	v23 =	vor.u32 $0x10A, v1;
	v18 =	vor.u32 $0x10C, v1;
	s5 =	simm.s32 $0xD500;
	s4 =	simm.s32 $0x0;
	[tilespmem:$0x1FFD0] =	vst v4;
	[dreg:$0x9] =	wrdreg s24  }
0x12: {  	v28 =	vor.u32 $0xD, v1;
	v29 =	vor.u32 $0x10D, v1;
	v27 =	vor.u32 $0x10F, v1;
	[tilespmem:$0x1FFE0] =	vst v18;
	[dreg:$0xa] =	wrdreg s25;
	s26 =	smax.u32 s6, $0x1;
	s25 =	simm.s32 $0x4500  }
0x13: {  	v30 =	vor.u32 $0xE, v1;
	v31 =	vor.u32 $0x10E, v1;
	v32 =	vor.u32 $0xF, v1;
	[tilespmem:$0x1FFF0] =	vst v27;
	s24 =	simm.s32 $0x5500;
	[dreg:$0xb] =	wrdreg s26;
	s26 =	simm.s32 $0x2500  }
.LBB2_1:
0x14: {  	[dreg:$0xc] =	wrdreg s4  }
0x15: {  	s0 =	rddreg [dreg:$0x8]  }
0x16: {  	[tilespmem:s11], [sflag:$0x9] =	stream.linear.gather [hbm4b:s0+s11], $0x200, $0x38;
	[tilespmem:$0x10D80] =	vst v63  }
0x17: {  	_ =	swait.ge [sflag:s3], $0x200  }
0x18: {  	[sflag:s3] =	ssyncset.done $0x0  }
0x19: {  	s1 =	simm.s32 $0x280;
	s23 =	rddreg [dreg:$0x9];
	[sflag:s3] =	ssyncadd.s32 $0xFFFFFE00  }
0x1a: {  	[tilespmem:s1], [sflag:$0x9] =	stream.linear.gather [hbm4b:s23+s11], $0x200, $0x38;
	[tilespmem:$0x10D80] =	vst v63  }
0x1b: {  	_ =	swait.ge [sflag:s3], $0x200  }
0x1c: {  	[sflag:s3] =	ssyncset.done $0x0  }
0x1d: {  	[sflag:s3] =	ssyncadd.s32 $0xFFFFFE00  }
0x1e: {  	s8 =	simm.s32 $0x10900;
	s6 =	rddreg [dreg:$0x4]  }
0x1f: {  	[tilespmem:s8], [sflag:$0x9] =	stream.linear.gather [hbm4b:s6+s11], $0x200, $0x38;
	[tilespmem:$0x10D80] =	vst v63  }
0x20: {  	_ =	swait.ge [sflag:s3], $0x200  }
0x21: {  	[sflag:s3] =	ssyncset.done $0x0  }
0x22: {  	[sflag:s3] =	ssyncadd.s32 $0xFFFFFE00  }
0x23: {  	s23 =	simm.s32 $0x10B00;
	s10 =	rddreg [dreg:$0x5]  }
0x24: {  	[tilespmem:s23], [sflag:$0x9] =	stream.linear.gather [hbm4b:s10+s11], $0x80, $0x38;
	[tilespmem:$0x10D80] =	vst v63  }
0x25: {  	_ =	swait.ge [sflag:s3], $0x80  }
0x26: {  	[sflag:s3] =	ssyncset.done $0x0  }
0x27: {  	[sflag:s3] =	ssyncadd.s32 $0xFFFFFF80  }
0x28: {  	v34 =	vld [tilespmem:$0x0];
	_ =	sdelay $0x4  }
0x29: {  	(v2sf) =	vpush v34, $0x0  }
0x2a: {  	v35 =	vld [tilespmem:$0x280];
	_ =	sdelay $0x4  }
0x2b: {  	(v2sf) =	vpush v35, $0x0;
	_ =	sdelay $0x5  }
0x2c: {  	(v2sf) =	vpush v34, $0x1;
	_ =	sdelay $0x2  }
0x2d: {  	s0 =	spop (v2sf)  }
0x2e: {  	p0 =	slt.s32 s0, $0xF423F  }
0x2f: {  	s0 =	simm.s32 @!p0 $0xF423F  }
0x30: {  	(v2sf) =	vpush v35, $0x1;
	s0 =	sand.u32 $0xFFFFF80, s0  }
0x31: {  	s0 =	sadd.s32 s9, s0  }
0x32: {  	[tilespmem:s13], [sflag:$0x1] =	stream.strided.gather [hbm4b:s0+s15], $0x1000, s16, s15, $0x38;
	[tilespmem:$0x10D80] =	vst v63  }
0x33: {  	s0 =	spop (v2sf)  }
0x34: {  	p0 =	slt.s32 s0, $0xF423F  }
0x35: {  	s0 =	simm.s32 @!p0 $0xF423F  }
0x36: {  	(v2sf) =	vpush v34, $0x2;
	s0 =	sand.u32 $0xFFFFF80, s0  }
0x37: {  	s0 =	sadd.s32 s2, s0  }
0x38: {  	[tilespmem:s17], [sflag:$0x1] =	stream.strided.gather [hbm4b:s0+s15], $0x1000, s16, s15, $0x38;
	[tilespmem:$0x10D80] =	vst v63  }
0x39: {  	s0 =	spop (v2sf)  }
0x3a: {  	p0 =	slt.s32 s0, $0xF423F  }
0x3b: {  	s0 =	simm.s32 @!p0 $0xF423F  }
0x3c: {  	(v2sf) =	vpush v35, $0x2;
	s0 =	sand.u32 $0xFFFFF80, s0  }
0x3d: {  	s0 =	sadd.s32 s9, s0  }
0x3e: {  	[tilespmem:s18], [sflag:$0x2] =	stream.strided.gather [hbm4b:s0+s15], $0x1000, s16, s15, $0x38;
	[tilespmem:$0x10D80] =	vst v63  }
0x3f: {  	s0 =	spop (v2sf)  }
0x40: {  	p0 =	slt.s32 s0, $0xF423F  }
0x41: {  	s0 =	simm.s32 @!p0 $0xF423F  }
0x42: {  	(v2sf) =	vpush v34, $0x3;
	s0 =	sand.u32 $0xFFFFF80, s0  }
0x43: {  	s0 =	sadd.s32 s2, s0  }
0x44: {  	[tilespmem:s19], [sflag:$0x2] =	stream.strided.gather [hbm4b:s0+s15], $0x1000, s16, s15, $0x38;
	[tilespmem:$0x10D80] =	vst v63  }
0x45: {  	s0 =	spop (v2sf)  }
0x46: {  	p0 =	slt.s32 s0, $0xF423F  }
0x47: {  	s0 =	simm.s32 @!p0 $0xF423F  }
0x48: {  	(v2sf) =	vpush v35, $0x3;
	s0 =	sand.u32 $0xFFFFF80, s0  }
0x49: {  	s0 =	sadd.s32 s9, s0  }
0x4a: {  	[tilespmem:s26], [sflag:$0x3] =	stream.strided.gather [hbm4b:s0+s15], $0x1000, s16, s15, $0x38;
	[tilespmem:$0x10D80] =	vst v63  }
0x4b: {  	s0 =	spop (v2sf)  }
0x4c: {  	p0 =	slt.s32 s0, $0xF423F  }
0x4d: {  	s0 =	simm.s32 @!p0 $0xF423F  }
0x4e: {  	s0 =	sand.u32 $0xFFFFF80, s0  }
0x4f: {  	s0 =	sadd.s32 s2, s0  }
0x50: {  	[tilespmem:s20], [sflag:$0x3] =	stream.strided.gather [hbm4b:s0+s15], $0x1000, s16, s15, $0x38;
	[tilespmem:$0x10D80] =	vst v63  }
0x51: {  	s0 =	spop (v2sf)  }
0x52: {  	p0 =	slt.s32 s0, $0xF423F  }
0x53: {  	s0 =	simm.s32 @!p0 $0xF423F  }
0x54: {  	s0 =	sand.u32 $0xFFFFF80, s0  }
0x55: {  	s0 =	sadd.s32 s9, s0  }
0x56: {  	[tilespmem:s31], [sflag:$0x4] =	stream.strided.gather [hbm4b:s0+s15], $0x1000, s16, s15, $0x38;
	[tilespmem:$0x10D80] =	vst v63  }
0x57: {  	s0 =	spop (v2sf)  }
0x58: {  	p0 =	slt.s32 s0, $0xF423F  }
0x59: {  	s0 =	simm.s32 @!p0 $0xF423F  }
0x5a: {  	s0 =	sand.u32 $0xFFFFF80, s0  }
0x5b: {  	s4 =	simm.s32 $0x7500;
	s10 =	simm.s32 $0x0;
	s0 =	sadd.s32 s2, s0  }
0x5c: {  	[tilespmem:s21], [sflag:$0x4] =	stream.strided.gather [hbm4b:s0+s15], $0x1000, s16, s15, $0x38;
	[tilespmem:$0x10D80] =	vst v63  }
.LBB2_2:
0x5d: {  	(v2sf) =	vpush v34, $0x4;
	_ =	sdelay $0x3  }
0x5e: {  	(v2sf) =	vpush v35, $0x4;
	_ =	sdelay $0xa  }
0x5f: {  	s17 =	spop (v2sf)  }
0x60: {  	p0 =	slt.s32 s17, $0xF423F;
	s0 =	smov.u32 s17  }
0x61: {  	s0 =	simm.s32 @!p0 $0xF423F  }
0x62: {  	s0 =	sand.u32 $0xFFFFF80, s0  }
0x63: {  	s19 =	spop (v2sf);
	s0 =	sadd.s32 s9, s0  }
0x64: {  	[tilespmem:s25], [sflag:$0x5] =	stream.strided.gather [hbm4b:s0+s15], $0x1000, s16, s15, $0x38;
	[tilespmem:$0x10D80] =	vst v63  }
0x65: {  	p0 =	slt.s32 s19, $0xF423F;
	s0 =	smov.u32 s19  }
0x66: {  	s0 =	simm.s32 @!p0 $0xF423F  }
0x67: {  	s0 =	sand.u32 $0xFFFFF80, s0  }
0x68: {  	s0 =	sadd.s32 s2, s0  }
0x69: {  	[tilespmem:s14], [sflag:$0x5] =	stream.strided.gather [hbm4b:s0+s15], $0x1000, s16, s15, $0x38;
	[tilespmem:$0x10D80] =	vst v63  }
0x6a: {  	_ =	swait.ge [sflag:s22], $0x1000  }
0x6b: {  	[sflag:s22] =	ssyncset.done $0x0  }
0x6c: {  	[sflag:s22] =	ssyncadd.s32 $0xFFFFF000  }
0x6d: {  	_ =	swait.ge [sflag:s22], $0x1000  }
0x6e: {  	(v2sf) =	vpush v34, $0x0;
	_ =	sdelay $0x1  }
0x6f: {  	(v2sf) =	vpush v35, $0x0;
	_ =	sdelay $0x8  }
0x70: {  	(v2sf) =	vpush v34, $0x5;
	_ =	sdelay $0x3  }
0x71: {  	s25 =	spop (v2sf);
	(v2sf) =	vpush v35, $0x5  }
0x72: {  	s0 =	sand.u32 $0x7F, s25  }
0x73: {  	s3 =	spop (v2sf);
	v36 =	vor.u32 s0, v0  }
0x74: {  	s3 =	sand.u32 $0x7F, s3;
	v37 =	vor.u32 s0, v2  }
0x75: {  	v38 =	vor.u32 s3, v0  }
0x76: {  	[sflag:s22] =	ssyncset.done $0x0;
	v39 =	vor.u32 s3, v2  }
0x77: {  	s1 =	simm.s32 $0x500;
	[sflag:s22] =	ssyncadd.s32 $0xFFFFF000  }
0x78: {  	v36 =	vld.idx.msk [tilespmem:v36+s1+$0x0], $0xffff  }
0x79: {  	s3 =	simm.s32 $0x8500;
	v37 =	vld.idx.msk [tilespmem:v37+s1+$0x0], $0xffff  }
0x7a: {  	v38 =	vld.idx.msk [tilespmem:v38+s3+$0x0], $0xffff  }
0x7b: {  	v39 =	vld.idx.msk [tilespmem:v39+s3+$0x0], $0xffff  }
0x7c: {  	s18 =	spop (v2sf)  }
0x7d: {  	p0 =	slt.s32 s18, $0xF423F;
	s0 =	smov.u32 s18;
	[tilespmem:v1+s29+$0x0] =	vst.idx.msk $0xffff, v36  }
0x7e: {  	s0 =	simm.s32 @!p0 $0xF423F;
	[tilespmem:v3+s29+$0x0] =	vst.idx.msk $0xffff, v37  }
0x7f: {  	s0 =	sand.u32 $0xFFFFF80, s0;
	[tilespmem:v1+s30+$0x0] =	vst.idx.msk $0xffff, v38  }
0x80: {  	s0 =	sadd.s32 s9, s0;
	[tilespmem:v3+s30+$0x0] =	vst.idx.msk $0xffff, v39;
	s21 =	spop (v2sf)  }
0x81: {  	[tilespmem:s24], [sflag:$0x6] =	stream.strided.gather [hbm4b:s0+s15], $0x1000, s16, s15, $0x38;
	[tilespmem:$0x10D80] =	vst v63  }
0x82: {  	p0 =	slt.s32 s21, $0xF423F;
	s0 =	smov.u32 s21  }
0x83: {  	s0 =	simm.s32 @!p0 $0xF423F  }
0x84: {  	s0 =	sand.u32 $0xFFFFF80, s0  }
0x85: {  	s0 =	sadd.s32 s2, s0  }
0x86: {  	[tilespmem:s5], [sflag:$0x6] =	stream.strided.gather [hbm4b:s0+s15], $0x1000, s16, s15, $0x38;
	[tilespmem:$0x10D80] =	vst v63  }
0x87: {  	_ =	swait.ge [sflag:s28], $0x1000  }
0x88: {  	[sflag:s28] =	ssyncset.done $0x0  }
0x89: {  	[sflag:s28] =	ssyncadd.s32 $0xFFFFF000  }
0x8a: {  	_ =	swait.ge [sflag:s28], $0x1000  }
0x8b: {  	(v2sf) =	vpush v34, $0x1;
	_ =	sdelay $0x1  }
0x8c: {  	(v2sf) =	vpush v35, $0x1;
	_ =	sdelay $0x8  }
0x8d: {  	(v2sf) =	vpush v34, $0x6;
	_ =	sdelay $0x3  }
0x8e: {  	s6 =	spop (v2sf);
	(v2sf) =	vpush v35, $0x6  }
0x8f: {  	s0 =	sand.u32 $0x7F, s6  }
0x90: {  	s8 =	spop (v2sf);
	v54 =	vor.u32 s0, v0  }
0x91: {  	s3 =	sand.u32 $0x7F, s8;
	v55 =	vor.u32 s0, v2  }
0x92: {  	v56 =	vor.u32 s3, v0  }
0x93: {  	[sflag:s28] =	ssyncset.done $0x0;
	v57 =	vor.u32 s3, v2  }
0x94: {  	s11 =	simm.s32 $0x1500;
	[sflag:s28] =	ssyncadd.s32 $0xFFFFF000  }
0x95: {  	v36 =	vld.idx.msk [tilespmem:v54+s11+$0x0], $0xffff  }
0x96: {  	s13 =	simm.s32 $0x9500;
	v37 =	vld.idx.msk [tilespmem:v55+s11+$0x0], $0xffff  }
0x97: {  	v38 =	vld.idx.msk [tilespmem:v56+s13+$0x0], $0xffff  }
0x98: {  	v39 =	vld.idx.msk [tilespmem:v57+s13+$0x0], $0xffff  }
0x99: {  	s20 =	spop (v2sf)  }
0x9a: {  	p0 =	slt.s32 s20, $0xF423F;
	s0 =	smov.u32 s20;
	[tilespmem:v4+s29+$0x0] =	vst.idx.msk $0xffff, v36  }
0x9b: {  	s0 =	simm.s32 @!p0 $0xF423F;
	[tilespmem:v5+s29+$0x0] =	vst.idx.msk $0xffff, v37  }
0x9c: {  	s0 =	sand.u32 $0xFFFFF80, s0;
	[tilespmem:v4+s30+$0x0] =	vst.idx.msk $0xffff, v38  }
0x9d: {  	s14 =	simm.s32 $0x6500;
	s0 =	sadd.s32 s9, s0;
	[tilespmem:v5+s30+$0x0] =	vst.idx.msk $0xffff, v39;
	s23 =	spop (v2sf)  }
0x9e: {  	[tilespmem:s14], [sflag:$0x7] =	stream.strided.gather [hbm4b:s0+s15], $0x1000, s16, s15, $0x38;
	[tilespmem:$0x10D80] =	vst v63  }
0x9f: {  	p0 =	slt.s32 s23, $0xF423F;
	s0 =	smov.u32 s23  }
0xa0: {  	s0 =	simm.s32 @!p0 $0xF423F  }
0xa1: {  	s0 =	sand.u32 $0xFFFFF80, s0  }
0xa2: {  	s22 =	simm.s32 $0xE500;
	s0 =	sadd.s32 s2, s0  }
0xa3: {  	[tilespmem:s22], [sflag:$0x7] =	stream.strided.gather [hbm4b:s0+s15], $0x1000, s16, s15, $0x38;
	[tilespmem:$0x10D80] =	vst v63  }
0xa4: {  	_ =	swait.ge [sflag:s12], $0x1000  }
0xa5: {  	[sflag:s12] =	ssyncset.done $0x0  }
0xa6: {  	[sflag:s12] =	ssyncadd.s32 $0xFFFFF000  }
0xa7: {  	_ =	swait.ge [sflag:s12], $0x1000  }
0xa8: {  	(v2sf) =	vpush v34, $0x2;
	_ =	sdelay $0x1  }
0xa9: {  	(v2sf) =	vpush v35, $0x2;
	_ =	sdelay $0x8  }
0xaa: {  	(v2sf) =	vpush v34, $0x7;
	_ =	sdelay $0x3  }
0xab: {  	s24 =	spop (v2sf);
	(v2sf) =	vpush v35, $0x7  }
0xac: {  	s0 =	sand.u32 $0x7F, s24  }
0xad: {  	s25 =	spop (v2sf);
	v58 =	vor.u32 s0, v0  }
0xae: {  	s3 =	sand.u32 $0x7F, s25;
	v59 =	vor.u32 s0, v2  }
0xaf: {  	v60 =	vor.u32 s3, v0  }
0xb0: {  	[sflag:s12] =	ssyncset.done $0x0;
	v61 =	vor.u32 s3, v2  }
0xb1: {  	[sflag:s12] =	ssyncadd.s32 $0xFFFFF000  }
0xb2: {  	v36 =	vld.idx.msk [tilespmem:v58+s26+$0x0], $0xffff  }
0xb3: {  	s8 =	simm.s32 $0xA500;
	v37 =	vld.idx.msk [tilespmem:v59+s26+$0x0], $0xffff  }
0xb4: {  	v38 =	vld.idx.msk [tilespmem:v60+s8+$0x0], $0xffff  }
0xb5: {  	v39 =	vld.idx.msk [tilespmem:v61+s8+$0x0], $0xffff  }
0xb6: {  	s22 =	spop (v2sf)  }
0xb7: {  	p0 =	slt.s32 s22, $0xF423F;
	s0 =	smov.u32 s22;
	[tilespmem:v6+s29+$0x0] =	vst.idx.msk $0xffff, v36  }
0xb8: {  	s0 =	simm.s32 @!p0 $0xF423F;
	[tilespmem:v7+s29+$0x0] =	vst.idx.msk $0xffff, v37  }
0xb9: {  	s0 =	sand.u32 $0xFFFFF80, s0;
	[tilespmem:v6+s30+$0x0] =	vst.idx.msk $0xffff, v38  }
0xba: {  	s0 =	sadd.s32 s9, s0;
	[tilespmem:v7+s30+$0x0] =	vst.idx.msk $0xffff, v39;
	s25 =	spop (v2sf)  }
0xbb: {  	[tilespmem:s4], [sflag:$0x8] =	stream.strided.gather [hbm4b:s0+s15], $0x1000, s16, s15, $0x38;
	[tilespmem:$0x10D80] =	vst v63  }
0xbc: {  	p0 =	slt.s32 s25, $0xF423F;
	s0 =	smov.u32 s25  }
0xbd: {  	s0 =	simm.s32 @!p0 $0xF423F  }
0xbe: {  	s0 =	sand.u32 $0xFFFFF80, s0  }
0xbf: {  	s4 =	simm.s32 $0xF500;
	s0 =	sadd.s32 s2, s0  }
0xc0: {  	[tilespmem:s4], [sflag:$0x8] =	stream.strided.gather [hbm4b:s0+s15], $0x1000, s16, s15, $0x38;
	[tilespmem:$0x10D80] =	vst v63  }
0xc1: {  	_ =	swait.ge [sflag:s7], $0x1000  }
0xc2: {  	[sflag:s7] =	ssyncset.done $0x0  }
0xc3: {  	[sflag:s7] =	ssyncadd.s32 $0xFFFFF000  }
0xc4: {  	_ =	swait.ge [sflag:s7], $0x1000  }
0xc5: {  	(v2sf) =	vpush v34, $0x3;
	_ =	sdelay $0x1  }
0xc6: {  	(v2sf) =	vpush v35, $0x3;
	_ =	sdelay $0x8  }
0xc7: {  	(v2sf) =	vpush v34, $0x8;
	_ =	sdelay $0x3  }
0xc8: {  	s12 =	spop (v2sf);
	(v2sf) =	vpush v35, $0x8  }
0xc9: {  	s0 =	sand.u32 $0x7F, s12  }
0xca: {  	s24 =	spop (v2sf);
	v62 =	vor.u32 s0, v0  }
0xcb: {  	s3 =	sand.u32 $0x7F, s24;
	v63 =	vor.u32 s0, v2  }
0xcc: {  	v42 =	vor.u32 s3, v0  }
0xcd: {  	[sflag:s7] =	ssyncset.done $0x0;
	v43 =	vor.u32 s3, v2  }
0xce: {  	[sflag:s7] =	ssyncadd.s32 $0xFFFFF000  }
0xcf: {  	v36 =	vld.idx.msk [tilespmem:v62+s31+$0x0], $0xffff  }
0xd0: {  	s3 =	simm.s32 $0xB500;
	v37 =	vld.idx.msk [tilespmem:v63+s31+$0x0], $0xffff  }
0xd1: {  	v38 =	vld.idx.msk [tilespmem:v42+s3+$0x0], $0xffff  }
0xd2: {  	v39 =	vld.idx.msk [tilespmem:v43+s3+$0x0], $0xffff  }
0xd3: {  	s24 =	spop (v2sf)  }
0xd4: {  	p0 =	slt.s32 s24, $0xF423F;
	s0 =	smov.u32 s24;
	[tilespmem:v8+s29+$0x0] =	vst.idx.msk $0xffff, v36  }
0xd5: {  	s0 =	simm.s32 @!p0 $0xF423F;
	[tilespmem:v9+s29+$0x0] =	vst.idx.msk $0xffff, v37  }
0xd6: {  	s4 =	sand.u32 $0xFFFFF80, s0;
	[tilespmem:v8+s30+$0x0] =	vst.idx.msk $0xffff, v38  }
0xd7: {  	s7 =	simm.s32 $0x500;
	s3 =	sadd.s32 s9, s4;
	[tilespmem:v9+s30+$0x0] =	vst.idx.msk $0xffff, v39;
	s0 =	spop (v2sf)  }
0xd8: {  	[tilespmem:s7], [sflag:$0x1] =	stream.strided.gather [hbm4b:s3+s15], $0x1000, s16, s15, $0x38;
	[tilespmem:$0x10D80] =	vst v63  }
0xd9: {  	p0 =	slt.s32 s0, $0xF423F;
	s3 =	smov.u32 s0  }
0xda: {  	s3 =	simm.s32 @!p0 $0xF423F  }
0xdb: {  	s3 =	sand.u32 $0xFFFFF80, s3  }
0xdc: {  	s11 =	simm.s32 $0x5;
	s12 =	simm.s32 $0x8500;
	s3 =	sadd.s32 s2, s3  }
0xdd: {  	[tilespmem:s12], [sflag:$0x1] =	stream.strided.gather [hbm4b:s3+s15], $0x1000, s16, s15, $0x38;
	[tilespmem:$0x10D80] =	vst v63  }
0xde: {  	_ =	swait.ge [sflag:s11], $0x1000  }
0xdf: {  	[sflag:s11] =	ssyncset.done $0x0  }
0xe0: {  	[sflag:s11] =	ssyncadd.s32 $0xFFFFF000  }
0xe1: {  	_ =	swait.ge [sflag:s11], $0x1000  }
0xe2: {  	(v2sf) =	vpush v34, $0x9;
	_ =	sdelay $0x3  }
0xe3: {  	(v2sf) =	vpush v35, $0x9  }
0xe4: {  	s17 =	sand.u32 $0x7F, s17  }
0xe5: {  	v44 =	vor.u32 s17, v0  }
0xe6: {  	v45 =	vor.u32 s17, v2;
	s19 =	sand.u32 $0x7F, s19  }
0xe7: {  	v46 =	vor.u32 s19, v0  }
0xe8: {  	v47 =	vor.u32 s19, v2;
	[sflag:s11] =	ssyncset.done $0x0  }
0xe9: {  	s14 =	simm.s32 $0x4500;
	[sflag:s11] =	ssyncadd.s32 $0xFFFFF000  }
0xea: {  	v36 =	vld.idx.msk [tilespmem:v44+s14+$0x0], $0xffff  }
0xeb: {  	s13 =	simm.s32 $0xC500;
	v37 =	vld.idx.msk [tilespmem:v45+s14+$0x0], $0xffff  }
0xec: {  	v38 =	vld.idx.msk [tilespmem:v46+s13+$0x0], $0xffff  }
0xed: {  	v39 =	vld.idx.msk [tilespmem:v47+s13+$0x0], $0xffff  }
0xee: {  	s17 =	spop (v2sf)  }
0xef: {  	[tilespmem:v10+s29+$0x0] =	vst.idx.msk $0xffff, v36;
	p0 =	slt.s32 s17, $0xF423F;
	s3 =	smov.u32 s17  }
0xf0: {  	[tilespmem:v11+s29+$0x0] =	vst.idx.msk $0xffff, v37;
	s3 =	simm.s32 @!p0 $0xF423F  }
0xf1: {  	[tilespmem:v10+s30+$0x0] =	vst.idx.msk $0xffff, v38;
	s13 =	sand.u32 $0xFFFFF80, s3  }
0xf2: {  	s19 =	simm.s32 $0x1500;
	[tilespmem:v11+s30+$0x0] =	vst.idx.msk $0xffff, v39;
	s3 =	spop (v2sf);
	s4 =	sadd.s32 s9, s13  }
0xf3: {  	[tilespmem:s19], [sflag:$0x2] =	stream.strided.gather [hbm4b:s4+s15], $0x1000, s16, s15, $0x38;
	[tilespmem:$0x10D80] =	vst v63  }
0xf4: {  	p0 =	slt.s32 s3, $0xF423F;
	s4 =	smov.u32 s3  }
0xf5: {  	s4 =	simm.s32 @!p0 $0xF423F  }
0xf6: {  	s4 =	sand.u32 $0xFFFFF80, s4  }
0xf7: {  	s11 =	simm.s32 $0x6;
	s19 =	simm.s32 $0x9500;
	s4 =	sadd.s32 s2, s4  }
0xf8: {  	[tilespmem:s19], [sflag:$0x2] =	stream.strided.gather [hbm4b:s4+s15], $0x1000, s16, s15, $0x38;
	[tilespmem:$0x10D80] =	vst v63  }
0xf9: {  	_ =	swait.ge [sflag:s11], $0x1000  }
0xfa: {  	[sflag:s11] =	ssyncset.done $0x0  }
0xfb: {  	[sflag:s11] =	ssyncadd.s32 $0xFFFFF000  }
0xfc: {  	_ =	swait.ge [sflag:s11], $0x1000  }
0xfd: {  	(v2sf) =	vpush v34, $0xA;
	_ =	sdelay $0x3  }
0xfe: {  	(v2sf) =	vpush v35, $0xA  }
0xff: {  	s18 =	sand.u32 $0x7F, s18  }
0x100: {  	v48 =	vor.u32 s18, v0  }
0x101: {  	v49 =	vor.u32 s18, v2;
	s19 =	sand.u32 $0x7F, s21  }
0x102: {  	v50 =	vor.u32 s19, v0  }
0x103: {  	v51 =	vor.u32 s19, v2;
	[sflag:s11] =	ssyncset.done $0x0  }
0x104: {  	s28 =	simm.s32 $0x5500;
	[sflag:s11] =	ssyncadd.s32 $0xFFFFF000  }
0x105: {  	v36 =	vld.idx.msk [tilespmem:v48+s28+$0x0], $0xffff  }
0x106: {  	s26 =	simm.s32 $0xD500;
	v37 =	vld.idx.msk [tilespmem:v49+s28+$0x0], $0xffff  }
0x107: {  	v38 =	vld.idx.msk [tilespmem:v50+s26+$0x0], $0xffff  }
0x108: {  	v39 =	vld.idx.msk [tilespmem:v51+s26+$0x0], $0xffff  }
0x109: {  	s26 =	spop (v2sf)  }
0x10a: {  	[tilespmem:v12+s29+$0x0] =	vst.idx.msk $0xffff, v36;
	p0 =	slt.s32 s26, $0xF423F;
	s4 =	smov.u32 s26  }
0x10b: {  	[tilespmem:v13+s29+$0x0] =	vst.idx.msk $0xffff, v37;
	s4 =	simm.s32 @!p0 $0xF423F  }
0x10c: {  	[tilespmem:v12+s30+$0x0] =	vst.idx.msk $0xffff, v38;
	s19 =	sand.u32 $0xFFFFF80, s4  }
0x10d: {  	s21 =	simm.s32 $0x2500;
	[tilespmem:v13+s30+$0x0] =	vst.idx.msk $0xffff, v39;
	s4 =	spop (v2sf);
	s13 =	sadd.s32 s9, s19  }
0x10e: {  	[tilespmem:s21], [sflag:$0x3] =	stream.strided.gather [hbm4b:s13+s15], $0x1000, s16, s15, $0x38;
	[tilespmem:$0x10D80] =	vst v63  }
0x10f: {  	p0 =	slt.s32 s4, $0xF423F;
	s13 =	smov.u32 s4  }
0x110: {  	s13 =	simm.s32 @!p0 $0xF423F  }
0x111: {  	s13 =	sand.u32 $0xFFFFF80, s13  }
0x112: {  	s6 =	simm.s32 $0x7;
	s13 =	sadd.s32 s2, s13  }
0x113: {  	[tilespmem:s8], [sflag:$0x3] =	stream.strided.gather [hbm4b:s13+s15], $0x1000, s16, s15, $0x38;
	[tilespmem:$0x10D80] =	vst v63  }
0x114: {  	_ =	swait.ge [sflag:s6], $0x1000  }
0x115: {  	[sflag:s6] =	ssyncset.done $0x0  }
0x116: {  	[sflag:s6] =	ssyncadd.s32 $0xFFFFF000  }
0x117: {  	_ =	swait.ge [sflag:s6], $0x1000  }
0x118: {  	(v2sf) =	vpush v34, $0xB;
	_ =	sdelay $0x3  }
0x119: {  	(v2sf) =	vpush v35, $0xB  }
0x11a: {  	s21 =	sand.u32 $0x7F, s20  }
0x11b: {  	v52 =	vor.u32 s21, v0  }
0x11c: {  	s23 =	sand.u32 $0x7F, s23;
	v53 =	vor.u32 s21, v2  }
0x11d: {  	v54 =	vor.u32 s23, v0  }
0x11e: {  	v55 =	vor.u32 s23, v2;
	[sflag:s6] =	ssyncset.done $0x0  }
0x11f: {  	s18 =	simm.s32 $0x6500;
	[sflag:s6] =	ssyncadd.s32 $0xFFFFF000  }
0x120: {  	v36 =	vld.idx.msk [tilespmem:v52+s18+$0x0], $0xffff  }
0x121: {  	s19 =	simm.s32 $0xE500;
	v37 =	vld.idx.msk [tilespmem:v53+s18+$0x0], $0xffff  }
0x122: {  	v38 =	vld.idx.msk [tilespmem:v54+s19+$0x0], $0xffff  }
0x123: {  	v39 =	vld.idx.msk [tilespmem:v55+s19+$0x0], $0xffff  }
0x124: {  	s31 =	spop (v2sf)  }
0x125: {  	[tilespmem:v14+s29+$0x0] =	vst.idx.msk $0xffff, v36;
	p0 =	slt.s32 s31, $0xF423F;
	s13 =	smov.u32 s31  }
0x126: {  	[tilespmem:v15+s29+$0x0] =	vst.idx.msk $0xffff, v37;
	s13 =	simm.s32 @!p0 $0xF423F  }
0x127: {  	[tilespmem:v14+s30+$0x0] =	vst.idx.msk $0xffff, v38;
	s23 =	sand.u32 $0xFFFFF80, s13  }
0x128: {  	s21 =	simm.s32 $0x3500;
	[tilespmem:v15+s30+$0x0] =	vst.idx.msk $0xffff, v39;
	s13 =	spop (v2sf);
	s18 =	sadd.s32 s9, s23  }
0x129: {  	[tilespmem:s21], [sflag:$0x4] =	stream.strided.gather [hbm4b:s18+s15], $0x1000, s16, s15, $0x38;
	[tilespmem:$0x10D80] =	vst v63  }
0x12a: {  	p0 =	slt.s32 s13, $0xF423F;
	s18 =	smov.u32 s13  }
0x12b: {  	s18 =	simm.s32 @!p0 $0xF423F  }
0x12c: {  	s18 =	sand.u32 $0xFFFFF80, s18  }
0x12d: {  	s1 =	simm.s32 $0x8;
	s21 =	simm.s32 $0xB500;
	s18 =	sadd.s32 s2, s18  }
0x12e: {  	[tilespmem:s21], [sflag:$0x4] =	stream.strided.gather [hbm4b:s18+s15], $0x1000, s16, s15, $0x38;
	[tilespmem:$0x10D80] =	vst v63  }
0x12f: {  	_ =	swait.ge [sflag:s1], $0x1000  }
0x130: {  	[sflag:s1] =	ssyncset.done $0x0  }
0x131: {  	[sflag:s1] =	ssyncadd.s32 $0xFFFFF000  }
0x132: {  	_ =	swait.ge [sflag:s1], $0x1000  }
0x133: {  	(v2sf) =	vpush v34, $0xC;
	_ =	sdelay $0x3  }
0x134: {  	(v2sf) =	vpush v35, $0xC  }
0x135: {  	s23 =	sand.u32 $0x7F, s22  }
0x136: {  	v56 =	vor.u32 s23, v0  }
0x137: {  	s25 =	sand.u32 $0x7F, s25;
	v57 =	vor.u32 s23, v2  }
0x138: {  	v58 =	vor.u32 s25, v0  }
0x139: {  	v59 =	vor.u32 s25, v2;
	[sflag:s1] =	ssyncset.done $0x0  }
0x13a: {  	s12 =	simm.s32 $0x7500;
	[sflag:s1] =	ssyncadd.s32 $0xFFFFF000  }
0x13b: {  	v36 =	vld.idx.msk [tilespmem:v56+s12+$0x0], $0xffff  }
0x13c: {  	s21 =	simm.s32 $0xF500;
	v37 =	vld.idx.msk [tilespmem:v57+s12+$0x0], $0xffff  }
0x13d: {  	s22 =	simm.s32 $0xF500;
	v38 =	vld.idx.msk [tilespmem:v58+s21+$0x0], $0xffff  }
0x13e: {  	v39 =	vld.idx.msk [tilespmem:v59+s22+$0x0], $0xffff  }
0x13f: {  	s21 =	spop (v2sf)  }
0x140: {  	[tilespmem:v16+s29+$0x0] =	vst.idx.msk $0xffff, v36;
	p0 =	slt.s32 s21, $0xF423F;
	s18 =	smov.u32 s21  }
0x141: {  	[tilespmem:v17+s29+$0x0] =	vst.idx.msk $0xffff, v37;
	s18 =	simm.s32 @!p0 $0xF423F  }
0x142: {  	[tilespmem:v16+s30+$0x0] =	vst.idx.msk $0xffff, v38;
	s18 =	sand.u32 $0xFFFFF80, s18  }
0x143: {  	[tilespmem:v17+s30+$0x0] =	vst.idx.msk $0xffff, v39;
	s25 =	spop (v2sf);
	s18 =	sadd.s32 s9, s18  }
0x144: {  	[tilespmem:s14], [sflag:$0x5] =	stream.strided.gather [hbm4b:s18+s15], $0x1000, s16, s15, $0x38;
	[tilespmem:$0x10D80] =	vst v63  }
0x145: {  	p0 =	slt.s32 s25, $0xF423F;
	s18 =	smov.u32 s25  }
0x146: {  	s18 =	simm.s32 @!p0 $0xF423F  }
0x147: {  	s18 =	sand.u32 $0xFFFFF80, s18  }
0x148: {  	s5 =	simm.s32 $0x1;
	s14 =	simm.s32 $0xC500;
	s18 =	sadd.s32 s2, s18  }
0x149: {  	[tilespmem:s14], [sflag:$0x5] =	stream.strided.gather [hbm4b:s18+s15], $0x1000, s16, s15, $0x38;
	[tilespmem:$0x10D80] =	vst v63  }
0x14a: {  	_ =	swait.ge [sflag:s5], $0x1000  }
0x14b: {  	[sflag:s5] =	ssyncset.done $0x0  }
0x14c: {  	[sflag:s5] =	ssyncadd.s32 $0xFFFFF000  }
0x14d: {  	_ =	swait.ge [sflag:s5], $0x1000  }
0x14e: {  	(v2sf) =	vpush v34, $0xD;
	_ =	sdelay $0x3  }
0x14f: {  	(v2sf) =	vpush v35, $0xD  }
0x150: {  	s23 =	sand.u32 $0x7F, s24  }
0x151: {  	v60 =	vor.u32 s23, v0  }
0x152: {  	s0 =	sand.u32 $0x7F, s0;
	v61 =	vor.u32 s23, v2  }
0x153: {  	v62 =	vor.u32 s0, v0  }
0x154: {  	v63 =	vor.u32 s0, v2;
	[sflag:s5] =	ssyncset.done $0x0  }
0x155: {  	s24 =	simm.s32 $0x500;
	[sflag:s5] =	ssyncadd.s32 $0xFFFFF000  }
0x156: {  	v36 =	vld.idx.msk [tilespmem:v60+s24+$0x0], $0xffff  }
0x157: {  	s1 =	simm.s32 $0x8500;
	v37 =	vld.idx.msk [tilespmem:v61+s24+$0x0], $0xffff  }
0x158: {  	v38 =	vld.idx.msk [tilespmem:v62+s1+$0x0], $0xffff  }
0x159: {  	v39 =	vld.idx.msk [tilespmem:v63+s1+$0x0], $0xffff  }
0x15a: {  	s19 =	spop (v2sf)  }
0x15b: {  	[tilespmem:v33+s29+$0x0] =	vst.idx.msk $0xffff, v36;
	p0 =	slt.s32 s19, $0xF423F;
	s0 =	smov.u32 s19  }
0x15c: {  	[tilespmem:v19+s29+$0x0] =	vst.idx.msk $0xffff, v37;
	s0 =	simm.s32 @!p0 $0xF423F  }
0x15d: {  	[tilespmem:v33+s30+$0x0] =	vst.idx.msk $0xffff, v38;
	s0 =	sand.u32 $0xFFFFF80, s0  }
0x15e: {  	[tilespmem:v19+s30+$0x0] =	vst.idx.msk $0xffff, v39;
	s24 =	spop (v2sf);
	s0 =	sadd.s32 s9, s0  }
0x15f: {  	[tilespmem:s28], [sflag:$0x6] =	stream.strided.gather [hbm4b:s0+s15], $0x1000, s16, s15, $0x38;
	[tilespmem:$0x10D80] =	vst v63  }
0x160: {  	p0 =	slt.s32 s24, $0xF423F;
	s0 =	smov.u32 s24  }
0x161: {  	s0 =	simm.s32 @!p0 $0xF423F  }
0x162: {  	s0 =	sand.u32 $0xFFFFF80, s0  }
0x163: {  	s5 =	simm.s32 $0xD500;
	s28 =	simm.s32 $0x2;
	s0 =	sadd.s32 s2, s0  }
0x164: {  	[tilespmem:s5], [sflag:$0x6] =	stream.strided.gather [hbm4b:s0+s15], $0x1000, s16, s15, $0x38;
	[tilespmem:$0x10D80] =	vst v63  }
0x165: {  	_ =	swait.ge [sflag:s28], $0x1000  }
0x166: {  	[sflag:s28] =	ssyncset.done $0x0  }
0x167: {  	[sflag:s28] =	ssyncadd.s32 $0xFFFFF000  }
0x168: {  	_ =	swait.ge [sflag:s28], $0x1000  }
0x169: {  	(v2sf) =	vpush v34, $0xE;
	_ =	sdelay $0x3  }
0x16a: {  	(v2sf) =	vpush v35, $0xE  }
0x16b: {  	s17 =	sand.u32 $0x7F, s17  }
0x16c: {  	v42 =	vor.u32 s17, v0  }
0x16d: {  	v43 =	vor.u32 s17, v2;
	s3 =	sand.u32 $0x7F, s3  }
0x16e: {  	v44 =	vor.u32 s3, v0  }
0x16f: {  	v45 =	vor.u32 s3, v2;
	[sflag:s28] =	ssyncset.done $0x0  }
0x170: {  	s18 =	simm.s32 $0x1500;
	[sflag:s28] =	ssyncadd.s32 $0xFFFFF000  }
0x171: {  	v36 =	vld.idx.msk [tilespmem:v42+s18+$0x0], $0xffff  }
0x172: {  	s22 =	simm.s32 $0x9500;
	v37 =	vld.idx.msk [tilespmem:v43+s18+$0x0], $0xffff  }
0x173: {  	v38 =	vld.idx.msk [tilespmem:v44+s22+$0x0], $0xffff  }
0x174: {  	v39 =	vld.idx.msk [tilespmem:v45+s22+$0x0], $0xffff  }
0x175: {  	s18 =	spop (v2sf)  }
0x176: {  	[tilespmem:v20+s29+$0x0] =	vst.idx.msk $0xffff, v36;
	p0 =	slt.s32 s18, $0xF423F;
	s0 =	smov.u32 s18  }
0x177: {  	[tilespmem:v21+s29+$0x0] =	vst.idx.msk $0xffff, v37;
	s0 =	simm.s32 @!p0 $0xF423F  }
0x178: {  	[tilespmem:v20+s30+$0x0] =	vst.idx.msk $0xffff, v38;
	s0 =	sand.u32 $0xFFFFF80, s0  }
0x179: {  	s20 =	simm.s32 $0x6500;
	[tilespmem:v21+s30+$0x0] =	vst.idx.msk $0xffff, v39;
	s22 =	spop (v2sf);
	s0 =	sadd.s32 s9, s0  }
0x17a: {  	[tilespmem:s20], [sflag:$0x7] =	stream.strided.gather [hbm4b:s0+s15], $0x1000, s16, s15, $0x38;
	[tilespmem:$0x10D80] =	vst v63  }
0x17b: {  	p0 =	slt.s32 s22, $0xF423F;
	s0 =	smov.u32 s22  }
0x17c: {  	s0 =	simm.s32 @!p0 $0xF423F  }
0x17d: {  	s0 =	sand.u32 $0xFFFFF80, s0  }
0x17e: {  	s7 =	simm.s32 $0x3;
	s6 =	simm.s32 $0xE500;
	s0 =	sadd.s32 s2, s0  }
0x17f: {  	[tilespmem:s6], [sflag:$0x7] =	stream.strided.gather [hbm4b:s0+s15], $0x1000, s16, s15, $0x38;
	[tilespmem:$0x10D80] =	vst v63  }
0x180: {  	_ =	swait.ge [sflag:s7], $0x1000  }
0x181: {  	[sflag:s7] =	ssyncset.done $0x0  }
0x182: {  	[sflag:s7] =	ssyncadd.s32 $0xFFFFF000  }
0x183: {  	_ =	swait.ge [sflag:s7], $0x1000  }
0x184: {  	(v2sf) =	vpush v34, $0xF;
	_ =	sdelay $0x3  }
0x185: {  	(v2sf) =	vpush v35, $0xF  }
0x186: {  	s23 =	sand.u32 $0x7F, s26  }
0x187: {  	v46 =	vor.u32 s23, v0  }
0x188: {  	v47 =	vor.u32 s23, v2;
	s1 =	sand.u32 $0x7F, s4  }
0x189: {  	v48 =	vor.u32 s1, v0  }
0x18a: {  	v49 =	vor.u32 s1, v2;
	[sflag:s7] =	ssyncset.done $0x0  }
0x18b: {  	s26 =	simm.s32 $0x2500;
	[sflag:s7] =	ssyncadd.s32 $0xFFFFF000  }
0x18c: {  	v34 =	vld.idx.msk [tilespmem:v46+s26+$0x0], $0xffff  }
0x18d: {  	v35 =	vld.idx.msk [tilespmem:v47+s26+$0x0], $0xffff  }
0x18e: {  	v36 =	vld.idx.msk [tilespmem:v48+s8+$0x0], $0xffff  }
0x18f: {  	v37 =	vld.idx.msk [tilespmem:v49+s8+$0x0], $0xffff  }
0x190: {  	s20 =	spop (v2sf)  }
0x191: {  	[tilespmem:v22+s29+$0x0] =	vst.idx.msk $0xffff, v34;
	p0 =	slt.s32 s20, $0xF423F;
	s0 =	smov.u32 s20  }
0x192: {  	[tilespmem:v23+s29+$0x0] =	vst.idx.msk $0xffff, v35;
	s0 =	simm.s32 @!p0 $0xF423F  }
0x193: {  	[tilespmem:v22+s30+$0x0] =	vst.idx.msk $0xffff, v36;
	s0 =	sand.u32 $0xFFFFF80, s0  }
0x194: {  	[tilespmem:v23+s30+$0x0] =	vst.idx.msk $0xffff, v37;
	s23 =	spop (v2sf);
	s0 =	sadd.s32 s9, s0  }
0x195: {  	[tilespmem:s12], [sflag:$0x8] =	stream.strided.gather [hbm4b:s0+s15], $0x1000, s16, s15, $0x38;
	[tilespmem:$0x10D80] =	vst v63  }
0x196: {  	p0 =	slt.s32 s23, $0xF423F;
	s0 =	smov.u32 s23  }
0x197: {  	s0 =	simm.s32 @!p0 $0xF423F  }
0x198: {  	s0 =	sand.u32 $0xFFFFF80, s0  }
0x199: {  	s4 =	simm.s32 $0xF500;
	s7 =	simm.s32 $0x4;
	s0 =	sadd.s32 s2, s0  }
0x19a: {  	[tilespmem:s4], [sflag:$0x8] =	stream.strided.gather [hbm4b:s0+s15], $0x1000, s16, s15, $0x38;
	[tilespmem:$0x10D80] =	vst v63  }
0x19b: {  	s6 =	sand.u32 $0x7F, s31;
	_ =	swait.ge [sflag:s7], $0x1000  }
0x19c: {  	v50 =	vor.u32 s6, v0;
	[sflag:s7] =	ssyncset.done $0x0  }
0x19d: {  	s13 =	sand.u32 $0x7F, s13;
	v51 =	vor.u32 s6, v2;
	[sflag:s7] =	ssyncadd.s32 $0xFFFFF000  }
0x19e: {  	v52 =	vor.u32 s13, v0;
	_ =	swait.ge [sflag:s7], $0x1000  }
0x19f: {  	v53 =	vor.u32 s13, v2;
	[sflag:s7] =	ssyncset.done $0x0  }
0x1a0: {  	s31 =	simm.s32 $0x3500;
	[sflag:s7] =	ssyncadd.s32 $0xFFFFF000  }
0x1a1: {  	v34 =	vld.idx.msk [tilespmem:v50+s31+$0x0], $0xffff  }
0x1a2: {  	s17 =	simm.s32 $0xB500;
	v35 =	vld.idx.msk [tilespmem:v51+s31+$0x0], $0xffff  }
0x1a3: {  	v36 =	vld.idx.msk [tilespmem:v52+s17+$0x0], $0xffff  }
0x1a4: {  	v37 =	vld.idx.msk [tilespmem:v53+s17+$0x0], $0xffff;
	_ =	sdelay $0x1  }
0x1a5: {  	[tilespmem:v24+s29+$0x0] =	vst.idx.msk $0xffff, v34  }
0x1a6: {  	[tilespmem:v25+s29+$0x0] =	vst.idx.msk $0xffff, v35  }
0x1a7: {  	[tilespmem:v24+s30+$0x0] =	vst.idx.msk $0xffff, v36  }
0x1a8: {  	s17 =	sshra.s32 s10, $0x2;
	[tilespmem:v25+s30+$0x0] =	vst.idx.msk $0xffff, v37  }
0x1a9: {  	v34 =	vld [tilespmem:s17+$0x10];
	_ =	sdelay $0x3  }
0x1aa: {  	p0 =	seq.s32 s10, $0x7C0  }
0x1ab: {  	(v2sf) =	vpush @!p0 v34, $0x0;
	_ =	sdelay $0x1  }
0x1ac: {  	v35 =	vld [tilespmem:s17+$0x290];
	_ =	sdelay $0x4  }
0x1ad: {  	(v2sf) =	vpush @!p0 v35, $0x0;
	_ =	sdelay $0x7  }
0x1ae: {  	s0 =	spop @!p0 (v2sf)  }
0x1af: {  	p1 =	slt.s32 @!p0 s0, $0xF423F  }
0x1b0: {  	p1 =	por !p1, p0  }
0x1b1: {  	s0 =	simm.s32 @p1 $0xF423F  }
0x1b2: {  	s3 =	simm.s32 @!p0 $0x7A1400;
	s0 =	sand.u32 @!p0 $0xFFFFF80, s0  }
0x1b3: {  	s13 =	simm.s32 @!p0 $0x500;
	s4 =	sadd.s32 @!p0 s9, s0;
	s0 =	simm.s32 @!p0 $0x400  }
0x1b4: {  	[tilespmem:s13], [sflag:$0x1] =	stream.strided.gather @!p0 [hbm4b:s4+s0], $0x1000, s3, s0, $0x38;
	[tilespmem:$0x10D80] =	vst v63  }
0x1b5: {  	s4 =	spop @!p0 (v2sf)  }
0x1b6: {  	p1 =	slt.s32 @!p0 s4, $0xF423F  }
0x1b7: {  	p1 =	por !p1, p0  }
0x1b8: {  	s4 =	simm.s32 @p1 $0xF423F  }
0x1b9: {  	s4 =	sand.u32 @!p0 $0xFFFFF80, s4  }
0x1ba: {  	s8 =	simm.s32 $0x5;
	s13 =	simm.s32 @!p0 $0x8500;
	s4 =	sadd.s32 @!p0 s2, s4  }
0x1bb: {  	[tilespmem:s13], [sflag:$0x1] =	stream.strided.gather @!p0 [hbm4b:s4+s0], $0x1000, s3, s0, $0x38;
	[tilespmem:$0x10D80] =	vst v63  }
0x1bc: {  	_ =	swait.ge [sflag:s8], $0x1000  }
0x1bd: {  	[sflag:s8] =	ssyncset.done $0x0  }
0x1be: {  	[sflag:s8] =	ssyncadd.s32 $0xFFFFF000  }
0x1bf: {  	_ =	swait.ge [sflag:s8], $0x1000  }
0x1c0: {  	(v2sf) =	vpush @!p0 v34, $0x1;
	_ =	sdelay $0x5  }
0x1c1: {  	s1 =	sand.u32 $0x7F, s21  }
0x1c2: {  	v54 =	vor.u32 s1, v0;
	(v2sf) =	vpush @!p0 v35, $0x1  }
0x1c3: {  	v55 =	vor.u32 s1, v2;
	s6 =	sand.u32 $0x7F, s25  }
0x1c4: {  	v56 =	vor.u32 s6, v0  }
0x1c5: {  	v57 =	vor.u32 s6, v2;
	[sflag:s8] =	ssyncset.done $0x0  }
0x1c6: {  	s25 =	simm.s32 $0x4500;
	[sflag:s8] =	ssyncadd.s32 $0xFFFFF000  }
0x1c7: {  	v36 =	vld.idx.msk [tilespmem:v54+s25+$0x0], $0xffff  }
0x1c8: {  	v37 =	vld.idx.msk [tilespmem:v55+s25+$0x0], $0xffff  }
0x1c9: {  	v38 =	vld.idx.msk [tilespmem:v56+s14+$0x0], $0xffff  }
0x1ca: {  	v39 =	vld.idx.msk [tilespmem:v57+s14+$0x0], $0xffff;
	s4 =	spop @!p0 (v2sf)  }
0x1cb: {  	p1 =	slt.s32 @!p0 s4, $0xF423F  }
0x1cc: {  	[tilespmem:v26+s29+$0x0] =	vst.idx.msk $0xffff, v36;
	p1 =	por !p1, p0  }
0x1cd: {  	[tilespmem:v18+s29+$0x0] =	vst.idx.msk $0xffff, v37;
	s4 =	simm.s32 @p1 $0xF423F  }
0x1ce: {  	[tilespmem:v26+s30+$0x0] =	vst.idx.msk $0xffff, v38;
	s4 =	sand.u32 @!p0 $0xFFFFF80, s4  }
0x1cf: {  	s13 =	simm.s32 @!p0 $0x1500;
	[tilespmem:v18+s30+$0x0] =	vst.idx.msk $0xffff, v39;
	s4 =	sadd.s32 @!p0 s9, s4  }
0x1d0: {  	[tilespmem:s13], [sflag:$0x2] =	stream.strided.gather @!p0 [hbm4b:s4+s0], $0x1000, s3, s0, $0x38;
	[tilespmem:$0x10D80] =	vst v63  }
0x1d1: {  	s4 =	spop @!p0 (v2sf)  }
0x1d2: {  	p1 =	slt.s32 @!p0 s4, $0xF423F  }
0x1d3: {  	p1 =	por !p1, p0  }
0x1d4: {  	s4 =	simm.s32 @p1 $0xF423F  }
0x1d5: {  	s4 =	sand.u32 @!p0 $0xFFFFF80, s4  }
0x1d6: {  	s13 =	simm.s32 @!p0 $0x9500;
	s4 =	sadd.s32 @!p0 s2, s4  }
0x1d7: {  	[tilespmem:s13], [sflag:$0x2] =	stream.strided.gather @!p0 [hbm4b:s4+s0], $0x1000, s3, s0, $0x38;
	[tilespmem:$0x10D80] =	vst v63  }
0x1d8: {  	_ =	swait.ge [sflag:s11], $0x1000  }
0x1d9: {  	[sflag:s11] =	ssyncset.done $0x0  }
0x1da: {  	[sflag:s11] =	ssyncadd.s32 $0xFFFFF000  }
0x1db: {  	_ =	swait.ge [sflag:s11], $0x1000  }
0x1dc: {  	(v2sf) =	vpush @!p0 v34, $0x2;
	_ =	sdelay $0x5  }
0x1dd: {  	s19 =	sand.u32 $0x7F, s19  }
0x1de: {  	v58 =	vor.u32 s19, v0;
	(v2sf) =	vpush @!p0 v35, $0x2  }
0x1df: {  	s21 =	sand.u32 $0x7F, s24;
	v59 =	vor.u32 s19, v2  }
0x1e0: {  	v60 =	vor.u32 s21, v0  }
0x1e1: {  	v61 =	vor.u32 s21, v2;
	[sflag:s11] =	ssyncset.done $0x0  }
0x1e2: {  	s24 =	simm.s32 $0x5500;
	[sflag:s11] =	ssyncadd.s32 $0xFFFFF000  }
0x1e3: {  	v36 =	vld.idx.msk [tilespmem:v58+s24+$0x0], $0xffff  }
0x1e4: {  	v37 =	vld.idx.msk [tilespmem:v59+s24+$0x0], $0xffff  }
0x1e5: {  	v38 =	vld.idx.msk [tilespmem:v60+s5+$0x0], $0xffff  }
0x1e6: {  	v39 =	vld.idx.msk [tilespmem:v61+s5+$0x0], $0xffff;
	s4 =	spop @!p0 (v2sf)  }
0x1e7: {  	p1 =	slt.s32 @!p0 s4, $0xF423F  }
0x1e8: {  	[tilespmem:v28+s29+$0x0] =	vst.idx.msk $0xffff, v36;
	p1 =	por !p1, p0  }
0x1e9: {  	[tilespmem:v29+s29+$0x0] =	vst.idx.msk $0xffff, v37;
	s4 =	simm.s32 @p1 $0xF423F  }
0x1ea: {  	[tilespmem:v28+s30+$0x0] =	vst.idx.msk $0xffff, v38;
	s4 =	sand.u32 @!p0 $0xFFFFF80, s4  }
0x1eb: {  	s13 =	simm.s32 @!p0 $0x2500;
	[tilespmem:v29+s30+$0x0] =	vst.idx.msk $0xffff, v39;
	s4 =	sadd.s32 @!p0 s9, s4  }
0x1ec: {  	[tilespmem:s13], [sflag:$0x3] =	stream.strided.gather @!p0 [hbm4b:s4+s0], $0x1000, s3, s0, $0x38;
	[tilespmem:$0x10D80] =	vst v63  }
0x1ed: {  	s4 =	spop @!p0 (v2sf)  }
0x1ee: {  	p1 =	slt.s32 @!p0 s4, $0xF423F  }
0x1ef: {  	p1 =	por !p1, p0  }
0x1f0: {  	s4 =	simm.s32 @p1 $0xF423F  }
0x1f1: {  	s4 =	sand.u32 @!p0 $0xFFFFF80, s4  }
0x1f2: {  	s6 =	simm.s32 $0x7;
	s13 =	simm.s32 @!p0 $0xA500;
	s4 =	sadd.s32 @!p0 s2, s4  }
0x1f3: {  	[tilespmem:s13], [sflag:$0x3] =	stream.strided.gather @!p0 [hbm4b:s4+s0], $0x1000, s3, s0, $0x38;
	[tilespmem:$0x10D80] =	vst v63  }
0x1f4: {  	_ =	swait.ge [sflag:s6], $0x1000  }
0x1f5: {  	[sflag:s6] =	ssyncset.done $0x0  }
0x1f6: {  	[sflag:s6] =	ssyncadd.s32 $0xFFFFF000  }
0x1f7: {  	_ =	swait.ge [sflag:s6], $0x1000  }
0x1f8: {  	(v2sf) =	vpush @!p0 v34, $0x3;
	_ =	sdelay $0x5  }
0x1f9: {  	s1 =	sand.u32 $0x7F, s18  }
0x1fa: {  	v62 =	vor.u32 s1, v0;
	(v2sf) =	vpush @!p0 v35, $0x3  }
0x1fb: {  	v63 =	vor.u32 s1, v2;
	s8 =	sand.u32 $0x7F, s22  }
0x1fc: {  	v42 =	vor.u32 s8, v0  }
0x1fd: {  	v43 =	vor.u32 s8, v2;
	[sflag:s6] =	ssyncset.done $0x0  }
0x1fe: {  	s18 =	simm.s32 $0x6500;
	[sflag:s6] =	ssyncadd.s32 $0xFFFFF000  }
0x1ff: {  	v36 =	vld.idx.msk [tilespmem:v62+s18+$0x0], $0xffff  }
0x200: {  	s19 =	simm.s32 $0xE500;
	v37 =	vld.idx.msk [tilespmem:v63+s18+$0x0], $0xffff  }
0x201: {  	v38 =	vld.idx.msk [tilespmem:v42+s19+$0x0], $0xffff  }
0x202: {  	v39 =	vld.idx.msk [tilespmem:v43+s19+$0x0], $0xffff;
	s4 =	spop @!p0 (v2sf)  }
0x203: {  	p1 =	slt.s32 @!p0 s4, $0xF423F  }
0x204: {  	[tilespmem:v30+s29+$0x0] =	vst.idx.msk $0xffff, v36;
	p1 =	por !p1, p0  }
0x205: {  	[tilespmem:v31+s29+$0x0] =	vst.idx.msk $0xffff, v37;
	s4 =	simm.s32 @p1 $0xF423F  }
0x206: {  	[tilespmem:v30+s30+$0x0] =	vst.idx.msk $0xffff, v38;
	s4 =	sand.u32 @!p0 $0xFFFFF80, s4  }
0x207: {  	s13 =	simm.s32 @!p0 $0x3500;
	[tilespmem:v31+s30+$0x0] =	vst.idx.msk $0xffff, v39;
	s4 =	sadd.s32 @!p0 s9, s4  }
0x208: {  	[tilespmem:s13], [sflag:$0x4] =	stream.strided.gather @!p0 [hbm4b:s4+s0], $0x1000, s3, s0, $0x38;
	[tilespmem:$0x10D80] =	vst v63  }
0x209: {  	s4 =	spop @!p0 (v2sf)  }
0x20a: {  	p1 =	slt.s32 @!p0 s4, $0xF423F  }
0x20b: {  	p1 =	por !p1, p0  }
0x20c: {  	s4 =	simm.s32 @p1 $0xF423F  }
0x20d: {  	s4 =	sand.u32 @!p0 $0xFFFFF80, s4  }
0x20e: {  	s11 =	simm.s32 $0x8;
	s13 =	simm.s32 @!p0 $0xB500;
	s4 =	sadd.s32 @!p0 s2, s4  }
0x20f: {  	[tilespmem:s13], [sflag:$0x4] =	stream.strided.gather @!p0 [hbm4b:s4+s0], $0x1000, s3, s0, $0x38;
	[tilespmem:$0x10D80] =	vst v63  }
0x210: {  	s20 =	sand.u32 $0x7F, s20;
	_ =	swait.ge [sflag:s11], $0x1000  }
0x211: {  	v44 =	vor.u32 s20, v0;
	[sflag:s11] =	ssyncset.done $0x0  }
0x212: {  	v45 =	vor.u32 s20, v2;
	s21 =	sand.u32 $0x7F, s23;
	[sflag:s11] =	ssyncadd.s32 $0xFFFFF000  }
0x213: {  	v46 =	vor.u32 s21, v0;
	_ =	swait.ge [sflag:s11], $0x1000  }
0x214: {  	v47 =	vor.u32 s21, v2;
	[sflag:s11] =	ssyncset.done $0x0  }
0x215: {  	s4 =	simm.s32 $0x7500;
	[sflag:s11] =	ssyncadd.s32 $0xFFFFF000  }
0x216: {  	v36 =	vld.idx.msk [tilespmem:v44+s4+$0x0], $0xffff  }
0x217: {  	s23 =	simm.s32 $0xF500;
	v37 =	vld.idx.msk [tilespmem:v45+s4+$0x0], $0xffff  }
0x218: {  	v38 =	vld.idx.msk [tilespmem:v46+s23+$0x0], $0xffff  }
0x219: {  	v39 =	vld.idx.msk [tilespmem:v47+s23+$0x0], $0xffff;
	_ =	sdelay $0x1  }
0x21a: {  	[tilespmem:v32+s29+$0x0] =	vst.idx.msk $0xffff, v36  }
0x21b: {  	[tilespmem:v27+s29+$0x0] =	vst.idx.msk $0xffff, v37  }
0x21c: {  	[tilespmem:v32+s30+$0x0] =	vst.idx.msk $0xffff, v38  }
0x21d: {  	[tilespmem:v27+s30+$0x0] =	vst.idx.msk $0xffff, v39  }
0x21e: {  	v36 =	vld [tilespmem:$0x10B00]  }
0x21f: {  	v37 =	vld [tilespmem:$0x10500]  }
0x220: {  	v38 =	vld [tilespmem:$0x10700]  }
0x221: {  	v39 =	vld [tilespmem:$0x10900]  }
0x222: {  	v40 =	vld [tilespmem:$0x10510]  }
0x223: {  	v41 =	vld [tilespmem:$0x10710]  }
0x224: {  	v42 =	vld [tilespmem:$0x10910]  }
0x225: {  	v43 =	vld [tilespmem:$0x10520]  }
0x226: {  	v44 =	vld [tilespmem:$0x10720]  }
0x227: {  	v45 =	vld [tilespmem:$0x10920]  }
0x228: {  	v46 =	vld [tilespmem:$0x10530]  }
0x229: {  	v47 =	vld [tilespmem:$0x10730]  }
0x22a: {  	v48 =	vld [tilespmem:$0x10930]  }
0x22b: {  	v49 =	vld [tilespmem:$0x10540]  }
0x22c: {  	v50 =	vld [tilespmem:$0x10740]  }
0x22d: {  	v51 =	vld [tilespmem:$0x10940]  }
0x22e: {  	v52 =	vld [tilespmem:$0x10550]  }
0x22f: {  	v53 =	vld [tilespmem:$0x10750]  }
0x230: {  	v54 =	vld [tilespmem:$0x10950]  }
0x231: {  	v55 =	vld [tilespmem:$0x10560]  }
0x232: {  	v56 =	vld [tilespmem:$0x10760]  }
0x233: {  	v57 =	vld [tilespmem:$0x10960]  }
0x234: {  	v58 =	vld [tilespmem:$0x10570]  }
0x235: {  	v59 =	vld [tilespmem:$0x10770]  }
0x236: {  	v60 =	vld [tilespmem:$0x10970]  }
0x237: {  	v61 =	vld [tilespmem:$0x10580]  }
0x238: {  	v62 =	vld [tilespmem:$0x10780]  }
0x239: {  	v63 =	vld [tilespmem:$0x10980]  }
0x23a: {  	v3 =	vld [tilespmem:$0x10590]  }
0x23b: {  	v4 =	vld [tilespmem:$0x10790]  }
0x23c: {  	v26 =	vmov v5;
	v5 =	vld [tilespmem:$0x10990]  }
0x23d: {  	v18 =	vmov v17;
	v17 =	vmov v6;
	v6 =	vld [tilespmem:$0x105A0]  }
0x23e: {  	v1 =	vld [tilespmem:$0x107A0]  }
0x23f: {  	v24 =	vmov v7;
	v7 =	vld [tilespmem:$0x109A0]  }
0x240: {  	v15 =	vmov v19;
	v19 =	vmov v8;
	v8 =	vld [tilespmem:$0x105B0]  }
0x241: {  	v27 =	vmov v16;
	v16 =	vmov v20;
	v20 =	vmov v9;
	v9 =	vld [tilespmem:$0x107B0]  }
0x242: {  	v14 =	vmov v21;
	v21 =	vmov v10;
	v10 =	vld [tilespmem:$0x109B0]  }
0x243: {  	v25 =	vmov v33;
	v33 =	vmov v22;
	v22 =	vmov v11;
	v11 =	vld [tilespmem:$0x105C0]  }
0x244: {  	v13 =	vmov v23;
	v23 =	vmov v12;
	v12 =	vld [tilespmem:$0x109C0];
	v37 =	vmul.f32 v38, v37  }
0x245: {  	v38 =	vld [tilespmem:$0x107C0];
	v50 =	vmul.f32 v50, v49  }
0x246: {  	v49 =	vld [tilespmem:$0x10600];
	v37 =	vmul.f32 v39, v37;
	v39 =	vmul.f32 v41, v40  }
0x247: {  	v53 =	vmul.f32 v53, v52;
	v56 =	vmul.f32 v56, v55;
	v52 =	vld [tilespmem:$0x10610]  }
0x248: {  	v55 =	vld [tilespmem:$0x10620];
	v36 =	vadd.f32 v37, v36;
	v37 =	vmul.f32 v42, v39;
	v39 =	vmul.f32 v44, v43  }
0x249: {  	v3 =	vmul.f32 v4, v3;
	v4 =	vld [tilespmem:$0x10820];
	v1 =	vmul.f32 v1, v6  }
0x24a: {  	v6 =	vld [tilespmem:$0x10830];
	v36 =	vadd.f32 v37, v36;
	v37 =	vmul.f32 v45, v39;
	v39 =	vmul.f32 v47, v46  }
0x24b: {  	v40 =	vld [tilespmem:$0x105D0]  }
0x24c: {  	v41 =	vld [tilespmem:$0x107D0];
	v36 =	vadd.f32 v37, v36;
	v48 =	vmul.f32 v48, v39  }
0x24d: {  	v54 =	vmul.f32 v54, v53;
	v53 =	vld [tilespmem:$0x10810]  }
0x24e: {  	v3 =	vmul.f32 v5, v3;
	v5 =	vld [tilespmem:$0x10630];
	v37 =	vmul.f32 v51, v50;
	v36 =	vadd.f32 v48, v36  }
0x24f: {  	v1 =	vmul.f32 v7, v1;
	v7 =	vmul.f32 v9, v8;
	v8 =	vld [tilespmem:$0x10A30]  }
0x250: {  	v57 =	vmul.f32 v57, v56;
	v9 =	vld [tilespmem:$0x10640];
	v36 =	vadd.f32 v37, v36  }
0x251: {  	v56 =	vmul.f32 v59, v58;
	v58 =	vmul.f32 v62, v61;
	v61 =	vld [tilespmem:$0x10660]  }
0x252: {  	v62 =	vld [tilespmem:$0x10860];
	v36 =	vadd.f32 v54, v36  }
0x253: {  	v42 =	vld [tilespmem:$0x109D0]  }
0x254: {  	v43 =	vld [tilespmem:$0x105E0];
	v36 =	vadd.f32 v57, v36;
	v57 =	vmul.f32 v60, v56  }
0x255: {  	v44 =	vld [tilespmem:$0x107E0]  }
0x256: {  	v59 =	vmul.f32 v63, v58;
	v63 =	vld [tilespmem:$0x10A60];
	v36 =	vadd.f32 v57, v36  }
0x257: {  	v58 =	vld [tilespmem:$0x10680]  }
0x258: {  	v45 =	vld [tilespmem:$0x109E0];
	v36 =	vadd.f32 v59, v36  }
0x259: {  	v46 =	vld [tilespmem:$0x105F0]  }
0x25a: {  	v47 =	vld [tilespmem:$0x107F0];
	v3 =	vadd.f32 v3, v36  }
0x25b: {  	v50 =	vld [tilespmem:$0x10800]  }
0x25c: {  	v51 =	vld [tilespmem:$0x10A00];
	v1 =	vadd.f32 v1, v3;
	v3 =	vmul.f32 v10, v7;
	v7 =	vmul.f32 v38, v11  }
0x25d: {  	v39 =	vld [tilespmem:$0x10A20]  }
0x25e: {  	v48 =	vld [tilespmem:$0x109F0];
	v1 =	vadd.f32 v3, v1;
	v3 =	vmul.f32 v12, v7;
	v7 =	vmul.f32 v41, v40  }
0x25f: {  	v54 =	vld [tilespmem:$0x10A10]  }
0x260: {  	v60 =	vld [tilespmem:$0x10A50];
	v1 =	vadd.f32 v3, v1;
	v3 =	vmul.f32 v42, v7;
	v7 =	vmul.f32 v44, v43  }
0x261: {  	v56 =	vld [tilespmem:$0x10870]  }
0x262: {  	v57 =	vld [tilespmem:$0x10A70];
	v1 =	vadd.f32 v3, v1;
	v3 =	vmul.f32 v45, v7;
	v7 =	vmul.f32 v47, v46  }
0x263: {  	v59 =	vld [tilespmem:$0x10A80]  }
0x264: {  	v36 =	vld [tilespmem:$0x10850];
	v1 =	vadd.f32 v3, v1;
	v3 =	vmul.f32 v48, v7;
	v7 =	vmul.f32 v50, v49  }
0x265: {  	v10 =	vld [tilespmem:$0x10840]  }
0x266: {  	v11 =	vld [tilespmem:$0x10A40];
	v1 =	vadd.f32 v3, v1;
	v3 =	vmul.f32 v51, v7;
	v7 =	vmul.f32 v53, v52  }
0x267: {  	v12 =	vld [tilespmem:$0x10650]  }
0x268: {  	v4 =	vmul.f32 v4, v55;
	v50 =	vld [tilespmem:$0x10670];
	v1 =	vadd.f32 v3, v1;
	v3 =	vmul.f32 v54, v7  }
0x269: {  	v7 =	vld [tilespmem:$0x10880]  }
0x26a: {  	v1 =	vadd.f32 v3, v1;
	v3 =	vmul.f32 v39, v4;
	v4 =	vmul.f32 v6, v5;
	v5 =	vld [tilespmem:$0x10690]  }
0x26b: {  	v6 =	vld [tilespmem:$0x10890]  }
0x26c: {  	v1 =	vadd.f32 v3, v1;
	v3 =	vmul.f32 v8, v4;
	v4 =	vmul.f32 v10, v9;
	v8 =	vld [tilespmem:$0x10A90]  }
0x26d: {  	v9 =	vld [tilespmem:$0x106A0]  }
0x26e: {  	v10 =	vld [tilespmem:$0x108A0];
	v1 =	vadd.f32 v3, v1;
	v3 =	vmul.f32 v11, v4;
	v4 =	vmul.f32 v36, v12  }
0x26f: {  	v11 =	vld [tilespmem:$0x10AA0]  }
0x270: {  	v12 =	vld [tilespmem:$0x106B0];
	v1 =	vadd.f32 v3, v1;
	v3 =	vmul.f32 v60, v4;
	v4 =	vmul.f32 v62, v61  }
0x271: {  	v60 =	vld [tilespmem:$0x108B0]  }
0x272: {  	v61 =	vld [tilespmem:$0x10AB0];
	v1 =	vadd.f32 v3, v1;
	v3 =	vmul.f32 v63, v4;
	v4 =	vmul.f32 v56, v50  }
0x273: {  	v62 =	vld [tilespmem:$0x106C0]  }
0x274: {  	v63 =	vld [tilespmem:$0x10AC0];
	v1 =	vadd.f32 v3, v1;
	v3 =	vmul.f32 v57, v4;
	v4 =	vmul.f32 v7, v58  }
0x275: {  	v7 =	vld [tilespmem:$0x108C0]  }
0x276: {  	v1 =	vadd.f32 v3, v1;
	v3 =	vmul.f32 v59, v4;
	v4 =	vmul.f32 v6, v5;
	v5 =	vld [tilespmem:$0x106D0]  }
0x277: {  	v6 =	vld [tilespmem:$0x108D0]  }
0x278: {  	v1 =	vadd.f32 v3, v1;
	v3 =	vmul.f32 v8, v4;
	v4 =	vmul.f32 v10, v9;
	v8 =	vld [tilespmem:$0x10AD0]  }
0x279: {  	v9 =	vld [tilespmem:$0x106E0]  }
0x27a: {  	v10 =	vld [tilespmem:$0x108E0];
	v1 =	vadd.f32 v3, v1;
	v3 =	vmul.f32 v11, v4;
	v4 =	vmul.f32 v60, v12  }
0x27b: {  	v11 =	vld [tilespmem:$0x10AE0]  }
0x27c: {  	v12 =	vld [tilespmem:$0x108F0];
	v1 =	vadd.f32 v3, v1;
	v3 =	vmul.f32 v61, v4;
	v4 =	vmul.f32 v7, v62  }
0x27d: {  	v7 =	vld [tilespmem:$0x106F0]  }
0x27e: {  	v1 =	vadd.f32 v3, v1;
	v3 =	vmul.f32 v63, v4;
	v4 =	vmul.f32 v6, v5  }
0x27f: {  	v6 =	vmov v17;
	v5 =	vld [tilespmem:$0x10AF0]  }
0x280: {  	v17 =	vmovc v18;
	v18 =	vld [tilespmem:$0x1FFE0];
	v1 =	vadd.f32 v3, v1;
	v3 =	vmul.f32 v8, v4;
	v4 =	vmul.f32 v10, v9  }
0x281: {  	v8 =	vmovc v19;
	v9 =	vmov v20;
	v20 =	vmov v16;
	v16 =	vmov v27;
	v27 =	vld [tilespmem:$0x1FFF0]  }
0x282: {  	v19 =	vmovc v15;
	v15 =	vld [tilespmem:$0x1FFC0];
	v1 =	vadd.f32 v3, v1;
	v3 =	vmul.f32 v11, v4;
	v4 =	vmul.f32 v12, v7  }
0x283: {  	v10 =	vmov v21;
	v21 =	vmov v14;
	v14 =	vld [tilespmem:$0x1FF90]  }
0x284: {  	s10 =	sadd.s32 $0x40, s10;
	v11 =	vmovc v22;
	v22 =	vmovc v33;
	v33 =	vmov v25;
	v25 =	vld [tilespmem:$0x1FF70];
	v1 =	vadd.f32 v3, v1;
	v3 =	vmul.f32 v5, v4  }
0x285: {  	p0 =	sne.s32 s10, $0x800;
	v7 =	vmov v24;
	v24 =	vld [tilespmem:$0x1FF60]  }
.Ltmp0:
0x286: {  	v12 =	vmov v23;
	v23 =	vmov v13;
	v13 =	vld [tilespmem:$0x1FF50];
	v1 =	vadd.f32 v3, v1;
	(pc) =	sbr.rel @p0 .LBB2_2-.Ltmp0, $4  }
0x287: {  	v4 =	vld [tilespmem:$0x1FFD0]  }
0x288: {  	v5 =	vmov v26;
	v26 =	vld [tilespmem:$0x1FFA0];
	v1 =	vmax.f32 v1, $-2.000000000e+00  }
0x289: {  	v3 =	vld [tilespmem:$0x1FFB0];
	v1 =	vmin.f32 v1, $2.000000000e+00  }
0x28a: {  	s12 =	simm.s32 $0x3;
	s22 =	simm.s32 $0x1;
	[tilespmem:s17+$0x10B80] =	vst v1;
	v1 =	vld [tilespmem:$0x1FF80]  }
0x28b: {  	s11 =	simm.s32 $0x0;
	s0 =	rddreg [dreg:$0xa];
	s3 =	simm.s32 $0x10B80  }
0x28c: {  	[hbm4b:s0+s11] =	stream.linear.scatter [tilespmem:s3], [sflag:$0x9], $0x200, $0x38;
	[tilespmem:$0x10D80] =	vst v63  }
0x28d: {  	s3 =	simm.s32 $0x9  }
0x28e: {  	_ =	swait.ge [sflag:s3], $0x200  }
0x28f: {  	s4 =	rddreg [dreg:$0xc]  }
0x290: {  	s23 =	rddreg [dreg:$0xb];
	s4 =	sadd.s32 $0x1, s4  }
0x291: {  	p0 =	sne.s32 s4, s23  }
.Ltmp1:
0x292: {  	_ = 	snop;
	(pc) =	sbr.rel @p0 .LBB2_1-.Ltmp1, $4  }
0x293: {  	_ = 	snop  }
0x294: {  	s13 =	simm.s32 $0x500;
	s17 =	simm.s32 $0x8500  }
0x295: {  	s18 =	simm.s32 $0x1500;
	s19 =	simm.s32 $0x9500;
	[sflag:s3] =	ssyncset.done $0x0  }
0x296: {  	s20 =	simm.s32 $0xA500;
	s21 =	simm.s32 $0xB500;
	[sflag:s3] =	ssyncadd.s32 $0xFFFFFE00  }
0x297: {  	_ =	sfence.sel $0x180000  }
0x298: {  	[bflag:$0x0] =	sbarrier.arrive $0xFFFF  }
0x299: {  	_ =	strace $0x90000047  }
0x29a: {  	s0 =	stileid.u32;
	[bflag:$0x2] =	sbarrier.arrive $0xFFFF  }
0x29b: {  	p0 =	sne.s32 s0, $0x0;
	s0 =	rddreg [dreg:$0x7]  }
0x29c: {  	s0 =	sadd.s32 @!p0 $0x100000, s0  }
0x29d: {  	[sflag:s0] =	ssyncadd.tile.s32 @!p0 $0x1;
	_ =	shalt  }
.Lfunc_end2:
_tile_overlayer_lowered:
.L_overlay_start_2:
0x29e: {  	(tag) =	ssettag $0x2  }
0x29f: {  	s0 =	rddreg [dreg:$0x0];
	s2 =	stileid.u32  }
0x2a0: {  	s1 =	rddreg [dreg:$0x1];
	p0 =	sne.s32 s2, $0x0  }
0x2a1: {  	s3 =	rddreg [dreg:$0x2];
	[bflag:$0x3] =	sbarrier.arrive $0xFFFF;
	s2 =	simm.s32 @!p0 $0x1C09  }
0x2a2: {  	[timem:s3], [sflag:s2] =	dma.local @!p0 [hbm:s0], s1  }
0x2a3: {  	s0 =	simm.s32 @!p0 $0x9  }
0x2a4: {  	_ =	swait.ge @!p0 [sflag:s0], s1  }
0x2a5: {  	s1 =	ssub.s32 @!p0 $0x0, s1;
	[sflag:s0] =	ssyncset.done @!p0 $0x0  }
0x2a6: {  	[sflag:s0] =	ssyncadd.s32 @!p0 s1  }
0x2a7: {  	[bflag:$0x3] =	sbarrier.arrive $0xFFFF  }
0x2a8: {  	_ =	shalt  }

</sc_bundles>
